<compile_context>
chip_gen: v7x
topology: tpu7x:2x2x1
jax: 0.10.2.dev20260603
libtpu: 0.0.44.dev20260713+nightly
codegen_flags: <defaults>
</compile_context>

<pallas_src>
import functools

import jax
import jax.numpy as jnp
from jax import lax
from jax.experimental import pallas as pl
from jax.experimental.pallas import tpu as pltpu
from jax.experimental.pallas import tpu_sc as plsc

RADIUS2 = 25.0
BIG = 1e30
L = 16


def _sc_body(pred_hbm, gt_hbm, out_hbm, pbuf, tbuf, table, lrow, mb, orow,
             sh, *, n_p, n_groups):
    c = lax.axis_index("c")
    s = lax.axis_index("s")
    b = 2 * c + s // 8
    sg = s % 8

    pltpu.sync_copy(pred_hbm.at[b], pbuf)
    pltpu.sync_copy(gt_hbm.at[b, sg], tbuf)

    tcv = tbuf[0, :]
    txv = tbuf[1, :]
    tyv = tbuf[2, :]

    lane = lax.broadcasted_iota(jnp.int32, (L,), 0)

    TC_CHUNK = 8
    UNROLL = 2

    def scan_targets(tslice):
        tb = [jnp.full((L,), t, jnp.int32) for t in tslice]
        txb = [txv.at[i].get(mode="promise_in_bounds") for i in tb]
        tyb = [tyv.at[i].get(mode="promise_in_bounds") for i in tb]
        tcb = [tcv.at[i].get(mode="promise_in_bounds") for i in tb]

        def tile_step(i, carry):
            accs = list(carry)
            for u in range(UNROLL):
                base = (UNROLL * i + u) * L
                pxv = pbuf[1, pl.ds(base, L)]
                pyv = pbuf[2, pl.ds(base, L)]
                pcv = pbuf[0, pl.ds(base, L)]
                idxv = jnp.full((L,), base, jnp.int32) + lane
                for k in range(len(tslice)):
                    bst, bix = accs[2 * k], accs[2 * k + 1]
                    dx = pxv - txb[k]
                    dy = pyv - tyb[k]
                    d2 = dx * dx + dy * dy
                    key = jnp.where(pcv == tcb[k], d2, BIG)
                    lt = key < bst
                    accs[2 * k] = jnp.where(lt, key, bst)
                    accs[2 * k + 1] = jnp.where(lt, idxv, bix)
            return tuple(accs)

        init = []
        for _ in tslice:
            init += [jnp.full((L,), BIG, jnp.float32), jnp.zeros((L,), jnp.int32)]
        accs = lax.fori_loop(0, n_p // (L * UNROLL), tile_step, tuple(init))

        outs = []
        for k in range(len(tslice)):
            bst, bix = accs[2 * k], accs[2 * k + 1]
            for step in (8, 4, 2, 1):
                perm = jnp.bitwise_and(lane + step, L - 1)
                pd2 = bst.at[perm].get(mode="promise_in_bounds")
                pix = bix.at[perm].get(mode="promise_in_bounds")
                better = jnp.logical_or(
                    pd2 < bst, jnp.logical_and(pd2 == bst, pix < bix))
                bst = jnp.where(better, pd2, bst)
                bix = jnp.where(better, pix, bix)
            outs.append((bst, bix))
        return outs

    best = jnp.full((L,), BIG, jnp.float32)
    bidx = jnp.zeros((L,), jnp.int32)
    for h in range(0, L, TC_CHUNK):
        for k, (bst, bix) in enumerate(scan_targets(range(h, h + TC_CHUNK))):
            sel = lane == (h + k)
            best = jnp.where(sel, bst, best)
            bidx = jnp.where(sel, bix, bidx)

    matched = best <= RADIUS2
    lrow[0, :] = jnp.where(matched, 1.0, 0.0)
    lrow[1, :] = bidx.astype(jnp.float32)
    pltpu.sync_copy(lrow, sh.at[2 * L + s])
    plsc.subcore_barrier()

    @pl.when(sg == 0)
    def _dedup():
        pltpu.sync_copy(sh.at[pl.ds(2 * L, L)], mb)
        srow = (s // 8) * 8
        tp = jnp.zeros((L,), jnp.int32)
        lane = lax.broadcasted_iota(jnp.int32, (L,), 0)
        masks = [mb[srow + r, 0, :] > 0.5 for r in range(n_groups)]
        idxs = [mb[srow + r, 1, :].astype(jnp.int32) for r in range(n_groups)]
        tags = [jnp.full((L,), r * L, jnp.int32) + lane for r in range(n_groups)]
        for r in range(n_groups):
            plsc.store_scatter(table, [idxs[r]], tags[r], mask=masks[r])
        for r in range(n_groups):
            g = plsc.load_gather(table, [idxs[r]], mask=masks[r])
            won = jnp.logical_and(masks[r], g == tags[r])
            tp = tp + plsc.all_reduce_population_count(won)
        orow[...] = tp.astype(jnp.float32)
        pltpu.sync_copy(orow, out_hbm.at[b])


def kernel(pred, gt):
    B, P, _ = pred.shape
    T = gt.shape[1]
    TPAD = 128
    n_groups = TPAD // L

    pred_t = jnp.transpose(pred, (0, 2, 1))
    gt_pad = jnp.pad(gt, ((0, 0), (0, TPAD - T), (0, 0)), constant_values=-1.0)
    gt_t = jnp.transpose(gt_pad, (0, 2, 1)).reshape(B, 3, n_groups, L)
    gt_t = jnp.transpose(gt_t, (0, 2, 1, 3))

    mesh = plsc.VectorSubcoreMesh(core_axis_name="c", subcore_axis_name="s")
    body = functools.partial(_sc_body, n_p=P, n_groups=n_groups)
    tp_rows = pl.kernel(
        body,
        out_type=jax.ShapeDtypeStruct((B, L), jnp.float32),
        mesh=mesh,
        compiler_params=pltpu.CompilerParams(needs_layout_passes=False),
        scratch_types=[
            pltpu.VMEM((3, P), jnp.float32),
            pltpu.VMEM((3, L), jnp.float32),
            pltpu.VMEM((P,), jnp.int32),
            pltpu.VMEM((2, L), jnp.float32),
            pltpu.VMEM((L, 2, L), jnp.float32),
            pltpu.VMEM((L,), jnp.float32),
            pltpu.VMEM_SHARED((3 * L, 2, L), jnp.float32),
        ],
    )(pred_t, gt_t)

    tp = jnp.sum(tp_rows[:, 0])
    fp = jnp.float32(B * P) - tp
    fn = jnp.float32(B * T) - tp
    prec = (tp + 1e-06) / (tp + 1e-06 + fp + 1e-06)
    rec = (tp + 1e-06) / (tp + fn + 1e-06)
    f1 = 2.0 * prec * rec / (prec + rec)
    return 1.0 - f1

# --- scband reference (transcript-rebuilt; emitter-appended) ---
"""Pipeline reference for scband-regression-loss-2310692405454 (READ-ONLY COPY).

The authoritative reference and input builder live on the scoring server;
editing this copy changes nothing except your own understanding.
"""

import jax, jax.numpy as jnp
import numpy as np

CORRECT_THRESHOLD = 0.5
RADIUS = 5.0
NUM_CLASSES = 10
IMG = 512.0


def setup_inputs(seed: int = 0) -> dict:
    key = jax.random.key(seed)
    k1, k2, k3, k4 = jax.random.split(key, 4)
    B, P, T = 4, 20000, 100
    pred_cls = jax.random.randint(k1, (B, P, 1), 0, NUM_CLASSES).astype(jnp.float32)
    pred_cen = jax.random.uniform(k2, (B, P, 2), minval=0.0, maxval=IMG)
    pred = jnp.concatenate([pred_cls, pred_cen], axis=-1)
    gt_cls = jax.random.randint(k3, (B, T, 1), 0, NUM_CLASSES).astype(jnp.float32)
    gt_cen = jax.random.uniform(k4, (B, T, 2), minval=0.0, maxval=IMG)
    gt = jnp.concatenate([gt_cls, gt_cen], axis=-1)
    return {"pred": pred, "gt": gt}


def radial_score(centers, targets, radius, sigmoid=True):
    # pairwise Euclidean distance [P, T], mapped to a score in (0,1)
    d = jnp.sqrt(jnp.sum((centers[:, None, :] - targets[None, :, :]) ** 2, axis=-1) + 1e-12)
    s = radius - d
    if sigmoid:
        s = jax.nn.sigmoid(s)
    return s


def reference(pred, gt):
    P = pred.shape[1]
    T = gt.shape[1]

    def per_sample(input_b, target_b):
        target_classes = target_b[:, 0]
        targets = target_b[:, 1:3]
        classes = input_b[:, 0]
        centers = input_b[:, 1:3]
        scores = radial_score(centers, targets, RADIUS, sigmoid=True)  # [P, T]
        correct_class = classes[:, None] == target_classes[None, :]     # [P, T]
        valid = (scores >= CORRECT_THRESHOLD) & correct_class
        masked = jnp.where(valid, scores, -jnp.inf)
        # original: sort all valid (pred,target,score) by score desc, then
        # np.unique over target keeps highest-score pred per target, then
        # np.unique over pred dedups; correct[pred]=True. Equivalent to:
        # mark argmax-pred per target (among valid) as correct.
        best_pred = jnp.argmax(masked, axis=0)                          # [T]
        has_match = jnp.max(masked, axis=0) > -jnp.inf                  # [T]
        idx = jnp.where(has_match, best_pred, P)
        correct = jnp.zeros((P + 1,), dtype=bool).at[idx].set(True)[:P]
        TP = correct.sum().astype(jnp.float32)
        FP = jnp.float32(P) - TP
        FN = jnp.float32(T) - TP
        return TP, FP, FN

    TPs, FPs, FNs = jax.vmap(per_sample)(pred, gt)
    tp = jnp.sum(TPs)
    fp = jnp.sum(FPs)
    fn = jnp.sum(FNs)
    precission = (tp + 1e-06) / (tp + 1e-06 + fp + 1e-06)
    recall = (tp + 1e-06) / (tp + fn + 1e-06)
    f1 = 2 * precission * recall / (precission + recall)
    return 1.0 - f1

if __name__ == "__main__":
    import jax
    _d = setup_inputs()
    print(jax.jit(kernel)(*tuple(_d.values())))

</pallas_src>

<mosaic_0001>
#map = affine_map<(d0, d1) -> (0, 0, 0)>
#map1 = affine_map<(d0, d1) -> (0, 0, 0, 0)>
#map2 = affine_map<(d0, d1) -> (0, 0)>
module attributes {stable_mosaic.version = 14 : i64} {
  func.func @_sc_body(%arg0: i32, %arg1: i32, %arg2: memref<4x3x20000xf32, #tpu.memory_space<hbm>>, %arg3: memref<4x8x3x16xf32, #tpu.memory_space<hbm>>, %arg4: memref<4x16xf32, #tpu.memory_space<hbm>>, %arg5: memref<3x20000xf32, #tpu.memory_space<vmem>>, %arg6: memref<3x16xf32, #tpu.memory_space<vmem>>, %arg7: memref<20000xi32, #tpu.memory_space<vmem>>, %arg8: memref<2x16xf32, #tpu.memory_space<vmem>>, %arg9: memref<16x2x16xf32, #tpu.memory_space<vmem>>, %arg10: memref<16xf32, #tpu.memory_space<vmem>>, %arg11: memref<48x2x16xf32, #tpu.memory_space<vmem_shared>>) attributes {dimension_semantics = [#tpu.dimension_semantics<core_parallel>, #tpu.dimension_semantics<subcore_parallel>], iteration_bounds = array<i64: 2, 16>, scalar_prefetch = 0 : i64, scratch_operands = 7 : i64, tpu.core_type = #tpu.core_type<sc_vector_subcore>, window_params = [{transform_indices = #map}, {transform_indices = #map1}, {transform_indices = #map2}]} {
    %mul3A = arith.constant 2 : i32
    %mul3A_0 = arith.muli %mul3A, %arg0 : i32
    %jit3A = arith.constant 8 : i32
    %div3A = arith.divsi %arg1, %jit3A : i32
    %sign3A = arith.constant 0 : i32
    %sign3A_1 = arith.cmpi sgt, %arg1, %sign3A : i32
    %sign3A_2 = arith.extui %sign3A_1 : i1 to i32
    %sign3A_3 = arith.constant 0 : i32
    %sign3A_4 = arith.cmpi slt, %arg1, %sign3A_3 : i32
    %sign3A_5 = arith.extui %sign3A_4 : i1 to i32
    %sign3A_6 = arith.subi %sign3A_2, %sign3A_5 : i32
    %sign3A_7 = arith.constant 0 : i32
    %sign3A_8 = arith.cmpi sgt, %jit3A, %sign3A_7 : i32
    %sign3A_9 = arith.extui %sign3A_8 : i1 to i32
    %sign3A_10 = arith.constant 0 : i32
    %sign3A_11 = arith.cmpi slt, %jit3A, %sign3A_10 : i32
    %sign3A_12 = arith.extui %sign3A_11 : i1 to i32
    %sign3A_13 = arith.subi %sign3A_9, %sign3A_12 : i32
    %ne3A = arith.cmpi ne, %sign3A_6, %sign3A_13 : i32
    %rem3A = arith.remsi %arg1, %jit3A : i32
    %ne3A_14 = arith.constant 0 : i32
    %ne3A_15 = arith.cmpi ne, %rem3A, %ne3A_14 : i32
    %and3A = arith.andi %ne3A, %ne3A_15 : i1
    %sub3A = arith.constant 1 : i32
    %sub3A_16 = arith.subi %div3A, %sub3A : i32
    %select_n3A = arith.select %and3A, %sub3A_16, %div3A : i32
    %add3A = arith.addi %mul3A_0, %select_n3A : i32
    %jit3A_17 = arith.constant 8 : i32
    %eq3A = arith.constant 0 : i32
    %eq3A_18 = arith.cmpi eq, %jit3A_17, %eq3A : i32
    %jit3A_19 = arith.constant 1 : i32
    %select_n3A_20 = arith.select %eq3A_18, %jit3A_19, %jit3A_17 : i32
    %rem3A_21 = arith.remsi %arg1, %select_n3A_20 : i32
    %ne3A_22 = arith.constant 0 : i32
    %ne3A_23 = arith.cmpi ne, %rem3A_21, %ne3A_22 : i32
    %lt3A = arith.constant 0 : i32
    %lt3A_24 = arith.cmpi slt, %rem3A_21, %lt3A : i32
    %lt3A_25 = arith.constant 0 : i32
    %lt3A_26 = arith.cmpi slt, %select_n3A_20, %lt3A_25 : i32
    %ne3A_27 = arith.xori %lt3A_24, %lt3A_26 : i1
    %and3A_28 = arith.andi %ne3A_27, %ne3A_23 : i1
    %add3A_29 = arith.addi %rem3A_21, %select_n3A_20 : i32
    %select_n3A_30 = arith.select %and3A_28, %add3A_29, %rem3A_21 : i32
    "tpu.region"() ({
      %run_scoped3A = tpu.sem_alloc : memref<!tpu.dma_semaphore, #tpu.memory_space<semaphore_mem>>
      %dma_start3A = arith.constant 0 : i32
      %dma_start3A_2842 = arith.constant 0 : i32
      %dma_start3A_2843 = tpu.memref_slice %arg2[%add3A, %dma_start3A, %dma_start3A_2842] : memref<4x3x20000xf32, #tpu.memory_space<hbm>> -> memref<1x3x20000xf32, #tpu.memory_space<hbm>>
      %dma_start3A_2844 = tpu.memref_squeeze %dma_start3A_2843 : memref<1x3x20000xf32, #tpu.memory_space<hbm>> -> memref<3x20000xf32, #tpu.memory_space<hbm>>
      %dma_start3A_2845 = arith.constant 0 : i32
      %dma_start3A_2846 = arith.constant 0 : i32
      %dma_start3A_2847 = tpu.memref_slice %arg2[%add3A, %dma_start3A_2845, %dma_start3A_2846] : memref<4x3x20000xf32, #tpu.memory_space<hbm>> -> memref<1x3x20000xf32, #tpu.memory_space<hbm>>
      %dma_start3A_2848 = tpu.memref_squeeze %dma_start3A_2847 : memref<1x3x20000xf32, #tpu.memory_space<hbm>> -> memref<3x20000xf32, #tpu.memory_space<hbm>>
      tpu.enqueue_dma source(%dma_start3A_2848 : memref<3x20000xf32, #tpu.memory_space<hbm>>) target(%arg5 : memref<3x20000xf32, #tpu.memory_space<vmem>>) target_semaphore(%run_scoped3A : memref<!tpu.dma_semaphore, #tpu.memory_space<semaphore_mem>>)
      %dma_wait3A = arith.constant 0 : i32
      %dma_wait3A_2849 = arith.constant 0 : i32
      %dma_wait3A_2850 = tpu.memref_slice %arg2[%add3A, %dma_wait3A, %dma_wait3A_2849] : memref<4x3x20000xf32, #tpu.memory_space<hbm>> -> memref<1x3x20000xf32, #tpu.memory_space<hbm>>
      %dma_wait3A_2851 = tpu.memref_squeeze %dma_wait3A_2850 : memref<1x3x20000xf32, #tpu.memory_space<hbm>> -> memref<3x20000xf32, #tpu.memory_space<hbm>>
      %dma_wait3A_2852 = arith.constant 0 : i32
      %dma_wait3A_2853 = arith.constant 0 : i32
      %dma_wait3A_2854 = tpu.memref_slice %arg2[%add3A, %dma_wait3A_2852, %dma_wait3A_2853] : memref<4x3x20000xf32, #tpu.memory_space<hbm>> -> memref<1x3x20000xf32, #tpu.memory_space<hbm>>
      %dma_wait3A_2855 = tpu.memref_squeeze %dma_wait3A_2854 : memref<1x3x20000xf32, #tpu.memory_space<hbm>> -> memref<3x20000xf32, #tpu.memory_space<hbm>>
      tpu.wait_dma2 semaphore(%run_scoped3A : memref<!tpu.dma_semaphore, #tpu.memory_space<semaphore_mem>>) src(%dma_wait3A_2855 : memref<3x20000xf32, #tpu.memory_space<hbm>>) dst(%arg5 : memref<3x20000xf32, #tpu.memory_space<vmem>>)
      tpu.yield
    }) : () -> ()
    "tpu.region"() ({
      %run_scoped3A = tpu.sem_alloc : memref<!tpu.dma_semaphore, #tpu.memory_space<semaphore_mem>>
      %dma_start3A = arith.constant 0 : i32
      %dma_start3A_2842 = arith.constant 0 : i32
      %dma_start3A_2843 = tpu.memref_slice %arg3[%add3A, %select_n3A_30, %dma_start3A, %dma_start3A_2842] : memref<4x8x3x16xf32, #tpu.memory_space<hbm>> -> memref<1x1x3x16xf32, #tpu.memory_space<hbm>>
      %dma_start3A_2844 = tpu.memref_squeeze %dma_start3A_2843 : memref<1x1x3x16xf32, #tpu.memory_space<hbm>> -> memref<3x16xf32, #tpu.memory_space<hbm>>
      %dma_start3A_2845 = arith.constant 0 : i32
      %dma_start3A_2846 = arith.constant 0 : i32
      %dma_start3A_2847 = tpu.memref_slice %arg3[%add3A, %select_n3A_30, %dma_start3A_2845, %dma_start3A_2846] : memref<4x8x3x16xf32, #tpu.memory_space<hbm>> -> memref<1x1x3x16xf32, #tpu.memory_space<hbm>>
      %dma_start3A_2848 = tpu.memref_squeeze %dma_start3A_2847 : memref<1x1x3x16xf32, #tpu.memory_space<hbm>> -> memref<3x16xf32, #tpu.memory_space<hbm>>
      tpu.enqueue_dma source(%dma_start3A_2848 : memref<3x16xf32, #tpu.memory_space<hbm>>) target(%arg6 : memref<3x16xf32, #tpu.memory_space<vmem>>) target_semaphore(%run_scoped3A : memref<!tpu.dma_semaphore, #tpu.memory_space<semaphore_mem>>)
      %dma_wait3A = arith.constant 0 : i32
      %dma_wait3A_2849 = arith.constant 0 : i32
      %dma_wait3A_2850 = tpu.memref_slice %arg3[%add3A, %select_n3A_30, %dma_wait3A, %dma_wait3A_2849] : memref<4x8x3x16xf32, #tpu.memory_space<hbm>> -> memref<1x1x3x16xf32, #tpu.memory_space<hbm>>
      %dma_wait3A_2851 = tpu.memref_squeeze %dma_wait3A_2850 : memref<1x1x3x16xf32, #tpu.memory_space<hbm>> -> memref<3x16xf32, #tpu.memory_space<hbm>>
      %dma_wait3A_2852 = arith.constant 0 : i32
      %dma_wait3A_2853 = arith.constant 0 : i32
      %dma_wait3A_2854 = tpu.memref_slice %arg3[%add3A, %select_n3A_30, %dma_wait3A_2852, %dma_wait3A_2853] : memref<4x8x3x16xf32, #tpu.memory_space<hbm>> -> memref<1x1x3x16xf32, #tpu.memory_space<hbm>>
      %dma_wait3A_2855 = tpu.memref_squeeze %dma_wait3A_2854 : memref<1x1x3x16xf32, #tpu.memory_space<hbm>> -> memref<3x16xf32, #tpu.memory_space<hbm>>
      tpu.wait_dma2 semaphore(%run_scoped3A : memref<!tpu.dma_semaphore, #tpu.memory_space<semaphore_mem>>) src(%dma_wait3A_2855 : memref<3x16xf32, #tpu.memory_space<hbm>>) dst(%arg6 : memref<3x16xf32, #tpu.memory_space<vmem>>)
      tpu.yield
    }) : () -> ()
    %get3A = arith.constant 0 : i32
    %get3A_31 = arith.index_cast %get3A : i32 to index
    %get3A_32 = arith.constant 0 : index
    %get3A_33 = tpu.vector_load %arg6[%get3A_31, %get3A_32] {strides = array<i32>} : memref<3x16xf32, #tpu.memory_space<vmem>>, vector<16xf32>,
    %get3A_34 = arith.constant 1 : i32
    %get3A_35 = arith.index_cast %get3A_34 : i32 to index
    %get3A_36 = arith.constant 0 : index
    %get3A_37 = tpu.vector_load %arg6[%get3A_35, %get3A_36] {strides = array<i32>} : memref<3x16xf32, #tpu.memory_space<vmem>>, vector<16xf32>,
    %get3A_38 = arith.constant 2 : i32
    %get3A_39 = arith.index_cast %get3A_38 : i32 to index
    %get3A_40 = arith.constant 0 : index
    %get3A_41 = tpu.vector_load %arg6[%get3A_39, %get3A_40] {strides = array<i32>} : memref<3x16xf32, #tpu.memory_space<vmem>>, vector<16xf32>,
    %iota3A = tpu.iota {dimensions = array<i32: 0>} : vector<16xi32>
    %broadcast_in_dim3A = arith.constant 1.000000e+30 : f32
    %broadcast_in_dim3A_42 = vector.broadcast %broadcast_in_dim3A : f32 to vector<16xf32>
    %broadcast_in_dim3A_43 = arith.constant 0 : i32
    %broadcast_in_dim3A_44 = vector.broadcast %broadcast_in_dim3A_43 : i32 to vector<16xi32>
    %broadcast_in_dim3A_45 = arith.constant 0 : i32
    %broadcast_in_dim3A_46 = vector.broadcast %broadcast_in_dim3A_45 : i32 to vector<16xi32>
    %broadcast_in_dim3A_47 = arith.constant 1 : i32
    %broadcast_in_dim3A_48 = vector.broadcast %broadcast_in_dim3A_47 : i32 to vector<16xi32>
    %broadcast_in_dim3A_49 = arith.constant 2 : i32
    %broadcast_in_dim3A_50 = vector.broadcast %broadcast_in_dim3A_49 : i32 to vector<16xi32>
    %broadcast_in_dim3A_51 = arith.constant 3 : i32
    %broadcast_in_dim3A_52 = vector.broadcast %broadcast_in_dim3A_51 : i32 to vector<16xi32>
    %broadcast_in_dim3A_53 = arith.constant 4 : i32
    %broadcast_in_dim3A_54 = vector.broadcast %broadcast_in_dim3A_53 : i32 to vector<16xi32>
    %broadcast_in_dim3A_55 = arith.constant 5 : i32
    %broadcast_in_dim3A_56 = vector.broadcast %broadcast_in_dim3A_55 : i32 to vector<16xi32>
    %broadcast_in_dim3A_57 = arith.constant 6 : i32
    %broadcast_in_dim3A_58 = vector.broadcast %broadcast_in_dim3A_57 : i32 to vector<16xi32>
    %broadcast_in_dim3A_59 = arith.constant 7 : i32
    %broadcast_in_dim3A_60 = vector.broadcast %broadcast_in_dim3A_59 : i32 to vector<16xi32>
    %lt3A_61 = arith.constant 0 : i32
    %lt3A_62 = vector.broadcast %lt3A_61 : i32 to vector<16xi32>
    %lt3A_63 = arith.cmpi slt, %broadcast_in_dim3A_46, %lt3A_62 : vector<16xi32>
    %add3A_64 = arith.constant 16 : i32
    %add3A_65 = vector.broadcast %add3A_64 : i32 to vector<16xi32>
    %add3A_66 = arith.addi %broadcast_in_dim3A_46, %add3A_65 : vector<16xi32>
    %select_n3A_67 = arith.select %lt3A_63, %add3A_66, %broadcast_in_dim3A_46 : vector<16xi1>, vector<16xi32>
    %broadcast_in_dim3A_68 = vector.shape_cast %select_n3A_67 : vector<16xi32> to vector<16x1xi32>
    %gather3A = vector.shape_cast %broadcast_in_dim3A_68 : vector<16x1xi32> to vector<16xi32>
    %gather3A_69 = tpu.dynamic_gather %get3A_37[%gather3A] in [0] : vector<16xf32>, vector<16xi32> -> vector<16xf32>
    %lt3A_70 = arith.constant 0 : i32
    %lt3A_71 = vector.broadcast %lt3A_70 : i32 to vector<16xi32>
    %lt3A_72 = arith.cmpi slt, %broadcast_in_dim3A_48, %lt3A_71 : vector<16xi32>
    %add3A_73 = arith.constant 16 : i32
    %add3A_74 = vector.broadcast %add3A_73 : i32 to vector<16xi32>
    %add3A_75 = arith.addi %broadcast_in_dim3A_48, %add3A_74 : vector<16xi32>
    %select_n3A_76 = arith.select %lt3A_72, %add3A_75, %broadcast_in_dim3A_48 : vector<16xi1>, vector<16xi32>
    %broadcast_in_dim3A_77 = vector.shape_cast %select_n3A_76 : vector<16xi32> to vector<16x1xi32>
    %gather3A_78 = vector.shape_cast %broadcast_in_dim3A_77 : vector<16x1xi32> to vector<16xi32>
    %gather3A_79 = tpu.dynamic_gather %get3A_37[%gather3A_78] in [0] : vector<16xf32>, vector<16xi32> -> vector<16xf32>
    %lt3A_80 = arith.constant 0 : i32
    %lt3A_81 = vector.broadcast %lt3A_80 : i32 to vector<16xi32>
    %lt3A_82 = arith.cmpi slt, %broadcast_in_dim3A_50, %lt3A_81 : vector<16xi32>
    %add3A_83 = arith.constant 16 : i32
    %add3A_84 = vector.broadcast %add3A_83 : i32 to vector<16xi32>
    %add3A_85 = arith.addi %broadcast_in_dim3A_50, %add3A_84 : vector<16xi32>
    %select_n3A_86 = arith.select %lt3A_82, %add3A_85, %broadcast_in_dim3A_50 : vector<16xi1>, vector<16xi32>
    %broadcast_in_dim3A_87 = vector.shape_cast %select_n3A_86 : vector<16xi32> to vector<16x1xi32>
    %gather3A_88 = vector.shape_cast %broadcast_in_dim3A_87 : vector<16x1xi32> to vector<16xi32>
    %gather3A_89 = tpu.dynamic_gather %get3A_37[%gather3A_88] in [0] : vector<16xf32>, vector<16xi32> -> vector<16xf32>
    %lt3A_90 = arith.constant 0 : i32
    %lt3A_91 = vector.broadcast %lt3A_90 : i32 to vector<16xi32>
    %lt3A_92 = arith.cmpi slt, %broadcast_in_dim3A_52, %lt3A_91 : vector<16xi32>
    %add3A_93 = arith.constant 16 : i32
    %add3A_94 = vector.broadcast %add3A_93 : i32 to vector<16xi32>
    %add3A_95 = arith.addi %broadcast_in_dim3A_52, %add3A_94 : vector<16xi32>
    %select_n3A_96 = arith.select %lt3A_92, %add3A_95, %broadcast_in_dim3A_52 : vector<16xi1>, vector<16xi32>
    %broadcast_in_dim3A_97 = vector.shape_cast %select_n3A_96 : vector<16xi32> to vector<16x1xi32>
    %gather3A_98 = vector.shape_cast %broadcast_in_dim3A_97 : vector<16x1xi32> to vector<16xi32>
    %gather3A_99 = tpu.dynamic_gather %get3A_37[%gather3A_98] in [0] : vector<16xf32>, vector<16xi32> -> vector<16xf32>
    %lt3A_100 = arith.constant 0 : i32
    %lt3A_101 = vector.broadcast %lt3A_100 : i32 to vector<16xi32>
    %lt3A_102 = arith.cmpi slt, %broadcast_in_dim3A_54, %lt3A_101 : vector<16xi32>
    %add3A_103 = arith.constant 16 : i32
    %add3A_104 = vector.broadcast %add3A_103 : i32 to vector<16xi32>
    %add3A_105 = arith.addi %broadcast_in_dim3A_54, %add3A_104 : vector<16xi32>
    %select_n3A_106 = arith.select %lt3A_102, %add3A_105, %broadcast_in_dim3A_54 : vector<16xi1>, vector<16xi32>
    %broadcast_in_dim3A_107 = vector.shape_cast %select_n3A_106 : vector<16xi32> to vector<16x1xi32>
    %gather3A_108 = vector.shape_cast %broadcast_in_dim3A_107 : vector<16x1xi32> to vector<16xi32>
    %gather3A_109 = tpu.dynamic_gather %get3A_37[%gather3A_108] in [0] : vector<16xf32>, vector<16xi32> -> vector<16xf32>
    %lt3A_110 = arith.constant 0 : i32
    %lt3A_111 = vector.broadcast %lt3A_110 : i32 to vector<16xi32>
    %lt3A_112 = arith.cmpi slt, %broadcast_in_dim3A_56, %lt3A_111 : vector<16xi32>
    %add3A_113 = arith.constant 16 : i32
    %add3A_114 = vector.broadcast %add3A_113 : i32 to vector<16xi32>
    %add3A_115 = arith.addi %broadcast_in_dim3A_56, %add3A_114 : vector<16xi32>
    %select_n3A_116 = arith.select %lt3A_112, %add3A_115, %broadcast_in_dim3A_56 : vector<16xi1>, vector<16xi32>
    %broadcast_in_dim3A_117 = vector.shape_cast %select_n3A_116 : vector<16xi32> to vector<16x1xi32>
    %gather3A_118 = vector.shape_cast %broadcast_in_dim3A_117 : vector<16x1xi32> to vector<16xi32>
    %gather3A_119 = tpu.dynamic_gather %get3A_37[%gather3A_118] in [0] : vector<16xf32>, vector<16xi32> -> vector<16xf32>
    %lt3A_120 = arith.constant 0 : i32
    %lt3A_121 = vector.broadcast %lt3A_120 : i32 to vector<16xi32>
    %lt3A_122 = arith.cmpi slt, %broadcast_in_dim3A_58, %lt3A_121 : vector<16xi32>
    %add3A_123 = arith.constant 16 : i32
    %add3A_124 = vector.broadcast %add3A_123 : i32 to vector<16xi32>
    %add3A_125 = arith.addi %broadcast_in_dim3A_58, %add3A_124 : vector<16xi32>
    %select_n3A_126 = arith.select %lt3A_122, %add3A_125, %broadcast_in_dim3A_58 : vector<16xi1>, vector<16xi32>
    %broadcast_in_dim3A_127 = vector.shape_cast %select_n3A_126 : vector<16xi32> to vector<16x1xi32>
    %gather3A_128 = vector.shape_cast %broadcast_in_dim3A_127 : vector<16x1xi32> to vector<16xi32>
    %gather3A_129 = tpu.dynamic_gather %get3A_37[%gather3A_128] in [0] : vector<16xf32>, vector<16xi32> -> vector<16xf32>
    %lt3A_130 = arith.constant 0 : i32
    %lt3A_131 = vector.broadcast %lt3A_130 : i32 to vector<16xi32>
    %lt3A_132 = arith.cmpi slt, %broadcast_in_dim3A_60, %lt3A_131 : vector<16xi32>
    %add3A_133 = arith.constant 16 : i32
    %add3A_134 = vector.broadcast %add3A_133 : i32 to vector<16xi32>
    %add3A_135 = arith.addi %broadcast_in_dim3A_60, %add3A_134 : vector<16xi32>
    %select_n3A_136 = arith.select %lt3A_132, %add3A_135, %broadcast_in_dim3A_60 : vector<16xi1>, vector<16xi32>
    %broadcast_in_dim3A_137 = vector.shape_cast %select_n3A_136 : vector<16xi32> to vector<16x1xi32>
    %gather3A_138 = vector.shape_cast %broadcast_in_dim3A_137 : vector<16x1xi32> to vector<16xi32>
    %gather3A_139 = tpu.dynamic_gather %get3A_37[%gather3A_138] in [0] : vector<16xf32>, vector<16xi32> -> vector<16xf32>
    %lt3A_140 = arith.constant 0 : i32
    %lt3A_141 = vector.broadcast %lt3A_140 : i32 to vector<16xi32>
    %lt3A_142 = arith.cmpi slt, %broadcast_in_dim3A_46, %lt3A_141 : vector<16xi32>
    %add3A_143 = arith.constant 16 : i32
    %add3A_144 = vector.broadcast %add3A_143 : i32 to vector<16xi32>
    %add3A_145 = arith.addi %broadcast_in_dim3A_46, %add3A_144 : vector<16xi32>
    %select_n3A_146 = arith.select %lt3A_142, %add3A_145, %broadcast_in_dim3A_46 : vector<16xi1>, vector<16xi32>
    %broadcast_in_dim3A_147 = vector.shape_cast %select_n3A_146 : vector<16xi32> to vector<16x1xi32>
    %gather3A_148 = vector.shape_cast %broadcast_in_dim3A_147 : vector<16x1xi32> to vector<16xi32>
    %gather3A_149 = tpu.dynamic_gather %get3A_41[%gather3A_148] in [0] : vector<16xf32>, vector<16xi32> -> vector<16xf32>
    %lt3A_150 = arith.constant 0 : i32
    %lt3A_151 = vector.broadcast %lt3A_150 : i32 to vector<16xi32>
    %lt3A_152 = arith.cmpi slt, %broadcast_in_dim3A_48, %lt3A_151 : vector<16xi32>
    %add3A_153 = arith.constant 16 : i32
    %add3A_154 = vector.broadcast %add3A_153 : i32 to vector<16xi32>
    %add3A_155 = arith.addi %broadcast_in_dim3A_48, %add3A_154 : vector<16xi32>
    %select_n3A_156 = arith.select %lt3A_152, %add3A_155, %broadcast_in_dim3A_48 : vector<16xi1>, vector<16xi32>
    %broadcast_in_dim3A_157 = vector.shape_cast %select_n3A_156 : vector<16xi32> to vector<16x1xi32>
    %gather3A_158 = vector.shape_cast %broadcast_in_dim3A_157 : vector<16x1xi32> to vector<16xi32>
    %gather3A_159 = tpu.dynamic_gather %get3A_41[%gather3A_158] in [0] : vector<16xf32>, vector<16xi32> -> vector<16xf32>
    %lt3A_160 = arith.constant 0 : i32
    %lt3A_161 = vector.broadcast %lt3A_160 : i32 to vector<16xi32>
    %lt3A_162 = arith.cmpi slt, %broadcast_in_dim3A_50, %lt3A_161 : vector<16xi32>
    %add3A_163 = arith.constant 16 : i32
    %add3A_164 = vector.broadcast %add3A_163 : i32 to vector<16xi32>
    %add3A_165 = arith.addi %broadcast_in_dim3A_50, %add3A_164 : vector<16xi32>
    %select_n3A_166 = arith.select %lt3A_162, %add3A_165, %broadcast_in_dim3A_50 : vector<16xi1>, vector<16xi32>
    %broadcast_in_dim3A_167 = vector.shape_cast %select_n3A_166 : vector<16xi32> to vector<16x1xi32>
    %gather3A_168 = vector.shape_cast %broadcast_in_dim3A_167 : vector<16x1xi32> to vector<16xi32>
    %gather3A_169 = tpu.dynamic_gather %get3A_41[%gather3A_168] in [0] : vector<16xf32>, vector<16xi32> -> vector<16xf32>
    %lt3A_170 = arith.constant 0 : i32
    %lt3A_171 = vector.broadcast %lt3A_170 : i32 to vector<16xi32>
    %lt3A_172 = arith.cmpi slt, %broadcast_in_dim3A_52, %lt3A_171 : vector<16xi32>
    %add3A_173 = arith.constant 16 : i32
    %add3A_174 = vector.broadcast %add3A_173 : i32 to vector<16xi32>
    %add3A_175 = arith.addi %broadcast_in_dim3A_52, %add3A_174 : vector<16xi32>
    %select_n3A_176 = arith.select %lt3A_172, %add3A_175, %broadcast_in_dim3A_52 : vector<16xi1>, vector<16xi32>
    %broadcast_in_dim3A_177 = vector.shape_cast %select_n3A_176 : vector<16xi32> to vector<16x1xi32>
    %gather3A_178 = vector.shape_cast %broadcast_in_dim3A_177 : vector<16x1xi32> to vector<16xi32>
    %gather3A_179 = tpu.dynamic_gather %get3A_41[%gather3A_178] in [0] : vector<16xf32>, vector<16xi32> -> vector<16xf32>
    %lt3A_180 = arith.constant 0 : i32
    %lt3A_181 = vector.broadcast %lt3A_180 : i32 to vector<16xi32>
    %lt3A_182 = arith.cmpi slt, %broadcast_in_dim3A_54, %lt3A_181 : vector<16xi32>
    %add3A_183 = arith.constant 16 : i32
    %add3A_184 = vector.broadcast %add3A_183 : i32 to vector<16xi32>
    %add3A_185 = arith.addi %broadcast_in_dim3A_54, %add3A_184 : vector<16xi32>
    %select_n3A_186 = arith.select %lt3A_182, %add3A_185, %broadcast_in_dim3A_54 : vector<16xi1>, vector<16xi32>
    %broadcast_in_dim3A_187 = vector.shape_cast %select_n3A_186 : vector<16xi32> to vector<16x1xi32>
    %gather3A_188 = vector.shape_cast %broadcast_in_dim3A_187 : vector<16x1xi32> to vector<16xi32>
    %gather3A_189 = tpu.dynamic_gather %get3A_41[%gather3A_188] in [0] : vector<16xf32>, vector<16xi32> -> vector<16xf32>
    %lt3A_190 = arith.constant 0 : i32
    %lt3A_191 = vector.broadcast %lt3A_190 : i32 to vector<16xi32>
    %lt3A_192 = arith.cmpi slt, %broadcast_in_dim3A_56, %lt3A_191 : vector<16xi32>
    %add3A_193 = arith.constant 16 : i32
    %add3A_194 = vector.broadcast %add3A_193 : i32 to vector<16xi32>
    %add3A_195 = arith.addi %broadcast_in_dim3A_56, %add3A_194 : vector<16xi32>
    %select_n3A_196 = arith.select %lt3A_192, %add3A_195, %broadcast_in_dim3A_56 : vector<16xi1>, vector<16xi32>
    %broadcast_in_dim3A_197 = vector.shape_cast %select_n3A_196 : vector<16xi32> to vector<16x1xi32>
    %gather3A_198 = vector.shape_cast %broadcast_in_dim3A_197 : vector<16x1xi32> to vector<16xi32>
    %gather3A_199 = tpu.dynamic_gather %get3A_41[%gather3A_198] in [0] : vector<16xf32>, vector<16xi32> -> vector<16xf32>
    %lt3A_200 = arith.constant 0 : i32
    %lt3A_201 = vector.broadcast %lt3A_200 : i32 to vector<16xi32>
    %lt3A_202 = arith.cmpi slt, %broadcast_in_dim3A_58, %lt3A_201 : vector<16xi32>
    %add3A_203 = arith.constant 16 : i32
    %add3A_204 = vector.broadcast %add3A_203 : i32 to vector<16xi32>
    %add3A_205 = arith.addi %broadcast_in_dim3A_58, %add3A_204 : vector<16xi32>
    %select_n3A_206 = arith.select %lt3A_202, %add3A_205, %broadcast_in_dim3A_58 : vector<16xi1>, vector<16xi32>
    %broadcast_in_dim3A_207 = vector.shape_cast %select_n3A_206 : vector<16xi32> to vector<16x1xi32>
    %gather3A_208 = vector.shape_cast %broadcast_in_dim3A_207 : vector<16x1xi32> to vector<16xi32>
    %gather3A_209 = tpu.dynamic_gather %get3A_41[%gather3A_208] in [0] : vector<16xf32>, vector<16xi32> -> vector<16xf32>
    %lt3A_210 = arith.constant 0 : i32
    %lt3A_211 = vector.broadcast %lt3A_210 : i32 to vector<16xi32>
    %lt3A_212 = arith.cmpi slt, %broadcast_in_dim3A_60, %lt3A_211 : vector<16xi32>
    %add3A_213 = arith.constant 16 : i32
    %add3A_214 = vector.broadcast %add3A_213 : i32 to vector<16xi32>
    %add3A_215 = arith.addi %broadcast_in_dim3A_60, %add3A_214 : vector<16xi32>
    %select_n3A_216 = arith.select %lt3A_212, %add3A_215, %broadcast_in_dim3A_60 : vector<16xi1>, vector<16xi32>
    %broadcast_in_dim3A_217 = vector.shape_cast %select_n3A_216 : vector<16xi32> to vector<16x1xi32>
    %gather3A_218 = vector.shape_cast %broadcast_in_dim3A_217 : vector<16x1xi32> to vector<16xi32>
    %gather3A_219 = tpu.dynamic_gather %get3A_41[%gather3A_218] in [0] : vector<16xf32>, vector<16xi32> -> vector<16xf32>
    %lt3A_220 = arith.constant 0 : i32
    %lt3A_221 = vector.broadcast %lt3A_220 : i32 to vector<16xi32>
    %lt3A_222 = arith.cmpi slt, %broadcast_in_dim3A_46, %lt3A_221 : vector<16xi32>
    %add3A_223 = arith.constant 16 : i32
    %add3A_224 = vector.broadcast %add3A_223 : i32 to vector<16xi32>
    %add3A_225 = arith.addi %broadcast_in_dim3A_46, %add3A_224 : vector<16xi32>
    %select_n3A_226 = arith.select %lt3A_222, %add3A_225, %broadcast_in_dim3A_46 : vector<16xi1>, vector<16xi32>
    %broadcast_in_dim3A_227 = vector.shape_cast %select_n3A_226 : vector<16xi32> to vector<16x1xi32>
    %gather3A_228 = vector.shape_cast %broadcast_in_dim3A_227 : vector<16x1xi32> to vector<16xi32>
    %gather3A_229 = tpu.dynamic_gather %get3A_33[%gather3A_228] in [0] : vector<16xf32>, vector<16xi32> -> vector<16xf32>
    %lt3A_230 = arith.constant 0 : i32
    %lt3A_231 = vector.broadcast %lt3A_230 : i32 to vector<16xi32>
    %lt3A_232 = arith.cmpi slt, %broadcast_in_dim3A_48, %lt3A_231 : vector<16xi32>
    %add3A_233 = arith.constant 16 : i32
    %add3A_234 = vector.broadcast %add3A_233 : i32 to vector<16xi32>
    %add3A_235 = arith.addi %broadcast_in_dim3A_48, %add3A_234 : vector<16xi32>
    %select_n3A_236 = arith.select %lt3A_232, %add3A_235, %broadcast_in_dim3A_48 : vector<16xi1>, vector<16xi32>
    %broadcast_in_dim3A_237 = vector.shape_cast %select_n3A_236 : vector<16xi32> to vector<16x1xi32>
    %gather3A_238 = vector.shape_cast %broadcast_in_dim3A_237 : vector<16x1xi32> to vector<16xi32>
    %gather3A_239 = tpu.dynamic_gather %get3A_33[%gather3A_238] in [0] : vector<16xf32>, vector<16xi32> -> vector<16xf32>
    %lt3A_240 = arith.constant 0 : i32
    %lt3A_241 = vector.broadcast %lt3A_240 : i32 to vector<16xi32>
    %lt3A_242 = arith.cmpi slt, %broadcast_in_dim3A_50, %lt3A_241 : vector<16xi32>
    %add3A_243 = arith.constant 16 : i32
    %add3A_244 = vector.broadcast %add3A_243 : i32 to vector<16xi32>
    %add3A_245 = arith.addi %broadcast_in_dim3A_50, %add3A_244 : vector<16xi32>
    %select_n3A_246 = arith.select %lt3A_242, %add3A_245, %broadcast_in_dim3A_50 : vector<16xi1>, vector<16xi32>
    %broadcast_in_dim3A_247 = vector.shape_cast %select_n3A_246 : vector<16xi32> to vector<16x1xi32>
    %gather3A_248 = vector.shape_cast %broadcast_in_dim3A_247 : vector<16x1xi32> to vector<16xi32>
    %gather3A_249 = tpu.dynamic_gather %get3A_33[%gather3A_248] in [0] : vector<16xf32>, vector<16xi32> -> vector<16xf32>
    %lt3A_250 = arith.constant 0 : i32
    %lt3A_251 = vector.broadcast %lt3A_250 : i32 to vector<16xi32>
    %lt3A_252 = arith.cmpi slt, %broadcast_in_dim3A_52, %lt3A_251 : vector<16xi32>
    %add3A_253 = arith.constant 16 : i32
    %add3A_254 = vector.broadcast %add3A_253 : i32 to vector<16xi32>
    %add3A_255 = arith.addi %broadcast_in_dim3A_52, %add3A_254 : vector<16xi32>
    %select_n3A_256 = arith.select %lt3A_252, %add3A_255, %broadcast_in_dim3A_52 : vector<16xi1>, vector<16xi32>
    %broadcast_in_dim3A_257 = vector.shape_cast %select_n3A_256 : vector<16xi32> to vector<16x1xi32>
    %gather3A_258 = vector.shape_cast %broadcast_in_dim3A_257 : vector<16x1xi32> to vector<16xi32>
    %gather3A_259 = tpu.dynamic_gather %get3A_33[%gather3A_258] in [0] : vector<16xf32>, vector<16xi32> -> vector<16xf32>
    %lt3A_260 = arith.constant 0 : i32
    %lt3A_261 = vector.broadcast %lt3A_260 : i32 to vector<16xi32>
    %lt3A_262 = arith.cmpi slt, %broadcast_in_dim3A_54, %lt3A_261 : vector<16xi32>
    %add3A_263 = arith.constant 16 : i32
    %add3A_264 = vector.broadcast %add3A_263 : i32 to vector<16xi32>
    %add3A_265 = arith.addi %broadcast_in_dim3A_54, %add3A_264 : vector<16xi32>
    %select_n3A_266 = arith.select %lt3A_262, %add3A_265, %broadcast_in_dim3A_54 : vector<16xi1>, vector<16xi32>
    %broadcast_in_dim3A_267 = vector.shape_cast %select_n3A_266 : vector<16xi32> to vector<16x1xi32>
    %gather3A_268 = vector.shape_cast %broadcast_in_dim3A_267 : vector<16x1xi32> to vector<16xi32>
    %gather3A_269 = tpu.dynamic_gather %get3A_33[%gather3A_268] in [0] : vector<16xf32>, vector<16xi32> -> vector<16xf32>
    %lt3A_270 = arith.constant 0 : i32
    %lt3A_271 = vector.broadcast %lt3A_270 : i32 to vector<16xi32>
    %lt3A_272 = arith.cmpi slt, %broadcast_in_dim3A_56, %lt3A_271 : vector<16xi32>
    %add3A_273 = arith.constant 16 : i32
    %add3A_274 = vector.broadcast %add3A_273 : i32 to vector<16xi32>
    %add3A_275 = arith.addi %broadcast_in_dim3A_56, %add3A_274 : vector<16xi32>
    %select_n3A_276 = arith.select %lt3A_272, %add3A_275, %broadcast_in_dim3A_56 : vector<16xi1>, vector<16xi32>
    %broadcast_in_dim3A_277 = vector.shape_cast %select_n3A_276 : vector<16xi32> to vector<16x1xi32>
    %gather3A_278 = vector.shape_cast %broadcast_in_dim3A_277 : vector<16x1xi32> to vector<16xi32>
    %gather3A_279 = tpu.dynamic_gather %get3A_33[%gather3A_278] in [0] : vector<16xf32>, vector<16xi32> -> vector<16xf32>
    %lt3A_280 = arith.constant 0 : i32
    %lt3A_281 = vector.broadcast %lt3A_280 : i32 to vector<16xi32>
    %lt3A_282 = arith.cmpi slt, %broadcast_in_dim3A_58, %lt3A_281 : vector<16xi32>
    %add3A_283 = arith.constant 16 : i32
    %add3A_284 = vector.broadcast %add3A_283 : i32 to vector<16xi32>
    %add3A_285 = arith.addi %broadcast_in_dim3A_58, %add3A_284 : vector<16xi32>
    %select_n3A_286 = arith.select %lt3A_282, %add3A_285, %broadcast_in_dim3A_58 : vector<16xi1>, vector<16xi32>
    %broadcast_in_dim3A_287 = vector.shape_cast %select_n3A_286 : vector<16xi32> to vector<16x1xi32>
    %gather3A_288 = vector.shape_cast %broadcast_in_dim3A_287 : vector<16x1xi32> to vector<16xi32>
    %gather3A_289 = tpu.dynamic_gather %get3A_33[%gather3A_288] in [0] : vector<16xf32>, vector<16xi32> -> vector<16xf32>
    %lt3A_290 = arith.constant 0 : i32
    %lt3A_291 = vector.broadcast %lt3A_290 : i32 to vector<16xi32>
    %lt3A_292 = arith.cmpi slt, %broadcast_in_dim3A_60, %lt3A_291 : vector<16xi32>
    %add3A_293 = arith.constant 16 : i32
    %add3A_294 = vector.broadcast %add3A_293 : i32 to vector<16xi32>
    %add3A_295 = arith.addi %broadcast_in_dim3A_60, %add3A_294 : vector<16xi32>
    %select_n3A_296 = arith.select %lt3A_292, %add3A_295, %broadcast_in_dim3A_60 : vector<16xi1>, vector<16xi32>
    %broadcast_in_dim3A_297 = vector.shape_cast %select_n3A_296 : vector<16xi32> to vector<16x1xi32>
    %gather3A_298 = vector.shape_cast %broadcast_in_dim3A_297 : vector<16x1xi32> to vector<16xi32>
    %gather3A_299 = tpu.dynamic_gather %get3A_33[%gather3A_298] in [0] : vector<16xf32>, vector<16xi32> -> vector<16xf32>
    %broadcast_in_dim3A_300 = arith.constant 1.000000e+30 : f32
    %broadcast_in_dim3A_301 = vector.broadcast %broadcast_in_dim3A_300 : f32 to vector<16xf32>
    %broadcast_in_dim3A_302 = arith.constant 0 : i32
    %broadcast_in_dim3A_303 = vector.broadcast %broadcast_in_dim3A_302 : i32 to vector<16xi32>
    %broadcast_in_dim3A_304 = arith.constant 1.000000e+30 : f32
    %broadcast_in_dim3A_305 = vector.broadcast %broadcast_in_dim3A_304 : f32 to vector<16xf32>
    %broadcast_in_dim3A_306 = arith.constant 0 : i32
    %broadcast_in_dim3A_307 = vector.broadcast %broadcast_in_dim3A_306 : i32 to vector<16xi32>
    %broadcast_in_dim3A_308 = arith.constant 1.000000e+30 : f32
    %broadcast_in_dim3A_309 = vector.broadcast %broadcast_in_dim3A_308 : f32 to vector<16xf32>
    %broadcast_in_dim3A_310 = arith.constant 0 : i32
    %broadcast_in_dim3A_311 = vector.broadcast %broadcast_in_dim3A_310 : i32 to vector<16xi32>
    %broadcast_in_dim3A_312 = arith.constant 1.000000e+30 : f32
    %broadcast_in_dim3A_313 = vector.broadcast %broadcast_in_dim3A_312 : f32 to vector<16xf32>
    %broadcast_in_dim3A_314 = arith.constant 0 : i32
    %broadcast_in_dim3A_315 = vector.broadcast %broadcast_in_dim3A_314 : i32 to vector<16xi32>
    %broadcast_in_dim3A_316 = arith.constant 1.000000e+30 : f32
    %broadcast_in_dim3A_317 = vector.broadcast %broadcast_in_dim3A_316 : f32 to vector<16xf32>
    %broadcast_in_dim3A_318 = arith.constant 0 : i32
    %broadcast_in_dim3A_319 = vector.broadcast %broadcast_in_dim3A_318 : i32 to vector<16xi32>
    %broadcast_in_dim3A_320 = arith.constant 1.000000e+30 : f32
    %broadcast_in_dim3A_321 = vector.broadcast %broadcast_in_dim3A_320 : f32 to vector<16xf32>
    %broadcast_in_dim3A_322 = arith.constant 0 : i32
    %broadcast_in_dim3A_323 = vector.broadcast %broadcast_in_dim3A_322 : i32 to vector<16xi32>
    %broadcast_in_dim3A_324 = arith.constant 1.000000e+30 : f32
    %broadcast_in_dim3A_325 = vector.broadcast %broadcast_in_dim3A_324 : f32 to vector<16xf32>
    %broadcast_in_dim3A_326 = arith.constant 0 : i32
    %broadcast_in_dim3A_327 = vector.broadcast %broadcast_in_dim3A_326 : i32 to vector<16xi32>
    %broadcast_in_dim3A_328 = arith.constant 1.000000e+30 : f32
    %broadcast_in_dim3A_329 = vector.broadcast %broadcast_in_dim3A_328 : f32 to vector<16xf32>
    %broadcast_in_dim3A_330 = arith.constant 0 : i32
    %broadcast_in_dim3A_331 = vector.broadcast %broadcast_in_dim3A_330 : i32 to vector<16xi32>
    %scan3A = arith.constant 0 : i32
    %scan3A_332 = arith.constant 625 : i32
    %scan3A_333 = arith.addi %scan3A, %scan3A_332 : i32
    %scan3A_334 = arith.constant 1 : i32
    %scan3A_335:16 = scf.for %scan3A_2842 = %scan3A to %scan3A_333 step %scan3A_334 iter_args(%scan3A_2843 = %broadcast_in_dim3A_301, %scan3A_2844 = %broadcast_in_dim3A_303, %scan3A_2845 = %broadcast_in_dim3A_305, %scan3A_2846 = %broadcast_in_dim3A_307, %scan3A_2847 = %broadcast_in_dim3A_309, %scan3A_2848 = %broadcast_in_dim3A_311, %scan3A_2849 = %broadcast_in_dim3A_313, %scan3A_2850 = %broadcast_in_dim3A_315, %scan3A_2851 = %broadcast_in_dim3A_317, %scan3A_2852 = %broadcast_in_dim3A_319, %scan3A_2853 = %broadcast_in_dim3A_321, %scan3A_2854 = %broadcast_in_dim3A_323, %scan3A_2855 = %broadcast_in_dim3A_325, %scan3A_2856 = %broadcast_in_dim3A_327, %scan3A_2857 = %broadcast_in_dim3A_329, %scan3A_2858 = %broadcast_in_dim3A_331) -> (vector<16xf32>, vector<16xi32>, vector<16xf32>, vector<16xi32>, vector<16xf32>, vector<16xi32>, vector<16xf32>, vector<16xi32>, vector<16xf32>, vector<16xi32>, vector<16xf32>, vector<16xi32>, vector<16xf32>, vector<16xi32>, vector<16xf32>, vector<16xi32>)  : i32 {
      %mul3A_2859 = arith.constant 2 : i32
      %mul3A_2860 = arith.muli %mul3A_2859, %scan3A_2842 : i32
      %add3A_2861 = arith.constant 0 : i32
      %add3A_2862 = arith.addi %mul3A_2860, %add3A_2861 : i32
      %mul3A_2863 = arith.constant 16 : i32
      %mul3A_2864 = arith.muli %add3A_2862, %mul3A_2863 : i32
      %get3A_2865 = arith.constant 1 : i32
      %get3A_2866 = arith.index_cast %get3A_2865 : i32 to index
      %get3A_2867 = arith.index_cast %mul3A_2864 : i32 to index
      %get3A_2868 = tpu.vector_load %arg5[%get3A_2866, %get3A_2867] {strides = array<i32>} : memref<3x20000xf32, #tpu.memory_space<vmem>>, vector<16xf32>,
      %get3A_2869 = arith.constant 2 : i32
      %get3A_2870 = arith.index_cast %get3A_2869 : i32 to index
      %get3A_2871 = arith.index_cast %mul3A_2864 : i32 to index
      %get3A_2872 = tpu.vector_load %arg5[%get3A_2870, %get3A_2871] {strides = array<i32>} : memref<3x20000xf32, #tpu.memory_space<vmem>>, vector<16xf32>,
      %get3A_2873 = arith.constant 0 : i32
      %get3A_2874 = arith.index_cast %get3A_2873 : i32 to index
      %get3A_2875 = arith.index_cast %mul3A_2864 : i32 to index
      %get3A_2876 = tpu.vector_load %arg5[%get3A_2874, %get3A_2875] {strides = array<i32>} : memref<3x20000xf32, #tpu.memory_space<vmem>>, vector<16xf32>,
      %broadcast_in_dim3A_2877 = vector.broadcast %mul3A_2864 : i32 to vector<16xi32>
      %add3A_2878 = arith.addi %broadcast_in_dim3A_2877, %iota3A : vector<16xi32>
      %sub3A_2879 = arith.subf %get3A_2868, %gather3A_69 : vector<16xf32>
      %sub3A_2880 = arith.subf %get3A_2872, %gather3A_149 : vector<16xf32>
      %mul3A_2881 = arith.mulf %sub3A_2879, %sub3A_2879 : vector<16xf32>
      %mul3A_2882 = arith.mulf %sub3A_2880, %sub3A_2880 : vector<16xf32>
      %add3A_2883 = arith.addf %mul3A_2881, %mul3A_2882 : vector<16xf32>
      %eq3A_2884 = arith.cmpf oeq, %get3A_2876, %gather3A_229 : vector<16xf32>
      %jit3A_2885 = arith.constant 1.000000e+30 : f32
      %broadcast_in_dim3A_2886 = vector.broadcast %jit3A_2885 : f32 to vector<16xf32>
      %select_n3A_2887 = arith.select %eq3A_2884, %add3A_2883, %broadcast_in_dim3A_2886 : vector<16xi1>, vector<16xf32>
      %lt3A_2888 = arith.cmpf olt, %select_n3A_2887, %scan3A_2843 : vector<16xf32>
      %select_n3A_2889 = arith.select %lt3A_2888, %select_n3A_2887, %scan3A_2843 : vector<16xi1>, vector<16xf32>
      %select_n3A_2890 = arith.select %lt3A_2888, %add3A_2878, %scan3A_2844 : vector<16xi1>, vector<16xi32>
      %sub3A_2891 = arith.subf %get3A_2868, %gather3A_79 : vector<16xf32>
      %sub3A_2892 = arith.subf %get3A_2872, %gather3A_159 : vector<16xf32>
      %mul3A_2893 = arith.mulf %sub3A_2891, %sub3A_2891 : vector<16xf32>
      %mul3A_2894 = arith.mulf %sub3A_2892, %sub3A_2892 : vector<16xf32>
      %add3A_2895 = arith.addf %mul3A_2893, %mul3A_2894 : vector<16xf32>
      %eq3A_2896 = arith.cmpf oeq, %get3A_2876, %gather3A_239 : vector<16xf32>
      %jit3A_2897 = arith.constant 1.000000e+30 : f32
      %broadcast_in_dim3A_2898 = vector.broadcast %jit3A_2897 : f32 to vector<16xf32>
      %select_n3A_2899 = arith.select %eq3A_2896, %add3A_2895, %broadcast_in_dim3A_2898 : vector<16xi1>, vector<16xf32>
      %lt3A_2900 = arith.cmpf olt, %select_n3A_2899, %scan3A_2845 : vector<16xf32>
      %select_n3A_2901 = arith.select %lt3A_2900, %select_n3A_2899, %scan3A_2845 : vector<16xi1>, vector<16xf32>
      %select_n3A_2902 = arith.select %lt3A_2900, %add3A_2878, %scan3A_2846 : vector<16xi1>, vector<16xi32>
      %sub3A_2903 = arith.subf %get3A_2868, %gather3A_89 : vector<16xf32>
      %sub3A_2904 = arith.subf %get3A_2872, %gather3A_169 : vector<16xf32>
      %mul3A_2905 = arith.mulf %sub3A_2903, %sub3A_2903 : vector<16xf32>
      %mul3A_2906 = arith.mulf %sub3A_2904, %sub3A_2904 : vector<16xf32>
      %add3A_2907 = arith.addf %mul3A_2905, %mul3A_2906 : vector<16xf32>
      %eq3A_2908 = arith.cmpf oeq, %get3A_2876, %gather3A_249 : vector<16xf32>
      %jit3A_2909 = arith.constant 1.000000e+30 : f32
      %broadcast_in_dim3A_2910 = vector.broadcast %jit3A_2909 : f32 to vector<16xf32>
      %select_n3A_2911 = arith.select %eq3A_2908, %add3A_2907, %broadcast_in_dim3A_2910 : vector<16xi1>, vector<16xf32>
      %lt3A_2912 = arith.cmpf olt, %select_n3A_2911, %scan3A_2847 : vector<16xf32>
      %select_n3A_2913 = arith.select %lt3A_2912, %select_n3A_2911, %scan3A_2847 : vector<16xi1>, vector<16xf32>
      %select_n3A_2914 = arith.select %lt3A_2912, %add3A_2878, %scan3A_2848 : vector<16xi1>, vector<16xi32>
      %sub3A_2915 = arith.subf %get3A_2868, %gather3A_99 : vector<16xf32>
      %sub3A_2916 = arith.subf %get3A_2872, %gather3A_179 : vector<16xf32>
      %mul3A_2917 = arith.mulf %sub3A_2915, %sub3A_2915 : vector<16xf32>
      %mul3A_2918 = arith.mulf %sub3A_2916, %sub3A_2916 : vector<16xf32>
      %add3A_2919 = arith.addf %mul3A_2917, %mul3A_2918 : vector<16xf32>
      %eq3A_2920 = arith.cmpf oeq, %get3A_2876, %gather3A_259 : vector<16xf32>
      %jit3A_2921 = arith.constant 1.000000e+30 : f32
      %broadcast_in_dim3A_2922 = vector.broadcast %jit3A_2921 : f32 to vector<16xf32>
      %select_n3A_2923 = arith.select %eq3A_2920, %add3A_2919, %broadcast_in_dim3A_2922 : vector<16xi1>, vector<16xf32>
      %lt3A_2924 = arith.cmpf olt, %select_n3A_2923, %scan3A_2849 : vector<16xf32>
      %select_n3A_2925 = arith.select %lt3A_2924, %select_n3A_2923, %scan3A_2849 : vector<16xi1>, vector<16xf32>
      %select_n3A_2926 = arith.select %lt3A_2924, %add3A_2878, %scan3A_2850 : vector<16xi1>, vector<16xi32>
      %sub3A_2927 = arith.subf %get3A_2868, %gather3A_109 : vector<16xf32>
      %sub3A_2928 = arith.subf %get3A_2872, %gather3A_189 : vector<16xf32>
      %mul3A_2929 = arith.mulf %sub3A_2927, %sub3A_2927 : vector<16xf32>
      %mul3A_2930 = arith.mulf %sub3A_2928, %sub3A_2928 : vector<16xf32>
      %add3A_2931 = arith.addf %mul3A_2929, %mul3A_2930 : vector<16xf32>
      %eq3A_2932 = arith.cmpf oeq, %get3A_2876, %gather3A_269 : vector<16xf32>
      %jit3A_2933 = arith.constant 1.000000e+30 : f32
      %broadcast_in_dim3A_2934 = vector.broadcast %jit3A_2933 : f32 to vector<16xf32>
      %select_n3A_2935 = arith.select %eq3A_2932, %add3A_2931, %broadcast_in_dim3A_2934 : vector<16xi1>, vector<16xf32>
      %lt3A_2936 = arith.cmpf olt, %select_n3A_2935, %scan3A_2851 : vector<16xf32>
      %select_n3A_2937 = arith.select %lt3A_2936, %select_n3A_2935, %scan3A_2851 : vector<16xi1>, vector<16xf32>
      %select_n3A_2938 = arith.select %lt3A_2936, %add3A_2878, %scan3A_2852 : vector<16xi1>, vector<16xi32>
      %sub3A_2939 = arith.subf %get3A_2868, %gather3A_119 : vector<16xf32>
      %sub3A_2940 = arith.subf %get3A_2872, %gather3A_199 : vector<16xf32>
      %mul3A_2941 = arith.mulf %sub3A_2939, %sub3A_2939 : vector<16xf32>
      %mul3A_2942 = arith.mulf %sub3A_2940, %sub3A_2940 : vector<16xf32>
      %add3A_2943 = arith.addf %mul3A_2941, %mul3A_2942 : vector<16xf32>
      %eq3A_2944 = arith.cmpf oeq, %get3A_2876, %gather3A_279 : vector<16xf32>
      %jit3A_2945 = arith.constant 1.000000e+30 : f32
      %broadcast_in_dim3A_2946 = vector.broadcast %jit3A_2945 : f32 to vector<16xf32>
      %select_n3A_2947 = arith.select %eq3A_2944, %add3A_2943, %broadcast_in_dim3A_2946 : vector<16xi1>, vector<16xf32>
      %lt3A_2948 = arith.cmpf olt, %select_n3A_2947, %scan3A_2853 : vector<16xf32>
      %select_n3A_2949 = arith.select %lt3A_2948, %select_n3A_2947, %scan3A_2853 : vector<16xi1>, vector<16xf32>
      %select_n3A_2950 = arith.select %lt3A_2948, %add3A_2878, %scan3A_2854 : vector<16xi1>, vector<16xi32>
      %sub3A_2951 = arith.subf %get3A_2868, %gather3A_129 : vector<16xf32>
      %sub3A_2952 = arith.subf %get3A_2872, %gather3A_209 : vector<16xf32>
      %mul3A_2953 = arith.mulf %sub3A_2951, %sub3A_2951 : vector<16xf32>
      %mul3A_2954 = arith.mulf %sub3A_2952, %sub3A_2952 : vector<16xf32>
      %add3A_2955 = arith.addf %mul3A_2953, %mul3A_2954 : vector<16xf32>
      %eq3A_2956 = arith.cmpf oeq, %get3A_2876, %gather3A_289 : vector<16xf32>
      %jit3A_2957 = arith.constant 1.000000e+30 : f32
      %broadcast_in_dim3A_2958 = vector.broadcast %jit3A_2957 : f32 to vector<16xf32>
      %select_n3A_2959 = arith.select %eq3A_2956, %add3A_2955, %broadcast_in_dim3A_2958 : vector<16xi1>, vector<16xf32>
      %lt3A_2960 = arith.cmpf olt, %select_n3A_2959, %scan3A_2855 : vector<16xf32>
      %select_n3A_2961 = arith.select %lt3A_2960, %select_n3A_2959, %scan3A_2855 : vector<16xi1>, vector<16xf32>
      %select_n3A_2962 = arith.select %lt3A_2960, %add3A_2878, %scan3A_2856 : vector<16xi1>, vector<16xi32>
      %sub3A_2963 = arith.subf %get3A_2868, %gather3A_139 : vector<16xf32>
      %sub3A_2964 = arith.subf %get3A_2872, %gather3A_219 : vector<16xf32>
      %mul3A_2965 = arith.mulf %sub3A_2963, %sub3A_2963 : vector<16xf32>
      %mul3A_2966 = arith.mulf %sub3A_2964, %sub3A_2964 : vector<16xf32>
      %add3A_2967 = arith.addf %mul3A_2965, %mul3A_2966 : vector<16xf32>
      %eq3A_2968 = arith.cmpf oeq, %get3A_2876, %gather3A_299 : vector<16xf32>
      %jit3A_2969 = arith.constant 1.000000e+30 : f32
      %broadcast_in_dim3A_2970 = vector.broadcast %jit3A_2969 : f32 to vector<16xf32>
      %select_n3A_2971 = arith.select %eq3A_2968, %add3A_2967, %broadcast_in_dim3A_2970 : vector<16xi1>, vector<16xf32>
      %lt3A_2972 = arith.cmpf olt, %select_n3A_2971, %scan3A_2857 : vector<16xf32>
      %select_n3A_2973 = arith.select %lt3A_2972, %select_n3A_2971, %scan3A_2857 : vector<16xi1>, vector<16xf32>
      %select_n3A_2974 = arith.select %lt3A_2972, %add3A_2878, %scan3A_2858 : vector<16xi1>, vector<16xi32>
      %mul3A_2975 = arith.constant 2 : i32
      %mul3A_2976 = arith.muli %mul3A_2975, %scan3A_2842 : i32
      %add3A_2977 = arith.constant 1 : i32
      %add3A_2978 = arith.addi %mul3A_2976, %add3A_2977 : i32
      %mul3A_2979 = arith.constant 16 : i32
      %mul3A_2980 = arith.muli %add3A_2978, %mul3A_2979 : i32
      %get3A_2981 = arith.constant 1 : i32
      %get3A_2982 = arith.index_cast %get3A_2981 : i32 to index
      %get3A_2983 = arith.index_cast %mul3A_2980 : i32 to index
      %get3A_2984 = tpu.vector_load %arg5[%get3A_2982, %get3A_2983] {strides = array<i32>} : memref<3x20000xf32, #tpu.memory_space<vmem>>, vector<16xf32>,
      %get3A_2985 = arith.constant 2 : i32
      %get3A_2986 = arith.index_cast %get3A_2985 : i32 to index
      %get3A_2987 = arith.index_cast %mul3A_2980 : i32 to index
      %get3A_2988 = tpu.vector_load %arg5[%get3A_2986, %get3A_2987] {strides = array<i32>} : memref<3x20000xf32, #tpu.memory_space<vmem>>, vector<16xf32>,
      %get3A_2989 = arith.constant 0 : i32
      %get3A_2990 = arith.index_cast %get3A_2989 : i32 to index
      %get3A_2991 = arith.index_cast %mul3A_2980 : i32 to index
      %get3A_2992 = tpu.vector_load %arg5[%get3A_2990, %get3A_2991] {strides = array<i32>} : memref<3x20000xf32, #tpu.memory_space<vmem>>, vector<16xf32>,
      %broadcast_in_dim3A_2993 = vector.broadcast %mul3A_2980 : i32 to vector<16xi32>
      %add3A_2994 = arith.addi %broadcast_in_dim3A_2993, %iota3A : vector<16xi32>
      %sub3A_2995 = arith.subf %get3A_2984, %gather3A_69 : vector<16xf32>
      %sub3A_2996 = arith.subf %get3A_2988, %gather3A_149 : vector<16xf32>
      %mul3A_2997 = arith.mulf %sub3A_2995, %sub3A_2995 : vector<16xf32>
      %mul3A_2998 = arith.mulf %sub3A_2996, %sub3A_2996 : vector<16xf32>
      %add3A_2999 = arith.addf %mul3A_2997, %mul3A_2998 : vector<16xf32>
      %eq3A_3000 = arith.cmpf oeq, %get3A_2992, %gather3A_229 : vector<16xf32>
      %jit3A_3001 = arith.constant 1.000000e+30 : f32
      %broadcast_in_dim3A_3002 = vector.broadcast %jit3A_3001 : f32 to vector<16xf32>
      %select_n3A_3003 = arith.select %eq3A_3000, %add3A_2999, %broadcast_in_dim3A_3002 : vector<16xi1>, vector<16xf32>
      %lt3A_3004 = arith.cmpf olt, %select_n3A_3003, %select_n3A_2889 : vector<16xf32>
      %select_n3A_3005 = arith.select %lt3A_3004, %select_n3A_3003, %select_n3A_2889 : vector<16xi1>, vector<16xf32>
      %select_n3A_3006 = arith.select %lt3A_3004, %add3A_2994, %select_n3A_2890 : vector<16xi1>, vector<16xi32>
      %sub3A_3007 = arith.subf %get3A_2984, %gather3A_79 : vector<16xf32>
      %sub3A_3008 = arith.subf %get3A_2988, %gather3A_159 : vector<16xf32>
      %mul3A_3009 = arith.mulf %sub3A_3007, %sub3A_3007 : vector<16xf32>
      %mul3A_3010 = arith.mulf %sub3A_3008, %sub3A_3008 : vector<16xf32>
      %add3A_3011 = arith.addf %mul3A_3009, %mul3A_3010 : vector<16xf32>
      %eq3A_3012 = arith.cmpf oeq, %get3A_2992, %gather3A_239 : vector<16xf32>
      %jit3A_3013 = arith.constant 1.000000e+30 : f32
      %broadcast_in_dim3A_3014 = vector.broadcast %jit3A_3013 : f32 to vector<16xf32>
      %select_n3A_3015 = arith.select %eq3A_3012, %add3A_3011, %broadcast_in_dim3A_3014 : vector<16xi1>, vector<16xf32>
      %lt3A_3016 = arith.cmpf olt, %select_n3A_3015, %select_n3A_2901 : vector<16xf32>
      %select_n3A_3017 = arith.select %lt3A_3016, %select_n3A_3015, %select_n3A_2901 : vector<16xi1>, vector<16xf32>
      %select_n3A_3018 = arith.select %lt3A_3016, %add3A_2994, %select_n3A_2902 : vector<16xi1>, vector<16xi32>
      %sub3A_3019 = arith.subf %get3A_2984, %gather3A_89 : vector<16xf32>
      %sub3A_3020 = arith.subf %get3A_2988, %gather3A_169 : vector<16xf32>
      %mul3A_3021 = arith.mulf %sub3A_3019, %sub3A_3019 : vector<16xf32>
      %mul3A_3022 = arith.mulf %sub3A_3020, %sub3A_3020 : vector<16xf32>
      %add3A_3023 = arith.addf %mul3A_3021, %mul3A_3022 : vector<16xf32>
      %eq3A_3024 = arith.cmpf oeq, %get3A_2992, %gather3A_249 : vector<16xf32>
      %jit3A_3025 = arith.constant 1.000000e+30 : f32
      %broadcast_in_dim3A_3026 = vector.broadcast %jit3A_3025 : f32 to vector<16xf32>
      %select_n3A_3027 = arith.select %eq3A_3024, %add3A_3023, %broadcast_in_dim3A_3026 : vector<16xi1>, vector<16xf32>
      %lt3A_3028 = arith.cmpf olt, %select_n3A_3027, %select_n3A_2913 : vector<16xf32>
      %select_n3A_3029 = arith.select %lt3A_3028, %select_n3A_3027, %select_n3A_2913 : vector<16xi1>, vector<16xf32>
      %select_n3A_3030 = arith.select %lt3A_3028, %add3A_2994, %select_n3A_2914 : vector<16xi1>, vector<16xi32>
      %sub3A_3031 = arith.subf %get3A_2984, %gather3A_99 : vector<16xf32>
      %sub3A_3032 = arith.subf %get3A_2988, %gather3A_179 : vector<16xf32>
      %mul3A_3033 = arith.mulf %sub3A_3031, %sub3A_3031 : vector<16xf32>
      %mul3A_3034 = arith.mulf %sub3A_3032, %sub3A_3032 : vector<16xf32>
      %add3A_3035 = arith.addf %mul3A_3033, %mul3A_3034 : vector<16xf32>
      %eq3A_3036 = arith.cmpf oeq, %get3A_2992, %gather3A_259 : vector<16xf32>
      %jit3A_3037 = arith.constant 1.000000e+30 : f32
      %broadcast_in_dim3A_3038 = vector.broadcast %jit3A_3037 : f32 to vector<16xf32>
      %select_n3A_3039 = arith.select %eq3A_3036, %add3A_3035, %broadcast_in_dim3A_3038 : vector<16xi1>, vector<16xf32>
      %lt3A_3040 = arith.cmpf olt, %select_n3A_3039, %select_n3A_2925 : vector<16xf32>
      %select_n3A_3041 = arith.select %lt3A_3040, %select_n3A_3039, %select_n3A_2925 : vector<16xi1>, vector<16xf32>
      %select_n3A_3042 = arith.select %lt3A_3040, %add3A_2994, %select_n3A_2926 : vector<16xi1>, vector<16xi32>
      %sub3A_3043 = arith.subf %get3A_2984, %gather3A_109 : vector<16xf32>
      %sub3A_3044 = arith.subf %get3A_2988, %gather3A_189 : vector<16xf32>
      %mul3A_3045 = arith.mulf %sub3A_3043, %sub3A_3043 : vector<16xf32>
      %mul3A_3046 = arith.mulf %sub3A_3044, %sub3A_3044 : vector<16xf32>
      %add3A_3047 = arith.addf %mul3A_3045, %mul3A_3046 : vector<16xf32>
      %eq3A_3048 = arith.cmpf oeq, %get3A_2992, %gather3A_269 : vector<16xf32>
      %jit3A_3049 = arith.constant 1.000000e+30 : f32
      %broadcast_in_dim3A_3050 = vector.broadcast %jit3A_3049 : f32 to vector<16xf32>
      %select_n3A_3051 = arith.select %eq3A_3048, %add3A_3047, %broadcast_in_dim3A_3050 : vector<16xi1>, vector<16xf32>
      %lt3A_3052 = arith.cmpf olt, %select_n3A_3051, %select_n3A_2937 : vector<16xf32>
      %select_n3A_3053 = arith.select %lt3A_3052, %select_n3A_3051, %select_n3A_2937 : vector<16xi1>, vector<16xf32>
      %select_n3A_3054 = arith.select %lt3A_3052, %add3A_2994, %select_n3A_2938 : vector<16xi1>, vector<16xi32>
      %sub3A_3055 = arith.subf %get3A_2984, %gather3A_119 : vector<16xf32>
      %sub3A_3056 = arith.subf %get3A_2988, %gather3A_199 : vector<16xf32>
      %mul3A_3057 = arith.mulf %sub3A_3055, %sub3A_3055 : vector<16xf32>
      %mul3A_3058 = arith.mulf %sub3A_3056, %sub3A_3056 : vector<16xf32>
      %add3A_3059 = arith.addf %mul3A_3057, %mul3A_3058 : vector<16xf32>
      %eq3A_3060 = arith.cmpf oeq, %get3A_2992, %gather3A_279 : vector<16xf32>
      %jit3A_3061 = arith.constant 1.000000e+30 : f32
      %broadcast_in_dim3A_3062 = vector.broadcast %jit3A_3061 : f32 to vector<16xf32>
      %select_n3A_3063 = arith.select %eq3A_3060, %add3A_3059, %broadcast_in_dim3A_3062 : vector<16xi1>, vector<16xf32>
      %lt3A_3064 = arith.cmpf olt, %select_n3A_3063, %select_n3A_2949 : vector<16xf32>
      %select_n3A_3065 = arith.select %lt3A_3064, %select_n3A_3063, %select_n3A_2949 : vector<16xi1>, vector<16xf32>
      %select_n3A_3066 = arith.select %lt3A_3064, %add3A_2994, %select_n3A_2950 : vector<16xi1>, vector<16xi32>
      %sub3A_3067 = arith.subf %get3A_2984, %gather3A_129 : vector<16xf32>
      %sub3A_3068 = arith.subf %get3A_2988, %gather3A_209 : vector<16xf32>
      %mul3A_3069 = arith.mulf %sub3A_3067, %sub3A_3067 : vector<16xf32>
      %mul3A_3070 = arith.mulf %sub3A_3068, %sub3A_3068 : vector<16xf32>
      %add3A_3071 = arith.addf %mul3A_3069, %mul3A_3070 : vector<16xf32>
      %eq3A_3072 = arith.cmpf oeq, %get3A_2992, %gather3A_289 : vector<16xf32>
      %jit3A_3073 = arith.constant 1.000000e+30 : f32
      %broadcast_in_dim3A_3074 = vector.broadcast %jit3A_3073 : f32 to vector<16xf32>
      %select_n3A_3075 = arith.select %eq3A_3072, %add3A_3071, %broadcast_in_dim3A_3074 : vector<16xi1>, vector<16xf32>
      %lt3A_3076 = arith.cmpf olt, %select_n3A_3075, %select_n3A_2961 : vector<16xf32>
      %select_n3A_3077 = arith.select %lt3A_3076, %select_n3A_3075, %select_n3A_2961 : vector<16xi1>, vector<16xf32>
      %select_n3A_3078 = arith.select %lt3A_3076, %add3A_2994, %select_n3A_2962 : vector<16xi1>, vector<16xi32>
      %sub3A_3079 = arith.subf %get3A_2984, %gather3A_139 : vector<16xf32>
      %sub3A_3080 = arith.subf %get3A_2988, %gather3A_219 : vector<16xf32>
      %mul3A_3081 = arith.mulf %sub3A_3079, %sub3A_3079 : vector<16xf32>
      %mul3A_3082 = arith.mulf %sub3A_3080, %sub3A_3080 : vector<16xf32>
      %add3A_3083 = arith.addf %mul3A_3081, %mul3A_3082 : vector<16xf32>
      %eq3A_3084 = arith.cmpf oeq, %get3A_2992, %gather3A_299 : vector<16xf32>
      %jit3A_3085 = arith.constant 1.000000e+30 : f32
      %broadcast_in_dim3A_3086 = vector.broadcast %jit3A_3085 : f32 to vector<16xf32>
      %select_n3A_3087 = arith.select %eq3A_3084, %add3A_3083, %broadcast_in_dim3A_3086 : vector<16xi1>, vector<16xf32>
      %lt3A_3088 = arith.cmpf olt, %select_n3A_3087, %select_n3A_2973 : vector<16xf32>
      %select_n3A_3089 = arith.select %lt3A_3088, %select_n3A_3087, %select_n3A_2973 : vector<16xi1>, vector<16xf32>
      %select_n3A_3090 = arith.select %lt3A_3088, %add3A_2994, %select_n3A_2974 : vector<16xi1>, vector<16xi32>
      scf.yield %select_n3A_3005, %select_n3A_3006, %select_n3A_3017, %select_n3A_3018, %select_n3A_3029, %select_n3A_3030, %select_n3A_3041, %select_n3A_3042, %select_n3A_3053, %select_n3A_3054, %select_n3A_3065, %select_n3A_3066, %select_n3A_3077, %select_n3A_3078, %select_n3A_3089, %select_n3A_3090 : vector<16xf32>, vector<16xi32>, vector<16xf32>, vector<16xi32>, vector<16xf32>, vector<16xi32>, vector<16xf32>, vector<16xi32>, vector<16xf32>, vector<16xi32>, vector<16xf32>, vector<16xi32>, vector<16xf32>, vector<16xi32>, vector<16xf32>, vector<16xi32>
    }
    %scan3A_336 = arith.constant 625 : i32
    %add3A_337 = arith.constant 8 : i32
    %add3A_338 = vector.broadcast %add3A_337 : i32 to vector<16xi32>
    %add3A_339 = arith.addi %iota3A, %add3A_338 : vector<16xi32>
    %and3A_340 = arith.constant 15 : i32
    %and3A_341 = vector.broadcast %and3A_340 : i32 to vector<16xi32>
    %and3A_342 = arith.andi %add3A_339, %and3A_341 : vector<16xi32>
    %lt3A_343 = arith.constant 0 : i32
    %lt3A_344 = vector.broadcast %lt3A_343 : i32 to vector<16xi32>
    %lt3A_345 = arith.cmpi slt, %and3A_342, %lt3A_344 : vector<16xi32>
    %add3A_346 = arith.constant 16 : i32
    %add3A_347 = vector.broadcast %add3A_346 : i32 to vector<16xi32>
    %add3A_348 = arith.addi %and3A_342, %add3A_347 : vector<16xi32>
    %select_n3A_349 = arith.select %lt3A_345, %add3A_348, %and3A_342 : vector<16xi1>, vector<16xi32>
    %broadcast_in_dim3A_350 = vector.shape_cast %select_n3A_349 : vector<16xi32> to vector<16x1xi32>
    %gather3A_351 = vector.shape_cast %broadcast_in_dim3A_350 : vector<16x1xi32> to vector<16xi32>
    %gather3A_352 = tpu.dynamic_gather %scan3A_335#0[%gather3A_351] in [0] : vector<16xf32>, vector<16xi32> -> vector<16xf32>
    %lt3A_353 = arith.constant 0 : i32
    %lt3A_354 = vector.broadcast %lt3A_353 : i32 to vector<16xi32>
    %lt3A_355 = arith.cmpi slt, %and3A_342, %lt3A_354 : vector<16xi32>
    %add3A_356 = arith.constant 16 : i32
    %add3A_357 = vector.broadcast %add3A_356 : i32 to vector<16xi32>
    %add3A_358 = arith.addi %and3A_342, %add3A_357 : vector<16xi32>
    %select_n3A_359 = arith.select %lt3A_355, %add3A_358, %and3A_342 : vector<16xi1>, vector<16xi32>
    %broadcast_in_dim3A_360 = vector.shape_cast %select_n3A_359 : vector<16xi32> to vector<16x1xi32>
    %gather3A_361 = vector.shape_cast %broadcast_in_dim3A_360 : vector<16x1xi32> to vector<16xi32>
    %gather3A_362 = tpu.dynamic_gather %scan3A_335#1[%gather3A_361] in [0] : vector<16xi32>, vector<16xi32> -> vector<16xi32>
    %lt3A_363 = arith.cmpf olt, %gather3A_352, %scan3A_335#0 : vector<16xf32>
    %eq3A_364 = arith.cmpf oeq, %gather3A_352, %scan3A_335#0 : vector<16xf32>
    %lt3A_365 = arith.cmpi slt, %gather3A_362, %scan3A_335#1 : vector<16xi32>
    %and3A_366 = arith.andi %eq3A_364, %lt3A_365 : vector<16xi1>
    %or3A = arith.ori %lt3A_363, %and3A_366 : vector<16xi1>
    %select_n3A_367 = arith.select %or3A, %gather3A_352, %scan3A_335#0 : vector<16xi1>, vector<16xf32>
    %select_n3A_368 = arith.select %or3A, %gather3A_362, %scan3A_335#1 : vector<16xi1>, vector<16xi32>
    %add3A_369 = arith.constant 4 : i32
    %add3A_370 = vector.broadcast %add3A_369 : i32 to vector<16xi32>
    %add3A_371 = arith.addi %iota3A, %add3A_370 : vector<16xi32>
    %and3A_372 = arith.constant 15 : i32
    %and3A_373 = vector.broadcast %and3A_372 : i32 to vector<16xi32>
    %and3A_374 = arith.andi %add3A_371, %and3A_373 : vector<16xi32>
    %lt3A_375 = arith.constant 0 : i32
    %lt3A_376 = vector.broadcast %lt3A_375 : i32 to vector<16xi32>
    %lt3A_377 = arith.cmpi slt, %and3A_374, %lt3A_376 : vector<16xi32>
    %add3A_378 = arith.constant 16 : i32
    %add3A_379 = vector.broadcast %add3A_378 : i32 to vector<16xi32>
    %add3A_380 = arith.addi %and3A_374, %add3A_379 : vector<16xi32>
    %select_n3A_381 = arith.select %lt3A_377, %add3A_380, %and3A_374 : vector<16xi1>, vector<16xi32>
    %broadcast_in_dim3A_382 = vector.shape_cast %select_n3A_381 : vector<16xi32> to vector<16x1xi32>
    %gather3A_383 = vector.shape_cast %broadcast_in_dim3A_382 : vector<16x1xi32> to vector<16xi32>
    %gather3A_384 = tpu.dynamic_gather %select_n3A_367[%gather3A_383] in [0] : vector<16xf32>, vector<16xi32> -> vector<16xf32>
    %lt3A_385 = arith.constant 0 : i32
    %lt3A_386 = vector.broadcast %lt3A_385 : i32 to vector<16xi32>
    %lt3A_387 = arith.cmpi slt, %and3A_374, %lt3A_386 : vector<16xi32>
    %add3A_388 = arith.constant 16 : i32
    %add3A_389 = vector.broadcast %add3A_388 : i32 to vector<16xi32>
    %add3A_390 = arith.addi %and3A_374, %add3A_389 : vector<16xi32>
    %select_n3A_391 = arith.select %lt3A_387, %add3A_390, %and3A_374 : vector<16xi1>, vector<16xi32>
    %broadcast_in_dim3A_392 = vector.shape_cast %select_n3A_391 : vector<16xi32> to vector<16x1xi32>
    %gather3A_393 = vector.shape_cast %broadcast_in_dim3A_392 : vector<16x1xi32> to vector<16xi32>
    %gather3A_394 = tpu.dynamic_gather %select_n3A_368[%gather3A_393] in [0] : vector<16xi32>, vector<16xi32> -> vector<16xi32>
    %lt3A_395 = arith.cmpf olt, %gather3A_384, %select_n3A_367 : vector<16xf32>
    %eq3A_396 = arith.cmpf oeq, %gather3A_384, %select_n3A_367 : vector<16xf32>
    %lt3A_397 = arith.cmpi slt, %gather3A_394, %select_n3A_368 : vector<16xi32>
    %and3A_398 = arith.andi %eq3A_396, %lt3A_397 : vector<16xi1>
    %or3A_399 = arith.ori %lt3A_395, %and3A_398 : vector<16xi1>
    %select_n3A_400 = arith.select %or3A_399, %gather3A_384, %select_n3A_367 : vector<16xi1>, vector<16xf32>
    %select_n3A_401 = arith.select %or3A_399, %gather3A_394, %select_n3A_368 : vector<16xi1>, vector<16xi32>
    %add3A_402 = arith.constant 2 : i32
    %add3A_403 = vector.broadcast %add3A_402 : i32 to vector<16xi32>
    %add3A_404 = arith.addi %iota3A, %add3A_403 : vector<16xi32>
    %and3A_405 = arith.constant 15 : i32
    %and3A_406 = vector.broadcast %and3A_405 : i32 to vector<16xi32>
    %and3A_407 = arith.andi %add3A_404, %and3A_406 : vector<16xi32>
    %lt3A_408 = arith.constant 0 : i32
    %lt3A_409 = vector.broadcast %lt3A_408 : i32 to vector<16xi32>
    %lt3A_410 = arith.cmpi slt, %and3A_407, %lt3A_409 : vector<16xi32>
    %add3A_411 = arith.constant 16 : i32
    %add3A_412 = vector.broadcast %add3A_411 : i32 to vector<16xi32>
    %add3A_413 = arith.addi %and3A_407, %add3A_412 : vector<16xi32>
    %select_n3A_414 = arith.select %lt3A_410, %add3A_413, %and3A_407 : vector<16xi1>, vector<16xi32>
    %broadcast_in_dim3A_415 = vector.shape_cast %select_n3A_414 : vector<16xi32> to vector<16x1xi32>
    %gather3A_416 = vector.shape_cast %broadcast_in_dim3A_415 : vector<16x1xi32> to vector<16xi32>
    %gather3A_417 = tpu.dynamic_gather %select_n3A_400[%gather3A_416] in [0] : vector<16xf32>, vector<16xi32> -> vector<16xf32>
    %lt3A_418 = arith.constant 0 : i32
    %lt3A_419 = vector.broadcast %lt3A_418 : i32 to vector<16xi32>
    %lt3A_420 = arith.cmpi slt, %and3A_407, %lt3A_419 : vector<16xi32>
    %add3A_421 = arith.constant 16 : i32
    %add3A_422 = vector.broadcast %add3A_421 : i32 to vector<16xi32>
    %add3A_423 = arith.addi %and3A_407, %add3A_422 : vector<16xi32>
    %select_n3A_424 = arith.select %lt3A_420, %add3A_423, %and3A_407 : vector<16xi1>, vector<16xi32>
    %broadcast_in_dim3A_425 = vector.shape_cast %select_n3A_424 : vector<16xi32> to vector<16x1xi32>
    %gather3A_426 = vector.shape_cast %broadcast_in_dim3A_425 : vector<16x1xi32> to vector<16xi32>
    %gather3A_427 = tpu.dynamic_gather %select_n3A_401[%gather3A_426] in [0] : vector<16xi32>, vector<16xi32> -> vector<16xi32>
    %lt3A_428 = arith.cmpf olt, %gather3A_417, %select_n3A_400 : vector<16xf32>
    %eq3A_429 = arith.cmpf oeq, %gather3A_417, %select_n3A_400 : vector<16xf32>
    %lt3A_430 = arith.cmpi slt, %gather3A_427, %select_n3A_401 : vector<16xi32>
    %and3A_431 = arith.andi %eq3A_429, %lt3A_430 : vector<16xi1>
    %or3A_432 = arith.ori %lt3A_428, %and3A_431 : vector<16xi1>
    %select_n3A_433 = arith.select %or3A_432, %gather3A_417, %select_n3A_400 : vector<16xi1>, vector<16xf32>
    %select_n3A_434 = arith.select %or3A_432, %gather3A_427, %select_n3A_401 : vector<16xi1>, vector<16xi32>
    %add3A_435 = arith.constant 1 : i32
    %add3A_436 = vector.broadcast %add3A_435 : i32 to vector<16xi32>
    %add3A_437 = arith.addi %iota3A, %add3A_436 : vector<16xi32>
    %and3A_438 = arith.constant 15 : i32
    %and3A_439 = vector.broadcast %and3A_438 : i32 to vector<16xi32>
    %and3A_440 = arith.andi %add3A_437, %and3A_439 : vector<16xi32>
    %lt3A_441 = arith.constant 0 : i32
    %lt3A_442 = vector.broadcast %lt3A_441 : i32 to vector<16xi32>
    %lt3A_443 = arith.cmpi slt, %and3A_440, %lt3A_442 : vector<16xi32>
    %add3A_444 = arith.constant 16 : i32
    %add3A_445 = vector.broadcast %add3A_444 : i32 to vector<16xi32>
    %add3A_446 = arith.addi %and3A_440, %add3A_445 : vector<16xi32>
    %select_n3A_447 = arith.select %lt3A_443, %add3A_446, %and3A_440 : vector<16xi1>, vector<16xi32>
    %broadcast_in_dim3A_448 = vector.shape_cast %select_n3A_447 : vector<16xi32> to vector<16x1xi32>
    %gather3A_449 = vector.shape_cast %broadcast_in_dim3A_448 : vector<16x1xi32> to vector<16xi32>
    %gather3A_450 = tpu.dynamic_gather %select_n3A_433[%gather3A_449] in [0] : vector<16xf32>, vector<16xi32> -> vector<16xf32>
    %lt3A_451 = arith.constant 0 : i32
    %lt3A_452 = vector.broadcast %lt3A_451 : i32 to vector<16xi32>
    %lt3A_453 = arith.cmpi slt, %and3A_440, %lt3A_452 : vector<16xi32>
    %add3A_454 = arith.constant 16 : i32
    %add3A_455 = vector.broadcast %add3A_454 : i32 to vector<16xi32>
    %add3A_456 = arith.addi %and3A_440, %add3A_455 : vector<16xi32>
    %select_n3A_457 = arith.select %lt3A_453, %add3A_456, %and3A_440 : vector<16xi1>, vector<16xi32>
    %broadcast_in_dim3A_458 = vector.shape_cast %select_n3A_457 : vector<16xi32> to vector<16x1xi32>
    %gather3A_459 = vector.shape_cast %broadcast_in_dim3A_458 : vector<16x1xi32> to vector<16xi32>
    %gather3A_460 = tpu.dynamic_gather %select_n3A_434[%gather3A_459] in [0] : vector<16xi32>, vector<16xi32> -> vector<16xi32>
    %lt3A_461 = arith.cmpf olt, %gather3A_450, %select_n3A_433 : vector<16xf32>
    %eq3A_462 = arith.cmpf oeq, %gather3A_450, %select_n3A_433 : vector<16xf32>
    %lt3A_463 = arith.cmpi slt, %gather3A_460, %select_n3A_434 : vector<16xi32>
    %and3A_464 = arith.andi %eq3A_462, %lt3A_463 : vector<16xi1>
    %or3A_465 = arith.ori %lt3A_461, %and3A_464 : vector<16xi1>
    %select_n3A_466 = arith.select %or3A_465, %gather3A_450, %select_n3A_433 : vector<16xi1>, vector<16xf32>
    %select_n3A_467 = arith.select %or3A_465, %gather3A_460, %select_n3A_434 : vector<16xi1>, vector<16xi32>
    %add3A_468 = arith.constant 8 : i32
    %add3A_469 = vector.broadcast %add3A_468 : i32 to vector<16xi32>
    %add3A_470 = arith.addi %iota3A, %add3A_469 : vector<16xi32>
    %and3A_471 = arith.constant 15 : i32
    %and3A_472 = vector.broadcast %and3A_471 : i32 to vector<16xi32>
    %and3A_473 = arith.andi %add3A_470, %and3A_472 : vector<16xi32>
    %lt3A_474 = arith.constant 0 : i32
    %lt3A_475 = vector.broadcast %lt3A_474 : i32 to vector<16xi32>
    %lt3A_476 = arith.cmpi slt, %and3A_473, %lt3A_475 : vector<16xi32>
    %add3A_477 = arith.constant 16 : i32
    %add3A_478 = vector.broadcast %add3A_477 : i32 to vector<16xi32>
    %add3A_479 = arith.addi %and3A_473, %add3A_478 : vector<16xi32>
    %select_n3A_480 = arith.select %lt3A_476, %add3A_479, %and3A_473 : vector<16xi1>, vector<16xi32>
    %broadcast_in_dim3A_481 = vector.shape_cast %select_n3A_480 : vector<16xi32> to vector<16x1xi32>
    %gather3A_482 = vector.shape_cast %broadcast_in_dim3A_481 : vector<16x1xi32> to vector<16xi32>
    %gather3A_483 = tpu.dynamic_gather %scan3A_335#2[%gather3A_482] in [0] : vector<16xf32>, vector<16xi32> -> vector<16xf32>
    %lt3A_484 = arith.constant 0 : i32
    %lt3A_485 = vector.broadcast %lt3A_484 : i32 to vector<16xi32>
    %lt3A_486 = arith.cmpi slt, %and3A_473, %lt3A_485 : vector<16xi32>
    %add3A_487 = arith.constant 16 : i32
    %add3A_488 = vector.broadcast %add3A_487 : i32 to vector<16xi32>
    %add3A_489 = arith.addi %and3A_473, %add3A_488 : vector<16xi32>
    %select_n3A_490 = arith.select %lt3A_486, %add3A_489, %and3A_473 : vector<16xi1>, vector<16xi32>
    %broadcast_in_dim3A_491 = vector.shape_cast %select_n3A_490 : vector<16xi32> to vector<16x1xi32>
    %gather3A_492 = vector.shape_cast %broadcast_in_dim3A_491 : vector<16x1xi32> to vector<16xi32>
    %gather3A_493 = tpu.dynamic_gather %scan3A_335#3[%gather3A_492] in [0] : vector<16xi32>, vector<16xi32> -> vector<16xi32>
    %lt3A_494 = arith.cmpf olt, %gather3A_483, %scan3A_335#2 : vector<16xf32>
    %eq3A_495 = arith.cmpf oeq, %gather3A_483, %scan3A_335#2 : vector<16xf32>
    %lt3A_496 = arith.cmpi slt, %gather3A_493, %scan3A_335#3 : vector<16xi32>
    %and3A_497 = arith.andi %eq3A_495, %lt3A_496 : vector<16xi1>
    %or3A_498 = arith.ori %lt3A_494, %and3A_497 : vector<16xi1>
    %select_n3A_499 = arith.select %or3A_498, %gather3A_483, %scan3A_335#2 : vector<16xi1>, vector<16xf32>
    %select_n3A_500 = arith.select %or3A_498, %gather3A_493, %scan3A_335#3 : vector<16xi1>, vector<16xi32>
    %add3A_501 = arith.constant 4 : i32
    %add3A_502 = vector.broadcast %add3A_501 : i32 to vector<16xi32>
    %add3A_503 = arith.addi %iota3A, %add3A_502 : vector<16xi32>
    %and3A_504 = arith.constant 15 : i32
    %and3A_505 = vector.broadcast %and3A_504 : i32 to vector<16xi32>
    %and3A_506 = arith.andi %add3A_503, %and3A_505 : vector<16xi32>
    %lt3A_507 = arith.constant 0 : i32
    %lt3A_508 = vector.broadcast %lt3A_507 : i32 to vector<16xi32>
    %lt3A_509 = arith.cmpi slt, %and3A_506, %lt3A_508 : vector<16xi32>
    %add3A_510 = arith.constant 16 : i32
    %add3A_511 = vector.broadcast %add3A_510 : i32 to vector<16xi32>
    %add3A_512 = arith.addi %and3A_506, %add3A_511 : vector<16xi32>
    %select_n3A_513 = arith.select %lt3A_509, %add3A_512, %and3A_506 : vector<16xi1>, vector<16xi32>
    %broadcast_in_dim3A_514 = vector.shape_cast %select_n3A_513 : vector<16xi32> to vector<16x1xi32>
    %gather3A_515 = vector.shape_cast %broadcast_in_dim3A_514 : vector<16x1xi32> to vector<16xi32>
    %gather3A_516 = tpu.dynamic_gather %select_n3A_499[%gather3A_515] in [0] : vector<16xf32>, vector<16xi32> -> vector<16xf32>
    %lt3A_517 = arith.constant 0 : i32
    %lt3A_518 = vector.broadcast %lt3A_517 : i32 to vector<16xi32>
    %lt3A_519 = arith.cmpi slt, %and3A_506, %lt3A_518 : vector<16xi32>
    %add3A_520 = arith.constant 16 : i32
    %add3A_521 = vector.broadcast %add3A_520 : i32 to vector<16xi32>
    %add3A_522 = arith.addi %and3A_506, %add3A_521 : vector<16xi32>
    %select_n3A_523 = arith.select %lt3A_519, %add3A_522, %and3A_506 : vector<16xi1>, vector<16xi32>
    %broadcast_in_dim3A_524 = vector.shape_cast %select_n3A_523 : vector<16xi32> to vector<16x1xi32>
    %gather3A_525 = vector.shape_cast %broadcast_in_dim3A_524 : vector<16x1xi32> to vector<16xi32>
    %gather3A_526 = tpu.dynamic_gather %select_n3A_500[%gather3A_525] in [0] : vector<16xi32>, vector<16xi32> -> vector<16xi32>
    %lt3A_527 = arith.cmpf olt, %gather3A_516, %select_n3A_499 : vector<16xf32>
    %eq3A_528 = arith.cmpf oeq, %gather3A_516, %select_n3A_499 : vector<16xf32>
    %lt3A_529 = arith.cmpi slt, %gather3A_526, %select_n3A_500 : vector<16xi32>
    %and3A_530 = arith.andi %eq3A_528, %lt3A_529 : vector<16xi1>
    %or3A_531 = arith.ori %lt3A_527, %and3A_530 : vector<16xi1>
    %select_n3A_532 = arith.select %or3A_531, %gather3A_516, %select_n3A_499 : vector<16xi1>, vector<16xf32>
    %select_n3A_533 = arith.select %or3A_531, %gather3A_526, %select_n3A_500 : vector<16xi1>, vector<16xi32>
    %add3A_534 = arith.constant 2 : i32
    %add3A_535 = vector.broadcast %add3A_534 : i32 to vector<16xi32>
    %add3A_536 = arith.addi %iota3A, %add3A_535 : vector<16xi32>
    %and3A_537 = arith.constant 15 : i32
    %and3A_538 = vector.broadcast %and3A_537 : i32 to vector<16xi32>
    %and3A_539 = arith.andi %add3A_536, %and3A_538 : vector<16xi32>
    %lt3A_540 = arith.constant 0 : i32
    %lt3A_541 = vector.broadcast %lt3A_540 : i32 to vector<16xi32>
    %lt3A_542 = arith.cmpi slt, %and3A_539, %lt3A_541 : vector<16xi32>
    %add3A_543 = arith.constant 16 : i32
    %add3A_544 = vector.broadcast %add3A_543 : i32 to vector<16xi32>
    %add3A_545 = arith.addi %and3A_539, %add3A_544 : vector<16xi32>
    %select_n3A_546 = arith.select %lt3A_542, %add3A_545, %and3A_539 : vector<16xi1>, vector<16xi32>
    %broadcast_in_dim3A_547 = vector.shape_cast %select_n3A_546 : vector<16xi32> to vector<16x1xi32>
    %gather3A_548 = vector.shape_cast %broadcast_in_dim3A_547 : vector<16x1xi32> to vector<16xi32>
    %gather3A_549 = tpu.dynamic_gather %select_n3A_532[%gather3A_548] in [0] : vector<16xf32>, vector<16xi32> -> vector<16xf32>
    %lt3A_550 = arith.constant 0 : i32
    %lt3A_551 = vector.broadcast %lt3A_550 : i32 to vector<16xi32>
    %lt3A_552 = arith.cmpi slt, %and3A_539, %lt3A_551 : vector<16xi32>
    %add3A_553 = arith.constant 16 : i32
    %add3A_554 = vector.broadcast %add3A_553 : i32 to vector<16xi32>
    %add3A_555 = arith.addi %and3A_539, %add3A_554 : vector<16xi32>
    %select_n3A_556 = arith.select %lt3A_552, %add3A_555, %and3A_539 : vector<16xi1>, vector<16xi32>
    %broadcast_in_dim3A_557 = vector.shape_cast %select_n3A_556 : vector<16xi32> to vector<16x1xi32>
    %gather3A_558 = vector.shape_cast %broadcast_in_dim3A_557 : vector<16x1xi32> to vector<16xi32>
    %gather3A_559 = tpu.dynamic_gather %select_n3A_533[%gather3A_558] in [0] : vector<16xi32>, vector<16xi32> -> vector<16xi32>
    %lt3A_560 = arith.cmpf olt, %gather3A_549, %select_n3A_532 : vector<16xf32>
    %eq3A_561 = arith.cmpf oeq, %gather3A_549, %select_n3A_532 : vector<16xf32>
    %lt3A_562 = arith.cmpi slt, %gather3A_559, %select_n3A_533 : vector<16xi32>
    %and3A_563 = arith.andi %eq3A_561, %lt3A_562 : vector<16xi1>
    %or3A_564 = arith.ori %lt3A_560, %and3A_563 : vector<16xi1>
    %select_n3A_565 = arith.select %or3A_564, %gather3A_549, %select_n3A_532 : vector<16xi1>, vector<16xf32>
    %select_n3A_566 = arith.select %or3A_564, %gather3A_559, %select_n3A_533 : vector<16xi1>, vector<16xi32>
    %add3A_567 = arith.constant 1 : i32
    %add3A_568 = vector.broadcast %add3A_567 : i32 to vector<16xi32>
    %add3A_569 = arith.addi %iota3A, %add3A_568 : vector<16xi32>
    %and3A_570 = arith.constant 15 : i32
    %and3A_571 = vector.broadcast %and3A_570 : i32 to vector<16xi32>
    %and3A_572 = arith.andi %add3A_569, %and3A_571 : vector<16xi32>
    %lt3A_573 = arith.constant 0 : i32
    %lt3A_574 = vector.broadcast %lt3A_573 : i32 to vector<16xi32>
    %lt3A_575 = arith.cmpi slt, %and3A_572, %lt3A_574 : vector<16xi32>
    %add3A_576 = arith.constant 16 : i32
    %add3A_577 = vector.broadcast %add3A_576 : i32 to vector<16xi32>
    %add3A_578 = arith.addi %and3A_572, %add3A_577 : vector<16xi32>
    %select_n3A_579 = arith.select %lt3A_575, %add3A_578, %and3A_572 : vector<16xi1>, vector<16xi32>
    %broadcast_in_dim3A_580 = vector.shape_cast %select_n3A_579 : vector<16xi32> to vector<16x1xi32>
    %gather3A_581 = vector.shape_cast %broadcast_in_dim3A_580 : vector<16x1xi32> to vector<16xi32>
    %gather3A_582 = tpu.dynamic_gather %select_n3A_565[%gather3A_581] in [0] : vector<16xf32>, vector<16xi32> -> vector<16xf32>
    %lt3A_583 = arith.constant 0 : i32
    %lt3A_584 = vector.broadcast %lt3A_583 : i32 to vector<16xi32>
    %lt3A_585 = arith.cmpi slt, %and3A_572, %lt3A_584 : vector<16xi32>
    %add3A_586 = arith.constant 16 : i32
    %add3A_587 = vector.broadcast %add3A_586 : i32 to vector<16xi32>
    %add3A_588 = arith.addi %and3A_572, %add3A_587 : vector<16xi32>
    %select_n3A_589 = arith.select %lt3A_585, %add3A_588, %and3A_572 : vector<16xi1>, vector<16xi32>
    %broadcast_in_dim3A_590 = vector.shape_cast %select_n3A_589 : vector<16xi32> to vector<16x1xi32>
    %gather3A_591 = vector.shape_cast %broadcast_in_dim3A_590 : vector<16x1xi32> to vector<16xi32>
    %gather3A_592 = tpu.dynamic_gather %select_n3A_566[%gather3A_591] in [0] : vector<16xi32>, vector<16xi32> -> vector<16xi32>
    %lt3A_593 = arith.cmpf olt, %gather3A_582, %select_n3A_565 : vector<16xf32>
    %eq3A_594 = arith.cmpf oeq, %gather3A_582, %select_n3A_565 : vector<16xf32>
    %lt3A_595 = arith.cmpi slt, %gather3A_592, %select_n3A_566 : vector<16xi32>
    %and3A_596 = arith.andi %eq3A_594, %lt3A_595 : vector<16xi1>
    %or3A_597 = arith.ori %lt3A_593, %and3A_596 : vector<16xi1>
    %select_n3A_598 = arith.select %or3A_597, %gather3A_582, %select_n3A_565 : vector<16xi1>, vector<16xf32>
    %select_n3A_599 = arith.select %or3A_597, %gather3A_592, %select_n3A_566 : vector<16xi1>, vector<16xi32>
    %add3A_600 = arith.constant 8 : i32
    %add3A_601 = vector.broadcast %add3A_600 : i32 to vector<16xi32>
    %add3A_602 = arith.addi %iota3A, %add3A_601 : vector<16xi32>
    %and3A_603 = arith.constant 15 : i32
    %and3A_604 = vector.broadcast %and3A_603 : i32 to vector<16xi32>
    %and3A_605 = arith.andi %add3A_602, %and3A_604 : vector<16xi32>
    %lt3A_606 = arith.constant 0 : i32
    %lt3A_607 = vector.broadcast %lt3A_606 : i32 to vector<16xi32>
    %lt3A_608 = arith.cmpi slt, %and3A_605, %lt3A_607 : vector<16xi32>
    %add3A_609 = arith.constant 16 : i32
    %add3A_610 = vector.broadcast %add3A_609 : i32 to vector<16xi32>
    %add3A_611 = arith.addi %and3A_605, %add3A_610 : vector<16xi32>
    %select_n3A_612 = arith.select %lt3A_608, %add3A_611, %and3A_605 : vector<16xi1>, vector<16xi32>
    %broadcast_in_dim3A_613 = vector.shape_cast %select_n3A_612 : vector<16xi32> to vector<16x1xi32>
    %gather3A_614 = vector.shape_cast %broadcast_in_dim3A_613 : vector<16x1xi32> to vector<16xi32>
    %gather3A_615 = tpu.dynamic_gather %scan3A_335#4[%gather3A_614] in [0] : vector<16xf32>, vector<16xi32> -> vector<16xf32>
    %lt3A_616 = arith.constant 0 : i32
    %lt3A_617 = vector.broadcast %lt3A_616 : i32 to vector<16xi32>
    %lt3A_618 = arith.cmpi slt, %and3A_605, %lt3A_617 : vector<16xi32>
    %add3A_619 = arith.constant 16 : i32
    %add3A_620 = vector.broadcast %add3A_619 : i32 to vector<16xi32>
    %add3A_621 = arith.addi %and3A_605, %add3A_620 : vector<16xi32>
    %select_n3A_622 = arith.select %lt3A_618, %add3A_621, %and3A_605 : vector<16xi1>, vector<16xi32>
    %broadcast_in_dim3A_623 = vector.shape_cast %select_n3A_622 : vector<16xi32> to vector<16x1xi32>
    %gather3A_624 = vector.shape_cast %broadcast_in_dim3A_623 : vector<16x1xi32> to vector<16xi32>
    %gather3A_625 = tpu.dynamic_gather %scan3A_335#5[%gather3A_624] in [0] : vector<16xi32>, vector<16xi32> -> vector<16xi32>
    %lt3A_626 = arith.cmpf olt, %gather3A_615, %scan3A_335#4 : vector<16xf32>
    %eq3A_627 = arith.cmpf oeq, %gather3A_615, %scan3A_335#4 : vector<16xf32>
    %lt3A_628 = arith.cmpi slt, %gather3A_625, %scan3A_335#5 : vector<16xi32>
    %and3A_629 = arith.andi %eq3A_627, %lt3A_628 : vector<16xi1>
    %or3A_630 = arith.ori %lt3A_626, %and3A_629 : vector<16xi1>
    %select_n3A_631 = arith.select %or3A_630, %gather3A_615, %scan3A_335#4 : vector<16xi1>, vector<16xf32>
    %select_n3A_632 = arith.select %or3A_630, %gather3A_625, %scan3A_335#5 : vector<16xi1>, vector<16xi32>
    %add3A_633 = arith.constant 4 : i32
    %add3A_634 = vector.broadcast %add3A_633 : i32 to vector<16xi32>
    %add3A_635 = arith.addi %iota3A, %add3A_634 : vector<16xi32>
    %and3A_636 = arith.constant 15 : i32
    %and3A_637 = vector.broadcast %and3A_636 : i32 to vector<16xi32>
    %and3A_638 = arith.andi %add3A_635, %and3A_637 : vector<16xi32>
    %lt3A_639 = arith.constant 0 : i32
    %lt3A_640 = vector.broadcast %lt3A_639 : i32 to vector<16xi32>
    %lt3A_641 = arith.cmpi slt, %and3A_638, %lt3A_640 : vector<16xi32>
    %add3A_642 = arith.constant 16 : i32
    %add3A_643 = vector.broadcast %add3A_642 : i32 to vector<16xi32>
    %add3A_644 = arith.addi %and3A_638, %add3A_643 : vector<16xi32>
    %select_n3A_645 = arith.select %lt3A_641, %add3A_644, %and3A_638 : vector<16xi1>, vector<16xi32>
    %broadcast_in_dim3A_646 = vector.shape_cast %select_n3A_645 : vector<16xi32> to vector<16x1xi32>
    %gather3A_647 = vector.shape_cast %broadcast_in_dim3A_646 : vector<16x1xi32> to vector<16xi32>
    %gather3A_648 = tpu.dynamic_gather %select_n3A_631[%gather3A_647] in [0] : vector<16xf32>, vector<16xi32> -> vector<16xf32>
    %lt3A_649 = arith.constant 0 : i32
    %lt3A_650 = vector.broadcast %lt3A_649 : i32 to vector<16xi32>
    %lt3A_651 = arith.cmpi slt, %and3A_638, %lt3A_650 : vector<16xi32>
    %add3A_652 = arith.constant 16 : i32
    %add3A_653 = vector.broadcast %add3A_652 : i32 to vector<16xi32>
    %add3A_654 = arith.addi %and3A_638, %add3A_653 : vector<16xi32>
    %select_n3A_655 = arith.select %lt3A_651, %add3A_654, %and3A_638 : vector<16xi1>, vector<16xi32>
    %broadcast_in_dim3A_656 = vector.shape_cast %select_n3A_655 : vector<16xi32> to vector<16x1xi32>
    %gather3A_657 = vector.shape_cast %broadcast_in_dim3A_656 : vector<16x1xi32> to vector<16xi32>
    %gather3A_658 = tpu.dynamic_gather %select_n3A_632[%gather3A_657] in [0] : vector<16xi32>, vector<16xi32> -> vector<16xi32>
    %lt3A_659 = arith.cmpf olt, %gather3A_648, %select_n3A_631 : vector<16xf32>
    %eq3A_660 = arith.cmpf oeq, %gather3A_648, %select_n3A_631 : vector<16xf32>
    %lt3A_661 = arith.cmpi slt, %gather3A_658, %select_n3A_632 : vector<16xi32>
    %and3A_662 = arith.andi %eq3A_660, %lt3A_661 : vector<16xi1>
    %or3A_663 = arith.ori %lt3A_659, %and3A_662 : vector<16xi1>
    %select_n3A_664 = arith.select %or3A_663, %gather3A_648, %select_n3A_631 : vector<16xi1>, vector<16xf32>
    %select_n3A_665 = arith.select %or3A_663, %gather3A_658, %select_n3A_632 : vector<16xi1>, vector<16xi32>
    %add3A_666 = arith.constant 2 : i32
    %add3A_667 = vector.broadcast %add3A_666 : i32 to vector<16xi32>
    %add3A_668 = arith.addi %iota3A, %add3A_667 : vector<16xi32>
    %and3A_669 = arith.constant 15 : i32
    %and3A_670 = vector.broadcast %and3A_669 : i32 to vector<16xi32>
    %and3A_671 = arith.andi %add3A_668, %and3A_670 : vector<16xi32>
    %lt3A_672 = arith.constant 0 : i32
    %lt3A_673 = vector.broadcast %lt3A_672 : i32 to vector<16xi32>
    %lt3A_674 = arith.cmpi slt, %and3A_671, %lt3A_673 : vector<16xi32>
    %add3A_675 = arith.constant 16 : i32
    %add3A_676 = vector.broadcast %add3A_675 : i32 to vector<16xi32>
    %add3A_677 = arith.addi %and3A_671, %add3A_676 : vector<16xi32>
    %select_n3A_678 = arith.select %lt3A_674, %add3A_677, %and3A_671 : vector<16xi1>, vector<16xi32>
    %broadcast_in_dim3A_679 = vector.shape_cast %select_n3A_678 : vector<16xi32> to vector<16x1xi32>
    %gather3A_680 = vector.shape_cast %broadcast_in_dim3A_679 : vector<16x1xi32> to vector<16xi32>
    %gather3A_681 = tpu.dynamic_gather %select_n3A_664[%gather3A_680] in [0] : vector<16xf32>, vector<16xi32> -> vector<16xf32>
    %lt3A_682 = arith.constant 0 : i32
    %lt3A_683 = vector.broadcast %lt3A_682 : i32 to vector<16xi32>
    %lt3A_684 = arith.cmpi slt, %and3A_671, %lt3A_683 : vector<16xi32>
    %add3A_685 = arith.constant 16 : i32
    %add3A_686 = vector.broadcast %add3A_685 : i32 to vector<16xi32>
    %add3A_687 = arith.addi %and3A_671, %add3A_686 : vector<16xi32>
    %select_n3A_688 = arith.select %lt3A_684, %add3A_687, %and3A_671 : vector<16xi1>, vector<16xi32>
    %broadcast_in_dim3A_689 = vector.shape_cast %select_n3A_688 : vector<16xi32> to vector<16x1xi32>
    %gather3A_690 = vector.shape_cast %broadcast_in_dim3A_689 : vector<16x1xi32> to vector<16xi32>
    %gather3A_691 = tpu.dynamic_gather %select_n3A_665[%gather3A_690] in [0] : vector<16xi32>, vector<16xi32> -> vector<16xi32>
    %lt3A_692 = arith.cmpf olt, %gather3A_681, %select_n3A_664 : vector<16xf32>
    %eq3A_693 = arith.cmpf oeq, %gather3A_681, %select_n3A_664 : vector<16xf32>
    %lt3A_694 = arith.cmpi slt, %gather3A_691, %select_n3A_665 : vector<16xi32>
    %and3A_695 = arith.andi %eq3A_693, %lt3A_694 : vector<16xi1>
    %or3A_696 = arith.ori %lt3A_692, %and3A_695 : vector<16xi1>
    %select_n3A_697 = arith.select %or3A_696, %gather3A_681, %select_n3A_664 : vector<16xi1>, vector<16xf32>
    %select_n3A_698 = arith.select %or3A_696, %gather3A_691, %select_n3A_665 : vector<16xi1>, vector<16xi32>
    %add3A_699 = arith.constant 1 : i32
    %add3A_700 = vector.broadcast %add3A_699 : i32 to vector<16xi32>
    %add3A_701 = arith.addi %iota3A, %add3A_700 : vector<16xi32>
    %and3A_702 = arith.constant 15 : i32
    %and3A_703 = vector.broadcast %and3A_702 : i32 to vector<16xi32>
    %and3A_704 = arith.andi %add3A_701, %and3A_703 : vector<16xi32>
    %lt3A_705 = arith.constant 0 : i32
    %lt3A_706 = vector.broadcast %lt3A_705 : i32 to vector<16xi32>
    %lt3A_707 = arith.cmpi slt, %and3A_704, %lt3A_706 : vector<16xi32>
    %add3A_708 = arith.constant 16 : i32
    %add3A_709 = vector.broadcast %add3A_708 : i32 to vector<16xi32>
    %add3A_710 = arith.addi %and3A_704, %add3A_709 : vector<16xi32>
    %select_n3A_711 = arith.select %lt3A_707, %add3A_710, %and3A_704 : vector<16xi1>, vector<16xi32>
    %broadcast_in_dim3A_712 = vector.shape_cast %select_n3A_711 : vector<16xi32> to vector<16x1xi32>
    %gather3A_713 = vector.shape_cast %broadcast_in_dim3A_712 : vector<16x1xi32> to vector<16xi32>
    %gather3A_714 = tpu.dynamic_gather %select_n3A_697[%gather3A_713] in [0] : vector<16xf32>, vector<16xi32> -> vector<16xf32>
    %lt3A_715 = arith.constant 0 : i32
    %lt3A_716 = vector.broadcast %lt3A_715 : i32 to vector<16xi32>
    %lt3A_717 = arith.cmpi slt, %and3A_704, %lt3A_716 : vector<16xi32>
    %add3A_718 = arith.constant 16 : i32
    %add3A_719 = vector.broadcast %add3A_718 : i32 to vector<16xi32>
    %add3A_720 = arith.addi %and3A_704, %add3A_719 : vector<16xi32>
    %select_n3A_721 = arith.select %lt3A_717, %add3A_720, %and3A_704 : vector<16xi1>, vector<16xi32>
    %broadcast_in_dim3A_722 = vector.shape_cast %select_n3A_721 : vector<16xi32> to vector<16x1xi32>
    %gather3A_723 = vector.shape_cast %broadcast_in_dim3A_722 : vector<16x1xi32> to vector<16xi32>
    %gather3A_724 = tpu.dynamic_gather %select_n3A_698[%gather3A_723] in [0] : vector<16xi32>, vector<16xi32> -> vector<16xi32>
    %lt3A_725 = arith.cmpf olt, %gather3A_714, %select_n3A_697 : vector<16xf32>
    %eq3A_726 = arith.cmpf oeq, %gather3A_714, %select_n3A_697 : vector<16xf32>
    %lt3A_727 = arith.cmpi slt, %gather3A_724, %select_n3A_698 : vector<16xi32>
    %and3A_728 = arith.andi %eq3A_726, %lt3A_727 : vector<16xi1>
    %or3A_729 = arith.ori %lt3A_725, %and3A_728 : vector<16xi1>
    %select_n3A_730 = arith.select %or3A_729, %gather3A_714, %select_n3A_697 : vector<16xi1>, vector<16xf32>
    %select_n3A_731 = arith.select %or3A_729, %gather3A_724, %select_n3A_698 : vector<16xi1>, vector<16xi32>
    %add3A_732 = arith.constant 8 : i32
    %add3A_733 = vector.broadcast %add3A_732 : i32 to vector<16xi32>
    %add3A_734 = arith.addi %iota3A, %add3A_733 : vector<16xi32>
    %and3A_735 = arith.constant 15 : i32
    %and3A_736 = vector.broadcast %and3A_735 : i32 to vector<16xi32>
    %and3A_737 = arith.andi %add3A_734, %and3A_736 : vector<16xi32>
    %lt3A_738 = arith.constant 0 : i32
    %lt3A_739 = vector.broadcast %lt3A_738 : i32 to vector<16xi32>
    %lt3A_740 = arith.cmpi slt, %and3A_737, %lt3A_739 : vector<16xi32>
    %add3A_741 = arith.constant 16 : i32
    %add3A_742 = vector.broadcast %add3A_741 : i32 to vector<16xi32>
    %add3A_743 = arith.addi %and3A_737, %add3A_742 : vector<16xi32>
    %select_n3A_744 = arith.select %lt3A_740, %add3A_743, %and3A_737 : vector<16xi1>, vector<16xi32>
    %broadcast_in_dim3A_745 = vector.shape_cast %select_n3A_744 : vector<16xi32> to vector<16x1xi32>
    %gather3A_746 = vector.shape_cast %broadcast_in_dim3A_745 : vector<16x1xi32> to vector<16xi32>
    %gather3A_747 = tpu.dynamic_gather %scan3A_335#6[%gather3A_746] in [0] : vector<16xf32>, vector<16xi32> -> vector<16xf32>
    %lt3A_748 = arith.constant 0 : i32
    %lt3A_749 = vector.broadcast %lt3A_748 : i32 to vector<16xi32>
    %lt3A_750 = arith.cmpi slt, %and3A_737, %lt3A_749 : vector<16xi32>
    %add3A_751 = arith.constant 16 : i32
    %add3A_752 = vector.broadcast %add3A_751 : i32 to vector<16xi32>
    %add3A_753 = arith.addi %and3A_737, %add3A_752 : vector<16xi32>
    %select_n3A_754 = arith.select %lt3A_750, %add3A_753, %and3A_737 : vector<16xi1>, vector<16xi32>
    %broadcast_in_dim3A_755 = vector.shape_cast %select_n3A_754 : vector<16xi32> to vector<16x1xi32>
    %gather3A_756 = vector.shape_cast %broadcast_in_dim3A_755 : vector<16x1xi32> to vector<16xi32>
    %gather3A_757 = tpu.dynamic_gather %scan3A_335#7[%gather3A_756] in [0] : vector<16xi32>, vector<16xi32> -> vector<16xi32>
    %lt3A_758 = arith.cmpf olt, %gather3A_747, %scan3A_335#6 : vector<16xf32>
    %eq3A_759 = arith.cmpf oeq, %gather3A_747, %scan3A_335#6 : vector<16xf32>
    %lt3A_760 = arith.cmpi slt, %gather3A_757, %scan3A_335#7 : vector<16xi32>
    %and3A_761 = arith.andi %eq3A_759, %lt3A_760 : vector<16xi1>
    %or3A_762 = arith.ori %lt3A_758, %and3A_761 : vector<16xi1>
    %select_n3A_763 = arith.select %or3A_762, %gather3A_747, %scan3A_335#6 : vector<16xi1>, vector<16xf32>
    %select_n3A_764 = arith.select %or3A_762, %gather3A_757, %scan3A_335#7 : vector<16xi1>, vector<16xi32>
    %add3A_765 = arith.constant 4 : i32
    %add3A_766 = vector.broadcast %add3A_765 : i32 to vector<16xi32>
    %add3A_767 = arith.addi %iota3A, %add3A_766 : vector<16xi32>
    %and3A_768 = arith.constant 15 : i32
    %and3A_769 = vector.broadcast %and3A_768 : i32 to vector<16xi32>
    %and3A_770 = arith.andi %add3A_767, %and3A_769 : vector<16xi32>
    %lt3A_771 = arith.constant 0 : i32
    %lt3A_772 = vector.broadcast %lt3A_771 : i32 to vector<16xi32>
    %lt3A_773 = arith.cmpi slt, %and3A_770, %lt3A_772 : vector<16xi32>
    %add3A_774 = arith.constant 16 : i32
    %add3A_775 = vector.broadcast %add3A_774 : i32 to vector<16xi32>
    %add3A_776 = arith.addi %and3A_770, %add3A_775 : vector<16xi32>
    %select_n3A_777 = arith.select %lt3A_773, %add3A_776, %and3A_770 : vector<16xi1>, vector<16xi32>
    %broadcast_in_dim3A_778 = vector.shape_cast %select_n3A_777 : vector<16xi32> to vector<16x1xi32>
    %gather3A_779 = vector.shape_cast %broadcast_in_dim3A_778 : vector<16x1xi32> to vector<16xi32>
    %gather3A_780 = tpu.dynamic_gather %select_n3A_763[%gather3A_779] in [0] : vector<16xf32>, vector<16xi32> -> vector<16xf32>
    %lt3A_781 = arith.constant 0 : i32
    %lt3A_782 = vector.broadcast %lt3A_781 : i32 to vector<16xi32>
    %lt3A_783 = arith.cmpi slt, %and3A_770, %lt3A_782 : vector<16xi32>
    %add3A_784 = arith.constant 16 : i32
    %add3A_785 = vector.broadcast %add3A_784 : i32 to vector<16xi32>
    %add3A_786 = arith.addi %and3A_770, %add3A_785 : vector<16xi32>
    %select_n3A_787 = arith.select %lt3A_783, %add3A_786, %and3A_770 : vector<16xi1>, vector<16xi32>
    %broadcast_in_dim3A_788 = vector.shape_cast %select_n3A_787 : vector<16xi32> to vector<16x1xi32>
    %gather3A_789 = vector.shape_cast %broadcast_in_dim3A_788 : vector<16x1xi32> to vector<16xi32>
    %gather3A_790 = tpu.dynamic_gather %select_n3A_764[%gather3A_789] in [0] : vector<16xi32>, vector<16xi32> -> vector<16xi32>
    %lt3A_791 = arith.cmpf olt, %gather3A_780, %select_n3A_763 : vector<16xf32>
    %eq3A_792 = arith.cmpf oeq, %gather3A_780, %select_n3A_763 : vector<16xf32>
    %lt3A_793 = arith.cmpi slt, %gather3A_790, %select_n3A_764 : vector<16xi32>
    %and3A_794 = arith.andi %eq3A_792, %lt3A_793 : vector<16xi1>
    %or3A_795 = arith.ori %lt3A_791, %and3A_794 : vector<16xi1>
    %select_n3A_796 = arith.select %or3A_795, %gather3A_780, %select_n3A_763 : vector<16xi1>, vector<16xf32>
    %select_n3A_797 = arith.select %or3A_795, %gather3A_790, %select_n3A_764 : vector<16xi1>, vector<16xi32>
    %add3A_798 = arith.constant 2 : i32
    %add3A_799 = vector.broadcast %add3A_798 : i32 to vector<16xi32>
    %add3A_800 = arith.addi %iota3A, %add3A_799 : vector<16xi32>
    %and3A_801 = arith.constant 15 : i32
    %and3A_802 = vector.broadcast %and3A_801 : i32 to vector<16xi32>
    %and3A_803 = arith.andi %add3A_800, %and3A_802 : vector<16xi32>
    %lt3A_804 = arith.constant 0 : i32
    %lt3A_805 = vector.broadcast %lt3A_804 : i32 to vector<16xi32>
    %lt3A_806 = arith.cmpi slt, %and3A_803, %lt3A_805 : vector<16xi32>
    %add3A_807 = arith.constant 16 : i32
    %add3A_808 = vector.broadcast %add3A_807 : i32 to vector<16xi32>
    %add3A_809 = arith.addi %and3A_803, %add3A_808 : vector<16xi32>
    %select_n3A_810 = arith.select %lt3A_806, %add3A_809, %and3A_803 : vector<16xi1>, vector<16xi32>
    %broadcast_in_dim3A_811 = vector.shape_cast %select_n3A_810 : vector<16xi32> to vector<16x1xi32>
    %gather3A_812 = vector.shape_cast %broadcast_in_dim3A_811 : vector<16x1xi32> to vector<16xi32>
    %gather3A_813 = tpu.dynamic_gather %select_n3A_796[%gather3A_812] in [0] : vector<16xf32>, vector<16xi32> -> vector<16xf32>
    %lt3A_814 = arith.constant 0 : i32
    %lt3A_815 = vector.broadcast %lt3A_814 : i32 to vector<16xi32>
    %lt3A_816 = arith.cmpi slt, %and3A_803, %lt3A_815 : vector<16xi32>
    %add3A_817 = arith.constant 16 : i32
    %add3A_818 = vector.broadcast %add3A_817 : i32 to vector<16xi32>
    %add3A_819 = arith.addi %and3A_803, %add3A_818 : vector<16xi32>
    %select_n3A_820 = arith.select %lt3A_816, %add3A_819, %and3A_803 : vector<16xi1>, vector<16xi32>
    %broadcast_in_dim3A_821 = vector.shape_cast %select_n3A_820 : vector<16xi32> to vector<16x1xi32>
    %gather3A_822 = vector.shape_cast %broadcast_in_dim3A_821 : vector<16x1xi32> to vector<16xi32>
    %gather3A_823 = tpu.dynamic_gather %select_n3A_797[%gather3A_822] in [0] : vector<16xi32>, vector<16xi32> -> vector<16xi32>
    %lt3A_824 = arith.cmpf olt, %gather3A_813, %select_n3A_796 : vector<16xf32>
    %eq3A_825 = arith.cmpf oeq, %gather3A_813, %select_n3A_796 : vector<16xf32>
    %lt3A_826 = arith.cmpi slt, %gather3A_823, %select_n3A_797 : vector<16xi32>
    %and3A_827 = arith.andi %eq3A_825, %lt3A_826 : vector<16xi1>
    %or3A_828 = arith.ori %lt3A_824, %and3A_827 : vector<16xi1>
    %select_n3A_829 = arith.select %or3A_828, %gather3A_813, %select_n3A_796 : vector<16xi1>, vector<16xf32>
    %select_n3A_830 = arith.select %or3A_828, %gather3A_823, %select_n3A_797 : vector<16xi1>, vector<16xi32>
    %add3A_831 = arith.constant 1 : i32
    %add3A_832 = vector.broadcast %add3A_831 : i32 to vector<16xi32>
    %add3A_833 = arith.addi %iota3A, %add3A_832 : vector<16xi32>
    %and3A_834 = arith.constant 15 : i32
    %and3A_835 = vector.broadcast %and3A_834 : i32 to vector<16xi32>
    %and3A_836 = arith.andi %add3A_833, %and3A_835 : vector<16xi32>
    %lt3A_837 = arith.constant 0 : i32
    %lt3A_838 = vector.broadcast %lt3A_837 : i32 to vector<16xi32>
    %lt3A_839 = arith.cmpi slt, %and3A_836, %lt3A_838 : vector<16xi32>
    %add3A_840 = arith.constant 16 : i32
    %add3A_841 = vector.broadcast %add3A_840 : i32 to vector<16xi32>
    %add3A_842 = arith.addi %and3A_836, %add3A_841 : vector<16xi32>
    %select_n3A_843 = arith.select %lt3A_839, %add3A_842, %and3A_836 : vector<16xi1>, vector<16xi32>
    %broadcast_in_dim3A_844 = vector.shape_cast %select_n3A_843 : vector<16xi32> to vector<16x1xi32>
    %gather3A_845 = vector.shape_cast %broadcast_in_dim3A_844 : vector<16x1xi32> to vector<16xi32>
    %gather3A_846 = tpu.dynamic_gather %select_n3A_829[%gather3A_845] in [0] : vector<16xf32>, vector<16xi32> -> vector<16xf32>
    %lt3A_847 = arith.constant 0 : i32
    %lt3A_848 = vector.broadcast %lt3A_847 : i32 to vector<16xi32>
    %lt3A_849 = arith.cmpi slt, %and3A_836, %lt3A_848 : vector<16xi32>
    %add3A_850 = arith.constant 16 : i32
    %add3A_851 = vector.broadcast %add3A_850 : i32 to vector<16xi32>
    %add3A_852 = arith.addi %and3A_836, %add3A_851 : vector<16xi32>
    %select_n3A_853 = arith.select %lt3A_849, %add3A_852, %and3A_836 : vector<16xi1>, vector<16xi32>
    %broadcast_in_dim3A_854 = vector.shape_cast %select_n3A_853 : vector<16xi32> to vector<16x1xi32>
    %gather3A_855 = vector.shape_cast %broadcast_in_dim3A_854 : vector<16x1xi32> to vector<16xi32>
    %gather3A_856 = tpu.dynamic_gather %select_n3A_830[%gather3A_855] in [0] : vector<16xi32>, vector<16xi32> -> vector<16xi32>
    %lt3A_857 = arith.cmpf olt, %gather3A_846, %select_n3A_829 : vector<16xf32>
    %eq3A_858 = arith.cmpf oeq, %gather3A_846, %select_n3A_829 : vector<16xf32>
    %lt3A_859 = arith.cmpi slt, %gather3A_856, %select_n3A_830 : vector<16xi32>
    %and3A_860 = arith.andi %eq3A_858, %lt3A_859 : vector<16xi1>
    %or3A_861 = arith.ori %lt3A_857, %and3A_860 : vector<16xi1>
    %select_n3A_862 = arith.select %or3A_861, %gather3A_846, %select_n3A_829 : vector<16xi1>, vector<16xf32>
    %select_n3A_863 = arith.select %or3A_861, %gather3A_856, %select_n3A_830 : vector<16xi1>, vector<16xi32>
    %add3A_864 = arith.constant 8 : i32
    %add3A_865 = vector.broadcast %add3A_864 : i32 to vector<16xi32>
    %add3A_866 = arith.addi %iota3A, %add3A_865 : vector<16xi32>
    %and3A_867 = arith.constant 15 : i32
    %and3A_868 = vector.broadcast %and3A_867 : i32 to vector<16xi32>
    %and3A_869 = arith.andi %add3A_866, %and3A_868 : vector<16xi32>
    %lt3A_870 = arith.constant 0 : i32
    %lt3A_871 = vector.broadcast %lt3A_870 : i32 to vector<16xi32>
    %lt3A_872 = arith.cmpi slt, %and3A_869, %lt3A_871 : vector<16xi32>
    %add3A_873 = arith.constant 16 : i32
    %add3A_874 = vector.broadcast %add3A_873 : i32 to vector<16xi32>
    %add3A_875 = arith.addi %and3A_869, %add3A_874 : vector<16xi32>
    %select_n3A_876 = arith.select %lt3A_872, %add3A_875, %and3A_869 : vector<16xi1>, vector<16xi32>
    %broadcast_in_dim3A_877 = vector.shape_cast %select_n3A_876 : vector<16xi32> to vector<16x1xi32>
    %gather3A_878 = vector.shape_cast %broadcast_in_dim3A_877 : vector<16x1xi32> to vector<16xi32>
    %gather3A_879 = tpu.dynamic_gather %scan3A_335#8[%gather3A_878] in [0] : vector<16xf32>, vector<16xi32> -> vector<16xf32>
    %lt3A_880 = arith.constant 0 : i32
    %lt3A_881 = vector.broadcast %lt3A_880 : i32 to vector<16xi32>
    %lt3A_882 = arith.cmpi slt, %and3A_869, %lt3A_881 : vector<16xi32>
    %add3A_883 = arith.constant 16 : i32
    %add3A_884 = vector.broadcast %add3A_883 : i32 to vector<16xi32>
    %add3A_885 = arith.addi %and3A_869, %add3A_884 : vector<16xi32>
    %select_n3A_886 = arith.select %lt3A_882, %add3A_885, %and3A_869 : vector<16xi1>, vector<16xi32>
    %broadcast_in_dim3A_887 = vector.shape_cast %select_n3A_886 : vector<16xi32> to vector<16x1xi32>
    %gather3A_888 = vector.shape_cast %broadcast_in_dim3A_887 : vector<16x1xi32> to vector<16xi32>
    %gather3A_889 = tpu.dynamic_gather %scan3A_335#9[%gather3A_888] in [0] : vector<16xi32>, vector<16xi32> -> vector<16xi32>
    %lt3A_890 = arith.cmpf olt, %gather3A_879, %scan3A_335#8 : vector<16xf32>
    %eq3A_891 = arith.cmpf oeq, %gather3A_879, %scan3A_335#8 : vector<16xf32>
    %lt3A_892 = arith.cmpi slt, %gather3A_889, %scan3A_335#9 : vector<16xi32>
    %and3A_893 = arith.andi %eq3A_891, %lt3A_892 : vector<16xi1>
    %or3A_894 = arith.ori %lt3A_890, %and3A_893 : vector<16xi1>
    %select_n3A_895 = arith.select %or3A_894, %gather3A_879, %scan3A_335#8 : vector<16xi1>, vector<16xf32>
    %select_n3A_896 = arith.select %or3A_894, %gather3A_889, %scan3A_335#9 : vector<16xi1>, vector<16xi32>
    %add3A_897 = arith.constant 4 : i32
    %add3A_898 = vector.broadcast %add3A_897 : i32 to vector<16xi32>
    %add3A_899 = arith.addi %iota3A, %add3A_898 : vector<16xi32>
    %and3A_900 = arith.constant 15 : i32
    %and3A_901 = vector.broadcast %and3A_900 : i32 to vector<16xi32>
    %and3A_902 = arith.andi %add3A_899, %and3A_901 : vector<16xi32>
    %lt3A_903 = arith.constant 0 : i32
    %lt3A_904 = vector.broadcast %lt3A_903 : i32 to vector<16xi32>
    %lt3A_905 = arith.cmpi slt, %and3A_902, %lt3A_904 : vector<16xi32>
    %add3A_906 = arith.constant 16 : i32
    %add3A_907 = vector.broadcast %add3A_906 : i32 to vector<16xi32>
    %add3A_908 = arith.addi %and3A_902, %add3A_907 : vector<16xi32>
    %select_n3A_909 = arith.select %lt3A_905, %add3A_908, %and3A_902 : vector<16xi1>, vector<16xi32>
    %broadcast_in_dim3A_910 = vector.shape_cast %select_n3A_909 : vector<16xi32> to vector<16x1xi32>
    %gather3A_911 = vector.shape_cast %broadcast_in_dim3A_910 : vector<16x1xi32> to vector<16xi32>
    %gather3A_912 = tpu.dynamic_gather %select_n3A_895[%gather3A_911] in [0] : vector<16xf32>, vector<16xi32> -> vector<16xf32>
    %lt3A_913 = arith.constant 0 : i32
    %lt3A_914 = vector.broadcast %lt3A_913 : i32 to vector<16xi32>
    %lt3A_915 = arith.cmpi slt, %and3A_902, %lt3A_914 : vector<16xi32>
    %add3A_916 = arith.constant 16 : i32
    %add3A_917 = vector.broadcast %add3A_916 : i32 to vector<16xi32>
    %add3A_918 = arith.addi %and3A_902, %add3A_917 : vector<16xi32>
    %select_n3A_919 = arith.select %lt3A_915, %add3A_918, %and3A_902 : vector<16xi1>, vector<16xi32>
    %broadcast_in_dim3A_920 = vector.shape_cast %select_n3A_919 : vector<16xi32> to vector<16x1xi32>
    %gather3A_921 = vector.shape_cast %broadcast_in_dim3A_920 : vector<16x1xi32> to vector<16xi32>
    %gather3A_922 = tpu.dynamic_gather %select_n3A_896[%gather3A_921] in [0] : vector<16xi32>, vector<16xi32> -> vector<16xi32>
    %lt3A_923 = arith.cmpf olt, %gather3A_912, %select_n3A_895 : vector<16xf32>
    %eq3A_924 = arith.cmpf oeq, %gather3A_912, %select_n3A_895 : vector<16xf32>
    %lt3A_925 = arith.cmpi slt, %gather3A_922, %select_n3A_896 : vector<16xi32>
    %and3A_926 = arith.andi %eq3A_924, %lt3A_925 : vector<16xi1>
    %or3A_927 = arith.ori %lt3A_923, %and3A_926 : vector<16xi1>
    %select_n3A_928 = arith.select %or3A_927, %gather3A_912, %select_n3A_895 : vector<16xi1>, vector<16xf32>
    %select_n3A_929 = arith.select %or3A_927, %gather3A_922, %select_n3A_896 : vector<16xi1>, vector<16xi32>
    %add3A_930 = arith.constant 2 : i32
    %add3A_931 = vector.broadcast %add3A_930 : i32 to vector<16xi32>
    %add3A_932 = arith.addi %iota3A, %add3A_931 : vector<16xi32>
    %and3A_933 = arith.constant 15 : i32
    %and3A_934 = vector.broadcast %and3A_933 : i32 to vector<16xi32>
    %and3A_935 = arith.andi %add3A_932, %and3A_934 : vector<16xi32>
    %lt3A_936 = arith.constant 0 : i32
    %lt3A_937 = vector.broadcast %lt3A_936 : i32 to vector<16xi32>
    %lt3A_938 = arith.cmpi slt, %and3A_935, %lt3A_937 : vector<16xi32>
    %add3A_939 = arith.constant 16 : i32
    %add3A_940 = vector.broadcast %add3A_939 : i32 to vector<16xi32>
    %add3A_941 = arith.addi %and3A_935, %add3A_940 : vector<16xi32>
    %select_n3A_942 = arith.select %lt3A_938, %add3A_941, %and3A_935 : vector<16xi1>, vector<16xi32>
    %broadcast_in_dim3A_943 = vector.shape_cast %select_n3A_942 : vector<16xi32> to vector<16x1xi32>
    %gather3A_944 = vector.shape_cast %broadcast_in_dim3A_943 : vector<16x1xi32> to vector<16xi32>
    %gather3A_945 = tpu.dynamic_gather %select_n3A_928[%gather3A_944] in [0] : vector<16xf32>, vector<16xi32> -> vector<16xf32>
    %lt3A_946 = arith.constant 0 : i32
    %lt3A_947 = vector.broadcast %lt3A_946 : i32 to vector<16xi32>
    %lt3A_948 = arith.cmpi slt, %and3A_935, %lt3A_947 : vector<16xi32>
    %add3A_949 = arith.constant 16 : i32
    %add3A_950 = vector.broadcast %add3A_949 : i32 to vector<16xi32>
    %add3A_951 = arith.addi %and3A_935, %add3A_950 : vector<16xi32>
    %select_n3A_952 = arith.select %lt3A_948, %add3A_951, %and3A_935 : vector<16xi1>, vector<16xi32>
    %broadcast_in_dim3A_953 = vector.shape_cast %select_n3A_952 : vector<16xi32> to vector<16x1xi32>
    %gather3A_954 = vector.shape_cast %broadcast_in_dim3A_953 : vector<16x1xi32> to vector<16xi32>
    %gather3A_955 = tpu.dynamic_gather %select_n3A_929[%gather3A_954] in [0] : vector<16xi32>, vector<16xi32> -> vector<16xi32>
    %lt3A_956 = arith.cmpf olt, %gather3A_945, %select_n3A_928 : vector<16xf32>
    %eq3A_957 = arith.cmpf oeq, %gather3A_945, %select_n3A_928 : vector<16xf32>
    %lt3A_958 = arith.cmpi slt, %gather3A_955, %select_n3A_929 : vector<16xi32>
    %and3A_959 = arith.andi %eq3A_957, %lt3A_958 : vector<16xi1>
    %or3A_960 = arith.ori %lt3A_956, %and3A_959 : vector<16xi1>
    %select_n3A_961 = arith.select %or3A_960, %gather3A_945, %select_n3A_928 : vector<16xi1>, vector<16xf32>
    %select_n3A_962 = arith.select %or3A_960, %gather3A_955, %select_n3A_929 : vector<16xi1>, vector<16xi32>
    %add3A_963 = arith.constant 1 : i32
    %add3A_964 = vector.broadcast %add3A_963 : i32 to vector<16xi32>
    %add3A_965 = arith.addi %iota3A, %add3A_964 : vector<16xi32>
    %and3A_966 = arith.constant 15 : i32
    %and3A_967 = vector.broadcast %and3A_966 : i32 to vector<16xi32>
    %and3A_968 = arith.andi %add3A_965, %and3A_967 : vector<16xi32>
    %lt3A_969 = arith.constant 0 : i32
    %lt3A_970 = vector.broadcast %lt3A_969 : i32 to vector<16xi32>
    %lt3A_971 = arith.cmpi slt, %and3A_968, %lt3A_970 : vector<16xi32>
    %add3A_972 = arith.constant 16 : i32
    %add3A_973 = vector.broadcast %add3A_972 : i32 to vector<16xi32>
    %add3A_974 = arith.addi %and3A_968, %add3A_973 : vector<16xi32>
    %select_n3A_975 = arith.select %lt3A_971, %add3A_974, %and3A_968 : vector<16xi1>, vector<16xi32>
    %broadcast_in_dim3A_976 = vector.shape_cast %select_n3A_975 : vector<16xi32> to vector<16x1xi32>
    %gather3A_977 = vector.shape_cast %broadcast_in_dim3A_976 : vector<16x1xi32> to vector<16xi32>
    %gather3A_978 = tpu.dynamic_gather %select_n3A_961[%gather3A_977] in [0] : vector<16xf32>, vector<16xi32> -> vector<16xf32>
    %lt3A_979 = arith.constant 0 : i32
    %lt3A_980 = vector.broadcast %lt3A_979 : i32 to vector<16xi32>
    %lt3A_981 = arith.cmpi slt, %and3A_968, %lt3A_980 : vector<16xi32>
    %add3A_982 = arith.constant 16 : i32
    %add3A_983 = vector.broadcast %add3A_982 : i32 to vector<16xi32>
    %add3A_984 = arith.addi %and3A_968, %add3A_983 : vector<16xi32>
    %select_n3A_985 = arith.select %lt3A_981, %add3A_984, %and3A_968 : vector<16xi1>, vector<16xi32>
    %broadcast_in_dim3A_986 = vector.shape_cast %select_n3A_985 : vector<16xi32> to vector<16x1xi32>
    %gather3A_987 = vector.shape_cast %broadcast_in_dim3A_986 : vector<16x1xi32> to vector<16xi32>
    %gather3A_988 = tpu.dynamic_gather %select_n3A_962[%gather3A_987] in [0] : vector<16xi32>, vector<16xi32> -> vector<16xi32>
    %lt3A_989 = arith.cmpf olt, %gather3A_978, %select_n3A_961 : vector<16xf32>
    %eq3A_990 = arith.cmpf oeq, %gather3A_978, %select_n3A_961 : vector<16xf32>
    %lt3A_991 = arith.cmpi slt, %gather3A_988, %select_n3A_962 : vector<16xi32>
    %and3A_992 = arith.andi %eq3A_990, %lt3A_991 : vector<16xi1>
    %or3A_993 = arith.ori %lt3A_989, %and3A_992 : vector<16xi1>
    %select_n3A_994 = arith.select %or3A_993, %gather3A_978, %select_n3A_961 : vector<16xi1>, vector<16xf32>
    %select_n3A_995 = arith.select %or3A_993, %gather3A_988, %select_n3A_962 : vector<16xi1>, vector<16xi32>
    %add3A_996 = arith.constant 8 : i32
    %add3A_997 = vector.broadcast %add3A_996 : i32 to vector<16xi32>
    %add3A_998 = arith.addi %iota3A, %add3A_997 : vector<16xi32>
    %and3A_999 = arith.constant 15 : i32
    %and3A_1000 = vector.broadcast %and3A_999 : i32 to vector<16xi32>
    %and3A_1001 = arith.andi %add3A_998, %and3A_1000 : vector<16xi32>
    %lt3A_1002 = arith.constant 0 : i32
    %lt3A_1003 = vector.broadcast %lt3A_1002 : i32 to vector<16xi32>
    %lt3A_1004 = arith.cmpi slt, %and3A_1001, %lt3A_1003 : vector<16xi32>
    %add3A_1005 = arith.constant 16 : i32
    %add3A_1006 = vector.broadcast %add3A_1005 : i32 to vector<16xi32>
    %add3A_1007 = arith.addi %and3A_1001, %add3A_1006 : vector<16xi32>
    %select_n3A_1008 = arith.select %lt3A_1004, %add3A_1007, %and3A_1001 : vector<16xi1>, vector<16xi32>
    %broadcast_in_dim3A_1009 = vector.shape_cast %select_n3A_1008 : vector<16xi32> to vector<16x1xi32>
    %gather3A_1010 = vector.shape_cast %broadcast_in_dim3A_1009 : vector<16x1xi32> to vector<16xi32>
    %gather3A_1011 = tpu.dynamic_gather %scan3A_335#10[%gather3A_1010] in [0] : vector<16xf32>, vector<16xi32> -> vector<16xf32>
    %lt3A_1012 = arith.constant 0 : i32
    %lt3A_1013 = vector.broadcast %lt3A_1012 : i32 to vector<16xi32>
    %lt3A_1014 = arith.cmpi slt, %and3A_1001, %lt3A_1013 : vector<16xi32>
    %add3A_1015 = arith.constant 16 : i32
    %add3A_1016 = vector.broadcast %add3A_1015 : i32 to vector<16xi32>
    %add3A_1017 = arith.addi %and3A_1001, %add3A_1016 : vector<16xi32>
    %select_n3A_1018 = arith.select %lt3A_1014, %add3A_1017, %and3A_1001 : vector<16xi1>, vector<16xi32>
    %broadcast_in_dim3A_1019 = vector.shape_cast %select_n3A_1018 : vector<16xi32> to vector<16x1xi32>
    %gather3A_1020 = vector.shape_cast %broadcast_in_dim3A_1019 : vector<16x1xi32> to vector<16xi32>
    %gather3A_1021 = tpu.dynamic_gather %scan3A_335#11[%gather3A_1020] in [0] : vector<16xi32>, vector<16xi32> -> vector<16xi32>
    %lt3A_1022 = arith.cmpf olt, %gather3A_1011, %scan3A_335#10 : vector<16xf32>
    %eq3A_1023 = arith.cmpf oeq, %gather3A_1011, %scan3A_335#10 : vector<16xf32>
    %lt3A_1024 = arith.cmpi slt, %gather3A_1021, %scan3A_335#11 : vector<16xi32>
    %and3A_1025 = arith.andi %eq3A_1023, %lt3A_1024 : vector<16xi1>
    %or3A_1026 = arith.ori %lt3A_1022, %and3A_1025 : vector<16xi1>
    %select_n3A_1027 = arith.select %or3A_1026, %gather3A_1011, %scan3A_335#10 : vector<16xi1>, vector<16xf32>
    %select_n3A_1028 = arith.select %or3A_1026, %gather3A_1021, %scan3A_335#11 : vector<16xi1>, vector<16xi32>
    %add3A_1029 = arith.constant 4 : i32
    %add3A_1030 = vector.broadcast %add3A_1029 : i32 to vector<16xi32>
    %add3A_1031 = arith.addi %iota3A, %add3A_1030 : vector<16xi32>
    %and3A_1032 = arith.constant 15 : i32
    %and3A_1033 = vector.broadcast %and3A_1032 : i32 to vector<16xi32>
    %and3A_1034 = arith.andi %add3A_1031, %and3A_1033 : vector<16xi32>
    %lt3A_1035 = arith.constant 0 : i32
    %lt3A_1036 = vector.broadcast %lt3A_1035 : i32 to vector<16xi32>
    %lt3A_1037 = arith.cmpi slt, %and3A_1034, %lt3A_1036 : vector<16xi32>
    %add3A_1038 = arith.constant 16 : i32
    %add3A_1039 = vector.broadcast %add3A_1038 : i32 to vector<16xi32>
    %add3A_1040 = arith.addi %and3A_1034, %add3A_1039 : vector<16xi32>
    %select_n3A_1041 = arith.select %lt3A_1037, %add3A_1040, %and3A_1034 : vector<16xi1>, vector<16xi32>
    %broadcast_in_dim3A_1042 = vector.shape_cast %select_n3A_1041 : vector<16xi32> to vector<16x1xi32>
    %gather3A_1043 = vector.shape_cast %broadcast_in_dim3A_1042 : vector<16x1xi32> to vector<16xi32>
    %gather3A_1044 = tpu.dynamic_gather %select_n3A_1027[%gather3A_1043] in [0] : vector<16xf32>, vector<16xi32> -> vector<16xf32>
    %lt3A_1045 = arith.constant 0 : i32
    %lt3A_1046 = vector.broadcast %lt3A_1045 : i32 to vector<16xi32>
    %lt3A_1047 = arith.cmpi slt, %and3A_1034, %lt3A_1046 : vector<16xi32>
    %add3A_1048 = arith.constant 16 : i32
    %add3A_1049 = vector.broadcast %add3A_1048 : i32 to vector<16xi32>
    %add3A_1050 = arith.addi %and3A_1034, %add3A_1049 : vector<16xi32>
    %select_n3A_1051 = arith.select %lt3A_1047, %add3A_1050, %and3A_1034 : vector<16xi1>, vector<16xi32>
    %broadcast_in_dim3A_1052 = vector.shape_cast %select_n3A_1051 : vector<16xi32> to vector<16x1xi32>
    %gather3A_1053 = vector.shape_cast %broadcast_in_dim3A_1052 : vector<16x1xi32> to vector<16xi32>
    %gather3A_1054 = tpu.dynamic_gather %select_n3A_1028[%gather3A_1053] in [0] : vector<16xi32>, vector<16xi32> -> vector<16xi32>
    %lt3A_1055 = arith.cmpf olt, %gather3A_1044, %select_n3A_1027 : vector<16xf32>
    %eq3A_1056 = arith.cmpf oeq, %gather3A_1044, %select_n3A_1027 : vector<16xf32>
    %lt3A_1057 = arith.cmpi slt, %gather3A_1054, %select_n3A_1028 : vector<16xi32>
    %and3A_1058 = arith.andi %eq3A_1056, %lt3A_1057 : vector<16xi1>
    %or3A_1059 = arith.ori %lt3A_1055, %and3A_1058 : vector<16xi1>
    %select_n3A_1060 = arith.select %or3A_1059, %gather3A_1044, %select_n3A_1027 : vector<16xi1>, vector<16xf32>
    %select_n3A_1061 = arith.select %or3A_1059, %gather3A_1054, %select_n3A_1028 : vector<16xi1>, vector<16xi32>
    %add3A_1062 = arith.constant 2 : i32
    %add3A_1063 = vector.broadcast %add3A_1062 : i32 to vector<16xi32>
    %add3A_1064 = arith.addi %iota3A, %add3A_1063 : vector<16xi32>
    %and3A_1065 = arith.constant 15 : i32
    %and3A_1066 = vector.broadcast %and3A_1065 : i32 to vector<16xi32>
    %and3A_1067 = arith.andi %add3A_1064, %and3A_1066 : vector<16xi32>
    %lt3A_1068 = arith.constant 0 : i32
    %lt3A_1069 = vector.broadcast %lt3A_1068 : i32 to vector<16xi32>
    %lt3A_1070 = arith.cmpi slt, %and3A_1067, %lt3A_1069 : vector<16xi32>
    %add3A_1071 = arith.constant 16 : i32
    %add3A_1072 = vector.broadcast %add3A_1071 : i32 to vector<16xi32>
    %add3A_1073 = arith.addi %and3A_1067, %add3A_1072 : vector<16xi32>
    %select_n3A_1074 = arith.select %lt3A_1070, %add3A_1073, %and3A_1067 : vector<16xi1>, vector<16xi32>
    %broadcast_in_dim3A_1075 = vector.shape_cast %select_n3A_1074 : vector<16xi32> to vector<16x1xi32>
    %gather3A_1076 = vector.shape_cast %broadcast_in_dim3A_1075 : vector<16x1xi32> to vector<16xi32>
    %gather3A_1077 = tpu.dynamic_gather %select_n3A_1060[%gather3A_1076] in [0] : vector<16xf32>, vector<16xi32> -> vector<16xf32>
    %lt3A_1078 = arith.constant 0 : i32
    %lt3A_1079 = vector.broadcast %lt3A_1078 : i32 to vector<16xi32>
    %lt3A_1080 = arith.cmpi slt, %and3A_1067, %lt3A_1079 : vector<16xi32>
    %add3A_1081 = arith.constant 16 : i32
    %add3A_1082 = vector.broadcast %add3A_1081 : i32 to vector<16xi32>
    %add3A_1083 = arith.addi %and3A_1067, %add3A_1082 : vector<16xi32>
    %select_n3A_1084 = arith.select %lt3A_1080, %add3A_1083, %and3A_1067 : vector<16xi1>, vector<16xi32>
    %broadcast_in_dim3A_1085 = vector.shape_cast %select_n3A_1084 : vector<16xi32> to vector<16x1xi32>
    %gather3A_1086 = vector.shape_cast %broadcast_in_dim3A_1085 : vector<16x1xi32> to vector<16xi32>
    %gather3A_1087 = tpu.dynamic_gather %select_n3A_1061[%gather3A_1086] in [0] : vector<16xi32>, vector<16xi32> -> vector<16xi32>
    %lt3A_1088 = arith.cmpf olt, %gather3A_1077, %select_n3A_1060 : vector<16xf32>
    %eq3A_1089 = arith.cmpf oeq, %gather3A_1077, %select_n3A_1060 : vector<16xf32>
    %lt3A_1090 = arith.cmpi slt, %gather3A_1087, %select_n3A_1061 : vector<16xi32>
    %and3A_1091 = arith.andi %eq3A_1089, %lt3A_1090 : vector<16xi1>
    %or3A_1092 = arith.ori %lt3A_1088, %and3A_1091 : vector<16xi1>
    %select_n3A_1093 = arith.select %or3A_1092, %gather3A_1077, %select_n3A_1060 : vector<16xi1>, vector<16xf32>
    %select_n3A_1094 = arith.select %or3A_1092, %gather3A_1087, %select_n3A_1061 : vector<16xi1>, vector<16xi32>
    %add3A_1095 = arith.constant 1 : i32
    %add3A_1096 = vector.broadcast %add3A_1095 : i32 to vector<16xi32>
    %add3A_1097 = arith.addi %iota3A, %add3A_1096 : vector<16xi32>
    %and3A_1098 = arith.constant 15 : i32
    %and3A_1099 = vector.broadcast %and3A_1098 : i32 to vector<16xi32>
    %and3A_1100 = arith.andi %add3A_1097, %and3A_1099 : vector<16xi32>
    %lt3A_1101 = arith.constant 0 : i32
    %lt3A_1102 = vector.broadcast %lt3A_1101 : i32 to vector<16xi32>
    %lt3A_1103 = arith.cmpi slt, %and3A_1100, %lt3A_1102 : vector<16xi32>
    %add3A_1104 = arith.constant 16 : i32
    %add3A_1105 = vector.broadcast %add3A_1104 : i32 to vector<16xi32>
    %add3A_1106 = arith.addi %and3A_1100, %add3A_1105 : vector<16xi32>
    %select_n3A_1107 = arith.select %lt3A_1103, %add3A_1106, %and3A_1100 : vector<16xi1>, vector<16xi32>
    %broadcast_in_dim3A_1108 = vector.shape_cast %select_n3A_1107 : vector<16xi32> to vector<16x1xi32>
    %gather3A_1109 = vector.shape_cast %broadcast_in_dim3A_1108 : vector<16x1xi32> to vector<16xi32>
    %gather3A_1110 = tpu.dynamic_gather %select_n3A_1093[%gather3A_1109] in [0] : vector<16xf32>, vector<16xi32> -> vector<16xf32>
    %lt3A_1111 = arith.constant 0 : i32
    %lt3A_1112 = vector.broadcast %lt3A_1111 : i32 to vector<16xi32>
    %lt3A_1113 = arith.cmpi slt, %and3A_1100, %lt3A_1112 : vector<16xi32>
    %add3A_1114 = arith.constant 16 : i32
    %add3A_1115 = vector.broadcast %add3A_1114 : i32 to vector<16xi32>
    %add3A_1116 = arith.addi %and3A_1100, %add3A_1115 : vector<16xi32>
    %select_n3A_1117 = arith.select %lt3A_1113, %add3A_1116, %and3A_1100 : vector<16xi1>, vector<16xi32>
    %broadcast_in_dim3A_1118 = vector.shape_cast %select_n3A_1117 : vector<16xi32> to vector<16x1xi32>
    %gather3A_1119 = vector.shape_cast %broadcast_in_dim3A_1118 : vector<16x1xi32> to vector<16xi32>
    %gather3A_1120 = tpu.dynamic_gather %select_n3A_1094[%gather3A_1119] in [0] : vector<16xi32>, vector<16xi32> -> vector<16xi32>
    %lt3A_1121 = arith.cmpf olt, %gather3A_1110, %select_n3A_1093 : vector<16xf32>
    %eq3A_1122 = arith.cmpf oeq, %gather3A_1110, %select_n3A_1093 : vector<16xf32>
    %lt3A_1123 = arith.cmpi slt, %gather3A_1120, %select_n3A_1094 : vector<16xi32>
    %and3A_1124 = arith.andi %eq3A_1122, %lt3A_1123 : vector<16xi1>
    %or3A_1125 = arith.ori %lt3A_1121, %and3A_1124 : vector<16xi1>
    %select_n3A_1126 = arith.select %or3A_1125, %gather3A_1110, %select_n3A_1093 : vector<16xi1>, vector<16xf32>
    %select_n3A_1127 = arith.select %or3A_1125, %gather3A_1120, %select_n3A_1094 : vector<16xi1>, vector<16xi32>
    %add3A_1128 = arith.constant 8 : i32
    %add3A_1129 = vector.broadcast %add3A_1128 : i32 to vector<16xi32>
    %add3A_1130 = arith.addi %iota3A, %add3A_1129 : vector<16xi32>
    %and3A_1131 = arith.constant 15 : i32
    %and3A_1132 = vector.broadcast %and3A_1131 : i32 to vector<16xi32>
    %and3A_1133 = arith.andi %add3A_1130, %and3A_1132 : vector<16xi32>
    %lt3A_1134 = arith.constant 0 : i32
    %lt3A_1135 = vector.broadcast %lt3A_1134 : i32 to vector<16xi32>
    %lt3A_1136 = arith.cmpi slt, %and3A_1133, %lt3A_1135 : vector<16xi32>
    %add3A_1137 = arith.constant 16 : i32
    %add3A_1138 = vector.broadcast %add3A_1137 : i32 to vector<16xi32>
    %add3A_1139 = arith.addi %and3A_1133, %add3A_1138 : vector<16xi32>
    %select_n3A_1140 = arith.select %lt3A_1136, %add3A_1139, %and3A_1133 : vector<16xi1>, vector<16xi32>
    %broadcast_in_dim3A_1141 = vector.shape_cast %select_n3A_1140 : vector<16xi32> to vector<16x1xi32>
    %gather3A_1142 = vector.shape_cast %broadcast_in_dim3A_1141 : vector<16x1xi32> to vector<16xi32>
    %gather3A_1143 = tpu.dynamic_gather %scan3A_335#12[%gather3A_1142] in [0] : vector<16xf32>, vector<16xi32> -> vector<16xf32>
    %lt3A_1144 = arith.constant 0 : i32
    %lt3A_1145 = vector.broadcast %lt3A_1144 : i32 to vector<16xi32>
    %lt3A_1146 = arith.cmpi slt, %and3A_1133, %lt3A_1145 : vector<16xi32>
    %add3A_1147 = arith.constant 16 : i32
    %add3A_1148 = vector.broadcast %add3A_1147 : i32 to vector<16xi32>
    %add3A_1149 = arith.addi %and3A_1133, %add3A_1148 : vector<16xi32>
    %select_n3A_1150 = arith.select %lt3A_1146, %add3A_1149, %and3A_1133 : vector<16xi1>, vector<16xi32>
    %broadcast_in_dim3A_1151 = vector.shape_cast %select_n3A_1150 : vector<16xi32> to vector<16x1xi32>
    %gather3A_1152 = vector.shape_cast %broadcast_in_dim3A_1151 : vector<16x1xi32> to vector<16xi32>
    %gather3A_1153 = tpu.dynamic_gather %scan3A_335#13[%gather3A_1152] in [0] : vector<16xi32>, vector<16xi32> -> vector<16xi32>
    %lt3A_1154 = arith.cmpf olt, %gather3A_1143, %scan3A_335#12 : vector<16xf32>
    %eq3A_1155 = arith.cmpf oeq, %gather3A_1143, %scan3A_335#12 : vector<16xf32>
    %lt3A_1156 = arith.cmpi slt, %gather3A_1153, %scan3A_335#13 : vector<16xi32>
    %and3A_1157 = arith.andi %eq3A_1155, %lt3A_1156 : vector<16xi1>
    %or3A_1158 = arith.ori %lt3A_1154, %and3A_1157 : vector<16xi1>
    %select_n3A_1159 = arith.select %or3A_1158, %gather3A_1143, %scan3A_335#12 : vector<16xi1>, vector<16xf32>
    %select_n3A_1160 = arith.select %or3A_1158, %gather3A_1153, %scan3A_335#13 : vector<16xi1>, vector<16xi32>
    %add3A_1161 = arith.constant 4 : i32
    %add3A_1162 = vector.broadcast %add3A_1161 : i32 to vector<16xi32>
    %add3A_1163 = arith.addi %iota3A, %add3A_1162 : vector<16xi32>
    %and3A_1164 = arith.constant 15 : i32
    %and3A_1165 = vector.broadcast %and3A_1164 : i32 to vector<16xi32>
    %and3A_1166 = arith.andi %add3A_1163, %and3A_1165 : vector<16xi32>
    %lt3A_1167 = arith.constant 0 : i32
    %lt3A_1168 = vector.broadcast %lt3A_1167 : i32 to vector<16xi32>
    %lt3A_1169 = arith.cmpi slt, %and3A_1166, %lt3A_1168 : vector<16xi32>
    %add3A_1170 = arith.constant 16 : i32
    %add3A_1171 = vector.broadcast %add3A_1170 : i32 to vector<16xi32>
    %add3A_1172 = arith.addi %and3A_1166, %add3A_1171 : vector<16xi32>
    %select_n3A_1173 = arith.select %lt3A_1169, %add3A_1172, %and3A_1166 : vector<16xi1>, vector<16xi32>
    %broadcast_in_dim3A_1174 = vector.shape_cast %select_n3A_1173 : vector<16xi32> to vector<16x1xi32>
    %gather3A_1175 = vector.shape_cast %broadcast_in_dim3A_1174 : vector<16x1xi32> to vector<16xi32>
    %gather3A_1176 = tpu.dynamic_gather %select_n3A_1159[%gather3A_1175] in [0] : vector<16xf32>, vector<16xi32> -> vector<16xf32>
    %lt3A_1177 = arith.constant 0 : i32
    %lt3A_1178 = vector.broadcast %lt3A_1177 : i32 to vector<16xi32>
    %lt3A_1179 = arith.cmpi slt, %and3A_1166, %lt3A_1178 : vector<16xi32>
    %add3A_1180 = arith.constant 16 : i32
    %add3A_1181 = vector.broadcast %add3A_1180 : i32 to vector<16xi32>
    %add3A_1182 = arith.addi %and3A_1166, %add3A_1181 : vector<16xi32>
    %select_n3A_1183 = arith.select %lt3A_1179, %add3A_1182, %and3A_1166 : vector<16xi1>, vector<16xi32>
    %broadcast_in_dim3A_1184 = vector.shape_cast %select_n3A_1183 : vector<16xi32> to vector<16x1xi32>
    %gather3A_1185 = vector.shape_cast %broadcast_in_dim3A_1184 : vector<16x1xi32> to vector<16xi32>
    %gather3A_1186 = tpu.dynamic_gather %select_n3A_1160[%gather3A_1185] in [0] : vector<16xi32>, vector<16xi32> -> vector<16xi32>
    %lt3A_1187 = arith.cmpf olt, %gather3A_1176, %select_n3A_1159 : vector<16xf32>
    %eq3A_1188 = arith.cmpf oeq, %gather3A_1176, %select_n3A_1159 : vector<16xf32>
    %lt3A_1189 = arith.cmpi slt, %gather3A_1186, %select_n3A_1160 : vector<16xi32>
    %and3A_1190 = arith.andi %eq3A_1188, %lt3A_1189 : vector<16xi1>
    %or3A_1191 = arith.ori %lt3A_1187, %and3A_1190 : vector<16xi1>
    %select_n3A_1192 = arith.select %or3A_1191, %gather3A_1176, %select_n3A_1159 : vector<16xi1>, vector<16xf32>
    %select_n3A_1193 = arith.select %or3A_1191, %gather3A_1186, %select_n3A_1160 : vector<16xi1>, vector<16xi32>
    %add3A_1194 = arith.constant 2 : i32
    %add3A_1195 = vector.broadcast %add3A_1194 : i32 to vector<16xi32>
    %add3A_1196 = arith.addi %iota3A, %add3A_1195 : vector<16xi32>
    %and3A_1197 = arith.constant 15 : i32
    %and3A_1198 = vector.broadcast %and3A_1197 : i32 to vector<16xi32>
    %and3A_1199 = arith.andi %add3A_1196, %and3A_1198 : vector<16xi32>
    %lt3A_1200 = arith.constant 0 : i32
    %lt3A_1201 = vector.broadcast %lt3A_1200 : i32 to vector<16xi32>
    %lt3A_1202 = arith.cmpi slt, %and3A_1199, %lt3A_1201 : vector<16xi32>
    %add3A_1203 = arith.constant 16 : i32
    %add3A_1204 = vector.broadcast %add3A_1203 : i32 to vector<16xi32>
    %add3A_1205 = arith.addi %and3A_1199, %add3A_1204 : vector<16xi32>
    %select_n3A_1206 = arith.select %lt3A_1202, %add3A_1205, %and3A_1199 : vector<16xi1>, vector<16xi32>
    %broadcast_in_dim3A_1207 = vector.shape_cast %select_n3A_1206 : vector<16xi32> to vector<16x1xi32>
    %gather3A_1208 = vector.shape_cast %broadcast_in_dim3A_1207 : vector<16x1xi32> to vector<16xi32>
    %gather3A_1209 = tpu.dynamic_gather %select_n3A_1192[%gather3A_1208] in [0] : vector<16xf32>, vector<16xi32> -> vector<16xf32>
    %lt3A_1210 = arith.constant 0 : i32
    %lt3A_1211 = vector.broadcast %lt3A_1210 : i32 to vector<16xi32>
    %lt3A_1212 = arith.cmpi slt, %and3A_1199, %lt3A_1211 : vector<16xi32>
    %add3A_1213 = arith.constant 16 : i32
    %add3A_1214 = vector.broadcast %add3A_1213 : i32 to vector<16xi32>
    %add3A_1215 = arith.addi %and3A_1199, %add3A_1214 : vector<16xi32>
    %select_n3A_1216 = arith.select %lt3A_1212, %add3A_1215, %and3A_1199 : vector<16xi1>, vector<16xi32>
    %broadcast_in_dim3A_1217 = vector.shape_cast %select_n3A_1216 : vector<16xi32> to vector<16x1xi32>
    %gather3A_1218 = vector.shape_cast %broadcast_in_dim3A_1217 : vector<16x1xi32> to vector<16xi32>
    %gather3A_1219 = tpu.dynamic_gather %select_n3A_1193[%gather3A_1218] in [0] : vector<16xi32>, vector<16xi32> -> vector<16xi32>
    %lt3A_1220 = arith.cmpf olt, %gather3A_1209, %select_n3A_1192 : vector<16xf32>
    %eq3A_1221 = arith.cmpf oeq, %gather3A_1209, %select_n3A_1192 : vector<16xf32>
    %lt3A_1222 = arith.cmpi slt, %gather3A_1219, %select_n3A_1193 : vector<16xi32>
    %and3A_1223 = arith.andi %eq3A_1221, %lt3A_1222 : vector<16xi1>
    %or3A_1224 = arith.ori %lt3A_1220, %and3A_1223 : vector<16xi1>
    %select_n3A_1225 = arith.select %or3A_1224, %gather3A_1209, %select_n3A_1192 : vector<16xi1>, vector<16xf32>
    %select_n3A_1226 = arith.select %or3A_1224, %gather3A_1219, %select_n3A_1193 : vector<16xi1>, vector<16xi32>
    %add3A_1227 = arith.constant 1 : i32
    %add3A_1228 = vector.broadcast %add3A_1227 : i32 to vector<16xi32>
    %add3A_1229 = arith.addi %iota3A, %add3A_1228 : vector<16xi32>
    %and3A_1230 = arith.constant 15 : i32
    %and3A_1231 = vector.broadcast %and3A_1230 : i32 to vector<16xi32>
    %and3A_1232 = arith.andi %add3A_1229, %and3A_1231 : vector<16xi32>
    %lt3A_1233 = arith.constant 0 : i32
    %lt3A_1234 = vector.broadcast %lt3A_1233 : i32 to vector<16xi32>
    %lt3A_1235 = arith.cmpi slt, %and3A_1232, %lt3A_1234 : vector<16xi32>
    %add3A_1236 = arith.constant 16 : i32
    %add3A_1237 = vector.broadcast %add3A_1236 : i32 to vector<16xi32>
    %add3A_1238 = arith.addi %and3A_1232, %add3A_1237 : vector<16xi32>
    %select_n3A_1239 = arith.select %lt3A_1235, %add3A_1238, %and3A_1232 : vector<16xi1>, vector<16xi32>
    %broadcast_in_dim3A_1240 = vector.shape_cast %select_n3A_1239 : vector<16xi32> to vector<16x1xi32>
    %gather3A_1241 = vector.shape_cast %broadcast_in_dim3A_1240 : vector<16x1xi32> to vector<16xi32>
    %gather3A_1242 = tpu.dynamic_gather %select_n3A_1225[%gather3A_1241] in [0] : vector<16xf32>, vector<16xi32> -> vector<16xf32>
    %lt3A_1243 = arith.constant 0 : i32
    %lt3A_1244 = vector.broadcast %lt3A_1243 : i32 to vector<16xi32>
    %lt3A_1245 = arith.cmpi slt, %and3A_1232, %lt3A_1244 : vector<16xi32>
    %add3A_1246 = arith.constant 16 : i32
    %add3A_1247 = vector.broadcast %add3A_1246 : i32 to vector<16xi32>
    %add3A_1248 = arith.addi %and3A_1232, %add3A_1247 : vector<16xi32>
    %select_n3A_1249 = arith.select %lt3A_1245, %add3A_1248, %and3A_1232 : vector<16xi1>, vector<16xi32>
    %broadcast_in_dim3A_1250 = vector.shape_cast %select_n3A_1249 : vector<16xi32> to vector<16x1xi32>
    %gather3A_1251 = vector.shape_cast %broadcast_in_dim3A_1250 : vector<16x1xi32> to vector<16xi32>
    %gather3A_1252 = tpu.dynamic_gather %select_n3A_1226[%gather3A_1251] in [0] : vector<16xi32>, vector<16xi32> -> vector<16xi32>
    %lt3A_1253 = arith.cmpf olt, %gather3A_1242, %select_n3A_1225 : vector<16xf32>
    %eq3A_1254 = arith.cmpf oeq, %gather3A_1242, %select_n3A_1225 : vector<16xf32>
    %lt3A_1255 = arith.cmpi slt, %gather3A_1252, %select_n3A_1226 : vector<16xi32>
    %and3A_1256 = arith.andi %eq3A_1254, %lt3A_1255 : vector<16xi1>
    %or3A_1257 = arith.ori %lt3A_1253, %and3A_1256 : vector<16xi1>
    %select_n3A_1258 = arith.select %or3A_1257, %gather3A_1242, %select_n3A_1225 : vector<16xi1>, vector<16xf32>
    %select_n3A_1259 = arith.select %or3A_1257, %gather3A_1252, %select_n3A_1226 : vector<16xi1>, vector<16xi32>
    %add3A_1260 = arith.constant 8 : i32
    %add3A_1261 = vector.broadcast %add3A_1260 : i32 to vector<16xi32>
    %add3A_1262 = arith.addi %iota3A, %add3A_1261 : vector<16xi32>
    %and3A_1263 = arith.constant 15 : i32
    %and3A_1264 = vector.broadcast %and3A_1263 : i32 to vector<16xi32>
    %and3A_1265 = arith.andi %add3A_1262, %and3A_1264 : vector<16xi32>
    %lt3A_1266 = arith.constant 0 : i32
    %lt3A_1267 = vector.broadcast %lt3A_1266 : i32 to vector<16xi32>
    %lt3A_1268 = arith.cmpi slt, %and3A_1265, %lt3A_1267 : vector<16xi32>
    %add3A_1269 = arith.constant 16 : i32
    %add3A_1270 = vector.broadcast %add3A_1269 : i32 to vector<16xi32>
    %add3A_1271 = arith.addi %and3A_1265, %add3A_1270 : vector<16xi32>
    %select_n3A_1272 = arith.select %lt3A_1268, %add3A_1271, %and3A_1265 : vector<16xi1>, vector<16xi32>
    %broadcast_in_dim3A_1273 = vector.shape_cast %select_n3A_1272 : vector<16xi32> to vector<16x1xi32>
    %gather3A_1274 = vector.shape_cast %broadcast_in_dim3A_1273 : vector<16x1xi32> to vector<16xi32>
    %gather3A_1275 = tpu.dynamic_gather %scan3A_335#14[%gather3A_1274] in [0] : vector<16xf32>, vector<16xi32> -> vector<16xf32>
    %lt3A_1276 = arith.constant 0 : i32
    %lt3A_1277 = vector.broadcast %lt3A_1276 : i32 to vector<16xi32>
    %lt3A_1278 = arith.cmpi slt, %and3A_1265, %lt3A_1277 : vector<16xi32>
    %add3A_1279 = arith.constant 16 : i32
    %add3A_1280 = vector.broadcast %add3A_1279 : i32 to vector<16xi32>
    %add3A_1281 = arith.addi %and3A_1265, %add3A_1280 : vector<16xi32>
    %select_n3A_1282 = arith.select %lt3A_1278, %add3A_1281, %and3A_1265 : vector<16xi1>, vector<16xi32>
    %broadcast_in_dim3A_1283 = vector.shape_cast %select_n3A_1282 : vector<16xi32> to vector<16x1xi32>
    %gather3A_1284 = vector.shape_cast %broadcast_in_dim3A_1283 : vector<16x1xi32> to vector<16xi32>
    %gather3A_1285 = tpu.dynamic_gather %scan3A_335#15[%gather3A_1284] in [0] : vector<16xi32>, vector<16xi32> -> vector<16xi32>
    %lt3A_1286 = arith.cmpf olt, %gather3A_1275, %scan3A_335#14 : vector<16xf32>
    %eq3A_1287 = arith.cmpf oeq, %gather3A_1275, %scan3A_335#14 : vector<16xf32>
    %lt3A_1288 = arith.cmpi slt, %gather3A_1285, %scan3A_335#15 : vector<16xi32>
    %and3A_1289 = arith.andi %eq3A_1287, %lt3A_1288 : vector<16xi1>
    %or3A_1290 = arith.ori %lt3A_1286, %and3A_1289 : vector<16xi1>
    %select_n3A_1291 = arith.select %or3A_1290, %gather3A_1275, %scan3A_335#14 : vector<16xi1>, vector<16xf32>
    %select_n3A_1292 = arith.select %or3A_1290, %gather3A_1285, %scan3A_335#15 : vector<16xi1>, vector<16xi32>
    %add3A_1293 = arith.constant 4 : i32
    %add3A_1294 = vector.broadcast %add3A_1293 : i32 to vector<16xi32>
    %add3A_1295 = arith.addi %iota3A, %add3A_1294 : vector<16xi32>
    %and3A_1296 = arith.constant 15 : i32
    %and3A_1297 = vector.broadcast %and3A_1296 : i32 to vector<16xi32>
    %and3A_1298 = arith.andi %add3A_1295, %and3A_1297 : vector<16xi32>
    %lt3A_1299 = arith.constant 0 : i32
    %lt3A_1300 = vector.broadcast %lt3A_1299 : i32 to vector<16xi32>
    %lt3A_1301 = arith.cmpi slt, %and3A_1298, %lt3A_1300 : vector<16xi32>
    %add3A_1302 = arith.constant 16 : i32
    %add3A_1303 = vector.broadcast %add3A_1302 : i32 to vector<16xi32>
    %add3A_1304 = arith.addi %and3A_1298, %add3A_1303 : vector<16xi32>
    %select_n3A_1305 = arith.select %lt3A_1301, %add3A_1304, %and3A_1298 : vector<16xi1>, vector<16xi32>
    %broadcast_in_dim3A_1306 = vector.shape_cast %select_n3A_1305 : vector<16xi32> to vector<16x1xi32>
    %gather3A_1307 = vector.shape_cast %broadcast_in_dim3A_1306 : vector<16x1xi32> to vector<16xi32>
    %gather3A_1308 = tpu.dynamic_gather %select_n3A_1291[%gather3A_1307] in [0] : vector<16xf32>, vector<16xi32> -> vector<16xf32>
    %lt3A_1309 = arith.constant 0 : i32
    %lt3A_1310 = vector.broadcast %lt3A_1309 : i32 to vector<16xi32>
    %lt3A_1311 = arith.cmpi slt, %and3A_1298, %lt3A_1310 : vector<16xi32>
    %add3A_1312 = arith.constant 16 : i32
    %add3A_1313 = vector.broadcast %add3A_1312 : i32 to vector<16xi32>
    %add3A_1314 = arith.addi %and3A_1298, %add3A_1313 : vector<16xi32>
    %select_n3A_1315 = arith.select %lt3A_1311, %add3A_1314, %and3A_1298 : vector<16xi1>, vector<16xi32>
    %broadcast_in_dim3A_1316 = vector.shape_cast %select_n3A_1315 : vector<16xi32> to vector<16x1xi32>
    %gather3A_1317 = vector.shape_cast %broadcast_in_dim3A_1316 : vector<16x1xi32> to vector<16xi32>
    %gather3A_1318 = tpu.dynamic_gather %select_n3A_1292[%gather3A_1317] in [0] : vector<16xi32>, vector<16xi32> -> vector<16xi32>
    %lt3A_1319 = arith.cmpf olt, %gather3A_1308, %select_n3A_1291 : vector<16xf32>
    %eq3A_1320 = arith.cmpf oeq, %gather3A_1308, %select_n3A_1291 : vector<16xf32>
    %lt3A_1321 = arith.cmpi slt, %gather3A_1318, %select_n3A_1292 : vector<16xi32>
    %and3A_1322 = arith.andi %eq3A_1320, %lt3A_1321 : vector<16xi1>
    %or3A_1323 = arith.ori %lt3A_1319, %and3A_1322 : vector<16xi1>
    %select_n3A_1324 = arith.select %or3A_1323, %gather3A_1308, %select_n3A_1291 : vector<16xi1>, vector<16xf32>
    %select_n3A_1325 = arith.select %or3A_1323, %gather3A_1318, %select_n3A_1292 : vector<16xi1>, vector<16xi32>
    %add3A_1326 = arith.constant 2 : i32
    %add3A_1327 = vector.broadcast %add3A_1326 : i32 to vector<16xi32>
    %add3A_1328 = arith.addi %iota3A, %add3A_1327 : vector<16xi32>
    %and3A_1329 = arith.constant 15 : i32
    %and3A_1330 = vector.broadcast %and3A_1329 : i32 to vector<16xi32>
    %and3A_1331 = arith.andi %add3A_1328, %and3A_1330 : vector<16xi32>
    %lt3A_1332 = arith.constant 0 : i32
    %lt3A_1333 = vector.broadcast %lt3A_1332 : i32 to vector<16xi32>
    %lt3A_1334 = arith.cmpi slt, %and3A_1331, %lt3A_1333 : vector<16xi32>
    %add3A_1335 = arith.constant 16 : i32
    %add3A_1336 = vector.broadcast %add3A_1335 : i32 to vector<16xi32>
    %add3A_1337 = arith.addi %and3A_1331, %add3A_1336 : vector<16xi32>
    %select_n3A_1338 = arith.select %lt3A_1334, %add3A_1337, %and3A_1331 : vector<16xi1>, vector<16xi32>
    %broadcast_in_dim3A_1339 = vector.shape_cast %select_n3A_1338 : vector<16xi32> to vector<16x1xi32>
    %gather3A_1340 = vector.shape_cast %broadcast_in_dim3A_1339 : vector<16x1xi32> to vector<16xi32>
    %gather3A_1341 = tpu.dynamic_gather %select_n3A_1324[%gather3A_1340] in [0] : vector<16xf32>, vector<16xi32> -> vector<16xf32>
    %lt3A_1342 = arith.constant 0 : i32
    %lt3A_1343 = vector.broadcast %lt3A_1342 : i32 to vector<16xi32>
    %lt3A_1344 = arith.cmpi slt, %and3A_1331, %lt3A_1343 : vector<16xi32>
    %add3A_1345 = arith.constant 16 : i32
    %add3A_1346 = vector.broadcast %add3A_1345 : i32 to vector<16xi32>
    %add3A_1347 = arith.addi %and3A_1331, %add3A_1346 : vector<16xi32>
    %select_n3A_1348 = arith.select %lt3A_1344, %add3A_1347, %and3A_1331 : vector<16xi1>, vector<16xi32>
    %broadcast_in_dim3A_1349 = vector.shape_cast %select_n3A_1348 : vector<16xi32> to vector<16x1xi32>
    %gather3A_1350 = vector.shape_cast %broadcast_in_dim3A_1349 : vector<16x1xi32> to vector<16xi32>
    %gather3A_1351 = tpu.dynamic_gather %select_n3A_1325[%gather3A_1350] in [0] : vector<16xi32>, vector<16xi32> -> vector<16xi32>
    %lt3A_1352 = arith.cmpf olt, %gather3A_1341, %select_n3A_1324 : vector<16xf32>
    %eq3A_1353 = arith.cmpf oeq, %gather3A_1341, %select_n3A_1324 : vector<16xf32>
    %lt3A_1354 = arith.cmpi slt, %gather3A_1351, %select_n3A_1325 : vector<16xi32>
    %and3A_1355 = arith.andi %eq3A_1353, %lt3A_1354 : vector<16xi1>
    %or3A_1356 = arith.ori %lt3A_1352, %and3A_1355 : vector<16xi1>
    %select_n3A_1357 = arith.select %or3A_1356, %gather3A_1341, %select_n3A_1324 : vector<16xi1>, vector<16xf32>
    %select_n3A_1358 = arith.select %or3A_1356, %gather3A_1351, %select_n3A_1325 : vector<16xi1>, vector<16xi32>
    %add3A_1359 = arith.constant 1 : i32
    %add3A_1360 = vector.broadcast %add3A_1359 : i32 to vector<16xi32>
    %add3A_1361 = arith.addi %iota3A, %add3A_1360 : vector<16xi32>
    %and3A_1362 = arith.constant 15 : i32
    %and3A_1363 = vector.broadcast %and3A_1362 : i32 to vector<16xi32>
    %and3A_1364 = arith.andi %add3A_1361, %and3A_1363 : vector<16xi32>
    %lt3A_1365 = arith.constant 0 : i32
    %lt3A_1366 = vector.broadcast %lt3A_1365 : i32 to vector<16xi32>
    %lt3A_1367 = arith.cmpi slt, %and3A_1364, %lt3A_1366 : vector<16xi32>
    %add3A_1368 = arith.constant 16 : i32
    %add3A_1369 = vector.broadcast %add3A_1368 : i32 to vector<16xi32>
    %add3A_1370 = arith.addi %and3A_1364, %add3A_1369 : vector<16xi32>
    %select_n3A_1371 = arith.select %lt3A_1367, %add3A_1370, %and3A_1364 : vector<16xi1>, vector<16xi32>
    %broadcast_in_dim3A_1372 = vector.shape_cast %select_n3A_1371 : vector<16xi32> to vector<16x1xi32>
    %gather3A_1373 = vector.shape_cast %broadcast_in_dim3A_1372 : vector<16x1xi32> to vector<16xi32>
    %gather3A_1374 = tpu.dynamic_gather %select_n3A_1357[%gather3A_1373] in [0] : vector<16xf32>, vector<16xi32> -> vector<16xf32>
    %lt3A_1375 = arith.constant 0 : i32
    %lt3A_1376 = vector.broadcast %lt3A_1375 : i32 to vector<16xi32>
    %lt3A_1377 = arith.cmpi slt, %and3A_1364, %lt3A_1376 : vector<16xi32>
    %add3A_1378 = arith.constant 16 : i32
    %add3A_1379 = vector.broadcast %add3A_1378 : i32 to vector<16xi32>
    %add3A_1380 = arith.addi %and3A_1364, %add3A_1379 : vector<16xi32>
    %select_n3A_1381 = arith.select %lt3A_1377, %add3A_1380, %and3A_1364 : vector<16xi1>, vector<16xi32>
    %broadcast_in_dim3A_1382 = vector.shape_cast %select_n3A_1381 : vector<16xi32> to vector<16x1xi32>
    %gather3A_1383 = vector.shape_cast %broadcast_in_dim3A_1382 : vector<16x1xi32> to vector<16xi32>
    %gather3A_1384 = tpu.dynamic_gather %select_n3A_1358[%gather3A_1383] in [0] : vector<16xi32>, vector<16xi32> -> vector<16xi32>
    %lt3A_1385 = arith.cmpf olt, %gather3A_1374, %select_n3A_1357 : vector<16xf32>
    %eq3A_1386 = arith.cmpf oeq, %gather3A_1374, %select_n3A_1357 : vector<16xf32>
    %lt3A_1387 = arith.cmpi slt, %gather3A_1384, %select_n3A_1358 : vector<16xi32>
    %and3A_1388 = arith.andi %eq3A_1386, %lt3A_1387 : vector<16xi1>
    %or3A_1389 = arith.ori %lt3A_1385, %and3A_1388 : vector<16xi1>
    %select_n3A_1390 = arith.select %or3A_1389, %gather3A_1374, %select_n3A_1357 : vector<16xi1>, vector<16xf32>
    %select_n3A_1391 = arith.select %or3A_1389, %gather3A_1384, %select_n3A_1358 : vector<16xi1>, vector<16xi32>
    %eq3A_1392 = arith.constant 0 : i32
    %eq3A_1393 = vector.broadcast %eq3A_1392 : i32 to vector<16xi32>
    %eq3A_1394 = arith.cmpi eq, %iota3A, %eq3A_1393 : vector<16xi32>
    %select_n3A_1395 = arith.select %eq3A_1394, %select_n3A_466, %broadcast_in_dim3A_42 : vector<16xi1>, vector<16xf32>
    %select_n3A_1396 = arith.select %eq3A_1394, %select_n3A_467, %broadcast_in_dim3A_44 : vector<16xi1>, vector<16xi32>
    %eq3A_1397 = arith.constant 1 : i32
    %eq3A_1398 = vector.broadcast %eq3A_1397 : i32 to vector<16xi32>
    %eq3A_1399 = arith.cmpi eq, %iota3A, %eq3A_1398 : vector<16xi32>
    %select_n3A_1400 = arith.select %eq3A_1399, %select_n3A_598, %select_n3A_1395 : vector<16xi1>, vector<16xf32>
    %select_n3A_1401 = arith.select %eq3A_1399, %select_n3A_599, %select_n3A_1396 : vector<16xi1>, vector<16xi32>
    %eq3A_1402 = arith.constant 2 : i32
    %eq3A_1403 = vector.broadcast %eq3A_1402 : i32 to vector<16xi32>
    %eq3A_1404 = arith.cmpi eq, %iota3A, %eq3A_1403 : vector<16xi32>
    %select_n3A_1405 = arith.select %eq3A_1404, %select_n3A_730, %select_n3A_1400 : vector<16xi1>, vector<16xf32>
    %select_n3A_1406 = arith.select %eq3A_1404, %select_n3A_731, %select_n3A_1401 : vector<16xi1>, vector<16xi32>
    %eq3A_1407 = arith.constant 3 : i32
    %eq3A_1408 = vector.broadcast %eq3A_1407 : i32 to vector<16xi32>
    %eq3A_1409 = arith.cmpi eq, %iota3A, %eq3A_1408 : vector<16xi32>
    %select_n3A_1410 = arith.select %eq3A_1409, %select_n3A_862, %select_n3A_1405 : vector<16xi1>, vector<16xf32>
    %select_n3A_1411 = arith.select %eq3A_1409, %select_n3A_863, %select_n3A_1406 : vector<16xi1>, vector<16xi32>
    %eq3A_1412 = arith.constant 4 : i32
    %eq3A_1413 = vector.broadcast %eq3A_1412 : i32 to vector<16xi32>
    %eq3A_1414 = arith.cmpi eq, %iota3A, %eq3A_1413 : vector<16xi32>
    %select_n3A_1415 = arith.select %eq3A_1414, %select_n3A_994, %select_n3A_1410 : vector<16xi1>, vector<16xf32>
    %select_n3A_1416 = arith.select %eq3A_1414, %select_n3A_995, %select_n3A_1411 : vector<16xi1>, vector<16xi32>
    %eq3A_1417 = arith.constant 5 : i32
    %eq3A_1418 = vector.broadcast %eq3A_1417 : i32 to vector<16xi32>
    %eq3A_1419 = arith.cmpi eq, %iota3A, %eq3A_1418 : vector<16xi32>
    %select_n3A_1420 = arith.select %eq3A_1419, %select_n3A_1126, %select_n3A_1415 : vector<16xi1>, vector<16xf32>
    %select_n3A_1421 = arith.select %eq3A_1419, %select_n3A_1127, %select_n3A_1416 : vector<16xi1>, vector<16xi32>
    %eq3A_1422 = arith.constant 6 : i32
    %eq3A_1423 = vector.broadcast %eq3A_1422 : i32 to vector<16xi32>
    %eq3A_1424 = arith.cmpi eq, %iota3A, %eq3A_1423 : vector<16xi32>
    %select_n3A_1425 = arith.select %eq3A_1424, %select_n3A_1258, %select_n3A_1420 : vector<16xi1>, vector<16xf32>
    %select_n3A_1426 = arith.select %eq3A_1424, %select_n3A_1259, %select_n3A_1421 : vector<16xi1>, vector<16xi32>
    %eq3A_1427 = arith.constant 7 : i32
    %eq3A_1428 = vector.broadcast %eq3A_1427 : i32 to vector<16xi32>
    %eq3A_1429 = arith.cmpi eq, %iota3A, %eq3A_1428 : vector<16xi32>
    %select_n3A_1430 = arith.select %eq3A_1429, %select_n3A_1390, %select_n3A_1425 : vector<16xi1>, vector<16xf32>
    %select_n3A_1431 = arith.select %eq3A_1429, %select_n3A_1391, %select_n3A_1426 : vector<16xi1>, vector<16xi32>
    %broadcast_in_dim3A_1432 = arith.constant 8 : i32
    %broadcast_in_dim3A_1433 = vector.broadcast %broadcast_in_dim3A_1432 : i32 to vector<16xi32>
    %broadcast_in_dim3A_1434 = arith.constant 9 : i32
    %broadcast_in_dim3A_1435 = vector.broadcast %broadcast_in_dim3A_1434 : i32 to vector<16xi32>
    %broadcast_in_dim3A_1436 = arith.constant 10 : i32
    %broadcast_in_dim3A_1437 = vector.broadcast %broadcast_in_dim3A_1436 : i32 to vector<16xi32>
    %broadcast_in_dim3A_1438 = arith.constant 11 : i32
    %broadcast_in_dim3A_1439 = vector.broadcast %broadcast_in_dim3A_1438 : i32 to vector<16xi32>
    %broadcast_in_dim3A_1440 = arith.constant 12 : i32
    %broadcast_in_dim3A_1441 = vector.broadcast %broadcast_in_dim3A_1440 : i32 to vector<16xi32>
    %broadcast_in_dim3A_1442 = arith.constant 13 : i32
    %broadcast_in_dim3A_1443 = vector.broadcast %broadcast_in_dim3A_1442 : i32 to vector<16xi32>
    %broadcast_in_dim3A_1444 = arith.constant 14 : i32
    %broadcast_in_dim3A_1445 = vector.broadcast %broadcast_in_dim3A_1444 : i32 to vector<16xi32>
    %broadcast_in_dim3A_1446 = arith.constant 15 : i32
    %broadcast_in_dim3A_1447 = vector.broadcast %broadcast_in_dim3A_1446 : i32 to vector<16xi32>
    %lt3A_1448 = arith.constant 0 : i32
    %lt3A_1449 = vector.broadcast %lt3A_1448 : i32 to vector<16xi32>
    %lt3A_1450 = arith.cmpi slt, %broadcast_in_dim3A_1433, %lt3A_1449 : vector<16xi32>
    %add3A_1451 = arith.constant 16 : i32
    %add3A_1452 = vector.broadcast %add3A_1451 : i32 to vector<16xi32>
    %add3A_1453 = arith.addi %broadcast_in_dim3A_1433, %add3A_1452 : vector<16xi32>
    %select_n3A_1454 = arith.select %lt3A_1450, %add3A_1453, %broadcast_in_dim3A_1433 : vector<16xi1>, vector<16xi32>
    %broadcast_in_dim3A_1455 = vector.shape_cast %select_n3A_1454 : vector<16xi32> to vector<16x1xi32>
    %gather3A_1456 = vector.shape_cast %broadcast_in_dim3A_1455 : vector<16x1xi32> to vector<16xi32>
    %gather3A_1457 = tpu.dynamic_gather %get3A_37[%gather3A_1456] in [0] : vector<16xf32>, vector<16xi32> -> vector<16xf32>
    %lt3A_1458 = arith.constant 0 : i32
    %lt3A_1459 = vector.broadcast %lt3A_1458 : i32 to vector<16xi32>
    %lt3A_1460 = arith.cmpi slt, %broadcast_in_dim3A_1435, %lt3A_1459 : vector<16xi32>
    %add3A_1461 = arith.constant 16 : i32
    %add3A_1462 = vector.broadcast %add3A_1461 : i32 to vector<16xi32>
    %add3A_1463 = arith.addi %broadcast_in_dim3A_1435, %add3A_1462 : vector<16xi32>
    %select_n3A_1464 = arith.select %lt3A_1460, %add3A_1463, %broadcast_in_dim3A_1435 : vector<16xi1>, vector<16xi32>
    %broadcast_in_dim3A_1465 = vector.shape_cast %select_n3A_1464 : vector<16xi32> to vector<16x1xi32>
    %gather3A_1466 = vector.shape_cast %broadcast_in_dim3A_1465 : vector<16x1xi32> to vector<16xi32>
    %gather3A_1467 = tpu.dynamic_gather %get3A_37[%gather3A_1466] in [0] : vector<16xf32>, vector<16xi32> -> vector<16xf32>
    %lt3A_1468 = arith.constant 0 : i32
    %lt3A_1469 = vector.broadcast %lt3A_1468 : i32 to vector<16xi32>
    %lt3A_1470 = arith.cmpi slt, %broadcast_in_dim3A_1437, %lt3A_1469 : vector<16xi32>
    %add3A_1471 = arith.constant 16 : i32
    %add3A_1472 = vector.broadcast %add3A_1471 : i32 to vector<16xi32>
    %add3A_1473 = arith.addi %broadcast_in_dim3A_1437, %add3A_1472 : vector<16xi32>
    %select_n3A_1474 = arith.select %lt3A_1470, %add3A_1473, %broadcast_in_dim3A_1437 : vector<16xi1>, vector<16xi32>
    %broadcast_in_dim3A_1475 = vector.shape_cast %select_n3A_1474 : vector<16xi32> to vector<16x1xi32>
    %gather3A_1476 = vector.shape_cast %broadcast_in_dim3A_1475 : vector<16x1xi32> to vector<16xi32>
    %gather3A_1477 = tpu.dynamic_gather %get3A_37[%gather3A_1476] in [0] : vector<16xf32>, vector<16xi32> -> vector<16xf32>
    %lt3A_1478 = arith.constant 0 : i32
    %lt3A_1479 = vector.broadcast %lt3A_1478 : i32 to vector<16xi32>
    %lt3A_1480 = arith.cmpi slt, %broadcast_in_dim3A_1439, %lt3A_1479 : vector<16xi32>
    %add3A_1481 = arith.constant 16 : i32
    %add3A_1482 = vector.broadcast %add3A_1481 : i32 to vector<16xi32>
    %add3A_1483 = arith.addi %broadcast_in_dim3A_1439, %add3A_1482 : vector<16xi32>
    %select_n3A_1484 = arith.select %lt3A_1480, %add3A_1483, %broadcast_in_dim3A_1439 : vector<16xi1>, vector<16xi32>
    %broadcast_in_dim3A_1485 = vector.shape_cast %select_n3A_1484 : vector<16xi32> to vector<16x1xi32>
    %gather3A_1486 = vector.shape_cast %broadcast_in_dim3A_1485 : vector<16x1xi32> to vector<16xi32>
    %gather3A_1487 = tpu.dynamic_gather %get3A_37[%gather3A_1486] in [0] : vector<16xf32>, vector<16xi32> -> vector<16xf32>
    %lt3A_1488 = arith.constant 0 : i32
    %lt3A_1489 = vector.broadcast %lt3A_1488 : i32 to vector<16xi32>
    %lt3A_1490 = arith.cmpi slt, %broadcast_in_dim3A_1441, %lt3A_1489 : vector<16xi32>
    %add3A_1491 = arith.constant 16 : i32
    %add3A_1492 = vector.broadcast %add3A_1491 : i32 to vector<16xi32>
    %add3A_1493 = arith.addi %broadcast_in_dim3A_1441, %add3A_1492 : vector<16xi32>
    %select_n3A_1494 = arith.select %lt3A_1490, %add3A_1493, %broadcast_in_dim3A_1441 : vector<16xi1>, vector<16xi32>
    %broadcast_in_dim3A_1495 = vector.shape_cast %select_n3A_1494 : vector<16xi32> to vector<16x1xi32>
    %gather3A_1496 = vector.shape_cast %broadcast_in_dim3A_1495 : vector<16x1xi32> to vector<16xi32>
    %gather3A_1497 = tpu.dynamic_gather %get3A_37[%gather3A_1496] in [0] : vector<16xf32>, vector<16xi32> -> vector<16xf32>
    %lt3A_1498 = arith.constant 0 : i32
    %lt3A_1499 = vector.broadcast %lt3A_1498 : i32 to vector<16xi32>
    %lt3A_1500 = arith.cmpi slt, %broadcast_in_dim3A_1443, %lt3A_1499 : vector<16xi32>
    %add3A_1501 = arith.constant 16 : i32
    %add3A_1502 = vector.broadcast %add3A_1501 : i32 to vector<16xi32>
    %add3A_1503 = arith.addi %broadcast_in_dim3A_1443, %add3A_1502 : vector<16xi32>
    %select_n3A_1504 = arith.select %lt3A_1500, %add3A_1503, %broadcast_in_dim3A_1443 : vector<16xi1>, vector<16xi32>
    %broadcast_in_dim3A_1505 = vector.shape_cast %select_n3A_1504 : vector<16xi32> to vector<16x1xi32>
    %gather3A_1506 = vector.shape_cast %broadcast_in_dim3A_1505 : vector<16x1xi32> to vector<16xi32>
    %gather3A_1507 = tpu.dynamic_gather %get3A_37[%gather3A_1506] in [0] : vector<16xf32>, vector<16xi32> -> vector<16xf32>
    %lt3A_1508 = arith.constant 0 : i32
    %lt3A_1509 = vector.broadcast %lt3A_1508 : i32 to vector<16xi32>
    %lt3A_1510 = arith.cmpi slt, %broadcast_in_dim3A_1445, %lt3A_1509 : vector<16xi32>
    %add3A_1511 = arith.constant 16 : i32
    %add3A_1512 = vector.broadcast %add3A_1511 : i32 to vector<16xi32>
    %add3A_1513 = arith.addi %broadcast_in_dim3A_1445, %add3A_1512 : vector<16xi32>
    %select_n3A_1514 = arith.select %lt3A_1510, %add3A_1513, %broadcast_in_dim3A_1445 : vector<16xi1>, vector<16xi32>
    %broadcast_in_dim3A_1515 = vector.shape_cast %select_n3A_1514 : vector<16xi32> to vector<16x1xi32>
    %gather3A_1516 = vector.shape_cast %broadcast_in_dim3A_1515 : vector<16x1xi32> to vector<16xi32>
    %gather3A_1517 = tpu.dynamic_gather %get3A_37[%gather3A_1516] in [0] : vector<16xf32>, vector<16xi32> -> vector<16xf32>
    %lt3A_1518 = arith.constant 0 : i32
    %lt3A_1519 = vector.broadcast %lt3A_1518 : i32 to vector<16xi32>
    %lt3A_1520 = arith.cmpi slt, %broadcast_in_dim3A_1447, %lt3A_1519 : vector<16xi32>
    %add3A_1521 = arith.constant 16 : i32
    %add3A_1522 = vector.broadcast %add3A_1521 : i32 to vector<16xi32>
    %add3A_1523 = arith.addi %broadcast_in_dim3A_1447, %add3A_1522 : vector<16xi32>
    %select_n3A_1524 = arith.select %lt3A_1520, %add3A_1523, %broadcast_in_dim3A_1447 : vector<16xi1>, vector<16xi32>
    %broadcast_in_dim3A_1525 = vector.shape_cast %select_n3A_1524 : vector<16xi32> to vector<16x1xi32>
    %gather3A_1526 = vector.shape_cast %broadcast_in_dim3A_1525 : vector<16x1xi32> to vector<16xi32>
    %gather3A_1527 = tpu.dynamic_gather %get3A_37[%gather3A_1526] in [0] : vector<16xf32>, vector<16xi32> -> vector<16xf32>
    %lt3A_1528 = arith.constant 0 : i32
    %lt3A_1529 = vector.broadcast %lt3A_1528 : i32 to vector<16xi32>
    %lt3A_1530 = arith.cmpi slt, %broadcast_in_dim3A_1433, %lt3A_1529 : vector<16xi32>
    %add3A_1531 = arith.constant 16 : i32
    %add3A_1532 = vector.broadcast %add3A_1531 : i32 to vector<16xi32>
    %add3A_1533 = arith.addi %broadcast_in_dim3A_1433, %add3A_1532 : vector<16xi32>
    %select_n3A_1534 = arith.select %lt3A_1530, %add3A_1533, %broadcast_in_dim3A_1433 : vector<16xi1>, vector<16xi32>
    %broadcast_in_dim3A_1535 = vector.shape_cast %select_n3A_1534 : vector<16xi32> to vector<16x1xi32>
    %gather3A_1536 = vector.shape_cast %broadcast_in_dim3A_1535 : vector<16x1xi32> to vector<16xi32>
    %gather3A_1537 = tpu.dynamic_gather %get3A_41[%gather3A_1536] in [0] : vector<16xf32>, vector<16xi32> -> vector<16xf32>
    %lt3A_1538 = arith.constant 0 : i32
    %lt3A_1539 = vector.broadcast %lt3A_1538 : i32 to vector<16xi32>
    %lt3A_1540 = arith.cmpi slt, %broadcast_in_dim3A_1435, %lt3A_1539 : vector<16xi32>
    %add3A_1541 = arith.constant 16 : i32
    %add3A_1542 = vector.broadcast %add3A_1541 : i32 to vector<16xi32>
    %add3A_1543 = arith.addi %broadcast_in_dim3A_1435, %add3A_1542 : vector<16xi32>
    %select_n3A_1544 = arith.select %lt3A_1540, %add3A_1543, %broadcast_in_dim3A_1435 : vector<16xi1>, vector<16xi32>
    %broadcast_in_dim3A_1545 = vector.shape_cast %select_n3A_1544 : vector<16xi32> to vector<16x1xi32>
    %gather3A_1546 = vector.shape_cast %broadcast_in_dim3A_1545 : vector<16x1xi32> to vector<16xi32>
    %gather3A_1547 = tpu.dynamic_gather %get3A_41[%gather3A_1546] in [0] : vector<16xf32>, vector<16xi32> -> vector<16xf32>
    %lt3A_1548 = arith.constant 0 : i32
    %lt3A_1549 = vector.broadcast %lt3A_1548 : i32 to vector<16xi32>
    %lt3A_1550 = arith.cmpi slt, %broadcast_in_dim3A_1437, %lt3A_1549 : vector<16xi32>
    %add3A_1551 = arith.constant 16 : i32
    %add3A_1552 = vector.broadcast %add3A_1551 : i32 to vector<16xi32>
    %add3A_1553 = arith.addi %broadcast_in_dim3A_1437, %add3A_1552 : vector<16xi32>
    %select_n3A_1554 = arith.select %lt3A_1550, %add3A_1553, %broadcast_in_dim3A_1437 : vector<16xi1>, vector<16xi32>
    %broadcast_in_dim3A_1555 = vector.shape_cast %select_n3A_1554 : vector<16xi32> to vector<16x1xi32>
    %gather3A_1556 = vector.shape_cast %broadcast_in_dim3A_1555 : vector<16x1xi32> to vector<16xi32>
    %gather3A_1557 = tpu.dynamic_gather %get3A_41[%gather3A_1556] in [0] : vector<16xf32>, vector<16xi32> -> vector<16xf32>
    %lt3A_1558 = arith.constant 0 : i32
    %lt3A_1559 = vector.broadcast %lt3A_1558 : i32 to vector<16xi32>
    %lt3A_1560 = arith.cmpi slt, %broadcast_in_dim3A_1439, %lt3A_1559 : vector<16xi32>
    %add3A_1561 = arith.constant 16 : i32
    %add3A_1562 = vector.broadcast %add3A_1561 : i32 to vector<16xi32>
    %add3A_1563 = arith.addi %broadcast_in_dim3A_1439, %add3A_1562 : vector<16xi32>
    %select_n3A_1564 = arith.select %lt3A_1560, %add3A_1563, %broadcast_in_dim3A_1439 : vector<16xi1>, vector<16xi32>
    %broadcast_in_dim3A_1565 = vector.shape_cast %select_n3A_1564 : vector<16xi32> to vector<16x1xi32>
    %gather3A_1566 = vector.shape_cast %broadcast_in_dim3A_1565 : vector<16x1xi32> to vector<16xi32>
    %gather3A_1567 = tpu.dynamic_gather %get3A_41[%gather3A_1566] in [0] : vector<16xf32>, vector<16xi32> -> vector<16xf32>
    %lt3A_1568 = arith.constant 0 : i32
    %lt3A_1569 = vector.broadcast %lt3A_1568 : i32 to vector<16xi32>
    %lt3A_1570 = arith.cmpi slt, %broadcast_in_dim3A_1441, %lt3A_1569 : vector<16xi32>
    %add3A_1571 = arith.constant 16 : i32
    %add3A_1572 = vector.broadcast %add3A_1571 : i32 to vector<16xi32>
    %add3A_1573 = arith.addi %broadcast_in_dim3A_1441, %add3A_1572 : vector<16xi32>
    %select_n3A_1574 = arith.select %lt3A_1570, %add3A_1573, %broadcast_in_dim3A_1441 : vector<16xi1>, vector<16xi32>
    %broadcast_in_dim3A_1575 = vector.shape_cast %select_n3A_1574 : vector<16xi32> to vector<16x1xi32>
    %gather3A_1576 = vector.shape_cast %broadcast_in_dim3A_1575 : vector<16x1xi32> to vector<16xi32>
    %gather3A_1577 = tpu.dynamic_gather %get3A_41[%gather3A_1576] in [0] : vector<16xf32>, vector<16xi32> -> vector<16xf32>
    %lt3A_1578 = arith.constant 0 : i32
    %lt3A_1579 = vector.broadcast %lt3A_1578 : i32 to vector<16xi32>
    %lt3A_1580 = arith.cmpi slt, %broadcast_in_dim3A_1443, %lt3A_1579 : vector<16xi32>
    %add3A_1581 = arith.constant 16 : i32
    %add3A_1582 = vector.broadcast %add3A_1581 : i32 to vector<16xi32>
    %add3A_1583 = arith.addi %broadcast_in_dim3A_1443, %add3A_1582 : vector<16xi32>
    %select_n3A_1584 = arith.select %lt3A_1580, %add3A_1583, %broadcast_in_dim3A_1443 : vector<16xi1>, vector<16xi32>
    %broadcast_in_dim3A_1585 = vector.shape_cast %select_n3A_1584 : vector<16xi32> to vector<16x1xi32>
    %gather3A_1586 = vector.shape_cast %broadcast_in_dim3A_1585 : vector<16x1xi32> to vector<16xi32>
    %gather3A_1587 = tpu.dynamic_gather %get3A_41[%gather3A_1586] in [0] : vector<16xf32>, vector<16xi32> -> vector<16xf32>
    %lt3A_1588 = arith.constant 0 : i32
    %lt3A_1589 = vector.broadcast %lt3A_1588 : i32 to vector<16xi32>
    %lt3A_1590 = arith.cmpi slt, %broadcast_in_dim3A_1445, %lt3A_1589 : vector<16xi32>
    %add3A_1591 = arith.constant 16 : i32
    %add3A_1592 = vector.broadcast %add3A_1591 : i32 to vector<16xi32>
    %add3A_1593 = arith.addi %broadcast_in_dim3A_1445, %add3A_1592 : vector<16xi32>
    %select_n3A_1594 = arith.select %lt3A_1590, %add3A_1593, %broadcast_in_dim3A_1445 : vector<16xi1>, vector<16xi32>
    %broadcast_in_dim3A_1595 = vector.shape_cast %select_n3A_1594 : vector<16xi32> to vector<16x1xi32>
    %gather3A_1596 = vector.shape_cast %broadcast_in_dim3A_1595 : vector<16x1xi32> to vector<16xi32>
    %gather3A_1597 = tpu.dynamic_gather %get3A_41[%gather3A_1596] in [0] : vector<16xf32>, vector<16xi32> -> vector<16xf32>
    %lt3A_1598 = arith.constant 0 : i32
    %lt3A_1599 = vector.broadcast %lt3A_1598 : i32 to vector<16xi32>
    %lt3A_1600 = arith.cmpi slt, %broadcast_in_dim3A_1447, %lt3A_1599 : vector<16xi32>
    %add3A_1601 = arith.constant 16 : i32
    %add3A_1602 = vector.broadcast %add3A_1601 : i32 to vector<16xi32>
    %add3A_1603 = arith.addi %broadcast_in_dim3A_1447, %add3A_1602 : vector<16xi32>
    %select_n3A_1604 = arith.select %lt3A_1600, %add3A_1603, %broadcast_in_dim3A_1447 : vector<16xi1>, vector<16xi32>
    %broadcast_in_dim3A_1605 = vector.shape_cast %select_n3A_1604 : vector<16xi32> to vector<16x1xi32>
    %gather3A_1606 = vector.shape_cast %broadcast_in_dim3A_1605 : vector<16x1xi32> to vector<16xi32>
    %gather3A_1607 = tpu.dynamic_gather %get3A_41[%gather3A_1606] in [0] : vector<16xf32>, vector<16xi32> -> vector<16xf32>
    %lt3A_1608 = arith.constant 0 : i32
    %lt3A_1609 = vector.broadcast %lt3A_1608 : i32 to vector<16xi32>
    %lt3A_1610 = arith.cmpi slt, %broadcast_in_dim3A_1433, %lt3A_1609 : vector<16xi32>
    %add3A_1611 = arith.constant 16 : i32
    %add3A_1612 = vector.broadcast %add3A_1611 : i32 to vector<16xi32>
    %add3A_1613 = arith.addi %broadcast_in_dim3A_1433, %add3A_1612 : vector<16xi32>
    %select_n3A_1614 = arith.select %lt3A_1610, %add3A_1613, %broadcast_in_dim3A_1433 : vector<16xi1>, vector<16xi32>
    %broadcast_in_dim3A_1615 = vector.shape_cast %select_n3A_1614 : vector<16xi32> to vector<16x1xi32>
    %gather3A_1616 = vector.shape_cast %broadcast_in_dim3A_1615 : vector<16x1xi32> to vector<16xi32>
    %gather3A_1617 = tpu.dynamic_gather %get3A_33[%gather3A_1616] in [0] : vector<16xf32>, vector<16xi32> -> vector<16xf32>
    %lt3A_1618 = arith.constant 0 : i32
    %lt3A_1619 = vector.broadcast %lt3A_1618 : i32 to vector<16xi32>
    %lt3A_1620 = arith.cmpi slt, %broadcast_in_dim3A_1435, %lt3A_1619 : vector<16xi32>
    %add3A_1621 = arith.constant 16 : i32
    %add3A_1622 = vector.broadcast %add3A_1621 : i32 to vector<16xi32>
    %add3A_1623 = arith.addi %broadcast_in_dim3A_1435, %add3A_1622 : vector<16xi32>
    %select_n3A_1624 = arith.select %lt3A_1620, %add3A_1623, %broadcast_in_dim3A_1435 : vector<16xi1>, vector<16xi32>
    %broadcast_in_dim3A_1625 = vector.shape_cast %select_n3A_1624 : vector<16xi32> to vector<16x1xi32>
    %gather3A_1626 = vector.shape_cast %broadcast_in_dim3A_1625 : vector<16x1xi32> to vector<16xi32>
    %gather3A_1627 = tpu.dynamic_gather %get3A_33[%gather3A_1626] in [0] : vector<16xf32>, vector<16xi32> -> vector<16xf32>
    %lt3A_1628 = arith.constant 0 : i32
    %lt3A_1629 = vector.broadcast %lt3A_1628 : i32 to vector<16xi32>
    %lt3A_1630 = arith.cmpi slt, %broadcast_in_dim3A_1437, %lt3A_1629 : vector<16xi32>
    %add3A_1631 = arith.constant 16 : i32
    %add3A_1632 = vector.broadcast %add3A_1631 : i32 to vector<16xi32>
    %add3A_1633 = arith.addi %broadcast_in_dim3A_1437, %add3A_1632 : vector<16xi32>
    %select_n3A_1634 = arith.select %lt3A_1630, %add3A_1633, %broadcast_in_dim3A_1437 : vector<16xi1>, vector<16xi32>
    %broadcast_in_dim3A_1635 = vector.shape_cast %select_n3A_1634 : vector<16xi32> to vector<16x1xi32>
    %gather3A_1636 = vector.shape_cast %broadcast_in_dim3A_1635 : vector<16x1xi32> to vector<16xi32>
    %gather3A_1637 = tpu.dynamic_gather %get3A_33[%gather3A_1636] in [0] : vector<16xf32>, vector<16xi32> -> vector<16xf32>
    %lt3A_1638 = arith.constant 0 : i32
    %lt3A_1639 = vector.broadcast %lt3A_1638 : i32 to vector<16xi32>
    %lt3A_1640 = arith.cmpi slt, %broadcast_in_dim3A_1439, %lt3A_1639 : vector<16xi32>
    %add3A_1641 = arith.constant 16 : i32
    %add3A_1642 = vector.broadcast %add3A_1641 : i32 to vector<16xi32>
    %add3A_1643 = arith.addi %broadcast_in_dim3A_1439, %add3A_1642 : vector<16xi32>
    %select_n3A_1644 = arith.select %lt3A_1640, %add3A_1643, %broadcast_in_dim3A_1439 : vector<16xi1>, vector<16xi32>
    %broadcast_in_dim3A_1645 = vector.shape_cast %select_n3A_1644 : vector<16xi32> to vector<16x1xi32>
    %gather3A_1646 = vector.shape_cast %broadcast_in_dim3A_1645 : vector<16x1xi32> to vector<16xi32>
    %gather3A_1647 = tpu.dynamic_gather %get3A_33[%gather3A_1646] in [0] : vector<16xf32>, vector<16xi32> -> vector<16xf32>
    %lt3A_1648 = arith.constant 0 : i32
    %lt3A_1649 = vector.broadcast %lt3A_1648 : i32 to vector<16xi32>
    %lt3A_1650 = arith.cmpi slt, %broadcast_in_dim3A_1441, %lt3A_1649 : vector<16xi32>
    %add3A_1651 = arith.constant 16 : i32
    %add3A_1652 = vector.broadcast %add3A_1651 : i32 to vector<16xi32>
    %add3A_1653 = arith.addi %broadcast_in_dim3A_1441, %add3A_1652 : vector<16xi32>
    %select_n3A_1654 = arith.select %lt3A_1650, %add3A_1653, %broadcast_in_dim3A_1441 : vector<16xi1>, vector<16xi32>
    %broadcast_in_dim3A_1655 = vector.shape_cast %select_n3A_1654 : vector<16xi32> to vector<16x1xi32>
    %gather3A_1656 = vector.shape_cast %broadcast_in_dim3A_1655 : vector<16x1xi32> to vector<16xi32>
    %gather3A_1657 = tpu.dynamic_gather %get3A_33[%gather3A_1656] in [0] : vector<16xf32>, vector<16xi32> -> vector<16xf32>
    %lt3A_1658 = arith.constant 0 : i32
    %lt3A_1659 = vector.broadcast %lt3A_1658 : i32 to vector<16xi32>
    %lt3A_1660 = arith.cmpi slt, %broadcast_in_dim3A_1443, %lt3A_1659 : vector<16xi32>
    %add3A_1661 = arith.constant 16 : i32
    %add3A_1662 = vector.broadcast %add3A_1661 : i32 to vector<16xi32>
    %add3A_1663 = arith.addi %broadcast_in_dim3A_1443, %add3A_1662 : vector<16xi32>
    %select_n3A_1664 = arith.select %lt3A_1660, %add3A_1663, %broadcast_in_dim3A_1443 : vector<16xi1>, vector<16xi32>
    %broadcast_in_dim3A_1665 = vector.shape_cast %select_n3A_1664 : vector<16xi32> to vector<16x1xi32>
    %gather3A_1666 = vector.shape_cast %broadcast_in_dim3A_1665 : vector<16x1xi32> to vector<16xi32>
    %gather3A_1667 = tpu.dynamic_gather %get3A_33[%gather3A_1666] in [0] : vector<16xf32>, vector<16xi32> -> vector<16xf32>
    %lt3A_1668 = arith.constant 0 : i32
    %lt3A_1669 = vector.broadcast %lt3A_1668 : i32 to vector<16xi32>
    %lt3A_1670 = arith.cmpi slt, %broadcast_in_dim3A_1445, %lt3A_1669 : vector<16xi32>
    %add3A_1671 = arith.constant 16 : i32
    %add3A_1672 = vector.broadcast %add3A_1671 : i32 to vector<16xi32>
    %add3A_1673 = arith.addi %broadcast_in_dim3A_1445, %add3A_1672 : vector<16xi32>
    %select_n3A_1674 = arith.select %lt3A_1670, %add3A_1673, %broadcast_in_dim3A_1445 : vector<16xi1>, vector<16xi32>
    %broadcast_in_dim3A_1675 = vector.shape_cast %select_n3A_1674 : vector<16xi32> to vector<16x1xi32>
    %gather3A_1676 = vector.shape_cast %broadcast_in_dim3A_1675 : vector<16x1xi32> to vector<16xi32>
    %gather3A_1677 = tpu.dynamic_gather %get3A_33[%gather3A_1676] in [0] : vector<16xf32>, vector<16xi32> -> vector<16xf32>
    %lt3A_1678 = arith.constant 0 : i32
    %lt3A_1679 = vector.broadcast %lt3A_1678 : i32 to vector<16xi32>
    %lt3A_1680 = arith.cmpi slt, %broadcast_in_dim3A_1447, %lt3A_1679 : vector<16xi32>
    %add3A_1681 = arith.constant 16 : i32
    %add3A_1682 = vector.broadcast %add3A_1681 : i32 to vector<16xi32>
    %add3A_1683 = arith.addi %broadcast_in_dim3A_1447, %add3A_1682 : vector<16xi32>
    %select_n3A_1684 = arith.select %lt3A_1680, %add3A_1683, %broadcast_in_dim3A_1447 : vector<16xi1>, vector<16xi32>
    %broadcast_in_dim3A_1685 = vector.shape_cast %select_n3A_1684 : vector<16xi32> to vector<16x1xi32>
    %gather3A_1686 = vector.shape_cast %broadcast_in_dim3A_1685 : vector<16x1xi32> to vector<16xi32>
    %gather3A_1687 = tpu.dynamic_gather %get3A_33[%gather3A_1686] in [0] : vector<16xf32>, vector<16xi32> -> vector<16xf32>
    %broadcast_in_dim3A_1688 = arith.constant 1.000000e+30 : f32
    %broadcast_in_dim3A_1689 = vector.broadcast %broadcast_in_dim3A_1688 : f32 to vector<16xf32>
    %broadcast_in_dim3A_1690 = arith.constant 0 : i32
    %broadcast_in_dim3A_1691 = vector.broadcast %broadcast_in_dim3A_1690 : i32 to vector<16xi32>
    %broadcast_in_dim3A_1692 = arith.constant 1.000000e+30 : f32
    %broadcast_in_dim3A_1693 = vector.broadcast %broadcast_in_dim3A_1692 : f32 to vector<16xf32>
    %broadcast_in_dim3A_1694 = arith.constant 0 : i32
    %broadcast_in_dim3A_1695 = vector.broadcast %broadcast_in_dim3A_1694 : i32 to vector<16xi32>
    %broadcast_in_dim3A_1696 = arith.constant 1.000000e+30 : f32
    %broadcast_in_dim3A_1697 = vector.broadcast %broadcast_in_dim3A_1696 : f32 to vector<16xf32>
    %broadcast_in_dim3A_1698 = arith.constant 0 : i32
    %broadcast_in_dim3A_1699 = vector.broadcast %broadcast_in_dim3A_1698 : i32 to vector<16xi32>
    %broadcast_in_dim3A_1700 = arith.constant 1.000000e+30 : f32
    %broadcast_in_dim3A_1701 = vector.broadcast %broadcast_in_dim3A_1700 : f32 to vector<16xf32>
    %broadcast_in_dim3A_1702 = arith.constant 0 : i32
    %broadcast_in_dim3A_1703 = vector.broadcast %broadcast_in_dim3A_1702 : i32 to vector<16xi32>
    %broadcast_in_dim3A_1704 = arith.constant 1.000000e+30 : f32
    %broadcast_in_dim3A_1705 = vector.broadcast %broadcast_in_dim3A_1704 : f32 to vector<16xf32>
    %broadcast_in_dim3A_1706 = arith.constant 0 : i32
    %broadcast_in_dim3A_1707 = vector.broadcast %broadcast_in_dim3A_1706 : i32 to vector<16xi32>
    %broadcast_in_dim3A_1708 = arith.constant 1.000000e+30 : f32
    %broadcast_in_dim3A_1709 = vector.broadcast %broadcast_in_dim3A_1708 : f32 to vector<16xf32>
    %broadcast_in_dim3A_1710 = arith.constant 0 : i32
    %broadcast_in_dim3A_1711 = vector.broadcast %broadcast_in_dim3A_1710 : i32 to vector<16xi32>
    %broadcast_in_dim3A_1712 = arith.constant 1.000000e+30 : f32
    %broadcast_in_dim3A_1713 = vector.broadcast %broadcast_in_dim3A_1712 : f32 to vector<16xf32>
    %broadcast_in_dim3A_1714 = arith.constant 0 : i32
    %broadcast_in_dim3A_1715 = vector.broadcast %broadcast_in_dim3A_1714 : i32 to vector<16xi32>
    %broadcast_in_dim3A_1716 = arith.constant 1.000000e+30 : f32
    %broadcast_in_dim3A_1717 = vector.broadcast %broadcast_in_dim3A_1716 : f32 to vector<16xf32>
    %broadcast_in_dim3A_1718 = arith.constant 0 : i32
    %broadcast_in_dim3A_1719 = vector.broadcast %broadcast_in_dim3A_1718 : i32 to vector<16xi32>
    %scan3A_1720 = arith.constant 0 : i32
    %scan3A_1721 = arith.constant 625 : i32
    %scan3A_1722 = arith.addi %scan3A_1720, %scan3A_1721 : i32
    %scan3A_1723 = arith.constant 1 : i32
    %scan3A_1724:16 = scf.for %scan3A_2842 = %scan3A_1720 to %scan3A_1722 step %scan3A_1723 iter_args(%scan3A_2843 = %broadcast_in_dim3A_1689, %scan3A_2844 = %broadcast_in_dim3A_1691, %scan3A_2845 = %broadcast_in_dim3A_1693, %scan3A_2846 = %broadcast_in_dim3A_1695, %scan3A_2847 = %broadcast_in_dim3A_1697, %scan3A_2848 = %broadcast_in_dim3A_1699, %scan3A_2849 = %broadcast_in_dim3A_1701, %scan3A_2850 = %broadcast_in_dim3A_1703, %scan3A_2851 = %broadcast_in_dim3A_1705, %scan3A_2852 = %broadcast_in_dim3A_1707, %scan3A_2853 = %broadcast_in_dim3A_1709, %scan3A_2854 = %broadcast_in_dim3A_1711, %scan3A_2855 = %broadcast_in_dim3A_1713, %scan3A_2856 = %broadcast_in_dim3A_1715, %scan3A_2857 = %broadcast_in_dim3A_1717, %scan3A_2858 = %broadcast_in_dim3A_1719) -> (vector<16xf32>, vector<16xi32>, vector<16xf32>, vector<16xi32>, vector<16xf32>, vector<16xi32>, vector<16xf32>, vector<16xi32>, vector<16xf32>, vector<16xi32>, vector<16xf32>, vector<16xi32>, vector<16xf32>, vector<16xi32>, vector<16xf32>, vector<16xi32>)  : i32 {
      %mul3A_2859 = arith.constant 2 : i32
      %mul3A_2860 = arith.muli %mul3A_2859, %scan3A_2842 : i32
      %add3A_2861 = arith.constant 0 : i32
      %add3A_2862 = arith.addi %mul3A_2860, %add3A_2861 : i32
      %mul3A_2863 = arith.constant 16 : i32
      %mul3A_2864 = arith.muli %add3A_2862, %mul3A_2863 : i32
      %get3A_2865 = arith.constant 1 : i32
      %get3A_2866 = arith.index_cast %get3A_2865 : i32 to index
      %get3A_2867 = arith.index_cast %mul3A_2864 : i32 to index
      %get3A_2868 = tpu.vector_load %arg5[%get3A_2866, %get3A_2867] {strides = array<i32>} : memref<3x20000xf32, #tpu.memory_space<vmem>>, vector<16xf32>,
      %get3A_2869 = arith.constant 2 : i32
      %get3A_2870 = arith.index_cast %get3A_2869 : i32 to index
      %get3A_2871 = arith.index_cast %mul3A_2864 : i32 to index
      %get3A_2872 = tpu.vector_load %arg5[%get3A_2870, %get3A_2871] {strides = array<i32>} : memref<3x20000xf32, #tpu.memory_space<vmem>>, vector<16xf32>,
      %get3A_2873 = arith.constant 0 : i32
      %get3A_2874 = arith.index_cast %get3A_2873 : i32 to index
      %get3A_2875 = arith.index_cast %mul3A_2864 : i32 to index
      %get3A_2876 = tpu.vector_load %arg5[%get3A_2874, %get3A_2875] {strides = array<i32>} : memref<3x20000xf32, #tpu.memory_space<vmem>>, vector<16xf32>,
      %broadcast_in_dim3A_2877 = vector.broadcast %mul3A_2864 : i32 to vector<16xi32>
      %add3A_2878 = arith.addi %broadcast_in_dim3A_2877, %iota3A : vector<16xi32>
      %sub3A_2879 = arith.subf %get3A_2868, %gather3A_1457 : vector<16xf32>
      %sub3A_2880 = arith.subf %get3A_2872, %gather3A_1537 : vector<16xf32>
      %mul3A_2881 = arith.mulf %sub3A_2879, %sub3A_2879 : vector<16xf32>
      %mul3A_2882 = arith.mulf %sub3A_2880, %sub3A_2880 : vector<16xf32>
      %add3A_2883 = arith.addf %mul3A_2881, %mul3A_2882 : vector<16xf32>
      %eq3A_2884 = arith.cmpf oeq, %get3A_2876, %gather3A_1617 : vector<16xf32>
      %jit3A_2885 = arith.constant 1.000000e+30 : f32
      %broadcast_in_dim3A_2886 = vector.broadcast %jit3A_2885 : f32 to vector<16xf32>
      %select_n3A_2887 = arith.select %eq3A_2884, %add3A_2883, %broadcast_in_dim3A_2886 : vector<16xi1>, vector<16xf32>
      %lt3A_2888 = arith.cmpf olt, %select_n3A_2887, %scan3A_2843 : vector<16xf32>
      %select_n3A_2889 = arith.select %lt3A_2888, %select_n3A_2887, %scan3A_2843 : vector<16xi1>, vector<16xf32>
      %select_n3A_2890 = arith.select %lt3A_2888, %add3A_2878, %scan3A_2844 : vector<16xi1>, vector<16xi32>
      %sub3A_2891 = arith.subf %get3A_2868, %gather3A_1467 : vector<16xf32>
      %sub3A_2892 = arith.subf %get3A_2872, %gather3A_1547 : vector<16xf32>
      %mul3A_2893 = arith.mulf %sub3A_2891, %sub3A_2891 : vector<16xf32>
      %mul3A_2894 = arith.mulf %sub3A_2892, %sub3A_2892 : vector<16xf32>
      %add3A_2895 = arith.addf %mul3A_2893, %mul3A_2894 : vector<16xf32>
      %eq3A_2896 = arith.cmpf oeq, %get3A_2876, %gather3A_1627 : vector<16xf32>
      %jit3A_2897 = arith.constant 1.000000e+30 : f32
      %broadcast_in_dim3A_2898 = vector.broadcast %jit3A_2897 : f32 to vector<16xf32>
      %select_n3A_2899 = arith.select %eq3A_2896, %add3A_2895, %broadcast_in_dim3A_2898 : vector<16xi1>, vector<16xf32>
      %lt3A_2900 = arith.cmpf olt, %select_n3A_2899, %scan3A_2845 : vector<16xf32>
      %select_n3A_2901 = arith.select %lt3A_2900, %select_n3A_2899, %scan3A_2845 : vector<16xi1>, vector<16xf32>
      %select_n3A_2902 = arith.select %lt3A_2900, %add3A_2878, %scan3A_2846 : vector<16xi1>, vector<16xi32>
      %sub3A_2903 = arith.subf %get3A_2868, %gather3A_1477 : vector<16xf32>
      %sub3A_2904 = arith.subf %get3A_2872, %gather3A_1557 : vector<16xf32>
      %mul3A_2905 = arith.mulf %sub3A_2903, %sub3A_2903 : vector<16xf32>
      %mul3A_2906 = arith.mulf %sub3A_2904, %sub3A_2904 : vector<16xf32>
      %add3A_2907 = arith.addf %mul3A_2905, %mul3A_2906 : vector<16xf32>
      %eq3A_2908 = arith.cmpf oeq, %get3A_2876, %gather3A_1637 : vector<16xf32>
      %jit3A_2909 = arith.constant 1.000000e+30 : f32
      %broadcast_in_dim3A_2910 = vector.broadcast %jit3A_2909 : f32 to vector<16xf32>
      %select_n3A_2911 = arith.select %eq3A_2908, %add3A_2907, %broadcast_in_dim3A_2910 : vector<16xi1>, vector<16xf32>
      %lt3A_2912 = arith.cmpf olt, %select_n3A_2911, %scan3A_2847 : vector<16xf32>
      %select_n3A_2913 = arith.select %lt3A_2912, %select_n3A_2911, %scan3A_2847 : vector<16xi1>, vector<16xf32>
      %select_n3A_2914 = arith.select %lt3A_2912, %add3A_2878, %scan3A_2848 : vector<16xi1>, vector<16xi32>
      %sub3A_2915 = arith.subf %get3A_2868, %gather3A_1487 : vector<16xf32>
      %sub3A_2916 = arith.subf %get3A_2872, %gather3A_1567 : vector<16xf32>
      %mul3A_2917 = arith.mulf %sub3A_2915, %sub3A_2915 : vector<16xf32>
      %mul3A_2918 = arith.mulf %sub3A_2916, %sub3A_2916 : vector<16xf32>
      %add3A_2919 = arith.addf %mul3A_2917, %mul3A_2918 : vector<16xf32>
      %eq3A_2920 = arith.cmpf oeq, %get3A_2876, %gather3A_1647 : vector<16xf32>
      %jit3A_2921 = arith.constant 1.000000e+30 : f32
      %broadcast_in_dim3A_2922 = vector.broadcast %jit3A_2921 : f32 to vector<16xf32>
      %select_n3A_2923 = arith.select %eq3A_2920, %add3A_2919, %broadcast_in_dim3A_2922 : vector<16xi1>, vector<16xf32>
      %lt3A_2924 = arith.cmpf olt, %select_n3A_2923, %scan3A_2849 : vector<16xf32>
      %select_n3A_2925 = arith.select %lt3A_2924, %select_n3A_2923, %scan3A_2849 : vector<16xi1>, vector<16xf32>
      %select_n3A_2926 = arith.select %lt3A_2924, %add3A_2878, %scan3A_2850 : vector<16xi1>, vector<16xi32>
      %sub3A_2927 = arith.subf %get3A_2868, %gather3A_1497 : vector<16xf32>
      %sub3A_2928 = arith.subf %get3A_2872, %gather3A_1577 : vector<16xf32>
      %mul3A_2929 = arith.mulf %sub3A_2927, %sub3A_2927 : vector<16xf32>
      %mul3A_2930 = arith.mulf %sub3A_2928, %sub3A_2928 : vector<16xf32>
      %add3A_2931 = arith.addf %mul3A_2929, %mul3A_2930 : vector<16xf32>
      %eq3A_2932 = arith.cmpf oeq, %get3A_2876, %gather3A_1657 : vector<16xf32>
      %jit3A_2933 = arith.constant 1.000000e+30 : f32
      %broadcast_in_dim3A_2934 = vector.broadcast %jit3A_2933 : f32 to vector<16xf32>
      %select_n3A_2935 = arith.select %eq3A_2932, %add3A_2931, %broadcast_in_dim3A_2934 : vector<16xi1>, vector<16xf32>
      %lt3A_2936 = arith.cmpf olt, %select_n3A_2935, %scan3A_2851 : vector<16xf32>
      %select_n3A_2937 = arith.select %lt3A_2936, %select_n3A_2935, %scan3A_2851 : vector<16xi1>, vector<16xf32>
      %select_n3A_2938 = arith.select %lt3A_2936, %add3A_2878, %scan3A_2852 : vector<16xi1>, vector<16xi32>
      %sub3A_2939 = arith.subf %get3A_2868, %gather3A_1507 : vector<16xf32>
      %sub3A_2940 = arith.subf %get3A_2872, %gather3A_1587 : vector<16xf32>
      %mul3A_2941 = arith.mulf %sub3A_2939, %sub3A_2939 : vector<16xf32>
      %mul3A_2942 = arith.mulf %sub3A_2940, %sub3A_2940 : vector<16xf32>
      %add3A_2943 = arith.addf %mul3A_2941, %mul3A_2942 : vector<16xf32>
      %eq3A_2944 = arith.cmpf oeq, %get3A_2876, %gather3A_1667 : vector<16xf32>
      %jit3A_2945 = arith.constant 1.000000e+30 : f32
      %broadcast_in_dim3A_2946 = vector.broadcast %jit3A_2945 : f32 to vector<16xf32>
      %select_n3A_2947 = arith.select %eq3A_2944, %add3A_2943, %broadcast_in_dim3A_2946 : vector<16xi1>, vector<16xf32>
      %lt3A_2948 = arith.cmpf olt, %select_n3A_2947, %scan3A_2853 : vector<16xf32>
      %select_n3A_2949 = arith.select %lt3A_2948, %select_n3A_2947, %scan3A_2853 : vector<16xi1>, vector<16xf32>
      %select_n3A_2950 = arith.select %lt3A_2948, %add3A_2878, %scan3A_2854 : vector<16xi1>, vector<16xi32>
      %sub3A_2951 = arith.subf %get3A_2868, %gather3A_1517 : vector<16xf32>
      %sub3A_2952 = arith.subf %get3A_2872, %gather3A_1597 : vector<16xf32>
      %mul3A_2953 = arith.mulf %sub3A_2951, %sub3A_2951 : vector<16xf32>
      %mul3A_2954 = arith.mulf %sub3A_2952, %sub3A_2952 : vector<16xf32>
      %add3A_2955 = arith.addf %mul3A_2953, %mul3A_2954 : vector<16xf32>
      %eq3A_2956 = arith.cmpf oeq, %get3A_2876, %gather3A_1677 : vector<16xf32>
      %jit3A_2957 = arith.constant 1.000000e+30 : f32
      %broadcast_in_dim3A_2958 = vector.broadcast %jit3A_2957 : f32 to vector<16xf32>
      %select_n3A_2959 = arith.select %eq3A_2956, %add3A_2955, %broadcast_in_dim3A_2958 : vector<16xi1>, vector<16xf32>
      %lt3A_2960 = arith.cmpf olt, %select_n3A_2959, %scan3A_2855 : vector<16xf32>
      %select_n3A_2961 = arith.select %lt3A_2960, %select_n3A_2959, %scan3A_2855 : vector<16xi1>, vector<16xf32>
      %select_n3A_2962 = arith.select %lt3A_2960, %add3A_2878, %scan3A_2856 : vector<16xi1>, vector<16xi32>
      %sub3A_2963 = arith.subf %get3A_2868, %gather3A_1527 : vector<16xf32>
      %sub3A_2964 = arith.subf %get3A_2872, %gather3A_1607 : vector<16xf32>
      %mul3A_2965 = arith.mulf %sub3A_2963, %sub3A_2963 : vector<16xf32>
      %mul3A_2966 = arith.mulf %sub3A_2964, %sub3A_2964 : vector<16xf32>
      %add3A_2967 = arith.addf %mul3A_2965, %mul3A_2966 : vector<16xf32>
      %eq3A_2968 = arith.cmpf oeq, %get3A_2876, %gather3A_1687 : vector<16xf32>
      %jit3A_2969 = arith.constant 1.000000e+30 : f32
      %broadcast_in_dim3A_2970 = vector.broadcast %jit3A_2969 : f32 to vector<16xf32>
      %select_n3A_2971 = arith.select %eq3A_2968, %add3A_2967, %broadcast_in_dim3A_2970 : vector<16xi1>, vector<16xf32>
      %lt3A_2972 = arith.cmpf olt, %select_n3A_2971, %scan3A_2857 : vector<16xf32>
      %select_n3A_2973 = arith.select %lt3A_2972, %select_n3A_2971, %scan3A_2857 : vector<16xi1>, vector<16xf32>
      %select_n3A_2974 = arith.select %lt3A_2972, %add3A_2878, %scan3A_2858 : vector<16xi1>, vector<16xi32>
      %mul3A_2975 = arith.constant 2 : i32
      %mul3A_2976 = arith.muli %mul3A_2975, %scan3A_2842 : i32
      %add3A_2977 = arith.constant 1 : i32
      %add3A_2978 = arith.addi %mul3A_2976, %add3A_2977 : i32
      %mul3A_2979 = arith.constant 16 : i32
      %mul3A_2980 = arith.muli %add3A_2978, %mul3A_2979 : i32
      %get3A_2981 = arith.constant 1 : i32
      %get3A_2982 = arith.index_cast %get3A_2981 : i32 to index
      %get3A_2983 = arith.index_cast %mul3A_2980 : i32 to index
      %get3A_2984 = tpu.vector_load %arg5[%get3A_2982, %get3A_2983] {strides = array<i32>} : memref<3x20000xf32, #tpu.memory_space<vmem>>, vector<16xf32>,
      %get3A_2985 = arith.constant 2 : i32
      %get3A_2986 = arith.index_cast %get3A_2985 : i32 to index
      %get3A_2987 = arith.index_cast %mul3A_2980 : i32 to index
      %get3A_2988 = tpu.vector_load %arg5[%get3A_2986, %get3A_2987] {strides = array<i32>} : memref<3x20000xf32, #tpu.memory_space<vmem>>, vector<16xf32>,
      %get3A_2989 = arith.constant 0 : i32
      %get3A_2990 = arith.index_cast %get3A_2989 : i32 to index
      %get3A_2991 = arith.index_cast %mul3A_2980 : i32 to index
      %get3A_2992 = tpu.vector_load %arg5[%get3A_2990, %get3A_2991] {strides = array<i32>} : memref<3x20000xf32, #tpu.memory_space<vmem>>, vector<16xf32>,
      %broadcast_in_dim3A_2993 = vector.broadcast %mul3A_2980 : i32 to vector<16xi32>
      %add3A_2994 = arith.addi %broadcast_in_dim3A_2993, %iota3A : vector<16xi32>
      %sub3A_2995 = arith.subf %get3A_2984, %gather3A_1457 : vector<16xf32>
      %sub3A_2996 = arith.subf %get3A_2988, %gather3A_1537 : vector<16xf32>
      %mul3A_2997 = arith.mulf %sub3A_2995, %sub3A_2995 : vector<16xf32>
      %mul3A_2998 = arith.mulf %sub3A_2996, %sub3A_2996 : vector<16xf32>
      %add3A_2999 = arith.addf %mul3A_2997, %mul3A_2998 : vector<16xf32>
      %eq3A_3000 = arith.cmpf oeq, %get3A_2992, %gather3A_1617 : vector<16xf32>
      %jit3A_3001 = arith.constant 1.000000e+30 : f32
      %broadcast_in_dim3A_3002 = vector.broadcast %jit3A_3001 : f32 to vector<16xf32>
      %select_n3A_3003 = arith.select %eq3A_3000, %add3A_2999, %broadcast_in_dim3A_3002 : vector<16xi1>, vector<16xf32>
      %lt3A_3004 = arith.cmpf olt, %select_n3A_3003, %select_n3A_2889 : vector<16xf32>
      %select_n3A_3005 = arith.select %lt3A_3004, %select_n3A_3003, %select_n3A_2889 : vector<16xi1>, vector<16xf32>
      %select_n3A_3006 = arith.select %lt3A_3004, %add3A_2994, %select_n3A_2890 : vector<16xi1>, vector<16xi32>
      %sub3A_3007 = arith.subf %get3A_2984, %gather3A_1467 : vector<16xf32>
      %sub3A_3008 = arith.subf %get3A_2988, %gather3A_1547 : vector<16xf32>
      %mul3A_3009 = arith.mulf %sub3A_3007, %sub3A_3007 : vector<16xf32>
      %mul3A_3010 = arith.mulf %sub3A_3008, %sub3A_3008 : vector<16xf32>
      %add3A_3011 = arith.addf %mul3A_3009, %mul3A_3010 : vector<16xf32>
      %eq3A_3012 = arith.cmpf oeq, %get3A_2992, %gather3A_1627 : vector<16xf32>
      %jit3A_3013 = arith.constant 1.000000e+30 : f32
      %broadcast_in_dim3A_3014 = vector.broadcast %jit3A_3013 : f32 to vector<16xf32>
      %select_n3A_3015 = arith.select %eq3A_3012, %add3A_3011, %broadcast_in_dim3A_3014 : vector<16xi1>, vector<16xf32>
      %lt3A_3016 = arith.cmpf olt, %select_n3A_3015, %select_n3A_2901 : vector<16xf32>
      %select_n3A_3017 = arith.select %lt3A_3016, %select_n3A_3015, %select_n3A_2901 : vector<16xi1>, vector<16xf32>
      %select_n3A_3018 = arith.select %lt3A_3016, %add3A_2994, %select_n3A_2902 : vector<16xi1>, vector<16xi32>
      %sub3A_3019 = arith.subf %get3A_2984, %gather3A_1477 : vector<16xf32>
      %sub3A_3020 = arith.subf %get3A_2988, %gather3A_1557 : vector<16xf32>
      %mul3A_3021 = arith.mulf %sub3A_3019, %sub3A_3019 : vector<16xf32>
      %mul3A_3022 = arith.mulf %sub3A_3020, %sub3A_3020 : vector<16xf32>
      %add3A_3023 = arith.addf %mul3A_3021, %mul3A_3022 : vector<16xf32>
      %eq3A_3024 = arith.cmpf oeq, %get3A_2992, %gather3A_1637 : vector<16xf32>
      %jit3A_3025 = arith.constant 1.000000e+30 : f32
      %broadcast_in_dim3A_3026 = vector.broadcast %jit3A_3025 : f32 to vector<16xf32>
      %select_n3A_3027 = arith.select %eq3A_3024, %add3A_3023, %broadcast_in_dim3A_3026 : vector<16xi1>, vector<16xf32>
      %lt3A_3028 = arith.cmpf olt, %select_n3A_3027, %select_n3A_2913 : vector<16xf32>
      %select_n3A_3029 = arith.select %lt3A_3028, %select_n3A_3027, %select_n3A_2913 : vector<16xi1>, vector<16xf32>
      %select_n3A_3030 = arith.select %lt3A_3028, %add3A_2994, %select_n3A_2914 : vector<16xi1>, vector<16xi32>
      %sub3A_3031 = arith.subf %get3A_2984, %gather3A_1487 : vector<16xf32>
      %sub3A_3032 = arith.subf %get3A_2988, %gather3A_1567 : vector<16xf32>
      %mul3A_3033 = arith.mulf %sub3A_3031, %sub3A_3031 : vector<16xf32>
      %mul3A_3034 = arith.mulf %sub3A_3032, %sub3A_3032 : vector<16xf32>
      %add3A_3035 = arith.addf %mul3A_3033, %mul3A_3034 : vector<16xf32>
      %eq3A_3036 = arith.cmpf oeq, %get3A_2992, %gather3A_1647 : vector<16xf32>
      %jit3A_3037 = arith.constant 1.000000e+30 : f32
      %broadcast_in_dim3A_3038 = vector.broadcast %jit3A_3037 : f32 to vector<16xf32>
      %select_n3A_3039 = arith.select %eq3A_3036, %add3A_3035, %broadcast_in_dim3A_3038 : vector<16xi1>, vector<16xf32>
      %lt3A_3040 = arith.cmpf olt, %select_n3A_3039, %select_n3A_2925 : vector<16xf32>
      %select_n3A_3041 = arith.select %lt3A_3040, %select_n3A_3039, %select_n3A_2925 : vector<16xi1>, vector<16xf32>
      %select_n3A_3042 = arith.select %lt3A_3040, %add3A_2994, %select_n3A_2926 : vector<16xi1>, vector<16xi32>
      %sub3A_3043 = arith.subf %get3A_2984, %gather3A_1497 : vector<16xf32>
      %sub3A_3044 = arith.subf %get3A_2988, %gather3A_1577 : vector<16xf32>
      %mul3A_3045 = arith.mulf %sub3A_3043, %sub3A_3043 : vector<16xf32>
      %mul3A_3046 = arith.mulf %sub3A_3044, %sub3A_3044 : vector<16xf32>
      %add3A_3047 = arith.addf %mul3A_3045, %mul3A_3046 : vector<16xf32>
      %eq3A_3048 = arith.cmpf oeq, %get3A_2992, %gather3A_1657 : vector<16xf32>
      %jit3A_3049 = arith.constant 1.000000e+30 : f32
      %broadcast_in_dim3A_3050 = vector.broadcast %jit3A_3049 : f32 to vector<16xf32>
      %select_n3A_3051 = arith.select %eq3A_3048, %add3A_3047, %broadcast_in_dim3A_3050 : vector<16xi1>, vector<16xf32>
      %lt3A_3052 = arith.cmpf olt, %select_n3A_3051, %select_n3A_2937 : vector<16xf32>
      %select_n3A_3053 = arith.select %lt3A_3052, %select_n3A_3051, %select_n3A_2937 : vector<16xi1>, vector<16xf32>
      %select_n3A_3054 = arith.select %lt3A_3052, %add3A_2994, %select_n3A_2938 : vector<16xi1>, vector<16xi32>
      %sub3A_3055 = arith.subf %get3A_2984, %gather3A_1507 : vector<16xf32>
      %sub3A_3056 = arith.subf %get3A_2988, %gather3A_1587 : vector<16xf32>
      %mul3A_3057 = arith.mulf %sub3A_3055, %sub3A_3055 : vector<16xf32>
      %mul3A_3058 = arith.mulf %sub3A_3056, %sub3A_3056 : vector<16xf32>
      %add3A_3059 = arith.addf %mul3A_3057, %mul3A_3058 : vector<16xf32>
      %eq3A_3060 = arith.cmpf oeq, %get3A_2992, %gather3A_1667 : vector<16xf32>
      %jit3A_3061 = arith.constant 1.000000e+30 : f32
      %broadcast_in_dim3A_3062 = vector.broadcast %jit3A_3061 : f32 to vector<16xf32>
      %select_n3A_3063 = arith.select %eq3A_3060, %add3A_3059, %broadcast_in_dim3A_3062 : vector<16xi1>, vector<16xf32>
      %lt3A_3064 = arith.cmpf olt, %select_n3A_3063, %select_n3A_2949 : vector<16xf32>
      %select_n3A_3065 = arith.select %lt3A_3064, %select_n3A_3063, %select_n3A_2949 : vector<16xi1>, vector<16xf32>
      %select_n3A_3066 = arith.select %lt3A_3064, %add3A_2994, %select_n3A_2950 : vector<16xi1>, vector<16xi32>
      %sub3A_3067 = arith.subf %get3A_2984, %gather3A_1517 : vector<16xf32>
      %sub3A_3068 = arith.subf %get3A_2988, %gather3A_1597 : vector<16xf32>
      %mul3A_3069 = arith.mulf %sub3A_3067, %sub3A_3067 : vector<16xf32>
      %mul3A_3070 = arith.mulf %sub3A_3068, %sub3A_3068 : vector<16xf32>
      %add3A_3071 = arith.addf %mul3A_3069, %mul3A_3070 : vector<16xf32>
      %eq3A_3072 = arith.cmpf oeq, %get3A_2992, %gather3A_1677 : vector<16xf32>
      %jit3A_3073 = arith.constant 1.000000e+30 : f32
      %broadcast_in_dim3A_3074 = vector.broadcast %jit3A_3073 : f32 to vector<16xf32>
      %select_n3A_3075 = arith.select %eq3A_3072, %add3A_3071, %broadcast_in_dim3A_3074 : vector<16xi1>, vector<16xf32>
      %lt3A_3076 = arith.cmpf olt, %select_n3A_3075, %select_n3A_2961 : vector<16xf32>
      %select_n3A_3077 = arith.select %lt3A_3076, %select_n3A_3075, %select_n3A_2961 : vector<16xi1>, vector<16xf32>
      %select_n3A_3078 = arith.select %lt3A_3076, %add3A_2994, %select_n3A_2962 : vector<16xi1>, vector<16xi32>
      %sub3A_3079 = arith.subf %get3A_2984, %gather3A_1527 : vector<16xf32>
      %sub3A_3080 = arith.subf %get3A_2988, %gather3A_1607 : vector<16xf32>
      %mul3A_3081 = arith.mulf %sub3A_3079, %sub3A_3079 : vector<16xf32>
      %mul3A_3082 = arith.mulf %sub3A_3080, %sub3A_3080 : vector<16xf32>
      %add3A_3083 = arith.addf %mul3A_3081, %mul3A_3082 : vector<16xf32>
      %eq3A_3084 = arith.cmpf oeq, %get3A_2992, %gather3A_1687 : vector<16xf32>
      %jit3A_3085 = arith.constant 1.000000e+30 : f32
      %broadcast_in_dim3A_3086 = vector.broadcast %jit3A_3085 : f32 to vector<16xf32>
      %select_n3A_3087 = arith.select %eq3A_3084, %add3A_3083, %broadcast_in_dim3A_3086 : vector<16xi1>, vector<16xf32>
      %lt3A_3088 = arith.cmpf olt, %select_n3A_3087, %select_n3A_2973 : vector<16xf32>
      %select_n3A_3089 = arith.select %lt3A_3088, %select_n3A_3087, %select_n3A_2973 : vector<16xi1>, vector<16xf32>
      %select_n3A_3090 = arith.select %lt3A_3088, %add3A_2994, %select_n3A_2974 : vector<16xi1>, vector<16xi32>
      scf.yield %select_n3A_3005, %select_n3A_3006, %select_n3A_3017, %select_n3A_3018, %select_n3A_3029, %select_n3A_3030, %select_n3A_3041, %select_n3A_3042, %select_n3A_3053, %select_n3A_3054, %select_n3A_3065, %select_n3A_3066, %select_n3A_3077, %select_n3A_3078, %select_n3A_3089, %select_n3A_3090 : vector<16xf32>, vector<16xi32>, vector<16xf32>, vector<16xi32>, vector<16xf32>, vector<16xi32>, vector<16xf32>, vector<16xi32>, vector<16xf32>, vector<16xi32>, vector<16xf32>, vector<16xi32>, vector<16xf32>, vector<16xi32>, vector<16xf32>, vector<16xi32>
    }
    %scan3A_1725 = arith.constant 625 : i32
    %add3A_1726 = arith.constant 8 : i32
    %add3A_1727 = vector.broadcast %add3A_1726 : i32 to vector<16xi32>
    %add3A_1728 = arith.addi %iota3A, %add3A_1727 : vector<16xi32>
    %and3A_1729 = arith.constant 15 : i32
    %and3A_1730 = vector.broadcast %and3A_1729 : i32 to vector<16xi32>
    %and3A_1731 = arith.andi %add3A_1728, %and3A_1730 : vector<16xi32>
    %lt3A_1732 = arith.constant 0 : i32
    %lt3A_1733 = vector.broadcast %lt3A_1732 : i32 to vector<16xi32>
    %lt3A_1734 = arith.cmpi slt, %and3A_1731, %lt3A_1733 : vector<16xi32>
    %add3A_1735 = arith.constant 16 : i32
    %add3A_1736 = vector.broadcast %add3A_1735 : i32 to vector<16xi32>
    %add3A_1737 = arith.addi %and3A_1731, %add3A_1736 : vector<16xi32>
    %select_n3A_1738 = arith.select %lt3A_1734, %add3A_1737, %and3A_1731 : vector<16xi1>, vector<16xi32>
    %broadcast_in_dim3A_1739 = vector.shape_cast %select_n3A_1738 : vector<16xi32> to vector<16x1xi32>
    %gather3A_1740 = vector.shape_cast %broadcast_in_dim3A_1739 : vector<16x1xi32> to vector<16xi32>
    %gather3A_1741 = tpu.dynamic_gather %scan3A_1724#0[%gather3A_1740] in [0] : vector<16xf32>, vector<16xi32> -> vector<16xf32>
    %lt3A_1742 = arith.constant 0 : i32
    %lt3A_1743 = vector.broadcast %lt3A_1742 : i32 to vector<16xi32>
    %lt3A_1744 = arith.cmpi slt, %and3A_1731, %lt3A_1743 : vector<16xi32>
    %add3A_1745 = arith.constant 16 : i32
    %add3A_1746 = vector.broadcast %add3A_1745 : i32 to vector<16xi32>
    %add3A_1747 = arith.addi %and3A_1731, %add3A_1746 : vector<16xi32>
    %select_n3A_1748 = arith.select %lt3A_1744, %add3A_1747, %and3A_1731 : vector<16xi1>, vector<16xi32>
    %broadcast_in_dim3A_1749 = vector.shape_cast %select_n3A_1748 : vector<16xi32> to vector<16x1xi32>
    %gather3A_1750 = vector.shape_cast %broadcast_in_dim3A_1749 : vector<16x1xi32> to vector<16xi32>
    %gather3A_1751 = tpu.dynamic_gather %scan3A_1724#1[%gather3A_1750] in [0] : vector<16xi32>, vector<16xi32> -> vector<16xi32>
    %lt3A_1752 = arith.cmpf olt, %gather3A_1741, %scan3A_1724#0 : vector<16xf32>
    %eq3A_1753 = arith.cmpf oeq, %gather3A_1741, %scan3A_1724#0 : vector<16xf32>
    %lt3A_1754 = arith.cmpi slt, %gather3A_1751, %scan3A_1724#1 : vector<16xi32>
    %and3A_1755 = arith.andi %eq3A_1753, %lt3A_1754 : vector<16xi1>
    %or3A_1756 = arith.ori %lt3A_1752, %and3A_1755 : vector<16xi1>
    %select_n3A_1757 = arith.select %or3A_1756, %gather3A_1741, %scan3A_1724#0 : vector<16xi1>, vector<16xf32>
    %select_n3A_1758 = arith.select %or3A_1756, %gather3A_1751, %scan3A_1724#1 : vector<16xi1>, vector<16xi32>
    %add3A_1759 = arith.constant 4 : i32
    %add3A_1760 = vector.broadcast %add3A_1759 : i32 to vector<16xi32>
    %add3A_1761 = arith.addi %iota3A, %add3A_1760 : vector<16xi32>
    %and3A_1762 = arith.constant 15 : i32
    %and3A_1763 = vector.broadcast %and3A_1762 : i32 to vector<16xi32>
    %and3A_1764 = arith.andi %add3A_1761, %and3A_1763 : vector<16xi32>
    %lt3A_1765 = arith.constant 0 : i32
    %lt3A_1766 = vector.broadcast %lt3A_1765 : i32 to vector<16xi32>
    %lt3A_1767 = arith.cmpi slt, %and3A_1764, %lt3A_1766 : vector<16xi32>
    %add3A_1768 = arith.constant 16 : i32
    %add3A_1769 = vector.broadcast %add3A_1768 : i32 to vector<16xi32>
    %add3A_1770 = arith.addi %and3A_1764, %add3A_1769 : vector<16xi32>
    %select_n3A_1771 = arith.select %lt3A_1767, %add3A_1770, %and3A_1764 : vector<16xi1>, vector<16xi32>
    %broadcast_in_dim3A_1772 = vector.shape_cast %select_n3A_1771 : vector<16xi32> to vector<16x1xi32>
    %gather3A_1773 = vector.shape_cast %broadcast_in_dim3A_1772 : vector<16x1xi32> to vector<16xi32>
    %gather3A_1774 = tpu.dynamic_gather %select_n3A_1757[%gather3A_1773] in [0] : vector<16xf32>, vector<16xi32> -> vector<16xf32>
    %lt3A_1775 = arith.constant 0 : i32
    %lt3A_1776 = vector.broadcast %lt3A_1775 : i32 to vector<16xi32>
    %lt3A_1777 = arith.cmpi slt, %and3A_1764, %lt3A_1776 : vector<16xi32>
    %add3A_1778 = arith.constant 16 : i32
    %add3A_1779 = vector.broadcast %add3A_1778 : i32 to vector<16xi32>
    %add3A_1780 = arith.addi %and3A_1764, %add3A_1779 : vector<16xi32>
    %select_n3A_1781 = arith.select %lt3A_1777, %add3A_1780, %and3A_1764 : vector<16xi1>, vector<16xi32>
    %broadcast_in_dim3A_1782 = vector.shape_cast %select_n3A_1781 : vector<16xi32> to vector<16x1xi32>
    %gather3A_1783 = vector.shape_cast %broadcast_in_dim3A_1782 : vector<16x1xi32> to vector<16xi32>
    %gather3A_1784 = tpu.dynamic_gather %select_n3A_1758[%gather3A_1783] in [0] : vector<16xi32>, vector<16xi32> -> vector<16xi32>
    %lt3A_1785 = arith.cmpf olt, %gather3A_1774, %select_n3A_1757 : vector<16xf32>
    %eq3A_1786 = arith.cmpf oeq, %gather3A_1774, %select_n3A_1757 : vector<16xf32>
    %lt3A_1787 = arith.cmpi slt, %gather3A_1784, %select_n3A_1758 : vector<16xi32>
    %and3A_1788 = arith.andi %eq3A_1786, %lt3A_1787 : vector<16xi1>
    %or3A_1789 = arith.ori %lt3A_1785, %and3A_1788 : vector<16xi1>
    %select_n3A_1790 = arith.select %or3A_1789, %gather3A_1774, %select_n3A_1757 : vector<16xi1>, vector<16xf32>
    %select_n3A_1791 = arith.select %or3A_1789, %gather3A_1784, %select_n3A_1758 : vector<16xi1>, vector<16xi32>
    %add3A_1792 = arith.constant 2 : i32
    %add3A_1793 = vector.broadcast %add3A_1792 : i32 to vector<16xi32>
    %add3A_1794 = arith.addi %iota3A, %add3A_1793 : vector<16xi32>
    %and3A_1795 = arith.constant 15 : i32
    %and3A_1796 = vector.broadcast %and3A_1795 : i32 to vector<16xi32>
    %and3A_1797 = arith.andi %add3A_1794, %and3A_1796 : vector<16xi32>
    %lt3A_1798 = arith.constant 0 : i32
    %lt3A_1799 = vector.broadcast %lt3A_1798 : i32 to vector<16xi32>
    %lt3A_1800 = arith.cmpi slt, %and3A_1797, %lt3A_1799 : vector<16xi32>
    %add3A_1801 = arith.constant 16 : i32
    %add3A_1802 = vector.broadcast %add3A_1801 : i32 to vector<16xi32>
    %add3A_1803 = arith.addi %and3A_1797, %add3A_1802 : vector<16xi32>
    %select_n3A_1804 = arith.select %lt3A_1800, %add3A_1803, %and3A_1797 : vector<16xi1>, vector<16xi32>
    %broadcast_in_dim3A_1805 = vector.shape_cast %select_n3A_1804 : vector<16xi32> to vector<16x1xi32>
    %gather3A_1806 = vector.shape_cast %broadcast_in_dim3A_1805 : vector<16x1xi32> to vector<16xi32>
    %gather3A_1807 = tpu.dynamic_gather %select_n3A_1790[%gather3A_1806] in [0] : vector<16xf32>, vector<16xi32> -> vector<16xf32>
    %lt3A_1808 = arith.constant 0 : i32
    %lt3A_1809 = vector.broadcast %lt3A_1808 : i32 to vector<16xi32>
    %lt3A_1810 = arith.cmpi slt, %and3A_1797, %lt3A_1809 : vector<16xi32>
    %add3A_1811 = arith.constant 16 : i32
    %add3A_1812 = vector.broadcast %add3A_1811 : i32 to vector<16xi32>
    %add3A_1813 = arith.addi %and3A_1797, %add3A_1812 : vector<16xi32>
    %select_n3A_1814 = arith.select %lt3A_1810, %add3A_1813, %and3A_1797 : vector<16xi1>, vector<16xi32>
    %broadcast_in_dim3A_1815 = vector.shape_cast %select_n3A_1814 : vector<16xi32> to vector<16x1xi32>
    %gather3A_1816 = vector.shape_cast %broadcast_in_dim3A_1815 : vector<16x1xi32> to vector<16xi32>
    %gather3A_1817 = tpu.dynamic_gather %select_n3A_1791[%gather3A_1816] in [0] : vector<16xi32>, vector<16xi32> -> vector<16xi32>
    %lt3A_1818 = arith.cmpf olt, %gather3A_1807, %select_n3A_1790 : vector<16xf32>
    %eq3A_1819 = arith.cmpf oeq, %gather3A_1807, %select_n3A_1790 : vector<16xf32>
    %lt3A_1820 = arith.cmpi slt, %gather3A_1817, %select_n3A_1791 : vector<16xi32>
    %and3A_1821 = arith.andi %eq3A_1819, %lt3A_1820 : vector<16xi1>
    %or3A_1822 = arith.ori %lt3A_1818, %and3A_1821 : vector<16xi1>
    %select_n3A_1823 = arith.select %or3A_1822, %gather3A_1807, %select_n3A_1790 : vector<16xi1>, vector<16xf32>
    %select_n3A_1824 = arith.select %or3A_1822, %gather3A_1817, %select_n3A_1791 : vector<16xi1>, vector<16xi32>
    %add3A_1825 = arith.constant 1 : i32
    %add3A_1826 = vector.broadcast %add3A_1825 : i32 to vector<16xi32>
    %add3A_1827 = arith.addi %iota3A, %add3A_1826 : vector<16xi32>
    %and3A_1828 = arith.constant 15 : i32
    %and3A_1829 = vector.broadcast %and3A_1828 : i32 to vector<16xi32>
    %and3A_1830 = arith.andi %add3A_1827, %and3A_1829 : vector<16xi32>
    %lt3A_1831 = arith.constant 0 : i32
    %lt3A_1832 = vector.broadcast %lt3A_1831 : i32 to vector<16xi32>
    %lt3A_1833 = arith.cmpi slt, %and3A_1830, %lt3A_1832 : vector<16xi32>
    %add3A_1834 = arith.constant 16 : i32
    %add3A_1835 = vector.broadcast %add3A_1834 : i32 to vector<16xi32>
    %add3A_1836 = arith.addi %and3A_1830, %add3A_1835 : vector<16xi32>
    %select_n3A_1837 = arith.select %lt3A_1833, %add3A_1836, %and3A_1830 : vector<16xi1>, vector<16xi32>
    %broadcast_in_dim3A_1838 = vector.shape_cast %select_n3A_1837 : vector<16xi32> to vector<16x1xi32>
    %gather3A_1839 = vector.shape_cast %broadcast_in_dim3A_1838 : vector<16x1xi32> to vector<16xi32>
    %gather3A_1840 = tpu.dynamic_gather %select_n3A_1823[%gather3A_1839] in [0] : vector<16xf32>, vector<16xi32> -> vector<16xf32>
    %lt3A_1841 = arith.constant 0 : i32
    %lt3A_1842 = vector.broadcast %lt3A_1841 : i32 to vector<16xi32>
    %lt3A_1843 = arith.cmpi slt, %and3A_1830, %lt3A_1842 : vector<16xi32>
    %add3A_1844 = arith.constant 16 : i32
    %add3A_1845 = vector.broadcast %add3A_1844 : i32 to vector<16xi32>
    %add3A_1846 = arith.addi %and3A_1830, %add3A_1845 : vector<16xi32>
    %select_n3A_1847 = arith.select %lt3A_1843, %add3A_1846, %and3A_1830 : vector<16xi1>, vector<16xi32>
    %broadcast_in_dim3A_1848 = vector.shape_cast %select_n3A_1847 : vector<16xi32> to vector<16x1xi32>
    %gather3A_1849 = vector.shape_cast %broadcast_in_dim3A_1848 : vector<16x1xi32> to vector<16xi32>
    %gather3A_1850 = tpu.dynamic_gather %select_n3A_1824[%gather3A_1849] in [0] : vector<16xi32>, vector<16xi32> -> vector<16xi32>
    %lt3A_1851 = arith.cmpf olt, %gather3A_1840, %select_n3A_1823 : vector<16xf32>
    %eq3A_1852 = arith.cmpf oeq, %gather3A_1840, %select_n3A_1823 : vector<16xf32>
    %lt3A_1853 = arith.cmpi slt, %gather3A_1850, %select_n3A_1824 : vector<16xi32>
    %and3A_1854 = arith.andi %eq3A_1852, %lt3A_1853 : vector<16xi1>
    %or3A_1855 = arith.ori %lt3A_1851, %and3A_1854 : vector<16xi1>
    %select_n3A_1856 = arith.select %or3A_1855, %gather3A_1840, %select_n3A_1823 : vector<16xi1>, vector<16xf32>
    %select_n3A_1857 = arith.select %or3A_1855, %gather3A_1850, %select_n3A_1824 : vector<16xi1>, vector<16xi32>
    %add3A_1858 = arith.constant 8 : i32
    %add3A_1859 = vector.broadcast %add3A_1858 : i32 to vector<16xi32>
    %add3A_1860 = arith.addi %iota3A, %add3A_1859 : vector<16xi32>
    %and3A_1861 = arith.constant 15 : i32
    %and3A_1862 = vector.broadcast %and3A_1861 : i32 to vector<16xi32>
    %and3A_1863 = arith.andi %add3A_1860, %and3A_1862 : vector<16xi32>
    %lt3A_1864 = arith.constant 0 : i32
    %lt3A_1865 = vector.broadcast %lt3A_1864 : i32 to vector<16xi32>
    %lt3A_1866 = arith.cmpi slt, %and3A_1863, %lt3A_1865 : vector<16xi32>
    %add3A_1867 = arith.constant 16 : i32
    %add3A_1868 = vector.broadcast %add3A_1867 : i32 to vector<16xi32>
    %add3A_1869 = arith.addi %and3A_1863, %add3A_1868 : vector<16xi32>
    %select_n3A_1870 = arith.select %lt3A_1866, %add3A_1869, %and3A_1863 : vector<16xi1>, vector<16xi32>
    %broadcast_in_dim3A_1871 = vector.shape_cast %select_n3A_1870 : vector<16xi32> to vector<16x1xi32>
    %gather3A_1872 = vector.shape_cast %broadcast_in_dim3A_1871 : vector<16x1xi32> to vector<16xi32>
    %gather3A_1873 = tpu.dynamic_gather %scan3A_1724#2[%gather3A_1872] in [0] : vector<16xf32>, vector<16xi32> -> vector<16xf32>
    %lt3A_1874 = arith.constant 0 : i32
    %lt3A_1875 = vector.broadcast %lt3A_1874 : i32 to vector<16xi32>
    %lt3A_1876 = arith.cmpi slt, %and3A_1863, %lt3A_1875 : vector<16xi32>
    %add3A_1877 = arith.constant 16 : i32
    %add3A_1878 = vector.broadcast %add3A_1877 : i32 to vector<16xi32>
    %add3A_1879 = arith.addi %and3A_1863, %add3A_1878 : vector<16xi32>
    %select_n3A_1880 = arith.select %lt3A_1876, %add3A_1879, %and3A_1863 : vector<16xi1>, vector<16xi32>
    %broadcast_in_dim3A_1881 = vector.shape_cast %select_n3A_1880 : vector<16xi32> to vector<16x1xi32>
    %gather3A_1882 = vector.shape_cast %broadcast_in_dim3A_1881 : vector<16x1xi32> to vector<16xi32>
    %gather3A_1883 = tpu.dynamic_gather %scan3A_1724#3[%gather3A_1882] in [0] : vector<16xi32>, vector<16xi32> -> vector<16xi32>
    %lt3A_1884 = arith.cmpf olt, %gather3A_1873, %scan3A_1724#2 : vector<16xf32>
    %eq3A_1885 = arith.cmpf oeq, %gather3A_1873, %scan3A_1724#2 : vector<16xf32>
    %lt3A_1886 = arith.cmpi slt, %gather3A_1883, %scan3A_1724#3 : vector<16xi32>
    %and3A_1887 = arith.andi %eq3A_1885, %lt3A_1886 : vector<16xi1>
    %or3A_1888 = arith.ori %lt3A_1884, %and3A_1887 : vector<16xi1>
    %select_n3A_1889 = arith.select %or3A_1888, %gather3A_1873, %scan3A_1724#2 : vector<16xi1>, vector<16xf32>
    %select_n3A_1890 = arith.select %or3A_1888, %gather3A_1883, %scan3A_1724#3 : vector<16xi1>, vector<16xi32>
    %add3A_1891 = arith.constant 4 : i32
    %add3A_1892 = vector.broadcast %add3A_1891 : i32 to vector<16xi32>
    %add3A_1893 = arith.addi %iota3A, %add3A_1892 : vector<16xi32>
    %and3A_1894 = arith.constant 15 : i32
    %and3A_1895 = vector.broadcast %and3A_1894 : i32 to vector<16xi32>
    %and3A_1896 = arith.andi %add3A_1893, %and3A_1895 : vector<16xi32>
    %lt3A_1897 = arith.constant 0 : i32
    %lt3A_1898 = vector.broadcast %lt3A_1897 : i32 to vector<16xi32>
    %lt3A_1899 = arith.cmpi slt, %and3A_1896, %lt3A_1898 : vector<16xi32>
    %add3A_1900 = arith.constant 16 : i32
    %add3A_1901 = vector.broadcast %add3A_1900 : i32 to vector<16xi32>
    %add3A_1902 = arith.addi %and3A_1896, %add3A_1901 : vector<16xi32>
    %select_n3A_1903 = arith.select %lt3A_1899, %add3A_1902, %and3A_1896 : vector<16xi1>, vector<16xi32>
    %broadcast_in_dim3A_1904 = vector.shape_cast %select_n3A_1903 : vector<16xi32> to vector<16x1xi32>
    %gather3A_1905 = vector.shape_cast %broadcast_in_dim3A_1904 : vector<16x1xi32> to vector<16xi32>
    %gather3A_1906 = tpu.dynamic_gather %select_n3A_1889[%gather3A_1905] in [0] : vector<16xf32>, vector<16xi32> -> vector<16xf32>
    %lt3A_1907 = arith.constant 0 : i32
    %lt3A_1908 = vector.broadcast %lt3A_1907 : i32 to vector<16xi32>
    %lt3A_1909 = arith.cmpi slt, %and3A_1896, %lt3A_1908 : vector<16xi32>
    %add3A_1910 = arith.constant 16 : i32
    %add3A_1911 = vector.broadcast %add3A_1910 : i32 to vector<16xi32>
    %add3A_1912 = arith.addi %and3A_1896, %add3A_1911 : vector<16xi32>
    %select_n3A_1913 = arith.select %lt3A_1909, %add3A_1912, %and3A_1896 : vector<16xi1>, vector<16xi32>
    %broadcast_in_dim3A_1914 = vector.shape_cast %select_n3A_1913 : vector<16xi32> to vector<16x1xi32>
    %gather3A_1915 = vector.shape_cast %broadcast_in_dim3A_1914 : vector<16x1xi32> to vector<16xi32>
    %gather3A_1916 = tpu.dynamic_gather %select_n3A_1890[%gather3A_1915] in [0] : vector<16xi32>, vector<16xi32> -> vector<16xi32>
    %lt3A_1917 = arith.cmpf olt, %gather3A_1906, %select_n3A_1889 : vector<16xf32>
    %eq3A_1918 = arith.cmpf oeq, %gather3A_1906, %select_n3A_1889 : vector<16xf32>
    %lt3A_1919 = arith.cmpi slt, %gather3A_1916, %select_n3A_1890 : vector<16xi32>
    %and3A_1920 = arith.andi %eq3A_1918, %lt3A_1919 : vector<16xi1>
    %or3A_1921 = arith.ori %lt3A_1917, %and3A_1920 : vector<16xi1>
    %select_n3A_1922 = arith.select %or3A_1921, %gather3A_1906, %select_n3A_1889 : vector<16xi1>, vector<16xf32>
    %select_n3A_1923 = arith.select %or3A_1921, %gather3A_1916, %select_n3A_1890 : vector<16xi1>, vector<16xi32>
    %add3A_1924 = arith.constant 2 : i32
    %add3A_1925 = vector.broadcast %add3A_1924 : i32 to vector<16xi32>
    %add3A_1926 = arith.addi %iota3A, %add3A_1925 : vector<16xi32>
    %and3A_1927 = arith.constant 15 : i32
    %and3A_1928 = vector.broadcast %and3A_1927 : i32 to vector<16xi32>
    %and3A_1929 = arith.andi %add3A_1926, %and3A_1928 : vector<16xi32>
    %lt3A_1930 = arith.constant 0 : i32
    %lt3A_1931 = vector.broadcast %lt3A_1930 : i32 to vector<16xi32>
    %lt3A_1932 = arith.cmpi slt, %and3A_1929, %lt3A_1931 : vector<16xi32>
    %add3A_1933 = arith.constant 16 : i32
    %add3A_1934 = vector.broadcast %add3A_1933 : i32 to vector<16xi32>
    %add3A_1935 = arith.addi %and3A_1929, %add3A_1934 : vector<16xi32>
    %select_n3A_1936 = arith.select %lt3A_1932, %add3A_1935, %and3A_1929 : vector<16xi1>, vector<16xi32>
    %broadcast_in_dim3A_1937 = vector.shape_cast %select_n3A_1936 : vector<16xi32> to vector<16x1xi32>
    %gather3A_1938 = vector.shape_cast %broadcast_in_dim3A_1937 : vector<16x1xi32> to vector<16xi32>
    %gather3A_1939 = tpu.dynamic_gather %select_n3A_1922[%gather3A_1938] in [0] : vector<16xf32>, vector<16xi32> -> vector<16xf32>
    %lt3A_1940 = arith.constant 0 : i32
    %lt3A_1941 = vector.broadcast %lt3A_1940 : i32 to vector<16xi32>
    %lt3A_1942 = arith.cmpi slt, %and3A_1929, %lt3A_1941 : vector<16xi32>
    %add3A_1943 = arith.constant 16 : i32
    %add3A_1944 = vector.broadcast %add3A_1943 : i32 to vector<16xi32>
    %add3A_1945 = arith.addi %and3A_1929, %add3A_1944 : vector<16xi32>
    %select_n3A_1946 = arith.select %lt3A_1942, %add3A_1945, %and3A_1929 : vector<16xi1>, vector<16xi32>
    %broadcast_in_dim3A_1947 = vector.shape_cast %select_n3A_1946 : vector<16xi32> to vector<16x1xi32>
    %gather3A_1948 = vector.shape_cast %broadcast_in_dim3A_1947 : vector<16x1xi32> to vector<16xi32>
    %gather3A_1949 = tpu.dynamic_gather %select_n3A_1923[%gather3A_1948] in [0] : vector<16xi32>, vector<16xi32> -> vector<16xi32>
    %lt3A_1950 = arith.cmpf olt, %gather3A_1939, %select_n3A_1922 : vector<16xf32>
    %eq3A_1951 = arith.cmpf oeq, %gather3A_1939, %select_n3A_1922 : vector<16xf32>
    %lt3A_1952 = arith.cmpi slt, %gather3A_1949, %select_n3A_1923 : vector<16xi32>
    %and3A_1953 = arith.andi %eq3A_1951, %lt3A_1952 : vector<16xi1>
    %or3A_1954 = arith.ori %lt3A_1950, %and3A_1953 : vector<16xi1>
    %select_n3A_1955 = arith.select %or3A_1954, %gather3A_1939, %select_n3A_1922 : vector<16xi1>, vector<16xf32>
    %select_n3A_1956 = arith.select %or3A_1954, %gather3A_1949, %select_n3A_1923 : vector<16xi1>, vector<16xi32>
    %add3A_1957 = arith.constant 1 : i32
    %add3A_1958 = vector.broadcast %add3A_1957 : i32 to vector<16xi32>
    %add3A_1959 = arith.addi %iota3A, %add3A_1958 : vector<16xi32>
    %and3A_1960 = arith.constant 15 : i32
    %and3A_1961 = vector.broadcast %and3A_1960 : i32 to vector<16xi32>
    %and3A_1962 = arith.andi %add3A_1959, %and3A_1961 : vector<16xi32>
    %lt3A_1963 = arith.constant 0 : i32
    %lt3A_1964 = vector.broadcast %lt3A_1963 : i32 to vector<16xi32>
    %lt3A_1965 = arith.cmpi slt, %and3A_1962, %lt3A_1964 : vector<16xi32>
    %add3A_1966 = arith.constant 16 : i32
    %add3A_1967 = vector.broadcast %add3A_1966 : i32 to vector<16xi32>
    %add3A_1968 = arith.addi %and3A_1962, %add3A_1967 : vector<16xi32>
    %select_n3A_1969 = arith.select %lt3A_1965, %add3A_1968, %and3A_1962 : vector<16xi1>, vector<16xi32>
    %broadcast_in_dim3A_1970 = vector.shape_cast %select_n3A_1969 : vector<16xi32> to vector<16x1xi32>
    %gather3A_1971 = vector.shape_cast %broadcast_in_dim3A_1970 : vector<16x1xi32> to vector<16xi32>
    %gather3A_1972 = tpu.dynamic_gather %select_n3A_1955[%gather3A_1971] in [0] : vector<16xf32>, vector<16xi32> -> vector<16xf32>
    %lt3A_1973 = arith.constant 0 : i32
    %lt3A_1974 = vector.broadcast %lt3A_1973 : i32 to vector<16xi32>
    %lt3A_1975 = arith.cmpi slt, %and3A_1962, %lt3A_1974 : vector<16xi32>
    %add3A_1976 = arith.constant 16 : i32
    %add3A_1977 = vector.broadcast %add3A_1976 : i32 to vector<16xi32>
    %add3A_1978 = arith.addi %and3A_1962, %add3A_1977 : vector<16xi32>
    %select_n3A_1979 = arith.select %lt3A_1975, %add3A_1978, %and3A_1962 : vector<16xi1>, vector<16xi32>
    %broadcast_in_dim3A_1980 = vector.shape_cast %select_n3A_1979 : vector<16xi32> to vector<16x1xi32>
    %gather3A_1981 = vector.shape_cast %broadcast_in_dim3A_1980 : vector<16x1xi32> to vector<16xi32>
    %gather3A_1982 = tpu.dynamic_gather %select_n3A_1956[%gather3A_1981] in [0] : vector<16xi32>, vector<16xi32> -> vector<16xi32>
    %lt3A_1983 = arith.cmpf olt, %gather3A_1972, %select_n3A_1955 : vector<16xf32>
    %eq3A_1984 = arith.cmpf oeq, %gather3A_1972, %select_n3A_1955 : vector<16xf32>
    %lt3A_1985 = arith.cmpi slt, %gather3A_1982, %select_n3A_1956 : vector<16xi32>
    %and3A_1986 = arith.andi %eq3A_1984, %lt3A_1985 : vector<16xi1>
    %or3A_1987 = arith.ori %lt3A_1983, %and3A_1986 : vector<16xi1>
    %select_n3A_1988 = arith.select %or3A_1987, %gather3A_1972, %select_n3A_1955 : vector<16xi1>, vector<16xf32>
    %select_n3A_1989 = arith.select %or3A_1987, %gather3A_1982, %select_n3A_1956 : vector<16xi1>, vector<16xi32>
    %add3A_1990 = arith.constant 8 : i32
    %add3A_1991 = vector.broadcast %add3A_1990 : i32 to vector<16xi32>
    %add3A_1992 = arith.addi %iota3A, %add3A_1991 : vector<16xi32>
    %and3A_1993 = arith.constant 15 : i32
    %and3A_1994 = vector.broadcast %and3A_1993 : i32 to vector<16xi32>
    %and3A_1995 = arith.andi %add3A_1992, %and3A_1994 : vector<16xi32>
    %lt3A_1996 = arith.constant 0 : i32
    %lt3A_1997 = vector.broadcast %lt3A_1996 : i32 to vector<16xi32>
    %lt3A_1998 = arith.cmpi slt, %and3A_1995, %lt3A_1997 : vector<16xi32>
    %add3A_1999 = arith.constant 16 : i32
    %add3A_2000 = vector.broadcast %add3A_1999 : i32 to vector<16xi32>
    %add3A_2001 = arith.addi %and3A_1995, %add3A_2000 : vector<16xi32>
    %select_n3A_2002 = arith.select %lt3A_1998, %add3A_2001, %and3A_1995 : vector<16xi1>, vector<16xi32>
    %broadcast_in_dim3A_2003 = vector.shape_cast %select_n3A_2002 : vector<16xi32> to vector<16x1xi32>
    %gather3A_2004 = vector.shape_cast %broadcast_in_dim3A_2003 : vector<16x1xi32> to vector<16xi32>
    %gather3A_2005 = tpu.dynamic_gather %scan3A_1724#4[%gather3A_2004] in [0] : vector<16xf32>, vector<16xi32> -> vector<16xf32>
    %lt3A_2006 = arith.constant 0 : i32
    %lt3A_2007 = vector.broadcast %lt3A_2006 : i32 to vector<16xi32>
    %lt3A_2008 = arith.cmpi slt, %and3A_1995, %lt3A_2007 : vector<16xi32>
    %add3A_2009 = arith.constant 16 : i32
    %add3A_2010 = vector.broadcast %add3A_2009 : i32 to vector<16xi32>
    %add3A_2011 = arith.addi %and3A_1995, %add3A_2010 : vector<16xi32>
    %select_n3A_2012 = arith.select %lt3A_2008, %add3A_2011, %and3A_1995 : vector<16xi1>, vector<16xi32>
    %broadcast_in_dim3A_2013 = vector.shape_cast %select_n3A_2012 : vector<16xi32> to vector<16x1xi32>
    %gather3A_2014 = vector.shape_cast %broadcast_in_dim3A_2013 : vector<16x1xi32> to vector<16xi32>
    %gather3A_2015 = tpu.dynamic_gather %scan3A_1724#5[%gather3A_2014] in [0] : vector<16xi32>, vector<16xi32> -> vector<16xi32>
    %lt3A_2016 = arith.cmpf olt, %gather3A_2005, %scan3A_1724#4 : vector<16xf32>
    %eq3A_2017 = arith.cmpf oeq, %gather3A_2005, %scan3A_1724#4 : vector<16xf32>
    %lt3A_2018 = arith.cmpi slt, %gather3A_2015, %scan3A_1724#5 : vector<16xi32>
    %and3A_2019 = arith.andi %eq3A_2017, %lt3A_2018 : vector<16xi1>
    %or3A_2020 = arith.ori %lt3A_2016, %and3A_2019 : vector<16xi1>
    %select_n3A_2021 = arith.select %or3A_2020, %gather3A_2005, %scan3A_1724#4 : vector<16xi1>, vector<16xf32>
    %select_n3A_2022 = arith.select %or3A_2020, %gather3A_2015, %scan3A_1724#5 : vector<16xi1>, vector<16xi32>
    %add3A_2023 = arith.constant 4 : i32
    %add3A_2024 = vector.broadcast %add3A_2023 : i32 to vector<16xi32>
    %add3A_2025 = arith.addi %iota3A, %add3A_2024 : vector<16xi32>
    %and3A_2026 = arith.constant 15 : i32
    %and3A_2027 = vector.broadcast %and3A_2026 : i32 to vector<16xi32>
    %and3A_2028 = arith.andi %add3A_2025, %and3A_2027 : vector<16xi32>
    %lt3A_2029 = arith.constant 0 : i32
    %lt3A_2030 = vector.broadcast %lt3A_2029 : i32 to vector<16xi32>
    %lt3A_2031 = arith.cmpi slt, %and3A_2028, %lt3A_2030 : vector<16xi32>
    %add3A_2032 = arith.constant 16 : i32
    %add3A_2033 = vector.broadcast %add3A_2032 : i32 to vector<16xi32>
    %add3A_2034 = arith.addi %and3A_2028, %add3A_2033 : vector<16xi32>
    %select_n3A_2035 = arith.select %lt3A_2031, %add3A_2034, %and3A_2028 : vector<16xi1>, vector<16xi32>
    %broadcast_in_dim3A_2036 = vector.shape_cast %select_n3A_2035 : vector<16xi32> to vector<16x1xi32>
    %gather3A_2037 = vector.shape_cast %broadcast_in_dim3A_2036 : vector<16x1xi32> to vector<16xi32>
    %gather3A_2038 = tpu.dynamic_gather %select_n3A_2021[%gather3A_2037] in [0] : vector<16xf32>, vector<16xi32> -> vector<16xf32>
    %lt3A_2039 = arith.constant 0 : i32
    %lt3A_2040 = vector.broadcast %lt3A_2039 : i32 to vector<16xi32>
    %lt3A_2041 = arith.cmpi slt, %and3A_2028, %lt3A_2040 : vector<16xi32>
    %add3A_2042 = arith.constant 16 : i32
    %add3A_2043 = vector.broadcast %add3A_2042 : i32 to vector<16xi32>
    %add3A_2044 = arith.addi %and3A_2028, %add3A_2043 : vector<16xi32>
    %select_n3A_2045 = arith.select %lt3A_2041, %add3A_2044, %and3A_2028 : vector<16xi1>, vector<16xi32>
    %broadcast_in_dim3A_2046 = vector.shape_cast %select_n3A_2045 : vector<16xi32> to vector<16x1xi32>
    %gather3A_2047 = vector.shape_cast %broadcast_in_dim3A_2046 : vector<16x1xi32> to vector<16xi32>
    %gather3A_2048 = tpu.dynamic_gather %select_n3A_2022[%gather3A_2047] in [0] : vector<16xi32>, vector<16xi32> -> vector<16xi32>
    %lt3A_2049 = arith.cmpf olt, %gather3A_2038, %select_n3A_2021 : vector<16xf32>
    %eq3A_2050 = arith.cmpf oeq, %gather3A_2038, %select_n3A_2021 : vector<16xf32>
    %lt3A_2051 = arith.cmpi slt, %gather3A_2048, %select_n3A_2022 : vector<16xi32>
    %and3A_2052 = arith.andi %eq3A_2050, %lt3A_2051 : vector<16xi1>
    %or3A_2053 = arith.ori %lt3A_2049, %and3A_2052 : vector<16xi1>
    %select_n3A_2054 = arith.select %or3A_2053, %gather3A_2038, %select_n3A_2021 : vector<16xi1>, vector<16xf32>
    %select_n3A_2055 = arith.select %or3A_2053, %gather3A_2048, %select_n3A_2022 : vector<16xi1>, vector<16xi32>
    %add3A_2056 = arith.constant 2 : i32
    %add3A_2057 = vector.broadcast %add3A_2056 : i32 to vector<16xi32>
    %add3A_2058 = arith.addi %iota3A, %add3A_2057 : vector<16xi32>
    %and3A_2059 = arith.constant 15 : i32
    %and3A_2060 = vector.broadcast %and3A_2059 : i32 to vector<16xi32>
    %and3A_2061 = arith.andi %add3A_2058, %and3A_2060 : vector<16xi32>
    %lt3A_2062 = arith.constant 0 : i32
    %lt3A_2063 = vector.broadcast %lt3A_2062 : i32 to vector<16xi32>
    %lt3A_2064 = arith.cmpi slt, %and3A_2061, %lt3A_2063 : vector<16xi32>
    %add3A_2065 = arith.constant 16 : i32
    %add3A_2066 = vector.broadcast %add3A_2065 : i32 to vector<16xi32>
    %add3A_2067 = arith.addi %and3A_2061, %add3A_2066 : vector<16xi32>
    %select_n3A_2068 = arith.select %lt3A_2064, %add3A_2067, %and3A_2061 : vector<16xi1>, vector<16xi32>
    %broadcast_in_dim3A_2069 = vector.shape_cast %select_n3A_2068 : vector<16xi32> to vector<16x1xi32>
    %gather3A_2070 = vector.shape_cast %broadcast_in_dim3A_2069 : vector<16x1xi32> to vector<16xi32>
    %gather3A_2071 = tpu.dynamic_gather %select_n3A_2054[%gather3A_2070] in [0] : vector<16xf32>, vector<16xi32> -> vector<16xf32>
    %lt3A_2072 = arith.constant 0 : i32
    %lt3A_2073 = vector.broadcast %lt3A_2072 : i32 to vector<16xi32>
    %lt3A_2074 = arith.cmpi slt, %and3A_2061, %lt3A_2073 : vector<16xi32>
    %add3A_2075 = arith.constant 16 : i32
    %add3A_2076 = vector.broadcast %add3A_2075 : i32 to vector<16xi32>
    %add3A_2077 = arith.addi %and3A_2061, %add3A_2076 : vector<16xi32>
    %select_n3A_2078 = arith.select %lt3A_2074, %add3A_2077, %and3A_2061 : vector<16xi1>, vector<16xi32>
    %broadcast_in_dim3A_2079 = vector.shape_cast %select_n3A_2078 : vector<16xi32> to vector<16x1xi32>
    %gather3A_2080 = vector.shape_cast %broadcast_in_dim3A_2079 : vector<16x1xi32> to vector<16xi32>
    %gather3A_2081 = tpu.dynamic_gather %select_n3A_2055[%gather3A_2080] in [0] : vector<16xi32>, vector<16xi32> -> vector<16xi32>
    %lt3A_2082 = arith.cmpf olt, %gather3A_2071, %select_n3A_2054 : vector<16xf32>
    %eq3A_2083 = arith.cmpf oeq, %gather3A_2071, %select_n3A_2054 : vector<16xf32>
    %lt3A_2084 = arith.cmpi slt, %gather3A_2081, %select_n3A_2055 : vector<16xi32>
    %and3A_2085 = arith.andi %eq3A_2083, %lt3A_2084 : vector<16xi1>
    %or3A_2086 = arith.ori %lt3A_2082, %and3A_2085 : vector<16xi1>
    %select_n3A_2087 = arith.select %or3A_2086, %gather3A_2071, %select_n3A_2054 : vector<16xi1>, vector<16xf32>
    %select_n3A_2088 = arith.select %or3A_2086, %gather3A_2081, %select_n3A_2055 : vector<16xi1>, vector<16xi32>
    %add3A_2089 = arith.constant 1 : i32
    %add3A_2090 = vector.broadcast %add3A_2089 : i32 to vector<16xi32>
    %add3A_2091 = arith.addi %iota3A, %add3A_2090 : vector<16xi32>
    %and3A_2092 = arith.constant 15 : i32
    %and3A_2093 = vector.broadcast %and3A_2092 : i32 to vector<16xi32>
    %and3A_2094 = arith.andi %add3A_2091, %and3A_2093 : vector<16xi32>
    %lt3A_2095 = arith.constant 0 : i32
    %lt3A_2096 = vector.broadcast %lt3A_2095 : i32 to vector<16xi32>
    %lt3A_2097 = arith.cmpi slt, %and3A_2094, %lt3A_2096 : vector<16xi32>
    %add3A_2098 = arith.constant 16 : i32
    %add3A_2099 = vector.broadcast %add3A_2098 : i32 to vector<16xi32>
    %add3A_2100 = arith.addi %and3A_2094, %add3A_2099 : vector<16xi32>
    %select_n3A_2101 = arith.select %lt3A_2097, %add3A_2100, %and3A_2094 : vector<16xi1>, vector<16xi32>
    %broadcast_in_dim3A_2102 = vector.shape_cast %select_n3A_2101 : vector<16xi32> to vector<16x1xi32>
    %gather3A_2103 = vector.shape_cast %broadcast_in_dim3A_2102 : vector<16x1xi32> to vector<16xi32>
    %gather3A_2104 = tpu.dynamic_gather %select_n3A_2087[%gather3A_2103] in [0] : vector<16xf32>, vector<16xi32> -> vector<16xf32>
    %lt3A_2105 = arith.constant 0 : i32
    %lt3A_2106 = vector.broadcast %lt3A_2105 : i32 to vector<16xi32>
    %lt3A_2107 = arith.cmpi slt, %and3A_2094, %lt3A_2106 : vector<16xi32>
    %add3A_2108 = arith.constant 16 : i32
    %add3A_2109 = vector.broadcast %add3A_2108 : i32 to vector<16xi32>
    %add3A_2110 = arith.addi %and3A_2094, %add3A_2109 : vector<16xi32>
    %select_n3A_2111 = arith.select %lt3A_2107, %add3A_2110, %and3A_2094 : vector<16xi1>, vector<16xi32>
    %broadcast_in_dim3A_2112 = vector.shape_cast %select_n3A_2111 : vector<16xi32> to vector<16x1xi32>
    %gather3A_2113 = vector.shape_cast %broadcast_in_dim3A_2112 : vector<16x1xi32> to vector<16xi32>
    %gather3A_2114 = tpu.dynamic_gather %select_n3A_2088[%gather3A_2113] in [0] : vector<16xi32>, vector<16xi32> -> vector<16xi32>
    %lt3A_2115 = arith.cmpf olt, %gather3A_2104, %select_n3A_2087 : vector<16xf32>
    %eq3A_2116 = arith.cmpf oeq, %gather3A_2104, %select_n3A_2087 : vector<16xf32>
    %lt3A_2117 = arith.cmpi slt, %gather3A_2114, %select_n3A_2088 : vector<16xi32>
    %and3A_2118 = arith.andi %eq3A_2116, %lt3A_2117 : vector<16xi1>
    %or3A_2119 = arith.ori %lt3A_2115, %and3A_2118 : vector<16xi1>
    %select_n3A_2120 = arith.select %or3A_2119, %gather3A_2104, %select_n3A_2087 : vector<16xi1>, vector<16xf32>
    %select_n3A_2121 = arith.select %or3A_2119, %gather3A_2114, %select_n3A_2088 : vector<16xi1>, vector<16xi32>
    %add3A_2122 = arith.constant 8 : i32
    %add3A_2123 = vector.broadcast %add3A_2122 : i32 to vector<16xi32>
    %add3A_2124 = arith.addi %iota3A, %add3A_2123 : vector<16xi32>
    %and3A_2125 = arith.constant 15 : i32
    %and3A_2126 = vector.broadcast %and3A_2125 : i32 to vector<16xi32>
    %and3A_2127 = arith.andi %add3A_2124, %and3A_2126 : vector<16xi32>
    %lt3A_2128 = arith.constant 0 : i32
    %lt3A_2129 = vector.broadcast %lt3A_2128 : i32 to vector<16xi32>
    %lt3A_2130 = arith.cmpi slt, %and3A_2127, %lt3A_2129 : vector<16xi32>
    %add3A_2131 = arith.constant 16 : i32
    %add3A_2132 = vector.broadcast %add3A_2131 : i32 to vector<16xi32>
    %add3A_2133 = arith.addi %and3A_2127, %add3A_2132 : vector<16xi32>
    %select_n3A_2134 = arith.select %lt3A_2130, %add3A_2133, %and3A_2127 : vector<16xi1>, vector<16xi32>
    %broadcast_in_dim3A_2135 = vector.shape_cast %select_n3A_2134 : vector<16xi32> to vector<16x1xi32>
    %gather3A_2136 = vector.shape_cast %broadcast_in_dim3A_2135 : vector<16x1xi32> to vector<16xi32>
    %gather3A_2137 = tpu.dynamic_gather %scan3A_1724#6[%gather3A_2136] in [0] : vector<16xf32>, vector<16xi32> -> vector<16xf32>
    %lt3A_2138 = arith.constant 0 : i32
    %lt3A_2139 = vector.broadcast %lt3A_2138 : i32 to vector<16xi32>
    %lt3A_2140 = arith.cmpi slt, %and3A_2127, %lt3A_2139 : vector<16xi32>
    %add3A_2141 = arith.constant 16 : i32
    %add3A_2142 = vector.broadcast %add3A_2141 : i32 to vector<16xi32>
    %add3A_2143 = arith.addi %and3A_2127, %add3A_2142 : vector<16xi32>
    %select_n3A_2144 = arith.select %lt3A_2140, %add3A_2143, %and3A_2127 : vector<16xi1>, vector<16xi32>
    %broadcast_in_dim3A_2145 = vector.shape_cast %select_n3A_2144 : vector<16xi32> to vector<16x1xi32>
    %gather3A_2146 = vector.shape_cast %broadcast_in_dim3A_2145 : vector<16x1xi32> to vector<16xi32>
    %gather3A_2147 = tpu.dynamic_gather %scan3A_1724#7[%gather3A_2146] in [0] : vector<16xi32>, vector<16xi32> -> vector<16xi32>
    %lt3A_2148 = arith.cmpf olt, %gather3A_2137, %scan3A_1724#6 : vector<16xf32>
    %eq3A_2149 = arith.cmpf oeq, %gather3A_2137, %scan3A_1724#6 : vector<16xf32>
    %lt3A_2150 = arith.cmpi slt, %gather3A_2147, %scan3A_1724#7 : vector<16xi32>
    %and3A_2151 = arith.andi %eq3A_2149, %lt3A_2150 : vector<16xi1>
    %or3A_2152 = arith.ori %lt3A_2148, %and3A_2151 : vector<16xi1>
    %select_n3A_2153 = arith.select %or3A_2152, %gather3A_2137, %scan3A_1724#6 : vector<16xi1>, vector<16xf32>
    %select_n3A_2154 = arith.select %or3A_2152, %gather3A_2147, %scan3A_1724#7 : vector<16xi1>, vector<16xi32>
    %add3A_2155 = arith.constant 4 : i32
    %add3A_2156 = vector.broadcast %add3A_2155 : i32 to vector<16xi32>
    %add3A_2157 = arith.addi %iota3A, %add3A_2156 : vector<16xi32>
    %and3A_2158 = arith.constant 15 : i32
    %and3A_2159 = vector.broadcast %and3A_2158 : i32 to vector<16xi32>
    %and3A_2160 = arith.andi %add3A_2157, %and3A_2159 : vector<16xi32>
    %lt3A_2161 = arith.constant 0 : i32
    %lt3A_2162 = vector.broadcast %lt3A_2161 : i32 to vector<16xi32>
    %lt3A_2163 = arith.cmpi slt, %and3A_2160, %lt3A_2162 : vector<16xi32>
    %add3A_2164 = arith.constant 16 : i32
    %add3A_2165 = vector.broadcast %add3A_2164 : i32 to vector<16xi32>
    %add3A_2166 = arith.addi %and3A_2160, %add3A_2165 : vector<16xi32>
    %select_n3A_2167 = arith.select %lt3A_2163, %add3A_2166, %and3A_2160 : vector<16xi1>, vector<16xi32>
    %broadcast_in_dim3A_2168 = vector.shape_cast %select_n3A_2167 : vector<16xi32> to vector<16x1xi32>
    %gather3A_2169 = vector.shape_cast %broadcast_in_dim3A_2168 : vector<16x1xi32> to vector<16xi32>
    %gather3A_2170 = tpu.dynamic_gather %select_n3A_2153[%gather3A_2169] in [0] : vector<16xf32>, vector<16xi32> -> vector<16xf32>
    %lt3A_2171 = arith.constant 0 : i32
    %lt3A_2172 = vector.broadcast %lt3A_2171 : i32 to vector<16xi32>
    %lt3A_2173 = arith.cmpi slt, %and3A_2160, %lt3A_2172 : vector<16xi32>
    %add3A_2174 = arith.constant 16 : i32
    %add3A_2175 = vector.broadcast %add3A_2174 : i32 to vector<16xi32>
    %add3A_2176 = arith.addi %and3A_2160, %add3A_2175 : vector<16xi32>
    %select_n3A_2177 = arith.select %lt3A_2173, %add3A_2176, %and3A_2160 : vector<16xi1>, vector<16xi32>
    %broadcast_in_dim3A_2178 = vector.shape_cast %select_n3A_2177 : vector<16xi32> to vector<16x1xi32>
    %gather3A_2179 = vector.shape_cast %broadcast_in_dim3A_2178 : vector<16x1xi32> to vector<16xi32>
    %gather3A_2180 = tpu.dynamic_gather %select_n3A_2154[%gather3A_2179] in [0] : vector<16xi32>, vector<16xi32> -> vector<16xi32>
    %lt3A_2181 = arith.cmpf olt, %gather3A_2170, %select_n3A_2153 : vector<16xf32>
    %eq3A_2182 = arith.cmpf oeq, %gather3A_2170, %select_n3A_2153 : vector<16xf32>
    %lt3A_2183 = arith.cmpi slt, %gather3A_2180, %select_n3A_2154 : vector<16xi32>
    %and3A_2184 = arith.andi %eq3A_2182, %lt3A_2183 : vector<16xi1>
    %or3A_2185 = arith.ori %lt3A_2181, %and3A_2184 : vector<16xi1>
    %select_n3A_2186 = arith.select %or3A_2185, %gather3A_2170, %select_n3A_2153 : vector<16xi1>, vector<16xf32>
    %select_n3A_2187 = arith.select %or3A_2185, %gather3A_2180, %select_n3A_2154 : vector<16xi1>, vector<16xi32>
    %add3A_2188 = arith.constant 2 : i32
    %add3A_2189 = vector.broadcast %add3A_2188 : i32 to vector<16xi32>
    %add3A_2190 = arith.addi %iota3A, %add3A_2189 : vector<16xi32>
    %and3A_2191 = arith.constant 15 : i32
    %and3A_2192 = vector.broadcast %and3A_2191 : i32 to vector<16xi32>
    %and3A_2193 = arith.andi %add3A_2190, %and3A_2192 : vector<16xi32>
    %lt3A_2194 = arith.constant 0 : i32
    %lt3A_2195 = vector.broadcast %lt3A_2194 : i32 to vector<16xi32>
    %lt3A_2196 = arith.cmpi slt, %and3A_2193, %lt3A_2195 : vector<16xi32>
    %add3A_2197 = arith.constant 16 : i32
    %add3A_2198 = vector.broadcast %add3A_2197 : i32 to vector<16xi32>
    %add3A_2199 = arith.addi %and3A_2193, %add3A_2198 : vector<16xi32>
    %select_n3A_2200 = arith.select %lt3A_2196, %add3A_2199, %and3A_2193 : vector<16xi1>, vector<16xi32>
    %broadcast_in_dim3A_2201 = vector.shape_cast %select_n3A_2200 : vector<16xi32> to vector<16x1xi32>
    %gather3A_2202 = vector.shape_cast %broadcast_in_dim3A_2201 : vector<16x1xi32> to vector<16xi32>
    %gather3A_2203 = tpu.dynamic_gather %select_n3A_2186[%gather3A_2202] in [0] : vector<16xf32>, vector<16xi32> -> vector<16xf32>
    %lt3A_2204 = arith.constant 0 : i32
    %lt3A_2205 = vector.broadcast %lt3A_2204 : i32 to vector<16xi32>
    %lt3A_2206 = arith.cmpi slt, %and3A_2193, %lt3A_2205 : vector<16xi32>
    %add3A_2207 = arith.constant 16 : i32
    %add3A_2208 = vector.broadcast %add3A_2207 : i32 to vector<16xi32>
    %add3A_2209 = arith.addi %and3A_2193, %add3A_2208 : vector<16xi32>
    %select_n3A_2210 = arith.select %lt3A_2206, %add3A_2209, %and3A_2193 : vector<16xi1>, vector<16xi32>
    %broadcast_in_dim3A_2211 = vector.shape_cast %select_n3A_2210 : vector<16xi32> to vector<16x1xi32>
    %gather3A_2212 = vector.shape_cast %broadcast_in_dim3A_2211 : vector<16x1xi32> to vector<16xi32>
    %gather3A_2213 = tpu.dynamic_gather %select_n3A_2187[%gather3A_2212] in [0] : vector<16xi32>, vector<16xi32> -> vector<16xi32>
    %lt3A_2214 = arith.cmpf olt, %gather3A_2203, %select_n3A_2186 : vector<16xf32>
    %eq3A_2215 = arith.cmpf oeq, %gather3A_2203, %select_n3A_2186 : vector<16xf32>
    %lt3A_2216 = arith.cmpi slt, %gather3A_2213, %select_n3A_2187 : vector<16xi32>
    %and3A_2217 = arith.andi %eq3A_2215, %lt3A_2216 : vector<16xi1>
    %or3A_2218 = arith.ori %lt3A_2214, %and3A_2217 : vector<16xi1>
    %select_n3A_2219 = arith.select %or3A_2218, %gather3A_2203, %select_n3A_2186 : vector<16xi1>, vector<16xf32>
    %select_n3A_2220 = arith.select %or3A_2218, %gather3A_2213, %select_n3A_2187 : vector<16xi1>, vector<16xi32>
    %add3A_2221 = arith.constant 1 : i32
    %add3A_2222 = vector.broadcast %add3A_2221 : i32 to vector<16xi32>
    %add3A_2223 = arith.addi %iota3A, %add3A_2222 : vector<16xi32>
    %and3A_2224 = arith.constant 15 : i32
    %and3A_2225 = vector.broadcast %and3A_2224 : i32 to vector<16xi32>
    %and3A_2226 = arith.andi %add3A_2223, %and3A_2225 : vector<16xi32>
    %lt3A_2227 = arith.constant 0 : i32
    %lt3A_2228 = vector.broadcast %lt3A_2227 : i32 to vector<16xi32>
    %lt3A_2229 = arith.cmpi slt, %and3A_2226, %lt3A_2228 : vector<16xi32>
    %add3A_2230 = arith.constant 16 : i32
    %add3A_2231 = vector.broadcast %add3A_2230 : i32 to vector<16xi32>
    %add3A_2232 = arith.addi %and3A_2226, %add3A_2231 : vector<16xi32>
    %select_n3A_2233 = arith.select %lt3A_2229, %add3A_2232, %and3A_2226 : vector<16xi1>, vector<16xi32>
    %broadcast_in_dim3A_2234 = vector.shape_cast %select_n3A_2233 : vector<16xi32> to vector<16x1xi32>
    %gather3A_2235 = vector.shape_cast %broadcast_in_dim3A_2234 : vector<16x1xi32> to vector<16xi32>
    %gather3A_2236 = tpu.dynamic_gather %select_n3A_2219[%gather3A_2235] in [0] : vector<16xf32>, vector<16xi32> -> vector<16xf32>
    %lt3A_2237 = arith.constant 0 : i32
    %lt3A_2238 = vector.broadcast %lt3A_2237 : i32 to vector<16xi32>
    %lt3A_2239 = arith.cmpi slt, %and3A_2226, %lt3A_2238 : vector<16xi32>
    %add3A_2240 = arith.constant 16 : i32
    %add3A_2241 = vector.broadcast %add3A_2240 : i32 to vector<16xi32>
    %add3A_2242 = arith.addi %and3A_2226, %add3A_2241 : vector<16xi32>
    %select_n3A_2243 = arith.select %lt3A_2239, %add3A_2242, %and3A_2226 : vector<16xi1>, vector<16xi32>
    %broadcast_in_dim3A_2244 = vector.shape_cast %select_n3A_2243 : vector<16xi32> to vector<16x1xi32>
    %gather3A_2245 = vector.shape_cast %broadcast_in_dim3A_2244 : vector<16x1xi32> to vector<16xi32>
    %gather3A_2246 = tpu.dynamic_gather %select_n3A_2220[%gather3A_2245] in [0] : vector<16xi32>, vector<16xi32> -> vector<16xi32>
    %lt3A_2247 = arith.cmpf olt, %gather3A_2236, %select_n3A_2219 : vector<16xf32>
    %eq3A_2248 = arith.cmpf oeq, %gather3A_2236, %select_n3A_2219 : vector<16xf32>
    %lt3A_2249 = arith.cmpi slt, %gather3A_2246, %select_n3A_2220 : vector<16xi32>
    %and3A_2250 = arith.andi %eq3A_2248, %lt3A_2249 : vector<16xi1>
    %or3A_2251 = arith.ori %lt3A_2247, %and3A_2250 : vector<16xi1>
    %select_n3A_2252 = arith.select %or3A_2251, %gather3A_2236, %select_n3A_2219 : vector<16xi1>, vector<16xf32>
    %select_n3A_2253 = arith.select %or3A_2251, %gather3A_2246, %select_n3A_2220 : vector<16xi1>, vector<16xi32>
    %add3A_2254 = arith.constant 8 : i32
    %add3A_2255 = vector.broadcast %add3A_2254 : i32 to vector<16xi32>
    %add3A_2256 = arith.addi %iota3A, %add3A_2255 : vector<16xi32>
    %and3A_2257 = arith.constant 15 : i32
    %and3A_2258 = vector.broadcast %and3A_2257 : i32 to vector<16xi32>
    %and3A_2259 = arith.andi %add3A_2256, %and3A_2258 : vector<16xi32>
    %lt3A_2260 = arith.constant 0 : i32
    %lt3A_2261 = vector.broadcast %lt3A_2260 : i32 to vector<16xi32>
    %lt3A_2262 = arith.cmpi slt, %and3A_2259, %lt3A_2261 : vector<16xi32>
    %add3A_2263 = arith.constant 16 : i32
    %add3A_2264 = vector.broadcast %add3A_2263 : i32 to vector<16xi32>
    %add3A_2265 = arith.addi %and3A_2259, %add3A_2264 : vector<16xi32>
    %select_n3A_2266 = arith.select %lt3A_2262, %add3A_2265, %and3A_2259 : vector<16xi1>, vector<16xi32>
    %broadcast_in_dim3A_2267 = vector.shape_cast %select_n3A_2266 : vector<16xi32> to vector<16x1xi32>
    %gather3A_2268 = vector.shape_cast %broadcast_in_dim3A_2267 : vector<16x1xi32> to vector<16xi32>
    %gather3A_2269 = tpu.dynamic_gather %scan3A_1724#8[%gather3A_2268] in [0] : vector<16xf32>, vector<16xi32> -> vector<16xf32>
    %lt3A_2270 = arith.constant 0 : i32
    %lt3A_2271 = vector.broadcast %lt3A_2270 : i32 to vector<16xi32>
    %lt3A_2272 = arith.cmpi slt, %and3A_2259, %lt3A_2271 : vector<16xi32>
    %add3A_2273 = arith.constant 16 : i32
    %add3A_2274 = vector.broadcast %add3A_2273 : i32 to vector<16xi32>
    %add3A_2275 = arith.addi %and3A_2259, %add3A_2274 : vector<16xi32>
    %select_n3A_2276 = arith.select %lt3A_2272, %add3A_2275, %and3A_2259 : vector<16xi1>, vector<16xi32>
    %broadcast_in_dim3A_2277 = vector.shape_cast %select_n3A_2276 : vector<16xi32> to vector<16x1xi32>
    %gather3A_2278 = vector.shape_cast %broadcast_in_dim3A_2277 : vector<16x1xi32> to vector<16xi32>
    %gather3A_2279 = tpu.dynamic_gather %scan3A_1724#9[%gather3A_2278] in [0] : vector<16xi32>, vector<16xi32> -> vector<16xi32>
    %lt3A_2280 = arith.cmpf olt, %gather3A_2269, %scan3A_1724#8 : vector<16xf32>
    %eq3A_2281 = arith.cmpf oeq, %gather3A_2269, %scan3A_1724#8 : vector<16xf32>
    %lt3A_2282 = arith.cmpi slt, %gather3A_2279, %scan3A_1724#9 : vector<16xi32>
    %and3A_2283 = arith.andi %eq3A_2281, %lt3A_2282 : vector<16xi1>
    %or3A_2284 = arith.ori %lt3A_2280, %and3A_2283 : vector<16xi1>
    %select_n3A_2285 = arith.select %or3A_2284, %gather3A_2269, %scan3A_1724#8 : vector<16xi1>, vector<16xf32>
    %select_n3A_2286 = arith.select %or3A_2284, %gather3A_2279, %scan3A_1724#9 : vector<16xi1>, vector<16xi32>
    %add3A_2287 = arith.constant 4 : i32
    %add3A_2288 = vector.broadcast %add3A_2287 : i32 to vector<16xi32>
    %add3A_2289 = arith.addi %iota3A, %add3A_2288 : vector<16xi32>
    %and3A_2290 = arith.constant 15 : i32
    %and3A_2291 = vector.broadcast %and3A_2290 : i32 to vector<16xi32>
    %and3A_2292 = arith.andi %add3A_2289, %and3A_2291 : vector<16xi32>
    %lt3A_2293 = arith.constant 0 : i32
    %lt3A_2294 = vector.broadcast %lt3A_2293 : i32 to vector<16xi32>
    %lt3A_2295 = arith.cmpi slt, %and3A_2292, %lt3A_2294 : vector<16xi32>
    %add3A_2296 = arith.constant 16 : i32
    %add3A_2297 = vector.broadcast %add3A_2296 : i32 to vector<16xi32>
    %add3A_2298 = arith.addi %and3A_2292, %add3A_2297 : vector<16xi32>
    %select_n3A_2299 = arith.select %lt3A_2295, %add3A_2298, %and3A_2292 : vector<16xi1>, vector<16xi32>
    %broadcast_in_dim3A_2300 = vector.shape_cast %select_n3A_2299 : vector<16xi32> to vector<16x1xi32>
    %gather3A_2301 = vector.shape_cast %broadcast_in_dim3A_2300 : vector<16x1xi32> to vector<16xi32>
    %gather3A_2302 = tpu.dynamic_gather %select_n3A_2285[%gather3A_2301] in [0] : vector<16xf32>, vector<16xi32> -> vector<16xf32>
    %lt3A_2303 = arith.constant 0 : i32
    %lt3A_2304 = vector.broadcast %lt3A_2303 : i32 to vector<16xi32>
    %lt3A_2305 = arith.cmpi slt, %and3A_2292, %lt3A_2304 : vector<16xi32>
    %add3A_2306 = arith.constant 16 : i32
    %add3A_2307 = vector.broadcast %add3A_2306 : i32 to vector<16xi32>
    %add3A_2308 = arith.addi %and3A_2292, %add3A_2307 : vector<16xi32>
    %select_n3A_2309 = arith.select %lt3A_2305, %add3A_2308, %and3A_2292 : vector<16xi1>, vector<16xi32>
    %broadcast_in_dim3A_2310 = vector.shape_cast %select_n3A_2309 : vector<16xi32> to vector<16x1xi32>
    %gather3A_2311 = vector.shape_cast %broadcast_in_dim3A_2310 : vector<16x1xi32> to vector<16xi32>
    %gather3A_2312 = tpu.dynamic_gather %select_n3A_2286[%gather3A_2311] in [0] : vector<16xi32>, vector<16xi32> -> vector<16xi32>
    %lt3A_2313 = arith.cmpf olt, %gather3A_2302, %select_n3A_2285 : vector<16xf32>
    %eq3A_2314 = arith.cmpf oeq, %gather3A_2302, %select_n3A_2285 : vector<16xf32>
    %lt3A_2315 = arith.cmpi slt, %gather3A_2312, %select_n3A_2286 : vector<16xi32>
    %and3A_2316 = arith.andi %eq3A_2314, %lt3A_2315 : vector<16xi1>
    %or3A_2317 = arith.ori %lt3A_2313, %and3A_2316 : vector<16xi1>
    %select_n3A_2318 = arith.select %or3A_2317, %gather3A_2302, %select_n3A_2285 : vector<16xi1>, vector<16xf32>
    %select_n3A_2319 = arith.select %or3A_2317, %gather3A_2312, %select_n3A_2286 : vector<16xi1>, vector<16xi32>
    %add3A_2320 = arith.constant 2 : i32
    %add3A_2321 = vector.broadcast %add3A_2320 : i32 to vector<16xi32>
    %add3A_2322 = arith.addi %iota3A, %add3A_2321 : vector<16xi32>
    %and3A_2323 = arith.constant 15 : i32
    %and3A_2324 = vector.broadcast %and3A_2323 : i32 to vector<16xi32>
    %and3A_2325 = arith.andi %add3A_2322, %and3A_2324 : vector<16xi32>
    %lt3A_2326 = arith.constant 0 : i32
    %lt3A_2327 = vector.broadcast %lt3A_2326 : i32 to vector<16xi32>
    %lt3A_2328 = arith.cmpi slt, %and3A_2325, %lt3A_2327 : vector<16xi32>
    %add3A_2329 = arith.constant 16 : i32
    %add3A_2330 = vector.broadcast %add3A_2329 : i32 to vector<16xi32>
    %add3A_2331 = arith.addi %and3A_2325, %add3A_2330 : vector<16xi32>
    %select_n3A_2332 = arith.select %lt3A_2328, %add3A_2331, %and3A_2325 : vector<16xi1>, vector<16xi32>
    %broadcast_in_dim3A_2333 = vector.shape_cast %select_n3A_2332 : vector<16xi32> to vector<16x1xi32>
    %gather3A_2334 = vector.shape_cast %broadcast_in_dim3A_2333 : vector<16x1xi32> to vector<16xi32>
    %gather3A_2335 = tpu.dynamic_gather %select_n3A_2318[%gather3A_2334] in [0] : vector<16xf32>, vector<16xi32> -> vector<16xf32>
    %lt3A_2336 = arith.constant 0 : i32
    %lt3A_2337 = vector.broadcast %lt3A_2336 : i32 to vector<16xi32>
    %lt3A_2338 = arith.cmpi slt, %and3A_2325, %lt3A_2337 : vector<16xi32>
    %add3A_2339 = arith.constant 16 : i32
    %add3A_2340 = vector.broadcast %add3A_2339 : i32 to vector<16xi32>
    %add3A_2341 = arith.addi %and3A_2325, %add3A_2340 : vector<16xi32>
    %select_n3A_2342 = arith.select %lt3A_2338, %add3A_2341, %and3A_2325 : vector<16xi1>, vector<16xi32>
    %broadcast_in_dim3A_2343 = vector.shape_cast %select_n3A_2342 : vector<16xi32> to vector<16x1xi32>
    %gather3A_2344 = vector.shape_cast %broadcast_in_dim3A_2343 : vector<16x1xi32> to vector<16xi32>
    %gather3A_2345 = tpu.dynamic_gather %select_n3A_2319[%gather3A_2344] in [0] : vector<16xi32>, vector<16xi32> -> vector<16xi32>
    %lt3A_2346 = arith.cmpf olt, %gather3A_2335, %select_n3A_2318 : vector<16xf32>
    %eq3A_2347 = arith.cmpf oeq, %gather3A_2335, %select_n3A_2318 : vector<16xf32>
    %lt3A_2348 = arith.cmpi slt, %gather3A_2345, %select_n3A_2319 : vector<16xi32>
    %and3A_2349 = arith.andi %eq3A_2347, %lt3A_2348 : vector<16xi1>
    %or3A_2350 = arith.ori %lt3A_2346, %and3A_2349 : vector<16xi1>
    %select_n3A_2351 = arith.select %or3A_2350, %gather3A_2335, %select_n3A_2318 : vector<16xi1>, vector<16xf32>
    %select_n3A_2352 = arith.select %or3A_2350, %gather3A_2345, %select_n3A_2319 : vector<16xi1>, vector<16xi32>
    %add3A_2353 = arith.constant 1 : i32
    %add3A_2354 = vector.broadcast %add3A_2353 : i32 to vector<16xi32>
    %add3A_2355 = arith.addi %iota3A, %add3A_2354 : vector<16xi32>
    %and3A_2356 = arith.constant 15 : i32
    %and3A_2357 = vector.broadcast %and3A_2356 : i32 to vector<16xi32>
    %and3A_2358 = arith.andi %add3A_2355, %and3A_2357 : vector<16xi32>
    %lt3A_2359 = arith.constant 0 : i32
    %lt3A_2360 = vector.broadcast %lt3A_2359 : i32 to vector<16xi32>
    %lt3A_2361 = arith.cmpi slt, %and3A_2358, %lt3A_2360 : vector<16xi32>
    %add3A_2362 = arith.constant 16 : i32
    %add3A_2363 = vector.broadcast %add3A_2362 : i32 to vector<16xi32>
    %add3A_2364 = arith.addi %and3A_2358, %add3A_2363 : vector<16xi32>
    %select_n3A_2365 = arith.select %lt3A_2361, %add3A_2364, %and3A_2358 : vector<16xi1>, vector<16xi32>
    %broadcast_in_dim3A_2366 = vector.shape_cast %select_n3A_2365 : vector<16xi32> to vector<16x1xi32>
    %gather3A_2367 = vector.shape_cast %broadcast_in_dim3A_2366 : vector<16x1xi32> to vector<16xi32>
    %gather3A_2368 = tpu.dynamic_gather %select_n3A_2351[%gather3A_2367] in [0] : vector<16xf32>, vector<16xi32> -> vector<16xf32>
    %lt3A_2369 = arith.constant 0 : i32
    %lt3A_2370 = vector.broadcast %lt3A_2369 : i32 to vector<16xi32>
    %lt3A_2371 = arith.cmpi slt, %and3A_2358, %lt3A_2370 : vector<16xi32>
    %add3A_2372 = arith.constant 16 : i32
    %add3A_2373 = vector.broadcast %add3A_2372 : i32 to vector<16xi32>
    %add3A_2374 = arith.addi %and3A_2358, %add3A_2373 : vector<16xi32>
    %select_n3A_2375 = arith.select %lt3A_2371, %add3A_2374, %and3A_2358 : vector<16xi1>, vector<16xi32>
    %broadcast_in_dim3A_2376 = vector.shape_cast %select_n3A_2375 : vector<16xi32> to vector<16x1xi32>
    %gather3A_2377 = vector.shape_cast %broadcast_in_dim3A_2376 : vector<16x1xi32> to vector<16xi32>
    %gather3A_2378 = tpu.dynamic_gather %select_n3A_2352[%gather3A_2377] in [0] : vector<16xi32>, vector<16xi32> -> vector<16xi32>
    %lt3A_2379 = arith.cmpf olt, %gather3A_2368, %select_n3A_2351 : vector<16xf32>
    %eq3A_2380 = arith.cmpf oeq, %gather3A_2368, %select_n3A_2351 : vector<16xf32>
    %lt3A_2381 = arith.cmpi slt, %gather3A_2378, %select_n3A_2352 : vector<16xi32>
    %and3A_2382 = arith.andi %eq3A_2380, %lt3A_2381 : vector<16xi1>
    %or3A_2383 = arith.ori %lt3A_2379, %and3A_2382 : vector<16xi1>
    %select_n3A_2384 = arith.select %or3A_2383, %gather3A_2368, %select_n3A_2351 : vector<16xi1>, vector<16xf32>
    %select_n3A_2385 = arith.select %or3A_2383, %gather3A_2378, %select_n3A_2352 : vector<16xi1>, vector<16xi32>
    %add3A_2386 = arith.constant 8 : i32
    %add3A_2387 = vector.broadcast %add3A_2386 : i32 to vector<16xi32>
    %add3A_2388 = arith.addi %iota3A, %add3A_2387 : vector<16xi32>
    %and3A_2389 = arith.constant 15 : i32
    %and3A_2390 = vector.broadcast %and3A_2389 : i32 to vector<16xi32>
    %and3A_2391 = arith.andi %add3A_2388, %and3A_2390 : vector<16xi32>
    %lt3A_2392 = arith.constant 0 : i32
    %lt3A_2393 = vector.broadcast %lt3A_2392 : i32 to vector<16xi32>
    %lt3A_2394 = arith.cmpi slt, %and3A_2391, %lt3A_2393 : vector<16xi32>
    %add3A_2395 = arith.constant 16 : i32
    %add3A_2396 = vector.broadcast %add3A_2395 : i32 to vector<16xi32>
    %add3A_2397 = arith.addi %and3A_2391, %add3A_2396 : vector<16xi32>
    %select_n3A_2398 = arith.select %lt3A_2394, %add3A_2397, %and3A_2391 : vector<16xi1>, vector<16xi32>
    %broadcast_in_dim3A_2399 = vector.shape_cast %select_n3A_2398 : vector<16xi32> to vector<16x1xi32>
    %gather3A_2400 = vector.shape_cast %broadcast_in_dim3A_2399 : vector<16x1xi32> to vector<16xi32>
    %gather3A_2401 = tpu.dynamic_gather %scan3A_1724#10[%gather3A_2400] in [0] : vector<16xf32>, vector<16xi32> -> vector<16xf32>
    %lt3A_2402 = arith.constant 0 : i32
    %lt3A_2403 = vector.broadcast %lt3A_2402 : i32 to vector<16xi32>
    %lt3A_2404 = arith.cmpi slt, %and3A_2391, %lt3A_2403 : vector<16xi32>
    %add3A_2405 = arith.constant 16 : i32
    %add3A_2406 = vector.broadcast %add3A_2405 : i32 to vector<16xi32>
    %add3A_2407 = arith.addi %and3A_2391, %add3A_2406 : vector<16xi32>
    %select_n3A_2408 = arith.select %lt3A_2404, %add3A_2407, %and3A_2391 : vector<16xi1>, vector<16xi32>
    %broadcast_in_dim3A_2409 = vector.shape_cast %select_n3A_2408 : vector<16xi32> to vector<16x1xi32>
    %gather3A_2410 = vector.shape_cast %broadcast_in_dim3A_2409 : vector<16x1xi32> to vector<16xi32>
    %gather3A_2411 = tpu.dynamic_gather %scan3A_1724#11[%gather3A_2410] in [0] : vector<16xi32>, vector<16xi32> -> vector<16xi32>
    %lt3A_2412 = arith.cmpf olt, %gather3A_2401, %scan3A_1724#10 : vector<16xf32>
    %eq3A_2413 = arith.cmpf oeq, %gather3A_2401, %scan3A_1724#10 : vector<16xf32>
    %lt3A_2414 = arith.cmpi slt, %gather3A_2411, %scan3A_1724#11 : vector<16xi32>
    %and3A_2415 = arith.andi %eq3A_2413, %lt3A_2414 : vector<16xi1>
    %or3A_2416 = arith.ori %lt3A_2412, %and3A_2415 : vector<16xi1>
    %select_n3A_2417 = arith.select %or3A_2416, %gather3A_2401, %scan3A_1724#10 : vector<16xi1>, vector<16xf32>
    %select_n3A_2418 = arith.select %or3A_2416, %gather3A_2411, %scan3A_1724#11 : vector<16xi1>, vector<16xi32>
    %add3A_2419 = arith.constant 4 : i32
    %add3A_2420 = vector.broadcast %add3A_2419 : i32 to vector<16xi32>
    %add3A_2421 = arith.addi %iota3A, %add3A_2420 : vector<16xi32>
    %and3A_2422 = arith.constant 15 : i32
    %and3A_2423 = vector.broadcast %and3A_2422 : i32 to vector<16xi32>
    %and3A_2424 = arith.andi %add3A_2421, %and3A_2423 : vector<16xi32>
    %lt3A_2425 = arith.constant 0 : i32
    %lt3A_2426 = vector.broadcast %lt3A_2425 : i32 to vector<16xi32>
    %lt3A_2427 = arith.cmpi slt, %and3A_2424, %lt3A_2426 : vector<16xi32>
    %add3A_2428 = arith.constant 16 : i32
    %add3A_2429 = vector.broadcast %add3A_2428 : i32 to vector<16xi32>
    %add3A_2430 = arith.addi %and3A_2424, %add3A_2429 : vector<16xi32>
    %select_n3A_2431 = arith.select %lt3A_2427, %add3A_2430, %and3A_2424 : vector<16xi1>, vector<16xi32>
    %broadcast_in_dim3A_2432 = vector.shape_cast %select_n3A_2431 : vector<16xi32> to vector<16x1xi32>
    %gather3A_2433 = vector.shape_cast %broadcast_in_dim3A_2432 : vector<16x1xi32> to vector<16xi32>
    %gather3A_2434 = tpu.dynamic_gather %select_n3A_2417[%gather3A_2433] in [0] : vector<16xf32>, vector<16xi32> -> vector<16xf32>
    %lt3A_2435 = arith.constant 0 : i32
    %lt3A_2436 = vector.broadcast %lt3A_2435 : i32 to vector<16xi32>
    %lt3A_2437 = arith.cmpi slt, %and3A_2424, %lt3A_2436 : vector<16xi32>
    %add3A_2438 = arith.constant 16 : i32
    %add3A_2439 = vector.broadcast %add3A_2438 : i32 to vector<16xi32>
    %add3A_2440 = arith.addi %and3A_2424, %add3A_2439 : vector<16xi32>
    %select_n3A_2441 = arith.select %lt3A_2437, %add3A_2440, %and3A_2424 : vector<16xi1>, vector<16xi32>
    %broadcast_in_dim3A_2442 = vector.shape_cast %select_n3A_2441 : vector<16xi32> to vector<16x1xi32>
    %gather3A_2443 = vector.shape_cast %broadcast_in_dim3A_2442 : vector<16x1xi32> to vector<16xi32>
    %gather3A_2444 = tpu.dynamic_gather %select_n3A_2418[%gather3A_2443] in [0] : vector<16xi32>, vector<16xi32> -> vector<16xi32>
    %lt3A_2445 = arith.cmpf olt, %gather3A_2434, %select_n3A_2417 : vector<16xf32>
    %eq3A_2446 = arith.cmpf oeq, %gather3A_2434, %select_n3A_2417 : vector<16xf32>
    %lt3A_2447 = arith.cmpi slt, %gather3A_2444, %select_n3A_2418 : vector<16xi32>
    %and3A_2448 = arith.andi %eq3A_2446, %lt3A_2447 : vector<16xi1>
    %or3A_2449 = arith.ori %lt3A_2445, %and3A_2448 : vector<16xi1>
    %select_n3A_2450 = arith.select %or3A_2449, %gather3A_2434, %select_n3A_2417 : vector<16xi1>, vector<16xf32>
    %select_n3A_2451 = arith.select %or3A_2449, %gather3A_2444, %select_n3A_2418 : vector<16xi1>, vector<16xi32>
    %add3A_2452 = arith.constant 2 : i32
    %add3A_2453 = vector.broadcast %add3A_2452 : i32 to vector<16xi32>
    %add3A_2454 = arith.addi %iota3A, %add3A_2453 : vector<16xi32>
    %and3A_2455 = arith.constant 15 : i32
    %and3A_2456 = vector.broadcast %and3A_2455 : i32 to vector<16xi32>
    %and3A_2457 = arith.andi %add3A_2454, %and3A_2456 : vector<16xi32>
    %lt3A_2458 = arith.constant 0 : i32
    %lt3A_2459 = vector.broadcast %lt3A_2458 : i32 to vector<16xi32>
    %lt3A_2460 = arith.cmpi slt, %and3A_2457, %lt3A_2459 : vector<16xi32>
    %add3A_2461 = arith.constant 16 : i32
    %add3A_2462 = vector.broadcast %add3A_2461 : i32 to vector<16xi32>
    %add3A_2463 = arith.addi %and3A_2457, %add3A_2462 : vector<16xi32>
    %select_n3A_2464 = arith.select %lt3A_2460, %add3A_2463, %and3A_2457 : vector<16xi1>, vector<16xi32>
    %broadcast_in_dim3A_2465 = vector.shape_cast %select_n3A_2464 : vector<16xi32> to vector<16x1xi32>
    %gather3A_2466 = vector.shape_cast %broadcast_in_dim3A_2465 : vector<16x1xi32> to vector<16xi32>
    %gather3A_2467 = tpu.dynamic_gather %select_n3A_2450[%gather3A_2466] in [0] : vector<16xf32>, vector<16xi32> -> vector<16xf32>
    %lt3A_2468 = arith.constant 0 : i32
    %lt3A_2469 = vector.broadcast %lt3A_2468 : i32 to vector<16xi32>
    %lt3A_2470 = arith.cmpi slt, %and3A_2457, %lt3A_2469 : vector<16xi32>
    %add3A_2471 = arith.constant 16 : i32
    %add3A_2472 = vector.broadcast %add3A_2471 : i32 to vector<16xi32>
    %add3A_2473 = arith.addi %and3A_2457, %add3A_2472 : vector<16xi32>
    %select_n3A_2474 = arith.select %lt3A_2470, %add3A_2473, %and3A_2457 : vector<16xi1>, vector<16xi32>
    %broadcast_in_dim3A_2475 = vector.shape_cast %select_n3A_2474 : vector<16xi32> to vector<16x1xi32>
    %gather3A_2476 = vector.shape_cast %broadcast_in_dim3A_2475 : vector<16x1xi32> to vector<16xi32>
    %gather3A_2477 = tpu.dynamic_gather %select_n3A_2451[%gather3A_2476] in [0] : vector<16xi32>, vector<16xi32> -> vector<16xi32>
    %lt3A_2478 = arith.cmpf olt, %gather3A_2467, %select_n3A_2450 : vector<16xf32>
    %eq3A_2479 = arith.cmpf oeq, %gather3A_2467, %select_n3A_2450 : vector<16xf32>
    %lt3A_2480 = arith.cmpi slt, %gather3A_2477, %select_n3A_2451 : vector<16xi32>
    %and3A_2481 = arith.andi %eq3A_2479, %lt3A_2480 : vector<16xi1>
    %or3A_2482 = arith.ori %lt3A_2478, %and3A_2481 : vector<16xi1>
    %select_n3A_2483 = arith.select %or3A_2482, %gather3A_2467, %select_n3A_2450 : vector<16xi1>, vector<16xf32>
    %select_n3A_2484 = arith.select %or3A_2482, %gather3A_2477, %select_n3A_2451 : vector<16xi1>, vector<16xi32>
    %add3A_2485 = arith.constant 1 : i32
    %add3A_2486 = vector.broadcast %add3A_2485 : i32 to vector<16xi32>
    %add3A_2487 = arith.addi %iota3A, %add3A_2486 : vector<16xi32>
    %and3A_2488 = arith.constant 15 : i32
    %and3A_2489 = vector.broadcast %and3A_2488 : i32 to vector<16xi32>
    %and3A_2490 = arith.andi %add3A_2487, %and3A_2489 : vector<16xi32>
    %lt3A_2491 = arith.constant 0 : i32
    %lt3A_2492 = vector.broadcast %lt3A_2491 : i32 to vector<16xi32>
    %lt3A_2493 = arith.cmpi slt, %and3A_2490, %lt3A_2492 : vector<16xi32>
    %add3A_2494 = arith.constant 16 : i32
    %add3A_2495 = vector.broadcast %add3A_2494 : i32 to vector<16xi32>
    %add3A_2496 = arith.addi %and3A_2490, %add3A_2495 : vector<16xi32>
    %select_n3A_2497 = arith.select %lt3A_2493, %add3A_2496, %and3A_2490 : vector<16xi1>, vector<16xi32>
    %broadcast_in_dim3A_2498 = vector.shape_cast %select_n3A_2497 : vector<16xi32> to vector<16x1xi32>
    %gather3A_2499 = vector.shape_cast %broadcast_in_dim3A_2498 : vector<16x1xi32> to vector<16xi32>
    %gather3A_2500 = tpu.dynamic_gather %select_n3A_2483[%gather3A_2499] in [0] : vector<16xf32>, vector<16xi32> -> vector<16xf32>
    %lt3A_2501 = arith.constant 0 : i32
    %lt3A_2502 = vector.broadcast %lt3A_2501 : i32 to vector<16xi32>
    %lt3A_2503 = arith.cmpi slt, %and3A_2490, %lt3A_2502 : vector<16xi32>
    %add3A_2504 = arith.constant 16 : i32
    %add3A_2505 = vector.broadcast %add3A_2504 : i32 to vector<16xi32>
    %add3A_2506 = arith.addi %and3A_2490, %add3A_2505 : vector<16xi32>
    %select_n3A_2507 = arith.select %lt3A_2503, %add3A_2506, %and3A_2490 : vector<16xi1>, vector<16xi32>
    %broadcast_in_dim3A_2508 = vector.shape_cast %select_n3A_2507 : vector<16xi32> to vector<16x1xi32>
    %gather3A_2509 = vector.shape_cast %broadcast_in_dim3A_2508 : vector<16x1xi32> to vector<16xi32>
    %gather3A_2510 = tpu.dynamic_gather %select_n3A_2484[%gather3A_2509] in [0] : vector<16xi32>, vector<16xi32> -> vector<16xi32>
    %lt3A_2511 = arith.cmpf olt, %gather3A_2500, %select_n3A_2483 : vector<16xf32>
    %eq3A_2512 = arith.cmpf oeq, %gather3A_2500, %select_n3A_2483 : vector<16xf32>
    %lt3A_2513 = arith.cmpi slt, %gather3A_2510, %select_n3A_2484 : vector<16xi32>
    %and3A_2514 = arith.andi %eq3A_2512, %lt3A_2513 : vector<16xi1>
    %or3A_2515 = arith.ori %lt3A_2511, %and3A_2514 : vector<16xi1>
    %select_n3A_2516 = arith.select %or3A_2515, %gather3A_2500, %select_n3A_2483 : vector<16xi1>, vector<16xf32>
    %select_n3A_2517 = arith.select %or3A_2515, %gather3A_2510, %select_n3A_2484 : vector<16xi1>, vector<16xi32>
    %add3A_2518 = arith.constant 8 : i32
    %add3A_2519 = vector.broadcast %add3A_2518 : i32 to vector<16xi32>
    %add3A_2520 = arith.addi %iota3A, %add3A_2519 : vector<16xi32>
    %and3A_2521 = arith.constant 15 : i32
    %and3A_2522 = vector.broadcast %and3A_2521 : i32 to vector<16xi32>
    %and3A_2523 = arith.andi %add3A_2520, %and3A_2522 : vector<16xi32>
    %lt3A_2524 = arith.constant 0 : i32
    %lt3A_2525 = vector.broadcast %lt3A_2524 : i32 to vector<16xi32>
    %lt3A_2526 = arith.cmpi slt, %and3A_2523, %lt3A_2525 : vector<16xi32>
    %add3A_2527 = arith.constant 16 : i32
    %add3A_2528 = vector.broadcast %add3A_2527 : i32 to vector<16xi32>
    %add3A_2529 = arith.addi %and3A_2523, %add3A_2528 : vector<16xi32>
    %select_n3A_2530 = arith.select %lt3A_2526, %add3A_2529, %and3A_2523 : vector<16xi1>, vector<16xi32>
    %broadcast_in_dim3A_2531 = vector.shape_cast %select_n3A_2530 : vector<16xi32> to vector<16x1xi32>
    %gather3A_2532 = vector.shape_cast %broadcast_in_dim3A_2531 : vector<16x1xi32> to vector<16xi32>
    %gather3A_2533 = tpu.dynamic_gather %scan3A_1724#12[%gather3A_2532] in [0] : vector<16xf32>, vector<16xi32> -> vector<16xf32>
    %lt3A_2534 = arith.constant 0 : i32
    %lt3A_2535 = vector.broadcast %lt3A_2534 : i32 to vector<16xi32>
    %lt3A_2536 = arith.cmpi slt, %and3A_2523, %lt3A_2535 : vector<16xi32>
    %add3A_2537 = arith.constant 16 : i32
    %add3A_2538 = vector.broadcast %add3A_2537 : i32 to vector<16xi32>
    %add3A_2539 = arith.addi %and3A_2523, %add3A_2538 : vector<16xi32>
    %select_n3A_2540 = arith.select %lt3A_2536, %add3A_2539, %and3A_2523 : vector<16xi1>, vector<16xi32>
    %broadcast_in_dim3A_2541 = vector.shape_cast %select_n3A_2540 : vector<16xi32> to vector<16x1xi32>
    %gather3A_2542 = vector.shape_cast %broadcast_in_dim3A_2541 : vector<16x1xi32> to vector<16xi32>
    %gather3A_2543 = tpu.dynamic_gather %scan3A_1724#13[%gather3A_2542] in [0] : vector<16xi32>, vector<16xi32> -> vector<16xi32>
    %lt3A_2544 = arith.cmpf olt, %gather3A_2533, %scan3A_1724#12 : vector<16xf32>
    %eq3A_2545 = arith.cmpf oeq, %gather3A_2533, %scan3A_1724#12 : vector<16xf32>
    %lt3A_2546 = arith.cmpi slt, %gather3A_2543, %scan3A_1724#13 : vector<16xi32>
    %and3A_2547 = arith.andi %eq3A_2545, %lt3A_2546 : vector<16xi1>
    %or3A_2548 = arith.ori %lt3A_2544, %and3A_2547 : vector<16xi1>
    %select_n3A_2549 = arith.select %or3A_2548, %gather3A_2533, %scan3A_1724#12 : vector<16xi1>, vector<16xf32>
    %select_n3A_2550 = arith.select %or3A_2548, %gather3A_2543, %scan3A_1724#13 : vector<16xi1>, vector<16xi32>
    %add3A_2551 = arith.constant 4 : i32
    %add3A_2552 = vector.broadcast %add3A_2551 : i32 to vector<16xi32>
    %add3A_2553 = arith.addi %iota3A, %add3A_2552 : vector<16xi32>
    %and3A_2554 = arith.constant 15 : i32
    %and3A_2555 = vector.broadcast %and3A_2554 : i32 to vector<16xi32>
    %and3A_2556 = arith.andi %add3A_2553, %and3A_2555 : vector<16xi32>
    %lt3A_2557 = arith.constant 0 : i32
    %lt3A_2558 = vector.broadcast %lt3A_2557 : i32 to vector<16xi32>
    %lt3A_2559 = arith.cmpi slt, %and3A_2556, %lt3A_2558 : vector<16xi32>
    %add3A_2560 = arith.constant 16 : i32
    %add3A_2561 = vector.broadcast %add3A_2560 : i32 to vector<16xi32>
    %add3A_2562 = arith.addi %and3A_2556, %add3A_2561 : vector<16xi32>
    %select_n3A_2563 = arith.select %lt3A_2559, %add3A_2562, %and3A_2556 : vector<16xi1>, vector<16xi32>
    %broadcast_in_dim3A_2564 = vector.shape_cast %select_n3A_2563 : vector<16xi32> to vector<16x1xi32>
    %gather3A_2565 = vector.shape_cast %broadcast_in_dim3A_2564 : vector<16x1xi32> to vector<16xi32>
    %gather3A_2566 = tpu.dynamic_gather %select_n3A_2549[%gather3A_2565] in [0] : vector<16xf32>, vector<16xi32> -> vector<16xf32>
    %lt3A_2567 = arith.constant 0 : i32
    %lt3A_2568 = vector.broadcast %lt3A_2567 : i32 to vector<16xi32>
    %lt3A_2569 = arith.cmpi slt, %and3A_2556, %lt3A_2568 : vector<16xi32>
    %add3A_2570 = arith.constant 16 : i32
    %add3A_2571 = vector.broadcast %add3A_2570 : i32 to vector<16xi32>
    %add3A_2572 = arith.addi %and3A_2556, %add3A_2571 : vector<16xi32>
    %select_n3A_2573 = arith.select %lt3A_2569, %add3A_2572, %and3A_2556 : vector<16xi1>, vector<16xi32>
    %broadcast_in_dim3A_2574 = vector.shape_cast %select_n3A_2573 : vector<16xi32> to vector<16x1xi32>
    %gather3A_2575 = vector.shape_cast %broadcast_in_dim3A_2574 : vector<16x1xi32> to vector<16xi32>
    %gather3A_2576 = tpu.dynamic_gather %select_n3A_2550[%gather3A_2575] in [0] : vector<16xi32>, vector<16xi32> -> vector<16xi32>
    %lt3A_2577 = arith.cmpf olt, %gather3A_2566, %select_n3A_2549 : vector<16xf32>
    %eq3A_2578 = arith.cmpf oeq, %gather3A_2566, %select_n3A_2549 : vector<16xf32>
    %lt3A_2579 = arith.cmpi slt, %gather3A_2576, %select_n3A_2550 : vector<16xi32>
    %and3A_2580 = arith.andi %eq3A_2578, %lt3A_2579 : vector<16xi1>
    %or3A_2581 = arith.ori %lt3A_2577, %and3A_2580 : vector<16xi1>
    %select_n3A_2582 = arith.select %or3A_2581, %gather3A_2566, %select_n3A_2549 : vector<16xi1>, vector<16xf32>
    %select_n3A_2583 = arith.select %or3A_2581, %gather3A_2576, %select_n3A_2550 : vector<16xi1>, vector<16xi32>
    %add3A_2584 = arith.constant 2 : i32
    %add3A_2585 = vector.broadcast %add3A_2584 : i32 to vector<16xi32>
    %add3A_2586 = arith.addi %iota3A, %add3A_2585 : vector<16xi32>
    %and3A_2587 = arith.constant 15 : i32
    %and3A_2588 = vector.broadcast %and3A_2587 : i32 to vector<16xi32>
    %and3A_2589 = arith.andi %add3A_2586, %and3A_2588 : vector<16xi32>
    %lt3A_2590 = arith.constant 0 : i32
    %lt3A_2591 = vector.broadcast %lt3A_2590 : i32 to vector<16xi32>
    %lt3A_2592 = arith.cmpi slt, %and3A_2589, %lt3A_2591 : vector<16xi32>
    %add3A_2593 = arith.constant 16 : i32
    %add3A_2594 = vector.broadcast %add3A_2593 : i32 to vector<16xi32>
    %add3A_2595 = arith.addi %and3A_2589, %add3A_2594 : vector<16xi32>
    %select_n3A_2596 = arith.select %lt3A_2592, %add3A_2595, %and3A_2589 : vector<16xi1>, vector<16xi32>
    %broadcast_in_dim3A_2597 = vector.shape_cast %select_n3A_2596 : vector<16xi32> to vector<16x1xi32>
    %gather3A_2598 = vector.shape_cast %broadcast_in_dim3A_2597 : vector<16x1xi32> to vector<16xi32>
    %gather3A_2599 = tpu.dynamic_gather %select_n3A_2582[%gather3A_2598] in [0] : vector<16xf32>, vector<16xi32> -> vector<16xf32>
    %lt3A_2600 = arith.constant 0 : i32
    %lt3A_2601 = vector.broadcast %lt3A_2600 : i32 to vector<16xi32>
    %lt3A_2602 = arith.cmpi slt, %and3A_2589, %lt3A_2601 : vector<16xi32>
    %add3A_2603 = arith.constant 16 : i32
    %add3A_2604 = vector.broadcast %add3A_2603 : i32 to vector<16xi32>
    %add3A_2605 = arith.addi %and3A_2589, %add3A_2604 : vector<16xi32>
    %select_n3A_2606 = arith.select %lt3A_2602, %add3A_2605, %and3A_2589 : vector<16xi1>, vector<16xi32>
    %broadcast_in_dim3A_2607 = vector.shape_cast %select_n3A_2606 : vector<16xi32> to vector<16x1xi32>
    %gather3A_2608 = vector.shape_cast %broadcast_in_dim3A_2607 : vector<16x1xi32> to vector<16xi32>
    %gather3A_2609 = tpu.dynamic_gather %select_n3A_2583[%gather3A_2608] in [0] : vector<16xi32>, vector<16xi32> -> vector<16xi32>
    %lt3A_2610 = arith.cmpf olt, %gather3A_2599, %select_n3A_2582 : vector<16xf32>
    %eq3A_2611 = arith.cmpf oeq, %gather3A_2599, %select_n3A_2582 : vector<16xf32>
    %lt3A_2612 = arith.cmpi slt, %gather3A_2609, %select_n3A_2583 : vector<16xi32>
    %and3A_2613 = arith.andi %eq3A_2611, %lt3A_2612 : vector<16xi1>
    %or3A_2614 = arith.ori %lt3A_2610, %and3A_2613 : vector<16xi1>
    %select_n3A_2615 = arith.select %or3A_2614, %gather3A_2599, %select_n3A_2582 : vector<16xi1>, vector<16xf32>
    %select_n3A_2616 = arith.select %or3A_2614, %gather3A_2609, %select_n3A_2583 : vector<16xi1>, vector<16xi32>
    %add3A_2617 = arith.constant 1 : i32
    %add3A_2618 = vector.broadcast %add3A_2617 : i32 to vector<16xi32>
    %add3A_2619 = arith.addi %iota3A, %add3A_2618 : vector<16xi32>
    %and3A_2620 = arith.constant 15 : i32
    %and3A_2621 = vector.broadcast %and3A_2620 : i32 to vector<16xi32>
    %and3A_2622 = arith.andi %add3A_2619, %and3A_2621 : vector<16xi32>
    %lt3A_2623 = arith.constant 0 : i32
    %lt3A_2624 = vector.broadcast %lt3A_2623 : i32 to vector<16xi32>
    %lt3A_2625 = arith.cmpi slt, %and3A_2622, %lt3A_2624 : vector<16xi32>
    %add3A_2626 = arith.constant 16 : i32
    %add3A_2627 = vector.broadcast %add3A_2626 : i32 to vector<16xi32>
    %add3A_2628 = arith.addi %and3A_2622, %add3A_2627 : vector<16xi32>
    %select_n3A_2629 = arith.select %lt3A_2625, %add3A_2628, %and3A_2622 : vector<16xi1>, vector<16xi32>
    %broadcast_in_dim3A_2630 = vector.shape_cast %select_n3A_2629 : vector<16xi32> to vector<16x1xi32>
    %gather3A_2631 = vector.shape_cast %broadcast_in_dim3A_2630 : vector<16x1xi32> to vector<16xi32>
    %gather3A_2632 = tpu.dynamic_gather %select_n3A_2615[%gather3A_2631] in [0] : vector<16xf32>, vector<16xi32> -> vector<16xf32>
    %lt3A_2633 = arith.constant 0 : i32
    %lt3A_2634 = vector.broadcast %lt3A_2633 : i32 to vector<16xi32>
    %lt3A_2635 = arith.cmpi slt, %and3A_2622, %lt3A_2634 : vector<16xi32>
    %add3A_2636 = arith.constant 16 : i32
    %add3A_2637 = vector.broadcast %add3A_2636 : i32 to vector<16xi32>
    %add3A_2638 = arith.addi %and3A_2622, %add3A_2637 : vector<16xi32>
    %select_n3A_2639 = arith.select %lt3A_2635, %add3A_2638, %and3A_2622 : vector<16xi1>, vector<16xi32>
    %broadcast_in_dim3A_2640 = vector.shape_cast %select_n3A_2639 : vector<16xi32> to vector<16x1xi32>
    %gather3A_2641 = vector.shape_cast %broadcast_in_dim3A_2640 : vector<16x1xi32> to vector<16xi32>
    %gather3A_2642 = tpu.dynamic_gather %select_n3A_2616[%gather3A_2641] in [0] : vector<16xi32>, vector<16xi32> -> vector<16xi32>
    %lt3A_2643 = arith.cmpf olt, %gather3A_2632, %select_n3A_2615 : vector<16xf32>
    %eq3A_2644 = arith.cmpf oeq, %gather3A_2632, %select_n3A_2615 : vector<16xf32>
    %lt3A_2645 = arith.cmpi slt, %gather3A_2642, %select_n3A_2616 : vector<16xi32>
    %and3A_2646 = arith.andi %eq3A_2644, %lt3A_2645 : vector<16xi1>
    %or3A_2647 = arith.ori %lt3A_2643, %and3A_2646 : vector<16xi1>
    %select_n3A_2648 = arith.select %or3A_2647, %gather3A_2632, %select_n3A_2615 : vector<16xi1>, vector<16xf32>
    %select_n3A_2649 = arith.select %or3A_2647, %gather3A_2642, %select_n3A_2616 : vector<16xi1>, vector<16xi32>
    %add3A_2650 = arith.constant 8 : i32
    %add3A_2651 = vector.broadcast %add3A_2650 : i32 to vector<16xi32>
    %add3A_2652 = arith.addi %iota3A, %add3A_2651 : vector<16xi32>
    %and3A_2653 = arith.constant 15 : i32
    %and3A_2654 = vector.broadcast %and3A_2653 : i32 to vector<16xi32>
    %and3A_2655 = arith.andi %add3A_2652, %and3A_2654 : vector<16xi32>
    %lt3A_2656 = arith.constant 0 : i32
    %lt3A_2657 = vector.broadcast %lt3A_2656 : i32 to vector<16xi32>
    %lt3A_2658 = arith.cmpi slt, %and3A_2655, %lt3A_2657 : vector<16xi32>
    %add3A_2659 = arith.constant 16 : i32
    %add3A_2660 = vector.broadcast %add3A_2659 : i32 to vector<16xi32>
    %add3A_2661 = arith.addi %and3A_2655, %add3A_2660 : vector<16xi32>
    %select_n3A_2662 = arith.select %lt3A_2658, %add3A_2661, %and3A_2655 : vector<16xi1>, vector<16xi32>
    %broadcast_in_dim3A_2663 = vector.shape_cast %select_n3A_2662 : vector<16xi32> to vector<16x1xi32>
    %gather3A_2664 = vector.shape_cast %broadcast_in_dim3A_2663 : vector<16x1xi32> to vector<16xi32>
    %gather3A_2665 = tpu.dynamic_gather %scan3A_1724#14[%gather3A_2664] in [0] : vector<16xf32>, vector<16xi32> -> vector<16xf32>
    %lt3A_2666 = arith.constant 0 : i32
    %lt3A_2667 = vector.broadcast %lt3A_2666 : i32 to vector<16xi32>
    %lt3A_2668 = arith.cmpi slt, %and3A_2655, %lt3A_2667 : vector<16xi32>
    %add3A_2669 = arith.constant 16 : i32
    %add3A_2670 = vector.broadcast %add3A_2669 : i32 to vector<16xi32>
    %add3A_2671 = arith.addi %and3A_2655, %add3A_2670 : vector<16xi32>
    %select_n3A_2672 = arith.select %lt3A_2668, %add3A_2671, %and3A_2655 : vector<16xi1>, vector<16xi32>
    %broadcast_in_dim3A_2673 = vector.shape_cast %select_n3A_2672 : vector<16xi32> to vector<16x1xi32>
    %gather3A_2674 = vector.shape_cast %broadcast_in_dim3A_2673 : vector<16x1xi32> to vector<16xi32>
    %gather3A_2675 = tpu.dynamic_gather %scan3A_1724#15[%gather3A_2674] in [0] : vector<16xi32>, vector<16xi32> -> vector<16xi32>
    %lt3A_2676 = arith.cmpf olt, %gather3A_2665, %scan3A_1724#14 : vector<16xf32>
    %eq3A_2677 = arith.cmpf oeq, %gather3A_2665, %scan3A_1724#14 : vector<16xf32>
    %lt3A_2678 = arith.cmpi slt, %gather3A_2675, %scan3A_1724#15 : vector<16xi32>
    %and3A_2679 = arith.andi %eq3A_2677, %lt3A_2678 : vector<16xi1>
    %or3A_2680 = arith.ori %lt3A_2676, %and3A_2679 : vector<16xi1>
    %select_n3A_2681 = arith.select %or3A_2680, %gather3A_2665, %scan3A_1724#14 : vector<16xi1>, vector<16xf32>
    %select_n3A_2682 = arith.select %or3A_2680, %gather3A_2675, %scan3A_1724#15 : vector<16xi1>, vector<16xi32>
    %add3A_2683 = arith.constant 4 : i32
    %add3A_2684 = vector.broadcast %add3A_2683 : i32 to vector<16xi32>
    %add3A_2685 = arith.addi %iota3A, %add3A_2684 : vector<16xi32>
    %and3A_2686 = arith.constant 15 : i32
    %and3A_2687 = vector.broadcast %and3A_2686 : i32 to vector<16xi32>
    %and3A_2688 = arith.andi %add3A_2685, %and3A_2687 : vector<16xi32>
    %lt3A_2689 = arith.constant 0 : i32
    %lt3A_2690 = vector.broadcast %lt3A_2689 : i32 to vector<16xi32>
    %lt3A_2691 = arith.cmpi slt, %and3A_2688, %lt3A_2690 : vector<16xi32>
    %add3A_2692 = arith.constant 16 : i32
    %add3A_2693 = vector.broadcast %add3A_2692 : i32 to vector<16xi32>
    %add3A_2694 = arith.addi %and3A_2688, %add3A_2693 : vector<16xi32>
    %select_n3A_2695 = arith.select %lt3A_2691, %add3A_2694, %and3A_2688 : vector<16xi1>, vector<16xi32>
    %broadcast_in_dim3A_2696 = vector.shape_cast %select_n3A_2695 : vector<16xi32> to vector<16x1xi32>
    %gather3A_2697 = vector.shape_cast %broadcast_in_dim3A_2696 : vector<16x1xi32> to vector<16xi32>
    %gather3A_2698 = tpu.dynamic_gather %select_n3A_2681[%gather3A_2697] in [0] : vector<16xf32>, vector<16xi32> -> vector<16xf32>
    %lt3A_2699 = arith.constant 0 : i32
    %lt3A_2700 = vector.broadcast %lt3A_2699 : i32 to vector<16xi32>
    %lt3A_2701 = arith.cmpi slt, %and3A_2688, %lt3A_2700 : vector<16xi32>
    %add3A_2702 = arith.constant 16 : i32
    %add3A_2703 = vector.broadcast %add3A_2702 : i32 to vector<16xi32>
    %add3A_2704 = arith.addi %and3A_2688, %add3A_2703 : vector<16xi32>
    %select_n3A_2705 = arith.select %lt3A_2701, %add3A_2704, %and3A_2688 : vector<16xi1>, vector<16xi32>
    %broadcast_in_dim3A_2706 = vector.shape_cast %select_n3A_2705 : vector<16xi32> to vector<16x1xi32>
    %gather3A_2707 = vector.shape_cast %broadcast_in_dim3A_2706 : vector<16x1xi32> to vector<16xi32>
    %gather3A_2708 = tpu.dynamic_gather %select_n3A_2682[%gather3A_2707] in [0] : vector<16xi32>, vector<16xi32> -> vector<16xi32>
    %lt3A_2709 = arith.cmpf olt, %gather3A_2698, %select_n3A_2681 : vector<16xf32>
    %eq3A_2710 = arith.cmpf oeq, %gather3A_2698, %select_n3A_2681 : vector<16xf32>
    %lt3A_2711 = arith.cmpi slt, %gather3A_2708, %select_n3A_2682 : vector<16xi32>
    %and3A_2712 = arith.andi %eq3A_2710, %lt3A_2711 : vector<16xi1>
    %or3A_2713 = arith.ori %lt3A_2709, %and3A_2712 : vector<16xi1>
    %select_n3A_2714 = arith.select %or3A_2713, %gather3A_2698, %select_n3A_2681 : vector<16xi1>, vector<16xf32>
    %select_n3A_2715 = arith.select %or3A_2713, %gather3A_2708, %select_n3A_2682 : vector<16xi1>, vector<16xi32>
    %add3A_2716 = arith.constant 2 : i32
    %add3A_2717 = vector.broadcast %add3A_2716 : i32 to vector<16xi32>
    %add3A_2718 = arith.addi %iota3A, %add3A_2717 : vector<16xi32>
    %and3A_2719 = arith.constant 15 : i32
    %and3A_2720 = vector.broadcast %and3A_2719 : i32 to vector<16xi32>
    %and3A_2721 = arith.andi %add3A_2718, %and3A_2720 : vector<16xi32>
    %lt3A_2722 = arith.constant 0 : i32
    %lt3A_2723 = vector.broadcast %lt3A_2722 : i32 to vector<16xi32>
    %lt3A_2724 = arith.cmpi slt, %and3A_2721, %lt3A_2723 : vector<16xi32>
    %add3A_2725 = arith.constant 16 : i32
    %add3A_2726 = vector.broadcast %add3A_2725 : i32 to vector<16xi32>
    %add3A_2727 = arith.addi %and3A_2721, %add3A_2726 : vector<16xi32>
    %select_n3A_2728 = arith.select %lt3A_2724, %add3A_2727, %and3A_2721 : vector<16xi1>, vector<16xi32>
    %broadcast_in_dim3A_2729 = vector.shape_cast %select_n3A_2728 : vector<16xi32> to vector<16x1xi32>
    %gather3A_2730 = vector.shape_cast %broadcast_in_dim3A_2729 : vector<16x1xi32> to vector<16xi32>
    %gather3A_2731 = tpu.dynamic_gather %select_n3A_2714[%gather3A_2730] in [0] : vector<16xf32>, vector<16xi32> -> vector<16xf32>
    %lt3A_2732 = arith.constant 0 : i32
    %lt3A_2733 = vector.broadcast %lt3A_2732 : i32 to vector<16xi32>
    %lt3A_2734 = arith.cmpi slt, %and3A_2721, %lt3A_2733 : vector<16xi32>
    %add3A_2735 = arith.constant 16 : i32
    %add3A_2736 = vector.broadcast %add3A_2735 : i32 to vector<16xi32>
    %add3A_2737 = arith.addi %and3A_2721, %add3A_2736 : vector<16xi32>
    %select_n3A_2738 = arith.select %lt3A_2734, %add3A_2737, %and3A_2721 : vector<16xi1>, vector<16xi32>
    %broadcast_in_dim3A_2739 = vector.shape_cast %select_n3A_2738 : vector<16xi32> to vector<16x1xi32>
    %gather3A_2740 = vector.shape_cast %broadcast_in_dim3A_2739 : vector<16x1xi32> to vector<16xi32>
    %gather3A_2741 = tpu.dynamic_gather %select_n3A_2715[%gather3A_2740] in [0] : vector<16xi32>, vector<16xi32> -> vector<16xi32>
    %lt3A_2742 = arith.cmpf olt, %gather3A_2731, %select_n3A_2714 : vector<16xf32>
    %eq3A_2743 = arith.cmpf oeq, %gather3A_2731, %select_n3A_2714 : vector<16xf32>
    %lt3A_2744 = arith.cmpi slt, %gather3A_2741, %select_n3A_2715 : vector<16xi32>
    %and3A_2745 = arith.andi %eq3A_2743, %lt3A_2744 : vector<16xi1>
    %or3A_2746 = arith.ori %lt3A_2742, %and3A_2745 : vector<16xi1>
    %select_n3A_2747 = arith.select %or3A_2746, %gather3A_2731, %select_n3A_2714 : vector<16xi1>, vector<16xf32>
    %select_n3A_2748 = arith.select %or3A_2746, %gather3A_2741, %select_n3A_2715 : vector<16xi1>, vector<16xi32>
    %add3A_2749 = arith.constant 1 : i32
    %add3A_2750 = vector.broadcast %add3A_2749 : i32 to vector<16xi32>
    %add3A_2751 = arith.addi %iota3A, %add3A_2750 : vector<16xi32>
    %and3A_2752 = arith.constant 15 : i32
    %and3A_2753 = vector.broadcast %and3A_2752 : i32 to vector<16xi32>
    %and3A_2754 = arith.andi %add3A_2751, %and3A_2753 : vector<16xi32>
    %lt3A_2755 = arith.constant 0 : i32
    %lt3A_2756 = vector.broadcast %lt3A_2755 : i32 to vector<16xi32>
    %lt3A_2757 = arith.cmpi slt, %and3A_2754, %lt3A_2756 : vector<16xi32>
    %add3A_2758 = arith.constant 16 : i32
    %add3A_2759 = vector.broadcast %add3A_2758 : i32 to vector<16xi32>
    %add3A_2760 = arith.addi %and3A_2754, %add3A_2759 : vector<16xi32>
    %select_n3A_2761 = arith.select %lt3A_2757, %add3A_2760, %and3A_2754 : vector<16xi1>, vector<16xi32>
    %broadcast_in_dim3A_2762 = vector.shape_cast %select_n3A_2761 : vector<16xi32> to vector<16x1xi32>
    %gather3A_2763 = vector.shape_cast %broadcast_in_dim3A_2762 : vector<16x1xi32> to vector<16xi32>
    %gather3A_2764 = tpu.dynamic_gather %select_n3A_2747[%gather3A_2763] in [0] : vector<16xf32>, vector<16xi32> -> vector<16xf32>
    %lt3A_2765 = arith.constant 0 : i32
    %lt3A_2766 = vector.broadcast %lt3A_2765 : i32 to vector<16xi32>
    %lt3A_2767 = arith.cmpi slt, %and3A_2754, %lt3A_2766 : vector<16xi32>
    %add3A_2768 = arith.constant 16 : i32
    %add3A_2769 = vector.broadcast %add3A_2768 : i32 to vector<16xi32>
    %add3A_2770 = arith.addi %and3A_2754, %add3A_2769 : vector<16xi32>
    %select_n3A_2771 = arith.select %lt3A_2767, %add3A_2770, %and3A_2754 : vector<16xi1>, vector<16xi32>
    %broadcast_in_dim3A_2772 = vector.shape_cast %select_n3A_2771 : vector<16xi32> to vector<16x1xi32>
    %gather3A_2773 = vector.shape_cast %broadcast_in_dim3A_2772 : vector<16x1xi32> to vector<16xi32>
    %gather3A_2774 = tpu.dynamic_gather %select_n3A_2748[%gather3A_2773] in [0] : vector<16xi32>, vector<16xi32> -> vector<16xi32>
    %lt3A_2775 = arith.cmpf olt, %gather3A_2764, %select_n3A_2747 : vector<16xf32>
    %eq3A_2776 = arith.cmpf oeq, %gather3A_2764, %select_n3A_2747 : vector<16xf32>
    %lt3A_2777 = arith.cmpi slt, %gather3A_2774, %select_n3A_2748 : vector<16xi32>
    %and3A_2778 = arith.andi %eq3A_2776, %lt3A_2777 : vector<16xi1>
    %or3A_2779 = arith.ori %lt3A_2775, %and3A_2778 : vector<16xi1>
    %select_n3A_2780 = arith.select %or3A_2779, %gather3A_2764, %select_n3A_2747 : vector<16xi1>, vector<16xf32>
    %select_n3A_2781 = arith.select %or3A_2779, %gather3A_2774, %select_n3A_2748 : vector<16xi1>, vector<16xi32>
    %eq3A_2782 = arith.constant 8 : i32
    %eq3A_2783 = vector.broadcast %eq3A_2782 : i32 to vector<16xi32>
    %eq3A_2784 = arith.cmpi eq, %iota3A, %eq3A_2783 : vector<16xi32>
    %select_n3A_2785 = arith.select %eq3A_2784, %select_n3A_1856, %select_n3A_1430 : vector<16xi1>, vector<16xf32>
    %select_n3A_2786 = arith.select %eq3A_2784, %select_n3A_1857, %select_n3A_1431 : vector<16xi1>, vector<16xi32>
    %eq3A_2787 = arith.constant 9 : i32
    %eq3A_2788 = vector.broadcast %eq3A_2787 : i32 to vector<16xi32>
    %eq3A_2789 = arith.cmpi eq, %iota3A, %eq3A_2788 : vector<16xi32>
    %select_n3A_2790 = arith.select %eq3A_2789, %select_n3A_1988, %select_n3A_2785 : vector<16xi1>, vector<16xf32>
    %select_n3A_2791 = arith.select %eq3A_2789, %select_n3A_1989, %select_n3A_2786 : vector<16xi1>, vector<16xi32>
    %eq3A_2792 = arith.constant 10 : i32
    %eq3A_2793 = vector.broadcast %eq3A_2792 : i32 to vector<16xi32>
    %eq3A_2794 = arith.cmpi eq, %iota3A, %eq3A_2793 : vector<16xi32>
    %select_n3A_2795 = arith.select %eq3A_2794, %select_n3A_2120, %select_n3A_2790 : vector<16xi1>, vector<16xf32>
    %select_n3A_2796 = arith.select %eq3A_2794, %select_n3A_2121, %select_n3A_2791 : vector<16xi1>, vector<16xi32>
    %eq3A_2797 = arith.constant 11 : i32
    %eq3A_2798 = vector.broadcast %eq3A_2797 : i32 to vector<16xi32>
    %eq3A_2799 = arith.cmpi eq, %iota3A, %eq3A_2798 : vector<16xi32>
    %select_n3A_2800 = arith.select %eq3A_2799, %select_n3A_2252, %select_n3A_2795 : vector<16xi1>, vector<16xf32>
    %select_n3A_2801 = arith.select %eq3A_2799, %select_n3A_2253, %select_n3A_2796 : vector<16xi1>, vector<16xi32>
    %eq3A_2802 = arith.constant 12 : i32
    %eq3A_2803 = vector.broadcast %eq3A_2802 : i32 to vector<16xi32>
    %eq3A_2804 = arith.cmpi eq, %iota3A, %eq3A_2803 : vector<16xi32>
    %select_n3A_2805 = arith.select %eq3A_2804, %select_n3A_2384, %select_n3A_2800 : vector<16xi1>, vector<16xf32>
    %select_n3A_2806 = arith.select %eq3A_2804, %select_n3A_2385, %select_n3A_2801 : vector<16xi1>, vector<16xi32>
    %eq3A_2807 = arith.constant 13 : i32
    %eq3A_2808 = vector.broadcast %eq3A_2807 : i32 to vector<16xi32>
    %eq3A_2809 = arith.cmpi eq, %iota3A, %eq3A_2808 : vector<16xi32>
    %select_n3A_2810 = arith.select %eq3A_2809, %select_n3A_2516, %select_n3A_2805 : vector<16xi1>, vector<16xf32>
    %select_n3A_2811 = arith.select %eq3A_2809, %select_n3A_2517, %select_n3A_2806 : vector<16xi1>, vector<16xi32>
    %eq3A_2812 = arith.constant 14 : i32
    %eq3A_2813 = vector.broadcast %eq3A_2812 : i32 to vector<16xi32>
    %eq3A_2814 = arith.cmpi eq, %iota3A, %eq3A_2813 : vector<16xi32>
    %select_n3A_2815 = arith.select %eq3A_2814, %select_n3A_2648, %select_n3A_2810 : vector<16xi1>, vector<16xf32>
    %select_n3A_2816 = arith.select %eq3A_2814, %select_n3A_2649, %select_n3A_2811 : vector<16xi1>, vector<16xi32>
    %eq3A_2817 = arith.constant 15 : i32
    %eq3A_2818 = vector.broadcast %eq3A_2817 : i32 to vector<16xi32>
    %eq3A_2819 = arith.cmpi eq, %iota3A, %eq3A_2818 : vector<16xi32>
    %select_n3A_2820 = arith.select %eq3A_2819, %select_n3A_2780, %select_n3A_2815 : vector<16xi1>, vector<16xf32>
    %select_n3A_2821 = arith.select %eq3A_2819, %select_n3A_2781, %select_n3A_2816 : vector<16xi1>, vector<16xi32>
    %le3A = arith.constant 2.500000e+01 : f32
    %le3A_2822 = vector.broadcast %le3A : f32 to vector<16xf32>
    %le3A_2823 = arith.cmpf ole, %select_n3A_2820, %le3A_2822 : vector<16xf32>
    %jit3A_2824 = arith.constant 1.000000e+00 : f32
    %jit3A_2825 = arith.constant 0.000000e+00 : f32
    %broadcast_in_dim3A_2826 = vector.broadcast %jit3A_2824 : f32 to vector<16xf32>
    %broadcast_in_dim3A_2827 = vector.broadcast %jit3A_2825 : f32 to vector<16xf32>
    %select_n3A_2828 = arith.select %le3A_2823, %broadcast_in_dim3A_2826, %broadcast_in_dim3A_2827 : vector<16xi1>, vector<16xf32>
    %swap3A = arith.constant 0 : i32
    %swap3A_2829 = arith.index_cast %swap3A : i32 to index
    %swap3A_2830 = arith.constant 0 : index
    %swap3A_2831 = tpu.vector_load %arg8[%swap3A_2829, %swap3A_2830] {strides = array<i32>} : memref<2x16xf32, #tpu.memory_space<vmem>>, vector<16xf32>,
    tpu.vector_store %arg8[%swap3A_2829, %swap3A_2830], %select_n3A_2828 {strides = array<i32>} : memref<2x16xf32, #tpu.memory_space<vmem>>, vector<16xf32>,
    %convert_element_type3A = arith.sitofp %select_n3A_2821 : vector<16xi32> to vector<16xf32>
    %swap3A_2832 = arith.constant 1 : i32
    %swap3A_2833 = arith.index_cast %swap3A_2832 : i32 to index
    %swap3A_2834 = arith.constant 0 : index
    %swap3A_2835 = tpu.vector_load %arg8[%swap3A_2833, %swap3A_2834] {strides = array<i32>} : memref<2x16xf32, #tpu.memory_space<vmem>>, vector<16xf32>,
    tpu.vector_store %arg8[%swap3A_2833, %swap3A_2834], %convert_element_type3A {strides = array<i32>} : memref<2x16xf32, #tpu.memory_space<vmem>>, vector<16xf32>,
    %add3A_2836 = arith.constant 32 : i32
    %add3A_2837 = arith.addi %add3A_2836, %arg1 : i32
    "tpu.region"() ({
      %run_scoped3A = tpu.sem_alloc : memref<!tpu.dma_semaphore, #tpu.memory_space<semaphore_mem>>
      %dma_start3A = arith.constant 0 : i32
      %dma_start3A_2842 = arith.constant 0 : i32
      %dma_start3A_2843 = tpu.memref_slice %arg11[%add3A_2837, %dma_start3A, %dma_start3A_2842] : memref<48x2x16xf32, #tpu.memory_space<vmem_shared>> -> memref<1x2x16xf32, #tpu.memory_space<vmem_shared>>
      %dma_start3A_2844 = tpu.memref_squeeze %dma_start3A_2843 : memref<1x2x16xf32, #tpu.memory_space<vmem_shared>> -> memref<2x16xf32, #tpu.memory_space<vmem_shared>>
      %dma_start3A_2845 = arith.constant 0 : i32
      %dma_start3A_2846 = arith.constant 0 : i32
      %dma_start3A_2847 = tpu.memref_slice %arg11[%add3A_2837, %dma_start3A_2845, %dma_start3A_2846] : memref<48x2x16xf32, #tpu.memory_space<vmem_shared>> -> memref<1x2x16xf32, #tpu.memory_space<vmem_shared>>
      %dma_start3A_2848 = tpu.memref_squeeze %dma_start3A_2847 : memref<1x2x16xf32, #tpu.memory_space<vmem_shared>> -> memref<2x16xf32, #tpu.memory_space<vmem_shared>>
      tpu.enqueue_dma source(%arg8 : memref<2x16xf32, #tpu.memory_space<vmem>>) target(%dma_start3A_2848 : memref<2x16xf32, #tpu.memory_space<vmem_shared>>) target_semaphore(%run_scoped3A : memref<!tpu.dma_semaphore, #tpu.memory_space<semaphore_mem>>)
      %dma_wait3A = arith.constant 0 : i32
      %dma_wait3A_2849 = arith.constant 0 : i32
      %dma_wait3A_2850 = tpu.memref_slice %arg11[%add3A_2837, %dma_wait3A, %dma_wait3A_2849] : memref<48x2x16xf32, #tpu.memory_space<vmem_shared>> -> memref<1x2x16xf32, #tpu.memory_space<vmem_shared>>
      %dma_wait3A_2851 = tpu.memref_squeeze %dma_wait3A_2850 : memref<1x2x16xf32, #tpu.memory_space<vmem_shared>> -> memref<2x16xf32, #tpu.memory_space<vmem_shared>>
      %dma_wait3A_2852 = arith.constant 0 : i32
      %dma_wait3A_2853 = arith.constant 0 : i32
      %dma_wait3A_2854 = tpu.memref_slice %arg11[%add3A_2837, %dma_wait3A_2852, %dma_wait3A_2853] : memref<48x2x16xf32, #tpu.memory_space<vmem_shared>> -> memref<1x2x16xf32, #tpu.memory_space<vmem_shared>>
      %dma_wait3A_2855 = tpu.memref_squeeze %dma_wait3A_2854 : memref<1x2x16xf32, #tpu.memory_space<vmem_shared>> -> memref<2x16xf32, #tpu.memory_space<vmem_shared>>
      tpu.wait_dma2 semaphore(%run_scoped3A : memref<!tpu.dma_semaphore, #tpu.memory_space<semaphore_mem>>) src(%arg8 : memref<2x16xf32, #tpu.memory_space<vmem>>) dst(%dma_wait3A_2855 : memref<2x16xf32, #tpu.memory_space<vmem_shared>>)
      tpu.yield
    }) : () -> ()
    %barrier3A = arith.constant 0 : index
    tpu.barrier barrier_id(%barrier3A)
    %eq3A_2838 = arith.constant 0 : i32
    %eq3A_2839 = arith.cmpi eq, %select_n3A_30, %eq3A_2838 : i32
    %convert_element_type3A_2840 = arith.extui %eq3A_2839 : i1 to i32
    %cond3A = arith.constant 0 : i32
    %cond3A_2841 = arith.cmpi ne, %convert_element_type3A_2840, %cond3A : i32
    scf.if %cond3A_2841 {
      "tpu.region"() ({
        %run_scoped3A = tpu.sem_alloc : memref<!tpu.dma_semaphore, #tpu.memory_space<semaphore_mem>>
        %dma_start3A = arith.constant 32 : i32
        %dma_start3A_3080 = arith.constant 0 : i32
        %dma_start3A_3081 = arith.constant 0 : i32
        %dma_start3A_3082 = tpu.memref_slice %arg11[%dma_start3A, %dma_start3A_3080, %dma_start3A_3081] : memref<48x2x16xf32, #tpu.memory_space<vmem_shared>> -> memref<16x2x16xf32, #tpu.memory_space<vmem_shared>>
        %dma_start3A_3083 = arith.constant 32 : i32
        %dma_start3A_3084 = arith.constant 0 : i32
        %dma_start3A_3085 = arith.constant 0 : i32
        %dma_start3A_3086 = tpu.memref_slice %arg11[%dma_start3A_3083, %dma_start3A_3084, %dma_start3A_3085] : memref<48x2x16xf32, #tpu.memory_space<vmem_shared>> -> memref<16x2x16xf32, #tpu.memory_space<vmem_shared>>
        tpu.enqueue_dma source(%dma_start3A_3086 : memref<16x2x16xf32, #tpu.memory_space<vmem_shared>>) target(%arg9 : memref<16x2x16xf32, #tpu.memory_space<vmem>>) target_semaphore(%run_scoped3A : memref<!tpu.dma_semaphore, #tpu.memory_space<semaphore_mem>>)
        %dma_wait3A = arith.constant 32 : i32
        %dma_wait3A_3087 = arith.constant 0 : i32
        %dma_wait3A_3088 = arith.constant 0 : i32
        %dma_wait3A_3089 = tpu.memref_slice %arg11[%dma_wait3A, %dma_wait3A_3087, %dma_wait3A_3088] : memref<48x2x16xf32, #tpu.memory_space<vmem_shared>> -> memref<16x2x16xf32, #tpu.memory_space<vmem_shared>>
        %dma_wait3A_3090 = arith.constant 32 : i32
        %dma_wait3A_3091 = arith.constant 0 : i32
        %dma_wait3A_3092 = arith.constant 0 : i32
        %dma_wait3A_3093 = tpu.memref_slice %arg11[%dma_wait3A_3090, %dma_wait3A_3091, %dma_wait3A_3092] : memref<48x2x16xf32, #tpu.memory_space<vmem_shared>> -> memref<16x2x16xf32, #tpu.memory_space<vmem_shared>>
        tpu.wait_dma2 semaphore(%run_scoped3A : memref<!tpu.dma_semaphore, #tpu.memory_space<semaphore_mem>>) src(%dma_wait3A_3093 : memref<16x2x16xf32, #tpu.memory_space<vmem_shared>>) dst(%arg9 : memref<16x2x16xf32, #tpu.memory_space<vmem>>)
        tpu.yield
      }) : () -> ()
      %jit3A_2842 = arith.constant 8 : i32
      %div3A_2843 = arith.divsi %arg1, %jit3A_2842 : i32
      %sign3A_2844 = arith.constant 0 : i32
      %sign3A_2845 = arith.cmpi sgt, %arg1, %sign3A_2844 : i32
      %sign3A_2846 = arith.extui %sign3A_2845 : i1 to i32
      %sign3A_2847 = arith.constant 0 : i32
      %sign3A_2848 = arith.cmpi slt, %arg1, %sign3A_2847 : i32
      %sign3A_2849 = arith.extui %sign3A_2848 : i1 to i32
      %sign3A_2850 = arith.subi %sign3A_2846, %sign3A_2849 : i32
      %sign3A_2851 = arith.constant 0 : i32
      %sign3A_2852 = arith.cmpi sgt, %jit3A_2842, %sign3A_2851 : i32
      %sign3A_2853 = arith.extui %sign3A_2852 : i1 to i32
      %sign3A_2854 = arith.constant 0 : i32
      %sign3A_2855 = arith.cmpi slt, %jit3A_2842, %sign3A_2854 : i32
      %sign3A_2856 = arith.extui %sign3A_2855 : i1 to i32
      %sign3A_2857 = arith.subi %sign3A_2853, %sign3A_2856 : i32
      %ne3A_2858 = arith.cmpi ne, %sign3A_2850, %sign3A_2857 : i32
      %rem3A_2859 = arith.remsi %arg1, %jit3A_2842 : i32
      %ne3A_2860 = arith.constant 0 : i32
      %ne3A_2861 = arith.cmpi ne, %rem3A_2859, %ne3A_2860 : i32
      %and3A_2862 = arith.andi %ne3A_2858, %ne3A_2861 : i1
      %sub3A_2863 = arith.constant 1 : i32
      %sub3A_2864 = arith.subi %div3A_2843, %sub3A_2863 : i32
      %select_n3A_2865 = arith.select %and3A_2862, %sub3A_2864, %div3A_2843 : i32
      %mul3A_2866 = arith.constant 8 : i32
      %mul3A_2867 = arith.muli %select_n3A_2865, %mul3A_2866 : i32
      %broadcast_in_dim3A_2868 = arith.constant 0 : i32
      %broadcast_in_dim3A_2869 = vector.broadcast %broadcast_in_dim3A_2868 : i32 to vector<16xi32>
      %iota3A_2870 = tpu.iota {dimensions = array<i32: 0>} : vector<16xi32>
      %add3A_2871 = arith.constant 0 : i32
      %add3A_2872 = arith.addi %mul3A_2867, %add3A_2871 : i32
      %get3A_2873 = arith.constant 0 : i32
      %get3A_2874 = arith.index_cast %add3A_2872 : i32 to index
      %get3A_2875 = arith.index_cast %get3A_2873 : i32 to index
      %get3A_2876 = arith.constant 0 : index
      %get3A_2877 = tpu.vector_load %arg9[%get3A_2874, %get3A_2875, %get3A_2876] {strides = array<i32>} : memref<16x2x16xf32, #tpu.memory_space<vmem>>, vector<16xf32>,
      %gt3A = arith.constant 5.000000e-01 : f32
      %gt3A_2878 = vector.broadcast %gt3A : f32 to vector<16xf32>
      %gt3A_2879 = arith.cmpf ogt, %get3A_2877, %gt3A_2878 : vector<16xf32>
      %add3A_2880 = arith.constant 1 : i32
      %add3A_2881 = arith.addi %mul3A_2867, %add3A_2880 : i32
      %get3A_2882 = arith.constant 0 : i32
      %get3A_2883 = arith.index_cast %add3A_2881 : i32 to index
      %get3A_2884 = arith.index_cast %get3A_2882 : i32 to index
      %get3A_2885 = arith.constant 0 : index
      %get3A_2886 = tpu.vector_load %arg9[%get3A_2883, %get3A_2884, %get3A_2885] {strides = array<i32>} : memref<16x2x16xf32, #tpu.memory_space<vmem>>, vector<16xf32>,
      %gt3A_2887 = arith.constant 5.000000e-01 : f32
      %gt3A_2888 = vector.broadcast %gt3A_2887 : f32 to vector<16xf32>
      %gt3A_2889 = arith.cmpf ogt, %get3A_2886, %gt3A_2888 : vector<16xf32>
      %add3A_2890 = arith.constant 2 : i32
      %add3A_2891 = arith.addi %mul3A_2867, %add3A_2890 : i32
      %get3A_2892 = arith.constant 0 : i32
      %get3A_2893 = arith.index_cast %add3A_2891 : i32 to index
      %get3A_2894 = arith.index_cast %get3A_2892 : i32 to index
      %get3A_2895 = arith.constant 0 : index
      %get3A_2896 = tpu.vector_load %arg9[%get3A_2893, %get3A_2894, %get3A_2895] {strides = array<i32>} : memref<16x2x16xf32, #tpu.memory_space<vmem>>, vector<16xf32>,
      %gt3A_2897 = arith.constant 5.000000e-01 : f32
      %gt3A_2898 = vector.broadcast %gt3A_2897 : f32 to vector<16xf32>
      %gt3A_2899 = arith.cmpf ogt, %get3A_2896, %gt3A_2898 : vector<16xf32>
      %add3A_2900 = arith.constant 3 : i32
      %add3A_2901 = arith.addi %mul3A_2867, %add3A_2900 : i32
      %get3A_2902 = arith.constant 0 : i32
      %get3A_2903 = arith.index_cast %add3A_2901 : i32 to index
      %get3A_2904 = arith.index_cast %get3A_2902 : i32 to index
      %get3A_2905 = arith.constant 0 : index
      %get3A_2906 = tpu.vector_load %arg9[%get3A_2903, %get3A_2904, %get3A_2905] {strides = array<i32>} : memref<16x2x16xf32, #tpu.memory_space<vmem>>, vector<16xf32>,
      %gt3A_2907 = arith.constant 5.000000e-01 : f32
      %gt3A_2908 = vector.broadcast %gt3A_2907 : f32 to vector<16xf32>
      %gt3A_2909 = arith.cmpf ogt, %get3A_2906, %gt3A_2908 : vector<16xf32>
      %add3A_2910 = arith.constant 4 : i32
      %add3A_2911 = arith.addi %mul3A_2867, %add3A_2910 : i32
      %get3A_2912 = arith.constant 0 : i32
      %get3A_2913 = arith.index_cast %add3A_2911 : i32 to index
      %get3A_2914 = arith.index_cast %get3A_2912 : i32 to index
      %get3A_2915 = arith.constant 0 : index
      %get3A_2916 = tpu.vector_load %arg9[%get3A_2913, %get3A_2914, %get3A_2915] {strides = array<i32>} : memref<16x2x16xf32, #tpu.memory_space<vmem>>, vector<16xf32>,
      %gt3A_2917 = arith.constant 5.000000e-01 : f32
      %gt3A_2918 = vector.broadcast %gt3A_2917 : f32 to vector<16xf32>
      %gt3A_2919 = arith.cmpf ogt, %get3A_2916, %gt3A_2918 : vector<16xf32>
      %add3A_2920 = arith.constant 5 : i32
      %add3A_2921 = arith.addi %mul3A_2867, %add3A_2920 : i32
      %get3A_2922 = arith.constant 0 : i32
      %get3A_2923 = arith.index_cast %add3A_2921 : i32 to index
      %get3A_2924 = arith.index_cast %get3A_2922 : i32 to index
      %get3A_2925 = arith.constant 0 : index
      %get3A_2926 = tpu.vector_load %arg9[%get3A_2923, %get3A_2924, %get3A_2925] {strides = array<i32>} : memref<16x2x16xf32, #tpu.memory_space<vmem>>, vector<16xf32>,
      %gt3A_2927 = arith.constant 5.000000e-01 : f32
      %gt3A_2928 = vector.broadcast %gt3A_2927 : f32 to vector<16xf32>
      %gt3A_2929 = arith.cmpf ogt, %get3A_2926, %gt3A_2928 : vector<16xf32>
      %add3A_2930 = arith.constant 6 : i32
      %add3A_2931 = arith.addi %mul3A_2867, %add3A_2930 : i32
      %get3A_2932 = arith.constant 0 : i32
      %get3A_2933 = arith.index_cast %add3A_2931 : i32 to index
      %get3A_2934 = arith.index_cast %get3A_2932 : i32 to index
      %get3A_2935 = arith.constant 0 : index
      %get3A_2936 = tpu.vector_load %arg9[%get3A_2933, %get3A_2934, %get3A_2935] {strides = array<i32>} : memref<16x2x16xf32, #tpu.memory_space<vmem>>, vector<16xf32>,
      %gt3A_2937 = arith.constant 5.000000e-01 : f32
      %gt3A_2938 = vector.broadcast %gt3A_2937 : f32 to vector<16xf32>
      %gt3A_2939 = arith.cmpf ogt, %get3A_2936, %gt3A_2938 : vector<16xf32>
      %add3A_2940 = arith.constant 7 : i32
      %add3A_2941 = arith.addi %mul3A_2867, %add3A_2940 : i32
      %get3A_2942 = arith.constant 0 : i32
      %get3A_2943 = arith.index_cast %add3A_2941 : i32 to index
      %get3A_2944 = arith.index_cast %get3A_2942 : i32 to index
      %get3A_2945 = arith.constant 0 : index
      %get3A_2946 = tpu.vector_load %arg9[%get3A_2943, %get3A_2944, %get3A_2945] {strides = array<i32>} : memref<16x2x16xf32, #tpu.memory_space<vmem>>, vector<16xf32>,
      %gt3A_2947 = arith.constant 5.000000e-01 : f32
      %gt3A_2948 = vector.broadcast %gt3A_2947 : f32 to vector<16xf32>
      %gt3A_2949 = arith.cmpf ogt, %get3A_2946, %gt3A_2948 : vector<16xf32>
      %add3A_2950 = arith.constant 0 : i32
      %add3A_2951 = arith.addi %mul3A_2867, %add3A_2950 : i32
      %get3A_2952 = arith.constant 1 : i32
      %get3A_2953 = arith.index_cast %add3A_2951 : i32 to index
      %get3A_2954 = arith.index_cast %get3A_2952 : i32 to index
      %get3A_2955 = arith.constant 0 : index
      %get3A_2956 = tpu.vector_load %arg9[%get3A_2953, %get3A_2954, %get3A_2955] {strides = array<i32>} : memref<16x2x16xf32, #tpu.memory_space<vmem>>, vector<16xf32>,
      %convert_element_type3A_2957 = arith.fptosi %get3A_2956 : vector<16xf32> to vector<16xi32>
      %add3A_2958 = arith.constant 1 : i32
      %add3A_2959 = arith.addi %mul3A_2867, %add3A_2958 : i32
      %get3A_2960 = arith.constant 1 : i32
      %get3A_2961 = arith.index_cast %add3A_2959 : i32 to index
      %get3A_2962 = arith.index_cast %get3A_2960 : i32 to index
      %get3A_2963 = arith.constant 0 : index
      %get3A_2964 = tpu.vector_load %arg9[%get3A_2961, %get3A_2962, %get3A_2963] {strides = array<i32>} : memref<16x2x16xf32, #tpu.memory_space<vmem>>, vector<16xf32>,
      %convert_element_type3A_2965 = arith.fptosi %get3A_2964 : vector<16xf32> to vector<16xi32>
      %add3A_2966 = arith.constant 2 : i32
      %add3A_2967 = arith.addi %mul3A_2867, %add3A_2966 : i32
      %get3A_2968 = arith.constant 1 : i32
      %get3A_2969 = arith.index_cast %add3A_2967 : i32 to index
      %get3A_2970 = arith.index_cast %get3A_2968 : i32 to index
      %get3A_2971 = arith.constant 0 : index
      %get3A_2972 = tpu.vector_load %arg9[%get3A_2969, %get3A_2970, %get3A_2971] {strides = array<i32>} : memref<16x2x16xf32, #tpu.memory_space<vmem>>, vector<16xf32>,
      %convert_element_type3A_2973 = arith.fptosi %get3A_2972 : vector<16xf32> to vector<16xi32>
      %add3A_2974 = arith.constant 3 : i32
      %add3A_2975 = arith.addi %mul3A_2867, %add3A_2974 : i32
      %get3A_2976 = arith.constant 1 : i32
      %get3A_2977 = arith.index_cast %add3A_2975 : i32 to index
      %get3A_2978 = arith.index_cast %get3A_2976 : i32 to index
      %get3A_2979 = arith.constant 0 : index
      %get3A_2980 = tpu.vector_load %arg9[%get3A_2977, %get3A_2978, %get3A_2979] {strides = array<i32>} : memref<16x2x16xf32, #tpu.memory_space<vmem>>, vector<16xf32>,
      %convert_element_type3A_2981 = arith.fptosi %get3A_2980 : vector<16xf32> to vector<16xi32>
      %add3A_2982 = arith.constant 4 : i32
      %add3A_2983 = arith.addi %mul3A_2867, %add3A_2982 : i32
      %get3A_2984 = arith.constant 1 : i32
      %get3A_2985 = arith.index_cast %add3A_2983 : i32 to index
      %get3A_2986 = arith.index_cast %get3A_2984 : i32 to index
      %get3A_2987 = arith.constant 0 : index
      %get3A_2988 = tpu.vector_load %arg9[%get3A_2985, %get3A_2986, %get3A_2987] {strides = array<i32>} : memref<16x2x16xf32, #tpu.memory_space<vmem>>, vector<16xf32>,
      %convert_element_type3A_2989 = arith.fptosi %get3A_2988 : vector<16xf32> to vector<16xi32>
      %add3A_2990 = arith.constant 5 : i32
      %add3A_2991 = arith.addi %mul3A_2867, %add3A_2990 : i32
      %get3A_2992 = arith.constant 1 : i32
      %get3A_2993 = arith.index_cast %add3A_2991 : i32 to index
      %get3A_2994 = arith.index_cast %get3A_2992 : i32 to index
      %get3A_2995 = arith.constant 0 : index
      %get3A_2996 = tpu.vector_load %arg9[%get3A_2993, %get3A_2994, %get3A_2995] {strides = array<i32>} : memref<16x2x16xf32, #tpu.memory_space<vmem>>, vector<16xf32>,
      %convert_element_type3A_2997 = arith.fptosi %get3A_2996 : vector<16xf32> to vector<16xi32>
      %add3A_2998 = arith.constant 6 : i32
      %add3A_2999 = arith.addi %mul3A_2867, %add3A_2998 : i32
      %get3A_3000 = arith.constant 1 : i32
      %get3A_3001 = arith.index_cast %add3A_2999 : i32 to index
      %get3A_3002 = arith.index_cast %get3A_3000 : i32 to index
      %get3A_3003 = arith.constant 0 : index
      %get3A_3004 = tpu.vector_load %arg9[%get3A_3001, %get3A_3002, %get3A_3003] {strides = array<i32>} : memref<16x2x16xf32, #tpu.memory_space<vmem>>, vector<16xf32>,
      %convert_element_type3A_3005 = arith.fptosi %get3A_3004 : vector<16xf32> to vector<16xi32>
      %add3A_3006 = arith.constant 7 : i32
      %add3A_3007 = arith.addi %mul3A_2867, %add3A_3006 : i32
      %get3A_3008 = arith.constant 1 : i32
      %get3A_3009 = arith.index_cast %add3A_3007 : i32 to index
      %get3A_3010 = arith.index_cast %get3A_3008 : i32 to index
      %get3A_3011 = arith.constant 0 : index
      %get3A_3012 = tpu.vector_load %arg9[%get3A_3009, %get3A_3010, %get3A_3011] {strides = array<i32>} : memref<16x2x16xf32, #tpu.memory_space<vmem>>, vector<16xf32>,
      %convert_element_type3A_3013 = arith.fptosi %get3A_3012 : vector<16xf32> to vector<16xi32>
      %broadcast_in_dim3A_3014 = arith.constant 0 : i32
      %broadcast_in_dim3A_3015 = vector.broadcast %broadcast_in_dim3A_3014 : i32 to vector<16xi32>
      %add3A_3016 = arith.addi %broadcast_in_dim3A_3015, %iota3A_2870 : vector<16xi32>
      %broadcast_in_dim3A_3017 = arith.constant 16 : i32
      %broadcast_in_dim3A_3018 = vector.broadcast %broadcast_in_dim3A_3017 : i32 to vector<16xi32>
      %add3A_3019 = arith.addi %broadcast_in_dim3A_3018, %iota3A_2870 : vector<16xi32>
      %broadcast_in_dim3A_3020 = arith.constant 32 : i32
      %broadcast_in_dim3A_3021 = vector.broadcast %broadcast_in_dim3A_3020 : i32 to vector<16xi32>
      %add3A_3022 = arith.addi %broadcast_in_dim3A_3021, %iota3A_2870 : vector<16xi32>
      %broadcast_in_dim3A_3023 = arith.constant 48 : i32
      %broadcast_in_dim3A_3024 = vector.broadcast %broadcast_in_dim3A_3023 : i32 to vector<16xi32>
      %add3A_3025 = arith.addi %broadcast_in_dim3A_3024, %iota3A_2870 : vector<16xi32>
      %broadcast_in_dim3A_3026 = arith.constant 64 : i32
      %broadcast_in_dim3A_3027 = vector.broadcast %broadcast_in_dim3A_3026 : i32 to vector<16xi32>
      %add3A_3028 = arith.addi %broadcast_in_dim3A_3027, %iota3A_2870 : vector<16xi32>
      %broadcast_in_dim3A_3029 = arith.constant 80 : i32
      %broadcast_in_dim3A_3030 = vector.broadcast %broadcast_in_dim3A_3029 : i32 to vector<16xi32>
      %add3A_3031 = arith.addi %broadcast_in_dim3A_3030, %iota3A_2870 : vector<16xi32>
      %broadcast_in_dim3A_3032 = arith.constant 96 : i32
      %broadcast_in_dim3A_3033 = vector.broadcast %broadcast_in_dim3A_3032 : i32 to vector<16xi32>
      %add3A_3034 = arith.addi %broadcast_in_dim3A_3033, %iota3A_2870 : vector<16xi32>
      %broadcast_in_dim3A_3035 = arith.constant 112 : i32
      %broadcast_in_dim3A_3036 = vector.broadcast %broadcast_in_dim3A_3035 : i32 to vector<16xi32>
      %add3A_3037 = arith.addi %broadcast_in_dim3A_3036, %iota3A_2870 : vector<16xi32>
      tpu.vector_store_idx %arg7[%convert_element_type3A_2957], %add3A_3016 masked %gt3A_2879 : memref<20000xi32, #tpu.memory_space<vmem>>[vector<16xi32>], vector<16xi32>, vector<16xi1>
      tpu.vector_store_idx %arg7[%convert_element_type3A_2965], %add3A_3019 masked %gt3A_2889 : memref<20000xi32, #tpu.memory_space<vmem>>[vector<16xi32>], vector<16xi32>, vector<16xi1>
      tpu.vector_store_idx %arg7[%convert_element_type3A_2973], %add3A_3022 masked %gt3A_2899 : memref<20000xi32, #tpu.memory_space<vmem>>[vector<16xi32>], vector<16xi32>, vector<16xi1>
      tpu.vector_store_idx %arg7[%convert_element_type3A_2981], %add3A_3025 masked %gt3A_2909 : memref<20000xi32, #tpu.memory_space<vmem>>[vector<16xi32>], vector<16xi32>, vector<16xi1>
      tpu.vector_store_idx %arg7[%convert_element_type3A_2989], %add3A_3028 masked %gt3A_2919 : memref<20000xi32, #tpu.memory_space<vmem>>[vector<16xi32>], vector<16xi32>, vector<16xi1>
      tpu.vector_store_idx %arg7[%convert_element_type3A_2997], %add3A_3031 masked %gt3A_2929 : memref<20000xi32, #tpu.memory_space<vmem>>[vector<16xi32>], vector<16xi32>, vector<16xi1>
      tpu.vector_store_idx %arg7[%convert_element_type3A_3005], %add3A_3034 masked %gt3A_2939 : memref<20000xi32, #tpu.memory_space<vmem>>[vector<16xi32>], vector<16xi32>, vector<16xi1>
      tpu.vector_store_idx %arg7[%convert_element_type3A_3013], %add3A_3037 masked %gt3A_2949 : memref<20000xi32, #tpu.memory_space<vmem>>[vector<16xi32>], vector<16xi32>, vector<16xi1>
      %gather3A_3038 = tpu.vector_load_idx %arg7[%convert_element_type3A_2957] masked %gt3A_2879 : memref<20000xi32, #tpu.memory_space<vmem>>[vector<16xi32>], vector<16xi32>, vector<16xi1>
      %eq3A_3039 = arith.cmpi eq, %gather3A_3038, %add3A_3016 : vector<16xi32>
      %and3A_3040 = arith.andi %gt3A_2879, %eq3A_3039 : vector<16xi1>
      %all_reduce_population_count3A = tpu.all_reduce %and3A_3040 {dim = 0 : i64, kind = #tpu.reduction_kind<sum>} : vector<16xi1> -> vector<16xi32>
      %add3A_3041 = arith.addi %broadcast_in_dim3A_2869, %all_reduce_population_count3A : vector<16xi32>
      %gather3A_3042 = tpu.vector_load_idx %arg7[%convert_element_type3A_2965] masked %gt3A_2889 : memref<20000xi32, #tpu.memory_space<vmem>>[vector<16xi32>], vector<16xi32>, vector<16xi1>
      %eq3A_3043 = arith.cmpi eq, %gather3A_3042, %add3A_3019 : vector<16xi32>
      %and3A_3044 = arith.andi %gt3A_2889, %eq3A_3043 : vector<16xi1>
      %all_reduce_population_count3A_3045 = tpu.all_reduce %and3A_3044 {dim = 0 : i64, kind = #tpu.reduction_kind<sum>} : vector<16xi1> -> vector<16xi32>
      %add3A_3046 = arith.addi %add3A_3041, %all_reduce_population_count3A_3045 : vector<16xi32>
      %gather3A_3047 = tpu.vector_load_idx %arg7[%convert_element_type3A_2973] masked %gt3A_2899 : memref<20000xi32, #tpu.memory_space<vmem>>[vector<16xi32>], vector<16xi32>, vector<16xi1>
      %eq3A_3048 = arith.cmpi eq, %gather3A_3047, %add3A_3022 : vector<16xi32>
      %and3A_3049 = arith.andi %gt3A_2899, %eq3A_3048 : vector<16xi1>
      %all_reduce_population_count3A_3050 = tpu.all_reduce %and3A_3049 {dim = 0 : i64, kind = #tpu.reduction_kind<sum>} : vector<16xi1> -> vector<16xi32>
      %add3A_3051 = arith.addi %add3A_3046, %all_reduce_population_count3A_3050 : vector<16xi32>
      %gather3A_3052 = tpu.vector_load_idx %arg7[%convert_element_type3A_2981] masked %gt3A_2909 : memref<20000xi32, #tpu.memory_space<vmem>>[vector<16xi32>], vector<16xi32>, vector<16xi1>
      %eq3A_3053 = arith.cmpi eq, %gather3A_3052, %add3A_3025 : vector<16xi32>
      %and3A_3054 = arith.andi %gt3A_2909, %eq3A_3053 : vector<16xi1>
      %all_reduce_population_count3A_3055 = tpu.all_reduce %and3A_3054 {dim = 0 : i64, kind = #tpu.reduction_kind<sum>} : vector<16xi1> -> vector<16xi32>
      %add3A_3056 = arith.addi %add3A_3051, %all_reduce_population_count3A_3055 : vector<16xi32>
      %gather3A_3057 = tpu.vector_load_idx %arg7[%convert_element_type3A_2989] masked %gt3A_2919 : memref<20000xi32, #tpu.memory_space<vmem>>[vector<16xi32>], vector<16xi32>, vector<16xi1>
      %eq3A_3058 = arith.cmpi eq, %gather3A_3057, %add3A_3028 : vector<16xi32>
      %and3A_3059 = arith.andi %gt3A_2919, %eq3A_3058 : vector<16xi1>
      %all_reduce_population_count3A_3060 = tpu.all_reduce %and3A_3059 {dim = 0 : i64, kind = #tpu.reduction_kind<sum>} : vector<16xi1> -> vector<16xi32>
      %add3A_3061 = arith.addi %add3A_3056, %all_reduce_population_count3A_3060 : vector<16xi32>
      %gather3A_3062 = tpu.vector_load_idx %arg7[%convert_element_type3A_2997] masked %gt3A_2929 : memref<20000xi32, #tpu.memory_space<vmem>>[vector<16xi32>], vector<16xi32>, vector<16xi1>
      %eq3A_3063 = arith.cmpi eq, %gather3A_3062, %add3A_3031 : vector<16xi32>
      %and3A_3064 = arith.andi %gt3A_2929, %eq3A_3063 : vector<16xi1>
      %all_reduce_population_count3A_3065 = tpu.all_reduce %and3A_3064 {dim = 0 : i64, kind = #tpu.reduction_kind<sum>} : vector<16xi1> -> vector<16xi32>
      %add3A_3066 = arith.addi %add3A_3061, %all_reduce_population_count3A_3065 : vector<16xi32>
      %gather3A_3067 = tpu.vector_load_idx %arg7[%convert_element_type3A_3005] masked %gt3A_2939 : memref<20000xi32, #tpu.memory_space<vmem>>[vector<16xi32>], vector<16xi32>, vector<16xi1>
      %eq3A_3068 = arith.cmpi eq, %gather3A_3067, %add3A_3034 : vector<16xi32>
      %and3A_3069 = arith.andi %gt3A_2939, %eq3A_3068 : vector<16xi1>
      %all_reduce_population_count3A_3070 = tpu.all_reduce %and3A_3069 {dim = 0 : i64, kind = #tpu.reduction_kind<sum>} : vector<16xi1> -> vector<16xi32>
      %add3A_3071 = arith.addi %add3A_3066, %all_reduce_population_count3A_3070 : vector<16xi32>
      %gather3A_3072 = tpu.vector_load_idx %arg7[%convert_element_type3A_3013] masked %gt3A_2949 : memref<20000xi32, #tpu.memory_space<vmem>>[vector<16xi32>], vector<16xi32>, vector<16xi1>
      %eq3A_3073 = arith.cmpi eq, %gather3A_3072, %add3A_3037 : vector<16xi32>
      %and3A_3074 = arith.andi %gt3A_2949, %eq3A_3073 : vector<16xi1>
      %all_reduce_population_count3A_3075 = tpu.all_reduce %and3A_3074 {dim = 0 : i64, kind = #tpu.reduction_kind<sum>} : vector<16xi1> -> vector<16xi32>
      %add3A_3076 = arith.addi %add3A_3071, %all_reduce_population_count3A_3075 : vector<16xi32>
      %convert_element_type3A_3077 = arith.sitofp %add3A_3076 : vector<16xi32> to vector<16xf32>
      %swap3A_3078 = arith.constant 0 : index
      %swap3A_3079 = tpu.vector_load %arg10[%swap3A_3078] {strides = array<i32>} : memref<16xf32, #tpu.memory_space<vmem>>, vector<16xf32>,
      tpu.vector_store %arg10[%swap3A_3078], %convert_element_type3A_3077 {strides = array<i32>} : memref<16xf32, #tpu.memory_space<vmem>>, vector<16xf32>,
      "tpu.region"() ({
        %run_scoped3A = tpu.sem_alloc : memref<!tpu.dma_semaphore, #tpu.memory_space<semaphore_mem>>
        %dma_start3A = arith.constant 0 : i32
        %dma_start3A_3080 = tpu.memref_slice %arg4[%add3A, %dma_start3A] : memref<4x16xf32, #tpu.memory_space<hbm>> -> memref<1x16xf32, #tpu.memory_space<hbm>>
        %dma_start3A_3081 = tpu.memref_squeeze %dma_start3A_3080 : memref<1x16xf32, #tpu.memory_space<hbm>> -> memref<16xf32, #tpu.memory_space<hbm>>
        %dma_start3A_3082 = arith.constant 0 : i32
        %dma_start3A_3083 = tpu.memref_slice %arg4[%add3A, %dma_start3A_3082] : memref<4x16xf32, #tpu.memory_space<hbm>> -> memref<1x16xf32, #tpu.memory_space<hbm>>
        %dma_start3A_3084 = tpu.memref_squeeze %dma_start3A_3083 : memref<1x16xf32, #tpu.memory_space<hbm>> -> memref<16xf32, #tpu.memory_space<hbm>>
        tpu.enqueue_dma source(%arg10 : memref<16xf32, #tpu.memory_space<vmem>>) target(%dma_start3A_3084 : memref<16xf32, #tpu.memory_space<hbm>>) target_semaphore(%run_scoped3A : memref<!tpu.dma_semaphore, #tpu.memory_space<semaphore_mem>>)
        %dma_wait3A = arith.constant 0 : i32
        %dma_wait3A_3085 = tpu.memref_slice %arg4[%add3A, %dma_wait3A] : memref<4x16xf32, #tpu.memory_space<hbm>> -> memref<1x16xf32, #tpu.memory_space<hbm>>
        %dma_wait3A_3086 = tpu.memref_squeeze %dma_wait3A_3085 : memref<1x16xf32, #tpu.memory_space<hbm>> -> memref<16xf32, #tpu.memory_space<hbm>>
        %dma_wait3A_3087 = arith.constant 0 : i32
        %dma_wait3A_3088 = tpu.memref_slice %arg4[%add3A, %dma_wait3A_3087] : memref<4x16xf32, #tpu.memory_space<hbm>> -> memref<1x16xf32, #tpu.memory_space<hbm>>
        %dma_wait3A_3089 = tpu.memref_squeeze %dma_wait3A_3088 : memref<1x16xf32, #tpu.memory_space<hbm>> -> memref<16xf32, #tpu.memory_space<hbm>>
        tpu.wait_dma2 semaphore(%run_scoped3A : memref<!tpu.dma_semaphore, #tpu.memory_space<semaphore_mem>>) src(%arg10 : memref<16xf32, #tpu.memory_space<vmem>>) dst(%dma_wait3A_3089 : memref<16xf32, #tpu.memory_space<hbm>>)
        tpu.yield
      }) : () -> ()
    } else {
    }
    return
  }
}

</mosaic_0001>

<sc_bundles>
// kernel: kernel.3.cloned.1.call-start
scs
__scs_entry_jumppad:
0x0: {  	(pc) =	sbr.rel $0x88, $3  }
0x1: {  	(tag) =	ssettag $0x0;
	lr =	simm.s32 $0x1  }
0x2: {  	[smem:$0x3F9F] =	sst lr;
	_ =	strace $0xD0000000  }
0x3: {  	_ = 	snop  }
0x4: {  	_ = 	snop  }
0x5: {  	_ = 	snop  }
0x6: {  	_ = 	snop  }
0x7: {  	_ = 	snop  }
__scs_overlays_trampoline_lowered:
0x8: {  	[smem:$0x3FAE] =	sst s0  }
0x9: {  	[smem:$0x3FAF] =	sst s1  }
0xa: {  	[smem:$0x3FB0] =	sst s2  }
0xb: {  	[smem:$0x3FB1] =	sst s3  }
0xc: {  	[smem:$0x3FB2] =	sst s4  }
0xd: {  	[smem:$0x3FB3] =	sst s5  }
0xe: {  	[smem:$0x3FB4] =	sst s6  }
0xf: {  	[smem:$0x3FB5] =	sst s7  }
0x10: {  	[smem:$0x3FB6] =	sst s8  }
0x11: {  	[smem:$0x3FB7] =	sst s9;
	s0 =	simm.s32 @!p0 $0x0  }
0x12: {  	s1 =	sld [smem:$0x3F9D];
	s0 =	simm.s32 @p0 $0x1  }
0x13: {  	[smem:$0x3FB8] =	sst s0;
	s0 =	simm.s32 @!p1 $0x0  }
0x14: {  	s2 =	sld [smem:$0x3F9C];
	s0 =	simm.s32 @p1 $0x1  }
0x15: {  	[smem:$0x3FB9] =	sst s0;
	s0 =	simm.s32 @!p2 $0x0  }
0x16: {  	s3 =	sld [smem:$0x3FDB];
	s0 =	simm.s32 @p2 $0x1  }
0x17: {  	s4 =	simm.s32 $0x1BF5;
	[smem:$0x3FBB] =	sst s0  }
0x18: {  	s0 =	sld [smem:$0x3F9E];
	_ =	swait.ge [sflag:s4], $0x0  }
0x19: {  	s7 =	sld [smem:$0x3F9F]  }
0x1a: {  	s8 =	sadd.s32 $0xFFFFE003, lr  }
0x1b: {  	s9 =	sadd.s32 $0xFFFFFEF7, lr;
	s5 =	simm.s32 $0xFFFFFFFF;
	p2 =	slt.u32 s8, $0xFFFFF086  }
0x1c: {  	p1 =	slt.u32 s9, $0xF7A;
	s5 =	simm.s32 @!p2 $0x0  }
0x1d: {  	s5 =	simm.s32 @p1 $0x1;
	p0 =	seq.s32 s7, s2  }
0x1e: {  	s7 =	smul.u32 @!p0 $0xF7A, s2;
	p2 =	seq.s32 @!p0 s5, $0x0  }
0x1f: {  	s9 =	smul.u32 $0xF7A, s1;
	s8 =	simm.s32 @!p0 $0x1BF5;
	p2 =	por !p2, p0  }
0x20: {  	[sflag:s8] =	ssyncset.s32 @!p0 $0xFFFFF086;
	s6 =	sadd.s32 @!p0 s3, s7;
	s7 =	simm.s32 @!p0 $0x108  }
0x21: {  	s3 =	sadd.s32 s3, s9;
	s6 =	sadd.s32 @!p0 $0x88, s6;
	s7 =	simm.s32 @p2 $0x1082  }
0x22: {  	[simem:s7], [sflag:s8] =	dma.local @!p0 [hbm:s6], $0xF7A  }
0x23: {  	s9 =	sor.u32 $0xD0000000, s2;
	s6 =	simm.s32 $0x108;
	_ =	swait.ge @!p0 [sflag:s8], $0x0  }
0x24: {  	s3 =	sadd.s32 $0x88, s3;
	s6 =	simm.s32 @!p1 $0x1082;
	[sflag:s4] =	ssyncset.s32 $0xFFFFF086  }
0x25: {  	[simem:s6], [sflag:s4] =	dma.local [hbm:s3], $0xF7A  }
0x26: {  	[smem:$0x3F9F] =	sst s1;
	(tag) =	ssettag s2;
	_ =	strace s9  }
0x27: {  	s1 =	sld [smem:$0x3FAF]  }
0x28: {  	s2 =	sld [smem:$0x3FB0]  }
0x29: {  	s4 =	sld [smem:$0x3FB2]  }
0x2a: {  	p0 =	seq.s32 s5, $0x0;
	s5 =	sld [smem:$0x3FB3]  }
0x2b: {  	s6 =	sld [smem:$0x3FB4]  }
0x2c: {  	s7 =	sld [smem:$0x3FB5]  }
0x2d: {  	s3 =	simm.s32 $0x108;
	s8 =	sld [smem:$0x3FB6]  }
0x2e: {  	s3 =	simm.s32 @!p0 $0x1082;
	s9 =	sld [smem:$0x3FB7]  }
0x2f: {  	lr =	sadd.s32 s0, s3;
	s0 =	sld [smem:$0x3FAE]  }
0x30: {  	s3 =	sld [smem:$0x3FB1]  }
0x31: {  	[smem:$0x3FBA] =	sst s10  }
0x32: {  	s10 =	sld [smem:$0x3FB8];
	_ =	sdelay $0x3  }
0x33: {  	p0 =	seq.s32 s10, $0x1;
	s10 =	sld [smem:$0x3FBA];
	_ =	sdelay $0x3  }
0x34: {  	[smem:$0x3FBA] =	sst s10  }
0x35: {  	s10 =	sld [smem:$0x3FB9];
	_ =	sdelay $0x3  }
0x36: {  	p1 =	seq.s32 s10, $0x1;
	s10 =	sld [smem:$0x3FBA];
	_ =	sdelay $0x3  }
0x37: {  	[smem:$0x3FBA] =	sst s10  }
0x38: {  	s10 =	sld [smem:$0x3FBB]  }
0x39: {  	_ = 	snop;
	(pc) =	sbr.ind lr, $3  }
0x3a: {  	_ = 	snop  }
0x3b: {  	_ = 	snop  }
0x3c: {  	p2 =	seq.s32 s10, $0x1;
	s10 =	sld [smem:$0x3FBA]  }
0x3d: {  	_ =	shalt  }
0x3e: {  	_ =	shalt  }
0x3f: {  	_ =	shalt  }
0x40: {  	_ =	shalt  }
0x41: {  	_ =	shalt  }
0x42: {  	_ =	shalt  }
0x43: {  	_ =	shalt  }
0x44: {  	_ =	shalt  }
0x45: {  	_ =	shalt  }
0x46: {  	_ =	shalt  }
0x47: {  	_ =	shalt  }
0x48: {  	_ =	shalt  }
0x49: {  	_ =	shalt  }
0x4a: {  	_ =	shalt  }
0x4b: {  	_ =	shalt  }
0x4c: {  	_ =	shalt  }
0x4d: {  	_ =	shalt  }
0x4e: {  	_ =	shalt  }
0x4f: {  	_ =	shalt  }
0x50: {  	_ =	shalt  }
0x51: {  	_ =	shalt  }
0x52: {  	_ =	shalt  }
0x53: {  	_ =	shalt  }
0x54: {  	_ =	shalt  }
0x55: {  	_ =	shalt  }
0x56: {  	_ =	shalt  }
0x57: {  	_ =	shalt  }
0x58: {  	_ =	shalt  }
0x59: {  	_ =	shalt  }
0x5a: {  	_ =	shalt  }
0x5b: {  	_ =	shalt  }
0x5c: {  	_ =	shalt  }
0x5d: {  	_ =	shalt  }
0x5e: {  	_ =	shalt  }
0x5f: {  	_ =	shalt  }
0x60: {  	_ =	shalt  }
0x61: {  	_ =	shalt  }
0x62: {  	_ =	shalt  }
0x63: {  	_ =	shalt  }
0x64: {  	_ =	shalt  }
0x65: {  	_ =	shalt  }
0x66: {  	_ =	shalt  }
0x67: {  	_ =	shalt  }
0x68: {  	_ =	shalt  }
0x69: {  	_ =	shalt  }
0x6a: {  	_ =	shalt  }
0x6b: {  	_ =	shalt  }
0x6c: {  	_ =	shalt  }
0x6d: {  	_ =	shalt  }
0x6e: {  	_ =	shalt  }
0x6f: {  	_ =	shalt  }
0x70: {  	_ =	shalt  }
0x71: {  	_ =	shalt  }
0x72: {  	_ =	shalt  }
0x73: {  	_ =	shalt  }
0x74: {  	_ =	shalt  }
0x75: {  	_ =	shalt  }
0x76: {  	_ =	shalt  }
0x77: {  	_ =	shalt  }
0x78: {  	_ =	shalt  }
0x79: {  	_ =	shalt  }
0x7a: {  	_ =	shalt  }
0x7b: {  	_ =	shalt  }
0x7c: {  	_ =	shalt  }
0x7d: {  	_ =	shalt  }
0x7e: {  	_ =	shalt  }
0x7f: {  	_ =	shalt  }
0x80: {  	_ =	shalt  }
0x81: {  	_ =	shalt  }
0x82: {  	_ =	shalt  }
0x83: {  	_ =	shalt  }
0x84: {  	_ =	shalt  }
0x85: {  	_ =	shalt  }
0x86: {  	_ =	shalt  }
0x87: {  	_ =	shalt  }
.Lfunc_end0:
.L_simem_size_0:
called_computation_lowered:
.L_overlay_start_0:
0x88: {  	s2 =	sld [smem:$0x3FD9]  }
0x89: {  	s3 =	sld [smem:$0x3FFE];
	_ =	sdelay $0x1  }
0x8a: {  	s1 =	srdreg.scid  }
0x8b: {  	s0 =	sand.u32 $0x1, s1  }
0x8c: {  	s16 =	sshll.u32 s0, $0xA;
	s2 =	sadd.s32 s3, s2  }
0x8d: {  	s2 =	sadd.s32 s2, s16  }
0x8e: {  	[smem:$0x3FC6] =	sst s2  }
0x8f: {  	_ = 	snop  }
0x90: {  	(tm) =	ssettm $0x1  }
0x91: {  	s17 =	sld [smem:$0x3FFB];
	_ =	sdelay $0x3  }
0x92: {  	_ =	strace s17  }
0x93: {  	s2 =	sld [smem:$0x3FFC];
	_ =	sdelay $0x3  }
0x94: {  	_ =	strace s2  }
0x95: {  	s2 =	sld [smem:$0x3FFD];
	_ =	sdelay $0x3  }
0x96: {  	_ =	strace s2  }
0x97: {  	_ =	strace $0x8FFFFFFF  }
0x98: {  	s18 =	sld [smem:$0x3FDB];
	_ =	sdelay $0x1  }
0x99: {  	s19 =	simm.s32 $_scs_section_size  }
0x9a: {  	s4 =	simm.s32 $_size__tile_overlayer_lowered;
	s5 =	simm.s32 $_tile_overlayer_lowered  }
0x9b: {  	s22 =	simm.s32 $0x1BFF;
	s21 =	sshll.u32 s5, $0x1;
	s2 =	sadd.s32 s19, s18  }
0x9c: {  	s6 =	simm.s32 $0x0;
	s20 =	sshll.u32 s4, $0x1;
	s4 =	sadd.s32 s21, s2  }
0x9d: {  	[timem:s6], [sflag:s22] =	dma.local [hbm:s4], s20  }
0x9e: {  	_ =	swait.ge [sflag:s22], s20  }
0x9f: {  	s3 =	ssub.s32 $0x0, s20;
	[sflag:s22] =	ssyncset.done $0x0  }
0xa0: {  	[sflag:s22] =	ssyncadd.s32 s3;
	_ =	sdelay $0x1  }
0xa1: {  	s23 =	simm.s32 $0x1B8B  }
0xa2: {  	_ =	swait.ge [sflag:s23], $0x1  }
0xa3: {  	[sflag:s23] =	ssyncset.done $0x0  }
0xa4: {  	s25 =	simm.s32 $0x1B8E;
	s24 =	sld [smem:$0x3FFE];
	[sflag:s23] =	ssyncadd.s32 $0xFFFFFFFF  }
0xa5: {  	s26 =	simm.s32 $execute0_lowered;
	[smem:$0x3FD2] =	sst s25  }
0xa6: {  	s4 =	sshll.u32 s26, $0x1;
	_ =	strace $0x80000046;
	[dreg:$0x1] =	wrdreg $0xFFFFFFFF  }
0xa7: {  	s28 =	simm.s32 $_size_execute0_lowered;
	s2 =	sadd.s32 s2, s4;
	[dreg:$0x0] =	wrdreg $0x0  }
0xa8: {  	s4 =	sshll.u32 s28, $0x1;
	[dreg:$0x2] =	wrdreg s2  }
0xa9: {  	[dreg:$0x3] =	wrdreg s4  }
0xaa: {  	[dreg:$0x4] =	wrdreg $0xC0  }
0xab: {  	_ =	task [dreg:s6], $0x5FFFF  }
0xac: {  	[dreg:$0x1] =	wrdreg $0xFFFFFFFF  }
0xad: {  	[dreg:$0x0] =	wrdreg $0x60  }
0xae: {  	[dreg:$0x2] =	wrdreg s24  }
0xaf: {  	[dreg:$0x3] =	wrdreg $0x19C000  }
0xb0: {  	[dreg:$0x4] =	wrdreg $0x9  }
0xb1: {  	_ =	task.clear_ibuf [dreg:s6], $0x5FFFF;
	_ =	strace $0x90000046  }
0xb2: {  	s29 =	simm.s32 $0x9;
	_ =	strace $0x80000048  }
0xb3: {  	_ =	swait.ge [sflag:s29], $0x1  }
0xb4: {  	[sflag:s29] =	ssyncadd.s32 $0xFFFFFFFF  }
0xb5: {  	_ =	strace $0x90000048  }
0xb6: {  	_ =	sfence  }
0xb7: {  	s30 =	sld [smem:$0x0];
	_ =	sdelay $0x2  }
0xb8: {  	s31 =	sshll.u32 s1, $0xD;
	s1 =	sshrl.u32 s1, $0x2  }
0xb9: {  	s3 =	sand.u32 $0x4000, s31;
	s1 =	sadd.s32 s1, s30  }
0xba: {  	s0 =	sor.u32 s3, s0;
	s1 =	sshll.u32 s1, $0x11  }
0xbb: {  	s0 =	sor.u32 s1, s0  }
0xbc: {  	s0 =	sadd.s32 $0x8F2B, s0  }
0xbd: {  	[sflag:s0] =	ssyncadd.remote.s32 $0x1  }
0xbe: {  	_ =	sfence.sel $0xFFFF  }
0xbf: {  	[dreg:$0x0] =	wrdreg $0xFFFFFFFF;
	(pc) =	sbr.abs _section_cstart, $3  }
0xc0: {  	[dreg:$0x1] =	wrdreg $0xFFFFFFFF  }
0xc1: {  	_ =	task.clear_ibuf [dreg:s6], $0x2FFFF;
	_ =	strace $0x9FFFFFFF  }
0xc2: {  	(tm) =	ssettm $0x7FFFFFFF  }
0xc3: {  	_ =	shalt  }
tec
execute0_lowered:
.L_overlay_start_1:
0x0: {  	(tag) =	ssettag $0x1  }
0x1: {  	v0 =	vimm.s32 $0xFEDCBA98;
	s1 =	srdreg.scid;
	v1 =	vimm.s32 $0x76543210;
	s4 =	rddreg [dreg:$0x0];
	v2 =	vimm.s32 $0x3210FEDC  }
0x2: {  	s0 =	stileid.u32;
	v3 =	vimm.s32 $0xBA987654;
	v4 =	vimm.s32 $0x10FEDCBA;
	s6 =	rddreg [dreg:$0x1];
	v5 =	vimm.s32 $0x98765432  }
0x3: {  	s2 =	simm.s32 $0x0;
	v6 =	vimm.s32 $0xFEDCBA9;
	v7 =	vimm.s32 $0x87654321;
	s13 =	simm.s32 $0x18B80;
	s14 =	simm.s32 $0x13C00;
	v0 =	vunpack.c.l.s4.s8 v0  }
0x4: {  	s15 =	simm.s32 $0x19B80;
	s16 =	simm.s32 $0x0;
	s3 =	sand.u32 $0x1, s1;
	v1 =	vunpack.c.l.s4.s8 v1;
	v2 =	vunpack.c.l.s4.s8 v2;
	v3 =	vunpack.c.l.s4.s8 v3  }
0x5: {  	s7 =	sshrl.u32 s0, $0x3;
	v4 =	vunpack.c.l.s4.s8 v4;
	[smem:$0x7FF] =	sst s2;
	v5 =	vunpack.c.l.s4.s8 v5;
	v6 =	vunpack.c.l.s4.s8 v6;
	s12 =	sand.u32 $0x7, s0  }
0x6: {  	v7 =	vunpack.c.l.s4.s8 v7;
	s31 =	sshll.u32 s0, $0x8;
	s1 =	sshll.u32 s3, $0x1;
	s3 =	ssub.s32 $0x2, s3;
	v0 =	vunpack.c.0.s8.s32 v0;
	v2 =	vunpack.c.0.s8.s32 v2  }
0x7: {  	s11 =	sshll.u32 s12, $0x6;
	p0 =	sne.s32 s12, $0x0;
	s12 =	simm.s32 $0x18A80;
	v3 =	vunpack.c.0.s8.s32 v3;
	v4 =	vunpack.c.0.s8.s32 v4;
	v1 =	vunpack.c.0.s8.s32 v1  }
0x8: {  	s5 =	sor.u32 s7, s1;
	s1 =	rddreg [dreg:$0x2];
	_ =	strace $0x80000047;
	v5 =	vunpack.c.0.s8.s32 v5;
	v6 =	vunpack.c.0.s8.s32 v6;
	v0 =	vand.u32 $0xF, v0  }
0x9: {  	s10 =	sshrl.u32 s3, $0x1;
	v7 =	vunpack.c.0.s8.s32 v7;
	s7 =	sshll.u32 s7, $0xB;
	s8 =	smul.u32 $0x2740, s5;
	v2 =	vcombine.low v3, v2;
	v0 =	vcombine.low v0, v1  }
.Ltmp0:
0xa: {  	s9 =	sshll.u32 s5, $0x4;
	s10 =	ssub.s32 s3, s10;
	v59 =	vcombine.low v5, v4;
	(pc) =	sbr.rel .LBB2_1-.Ltmp0, $4  }
0xb: {  	s5 =	sshll.u32 s5, $0x9;
	s9 =	sadd.s32 s9, s4;
	v60 =	vcombine.low v7, v6;
	s8 =	sadd.s32 s8, s4;
	v61 =	vand.u32 $0xF, v2;
	[tilespmem:$0x1FFC0] =	vst v0  }
0xc: {  	s4 =	sadd.s32 s4, s11;
	s11 =	simm.s32 $0x13A00;
	s3 =	sadd.s32 $0x800, s8;
	v62 =	vand.u32 $0xF, v59;
	[tilespmem:$0x1FFD0] =	vst v61  }
0xd: {  	s4 =	sadd.s32 s5, s4;
	s5 =	sadd.s32 $0x2000, s6;
	s8 =	sadd.s32 $0xA600, s9;
	v63 =	vand.u32 $0xF, v60;
	[tilespmem:$0x1FFE0] =	vst v62  }
0xe: {  	v27 =	vlaneseq.u32;
	s9 =	smax.u32 s10, $0x1;
	s10 =	simm.s32 $0x1;
	s6 =	sadd.s32 s31, s5;
	[tilespmem:$0x1FFF0] =	vst v63  }
.LBB2_7:
0xf: {  	s16 =	sadd.s32 $0x1, s16  }
0x10: {  	p1 =	sne.s32 s16, s9  }
.Ltmp1:
0x11: {  	_ = 	snop;
	(pc) =	sbr.rel @!p1 .LBB2_8-.Ltmp1, $1  }
0x12: {  	_ =	sdelay $0x3  }
.LBB2_1:
0x13: {  	[tilespmem:s2], [sflag:$0x1] =	stream.linear.gather [hbm4b:s3+s2], $0x13A00, $0x38;
	[tilespmem:$0x19C60] =	vst v63  }
0x14: {  	_ =	swait.ge [sflag:s10], $0x13A00  }
0x15: {  	[sflag:s10] =	ssyncset.done $0x0  }
0x16: {  	[sflag:s10] =	ssyncadd.s32 $0xFFFEC600  }
0x17: {  	[tilespmem:s11], [sflag:$0x1] =	stream.linear.gather [hbm4b:s4+s2], $0x180, $0x38;
	[tilespmem:$0x19C60] =	vst v63  }
0x18: {  	_ =	swait.ge [sflag:s10], $0x180  }
0x19: {  	[sflag:s10] =	ssyncset.done $0x0  }
0x1a: {  	[sflag:s10] =	ssyncadd.s32 $0xFFFFFE80  }
0x1b: {  	v1 =	vld [tilespmem:$0x13A80];
	_ =	sdelay $0x2  }
0x1c: {  	v26 =	vimm.s32 $0x0;
	v0 =	vimm.s32 $0x1  }
0x1d: {  	v2 =	vimm.s32 $0x2;
	v7 =	vimm.s32 $0x3;
	v10 =	vimm.s32 $0x4;
	v3 =	vld [tilespmem:$0x13B00]  }
0x1e: {  	v11 =	vimm.s32 $0x5;
	v22 =	vperm.xlane v1, v26;
	v23 =	vperm.xlane v1, v0  }
0x1f: {  	v14 =	vimm.s32 $0x6;
	v28 =	vperm.xlane v1, v2;
	v29 =	vperm.xlane v1, v7  }
0x20: {  	v15 =	vimm.s32 $0x7;
	v30 =	vperm.xlane v1, v10;
	v31 =	vperm.xlane v1, v11  }
0x21: {  	v16 =	vld [tilespmem:$0x13A00];
	v32 =	vperm.xlane v1, v14;
	v33 =	vperm.xlane v1, v15  }
0x22: {  	s17 =	simm.s32 $0x10;
	[tilespmem:$0x1FE90] =	vst v1;
	v1 =	vperm.xlane v3, v26;
	v34 =	vperm.xlane v3, v0  }
0x23: {  	s18 =	sand.u32 $0x1FE00, s2;
	s19 =	sand.u32 $0x70, s17;
	v35 =	vperm.xlane v3, v2;
	v36 =	vperm.xlane v3, v7  }
0x24: {  	s19 =	sor.u32 s19, s18;
	v37 =	vperm.xlane v3, v10;
	v38 =	vperm.xlane v3, v11  }
0x25: {  	v8 =	vld [tilespmem:s19+$0x0];
	v39 =	vperm.xlane v3, v14;
	[tilespmem:$0x1FEA0] =	vst v3;
	v3 =	vperm.xlane v3, v15  }
0x26: {  	s31 =	simm.s32 $0x0;
	v9 =	vld [tilespmem:s19+$0x80];
	v4 =	vperm.xlane v16, v26;
	v5 =	vperm.xlane v16, v0  }
0x27: {  	s20 =	sand.u32 $0x60, s31;
	v6 =	vperm.xlane v16, v2;
	v12 =	vperm.xlane v16, v7  }
0x28: {  	v25 =	vor.u32 s31, v27;
	s18 =	sor.u32 s20, s18;
	v13 =	vperm.xlane v16, v10;
	v20 =	vperm.xlane v16, v11  }
0x29: {  	v24 =	vor.u32 s17, v27;
	v49 =	vld [tilespmem:s18+$0x0];
	v40 =	vperm.xlane v16, v14;
	v14 =	vperm.xlane v16, v15  }
0x2a: {  	v2 =	vimm.f32 $1.000000020e+30;
	vm0 =	veq.f32 v8, v4;
	vm1 =	veq.f32 v8, v5  }
0x2b: {  	vm2 =	veq.f32 v8, v6;
	v11 =	vsub.f32 v9, v22;
	vm3 =	veq.f32 v8, v12  }
0x2c: {  	v19 =	vld [tilespmem:s18+$0x80];
	[tilespmem:$0x1FEB0] =	vst v16;
	vm4 =	veq.f32 v8, v13;
	v16 =	vsub.f32 v9, v23;
	vm5 =	veq.f32 v8, v20  }
0x2d: {  	v18 =	vsub.f32 v9, v28;
	vm6 =	veq.f32 v8, v40;
	v41 =	vsub.f32 v9, v29  }
0x2e: {  	vm7 =	veq.f32 v8, v14;
	v43 =	vsub.f32 v9, v30;
	vm8 =	veq.f32 v49, v4  }
0x2f: {  	v45 =	vsub.f32 v9, v31;
	vm9 =	veq.f32 v49, v5;
	v47 =	vsub.f32 v9, v32  }
0x30: {  	vm10 =	veq.f32 v49, v6;
	v9 =	vsub.f32 v9, v33;
	vm11 =	veq.f32 v49, v12  }
0x31: {  	v50 =	vsub.f32 v19, v22;
	vm12 =	veq.f32 v49, v13;
	v52 =	vsub.f32 v19, v23  }
0x32: {  	v10 =	vld [tilespmem:s19+$0x100];
	[tilespmem:$0x1FEE0] =	vst v23;
	vm13 =	veq.f32 v49, v20;
	v54 =	vsub.f32 v19, v28;
	v56 =	vsub.f32 v19, v29  }
0x33: {  	[tilespmem:$0x1FF00] =	vst v28;
	v58 =	vsub.f32 v19, v30;
	v0 =	vmul.f32 v11, v11;
	v7 =	vmul.f32 v16, v16  }
0x34: {  	[tilespmem:$0x1FF20] =	vst v29;
	v23 =	vsub.f32 v19, v32;
	v28 =	vmul.f32 v18, v18;
	v29 =	vmul.f32 v43, v43  }
0x35: {  	vm14 =	veq.f32 v49, v40;
	v45 =	vmul.f32 v45, v45;
	v47 =	vmul.f32 v47, v47  }
0x36: {  	v8 =	vld [tilespmem:s18+$0x100];
	v60 =	vmul.f32 v9, v9;
	v9 =	vsub.f32 v19, v31;
	v50 =	vmul.f32 v50, v50  }
0x37: {  	v63 =	vmul.f32 v52, v52;
	v19 =	vsub.f32 v19, v33;
	v15 =	vsub.f32 v10, v1  }
0x38: {  	[tilespmem:$0x1FEC0] =	vst v22;
	v22 =	vmul.f32 v56, v56;
	v17 =	vsub.f32 v10, v34;
	v21 =	vsub.f32 v10, v35  }
0x39: {  	v18 =	vmul.f32 v58, v58;
	v42 =	vsub.f32 v10, v36;
	v44 =	vsub.f32 v10, v37  }
0x3a: {  	v43 =	vimm.f32 $1.000000020e+30;
	v46 =	vsub.f32 v10, v38;
	v48 =	vsub.f32 v10, v39  }
0x3b: {  	[tilespmem:$0x1FED0] =	vst v1;
	v10 =	vsub.f32 v10, v3;
	v51 =	vsub.f32 v8, v1;
	v1 =	vmul.f32 v15, v15  }
0x3c: {  	[tilespmem:$0x1FEF0] =	vst v34;
	v53 =	vsub.f32 v8, v34;
	v15 =	vmul.f32 v17, v17;
	v34 =	vmul.f32 v21, v21  }
0x3d: {  	[tilespmem:$0x1FF10] =	vst v35;
	v55 =	vsub.f32 v8, v35;
	v35 =	vmul.f32 v41, v41;
	v11 =	vmul.f32 v42, v42  }
0x3e: {  	v44 =	vmul.f32 v44, v44;
	v57 =	vsub.f32 v8, v36;
	v46 =	vmul.f32 v46, v46  }
0x3f: {  	[tilespmem:$0x1FF30] =	vst v36;
	v48 =	vmul.f32 v48, v48;
	v59 =	vsub.f32 v8, v37;
	v36 =	vmul.f32 v10, v10  }
0x40: {  	[tilespmem:$0x1FF50] =	vst v37;
	v62 =	vsub.f32 v8, v38;
	v37 =	vmul.f32 v54, v54;
	v10 =	vsub.f32 v8, v39  }
0x41: {  	[tilespmem:$0x1FF70] =	vst v38;
	v16 =	vsub.f32 v8, v3;
	v42 =	vimm.s32 $0x0;
	v61 =	vmul.f32 v51, v51  }
0x42: {  	v41 =	vimm.s32 $0x0;
	[tilespmem:$0x1FFB0] =	vst v11;
	v11 =	vmul.f32 v53, v53;
	v38 =	vmul.f32 v55, v55  }
0x43: {  	v21 =	vmul.f32 v57, v57;
	v17 =	vmul.f32 v59, v59;
	v51 =	vadd.f32 v1, v0  }
0x44: {  	v52 =	vadd.f32 v15, v7;
	v15 =	vmul.f32 v9, v9;
	v54 =	vadd.f32 v34, v28  }
0x45: {  	v8 =	vmul.f32 v62, v62;
	v55 =	vadd.f32 v44, v29;
	v56 =	vadd.f32 v46, v45  }
0x46: {  	v9 =	vmul.f32 v23, v23;
	v57 =	vadd.f32 v48, v47;
	v58 =	vadd.f32 v36, v60  }
0x47: {  	v10 =	vmul.f32 v10, v10;
	v48 =	vimm.f32 $1.000000020e+30;
	v45 =	vimm.f32 $1.000000020e+30  }
0x48: {  	v46 =	vimm.f32 $1.000000020e+30;
	v47 =	vimm.f32 $1.000000020e+30;
	v44 =	vimm.f32 $1.000000020e+30;
	v0 =	vld [tilespmem:$0x1FFB0]  }
0x49: {  	[tilespmem:$0x1FF40] =	vst v30;
	v62 =	vadd.f32 v61, v50;
	v59 =	vadd.f32 v11, v63;
	v11 =	vmul.f32 v19, v19  }
0x4a: {  	[tilespmem:$0x1FF60] =	vst v31;
	v60 =	vadd.f32 v38, v37;
	v61 =	vadd.f32 v21, v22;
	v21 =	vmul.f32 v16, v16  }
0x4b: {  	[tilespmem:$0x1FF80] =	vst v32;
	v63 =	vadd.f32 v17, v18;
	v8 =	vadd.f32 v8, v15;
	v50 =	vimm.s32 $0x0  }
0x4c: {  	[tilespmem:$0x1FF90] =	vst v39;
	v19 =	vimm.f32 $1.000000020e+30;
	v18 =	vimm.s32 $0x0;
	v17 =	vimm.s32 $0x0  }
0x4d: {  	s17 =	simm.s32 $0x30;
	[tilespmem:$0x1FFA0] =	vst v33;
	s18 =	simm.s32 $0x0;
	v15 =	vimm.s32 $0x0;
	v16 =	vimm.s32 $0x0;
	v53 =	vadd.f32 v0, v35  }
.LBB2_2:
0x4e: {  	vm15 =	veq.f32 v49, v14  }
0x4f: {  	v9 =	vadd.f32 v10, v9;
	v10 =	vadd.f32 v21, v11;
	v11 =	vnsel vm0, $0x7149F2CA, v51  }
0x50: {  	v21 =	vnsel vm1, $0x7149F2CA, v52;
	v22 =	vnsel vm2, $0x7149F2CA, v54;
	v23 =	vnsel vm3, $0x7149F2CA, v53  }
0x51: {  	v30 =	vnsel vm4, $0x7149F2CA, v55;
	v31 =	vnsel vm5, $0x7149F2CA, v56;
	v32 =	vnsel vm8, $0x7149F2CA, v62  }
0x52: {  	v33 =	vnsel vm6, $0x7149F2CA, v57;
	v34 =	vnsel vm7, $0x7149F2CA, v58;
	v35 =	vnsel vm9, $0x7149F2CA, v59  }
0x53: {  	v36 =	vnsel vm10, $0x7149F2CA, v60;
	v37 =	vnsel vm11, $0x7149F2CA, v61;
	v38 =	vnsel vm12, $0x7149F2CA, v63  }
0x54: {  	v8 =	vnsel vm13, $0x7149F2CA, v8;
	vm0 =	vlt.f32 v32, v2;
	vm1 =	vlt.f32 v35, v48  }
0x55: {  	vm2 =	vlt.f32 v37, v46;
	vm3 =	vlt.f32 v38, v47;
	vm7 =	vlt.f32 v8, v44  }
0x56: {  	v9 =	vnsel vm14, $0x7149F2CA, v9;
	v10 =	vnsel vm15, $0x7149F2CA, v10;
	v2 =	vsel vm0, v32, v2  }
0x57: {  	v48 =	vsel vm1, v35, v48;
	v26 =	vsel vm1, v25, v26;
	v50 =	vsel vm0, v25, v50  }
0x58: {  	v47 =	vsel vm3, v38, v47;
	v8 =	vsel vm7, v8, v44;
	v16 =	vsel vm3, v25, v16  }
0x59: {  	vm0 =	vlt.f32 v11, v2;
	vm1 =	vlt.f32 v21, v48;
	vm6 =	vlt.f32 v30, v47  }
0x5a: {  	vm8 =	vlt.f32 v9, v43;
	vm9 =	vlt.f32 v10, v19;
	vm10 =	vlt.f32 v31, v8  }
0x5b: {  	s18 =	sadd.s32 $0x80, s18;
	s21 =	sadd.s32 $0xFFFFFFF0, s17;
	v2 =	vsel vm0, v11, v2;
	v48 =	vsel vm1, v21, v48;
	v26 =	vsel vm1, v24, v26  }
0x5c: {  	s20 =	sand.u32 $0x70, s17;
	v0 =	vld [tilespmem:$0x1FEC0];
	s19 =	sand.u32 $0x1FE00, s18;
	s31 =	sand.u32 $0x60, s21;
	vm1 =	vlt.f32 v36, v45;
	v21 =	vsel vm2, v37, v46;
	v47 =	vsel vm6, v30, v47  }
0x5d: {  	v7 =	vld [tilespmem:$0x1FEE0];
	s20 =	sor.u32 s20, s19;
	s19 =	sor.u32 s31, s19;
	v9 =	vsel vm8, v9, v43;
	v10 =	vsel vm9, v10, v19;
	v44 =	vsel vm10, v31, v8  }
0x5e: {  	v49 =	vld [tilespmem:s19+$0x0];
	v16 =	vsel vm6, v24, v16;
	v50 =	vsel vm0, v24, v50;
	v11 =	vsel vm1, v36, v45  }
0x5f: {  	v28 =	vld [tilespmem:$0x1FF00];
	vm5 =	vlt.f32 v23, v21;
	vm11 =	vlt.f32 v33, v9;
	vm12 =	vlt.f32 v34, v10  }
0x60: {  	v52 =	vld [tilespmem:s19+$0x80];
	vm4 =	vlt.f32 v22, v11;
	v46 =	vsel vm5, v23, v21;
	v43 =	vsel vm11, v33, v9  }
0x61: {  	v1 =	vld [tilespmem:$0x1FFA0];
	v19 =	vsel vm12, v34, v10;
	v9 =	vsel vm7, v25, v18;
	v10 =	vsel vm8, v25, v42  }
0x62: {  	v32 =	vld [tilespmem:$0x1FF40];
	v45 =	vsel vm4, v22, v11;
	v11 =	vsel vm9, v25, v41;
	v18 =	vsel vm10, v24, v9  }
0x63: {  	v8 =	vld [tilespmem:s20+$0x0];
	v42 =	vsel vm11, v24, v10;
	v10 =	vsel vm1, v25, v17;
	vm8 =	veq.f32 v49, v4  }
0x64: {  	v21 =	vld [tilespmem:s20+$0x80];
	vm9 =	veq.f32 v49, v5;
	vm10 =	veq.f32 v49, v6;
	vm11 =	veq.f32 v49, v12  }
0x65: {  	v31 =	vld [tilespmem:$0x1FF20];
	v62 =	vsub.f32 v52, v0;
	vm13 =	veq.f32 v49, v20;
	vm14 =	veq.f32 v49, v40  }
0x66: {  	v34 =	vld [tilespmem:$0x1FF60];
	v41 =	vsel vm12, v24, v11;
	v11 =	vsel vm2, v25, v15;
	v17 =	vsel vm4, v24, v10  }
0x67: {  	v36 =	vld [tilespmem:$0x1FF80];
	v25 =	vor.u32 s21, v27;
	vm12 =	veq.f32 v49, v13;
	v15 =	vsel vm5, v24, v11  }
0x68: {  	v24 =	vor.u32 s17, v27;
	vm0 =	veq.f32 v8, v4;
	vm1 =	veq.f32 v8, v5  }
0x69: {  	v29 =	vld [tilespmem:$0x1FEF0];
	vm2 =	veq.f32 v8, v6;
	v10 =	vsub.f32 v21, v0;
	v22 =	vsub.f32 v21, v7  }
0x6a: {  	v30 =	vld [tilespmem:$0x1FF10];
	vm3 =	veq.f32 v8, v12;
	v51 =	vsub.f32 v21, v28;
	v54 =	vsub.f32 v21, v31  }
0x6b: {  	v9 =	vld [tilespmem:s20+$0x100];
	vm4 =	veq.f32 v8, v13;
	v56 =	vsub.f32 v21, v32;
	v58 =	vsub.f32 v21, v34  }
0x6c: {  	v33 =	vld [tilespmem:$0x1FF30];
	vm5 =	veq.f32 v8, v20;
	v60 =	vsub.f32 v21, v36;
	v21 =	vsub.f32 v21, v1  }
0x6d: {  	v35 =	vld [tilespmem:$0x1FF50];
	vm6 =	veq.f32 v8, v40;
	v7 =	vsub.f32 v52, v7;
	v28 =	vsub.f32 v52, v28  }
0x6e: {  	v37 =	vld [tilespmem:$0x1FF70];
	vm7 =	veq.f32 v8, v14;
	v32 =	vsub.f32 v52, v32;
	v34 =	vsub.f32 v52, v34  }
0x6f: {  	v38 =	vld [tilespmem:$0x1FF90];
	v62 =	vmul.f32 v62, v62;
	v36 =	vsub.f32 v52, v36;
	v0 =	vsub.f32 v52, v1  }
0x70: {  	v27 =	vld [tilespmem:$0x1FED0];
	v23 =	vsub.f32 v9, v29;
	v53 =	vsub.f32 v9, v30;
	v10 =	vmul.f32 v10, v10  }
0x71: {  	v8 =	vld [tilespmem:s19+$0x100];
	v55 =	vsub.f32 v9, v33;
	v22 =	vmul.f32 v22, v22;
	v56 =	vmul.f32 v56, v56  }
0x72: {  	v57 =	vsub.f32 v9, v35;
	v58 =	vmul.f32 v58, v58;
	v60 =	vmul.f32 v60, v60  }
0x73: {  	v59 =	vsub.f32 v9, v37;
	v21 =	vmul.f32 v21, v21;
	v7 =	vmul.f32 v7, v7  }
0x74: {  	v61 =	vsub.f32 v9, v38;
	v28 =	vmul.f32 v28, v28;
	v32 =	vmul.f32 v32, v32  }
0x75: {  	v34 =	vmul.f32 v34, v34;
	v11 =	vsub.f32 v9, v27;
	v9 =	vsub.f32 v9, v3  }
0x76: {  	v39 =	vsub.f32 v8, v27;
	v27 =	vsub.f32 v8, v29;
	v23 =	vmul.f32 v23, v23  }
0x77: {  	v29 =	vsub.f32 v8, v30;
	v30 =	vmul.f32 v51, v51;
	v53 =	vmul.f32 v53, v53  }
0x78: {  	v51 =	vsub.f32 v52, v31;
	v31 =	vmul.f32 v54, v54;
	v55 =	vmul.f32 v55, v55  }
0x79: {  	v54 =	vsub.f32 v8, v33;
	v57 =	vmul.f32 v57, v57;
	v59 =	vmul.f32 v59, v59  }
0x7a: {  	v33 =	vsub.f32 v8, v35;
	v61 =	vmul.f32 v61, v61;
	v11 =	vmul.f32 v11, v11  }
0x7b: {  	v35 =	vmul.f32 v9, v9;
	v63 =	vmul.f32 v39, v39;
	v9 =	vsub.f32 v8, v37  }
0x7c: {  	v27 =	vmul.f32 v27, v27;
	v29 =	vmul.f32 v29, v29;
	v37 =	vsub.f32 v8, v38  }
0x7d: {  	v38 =	vmul.f32 v51, v51;
	v8 =	vsub.f32 v8, v3;
	v52 =	vadd.f32 v23, v22  }
0x7e: {  	v39 =	vmul.f32 v54, v54;
	v54 =	vadd.f32 v53, v30;
	v53 =	vadd.f32 v55, v31  }
0x7f: {  	p1 =	sne.s32 s17, $0x4E10;
	v33 =	vmul.f32 v33, v33;
	v55 =	vadd.f32 v57, v56;
	v56 =	vadd.f32 v59, v58  }
.Ltmp2:
0x80: {  	v57 =	vadd.f32 v61, v60;
	v51 =	vadd.f32 v11, v10;
	v22 =	vmul.f32 v9, v9;
	(pc) =	sbr.rel @p1 .LBB2_2-.Ltmp2, $4  }
0x81: {  	v9 =	vmul.f32 v36, v36;
	v10 =	vmul.f32 v37, v37;
	v58 =	vadd.f32 v35, v21  }
0x82: {  	v62 =	vadd.f32 v63, v62;
	v59 =	vadd.f32 v27, v7;
	v27 =	vlaneseq.u32  }
0x83: {  	v11 =	vmul.f32 v0, v0;
	v60 =	vadd.f32 v29, v28;
	v61 =	vadd.f32 v39, v38  }
0x84: {  	s17 =	sadd.s32 $0x20, s17;
	v21 =	vmul.f32 v8, v8;
	v63 =	vadd.f32 v33, v32;
	v8 =	vadd.f32 v22, v34  }
0x85: {  	v0 =	vadd.f32 v10, v9;
	vm15 =	veq.f32 v49, v14;
	v3 =	vnsel vm0, $0x7149F2CA, v51  }
0x86: {  	v4 =	vnsel vm1, $0x7149F2CA, v52;
	v5 =	vnsel vm2, $0x7149F2CA, v54;
	v6 =	vnsel vm3, $0x7149F2CA, v53  }
0x87: {  	v7 =	vnsel vm4, $0x7149F2CA, v55;
	v9 =	vnsel vm5, $0x7149F2CA, v56;
	v10 =	vnsel vm8, $0x7149F2CA, v62  }
0x88: {  	v12 =	vnsel vm7, $0x7149F2CA, v58;
	v13 =	vnsel vm9, $0x7149F2CA, v59;
	v14 =	vnsel vm10, $0x7149F2CA, v60  }
0x89: {  	v20 =	vnsel vm11, $0x7149F2CA, v61;
	v1 =	vadd.f32 v21, v11;
	v11 =	vnsel vm6, $0x7149F2CA, v57  }
0x8a: {  	v21 =	vnsel vm12, $0x7149F2CA, v63;
	v8 =	vnsel vm13, $0x7149F2CA, v8;
	vm0 =	vlt.f32 v10, v2  }
0x8b: {  	vm1 =	vlt.f32 v13, v48;
	vm5 =	vlt.f32 v14, v45;
	vm3 =	vlt.f32 v20, v46  }
0x8c: {  	v2 =	vsel vm0, v10, v2;
	v10 =	vsel vm1, v13, v48;
	v13 =	vsel vm1, v25, v26  }
0x8d: {  	v22 =	vsel vm0, v25, v50;
	vm4 =	vlt.f32 v21, v47;
	vm1 =	vlt.f32 v4, v10  }
0x8e: {  	vm6 =	vlt.f32 v3, v2;
	v10 =	vsel vm1, v4, v10;
	v4 =	vsel vm3, v20, v46  }
0x8f: {  	v3 =	vsel vm6, v3, v2;
	v2 =	vsel vm5, v14, v45;
	vm0 =	vlt.f32 v6, v4  }
0x90: {  	v14 =	vsel vm4, v21, v47;
	v21 =	vsel vm0, v6, v4;
	v6 =	vsel vm6, v24, v22;
	v22 =	vld [tilespmem:$0x1FFC0]  }
0x91: {  	v0 =	vnsel vm14, $0x7149F2CA, v0;
	vm7 =	vlt.f32 v8, v44;
	v1 =	vnsel vm15, $0x7149F2CA, v1  }
0x92: {  	vm8 =	vlt.f32 v0, v43;
	v13 =	vsel vm1, v24, v13;
	vm9 =	vlt.f32 v1, v19  }
0x93: {  	v0 =	vsel vm8, v0, v43;
	vm2 =	vlt.f32 v5, v2;
	vm1 =	vlt.f32 v7, v14  }
0x94: {  	v1 =	vsel vm9, v1, v19;
	v20 =	vsel vm2, v5, v2;
	v5 =	vsel vm1, v7, v14  }
0x95: {  	v2 =	vsel vm7, v8, v44;
	v7 =	vperm.xlane v3, v22;
	v8 =	vperm.xlane v6, v22  }
0x96: {  	vm10 =	vlt.f32 v11, v0;
	v19 =	vld [tilespmem:$0x1FFD0];
	vm11 =	vlt.f32 v12, v1  }
0x97: {  	v14 =	vsel vm3, v25, v15;
	vm12 =	veq.f32 v7, v3;
	vm13 =	vlt.s32 v8, v6  }
0x98: {  	vm6 =	vlt.f32 v9, v2;
	vm14 =	vlt.f32 v7, v3;
	vm12 =	vmand vm12, vm13  }
0x99: {  	v4 =	vsel vm6, v9, v2;
	v2 =	vsel vm10, v11, v0;
	vm12 =	vmor vm14, vm12  }
0x9a: {  	v0 =	vsel vm11, v12, v1;
	v7 =	vsel vm12, v7, v3;
	v8 =	vsel vm12, v8, v6  }
0x9b: {  	v1 =	vsel vm7, v25, v18;
	v9 =	vperm.xlane v7, v19;
	v11 =	vperm.xlane v8, v19  }
0x9c: {  	v23 =	vld [tilespmem:$0x1FFE0];
	v15 =	vsel vm4, v25, v16;
	v12 =	vsel vm9, v25, v41;
	v6 =	vsel vm6, v24, v1  }
0x9d: {  	v1 =	vsel vm11, v24, v12;
	vm6 =	veq.f32 v9, v7;
	vm7 =	vlt.s32 v11, v8  }
0x9e: {  	v12 =	vsel vm5, v25, v17;
	vm5 =	vlt.f32 v9, v7;
	vm6 =	vmand vm6, vm7  }
0x9f: {  	v14 =	vsel vm0, v24, v14;
	v15 =	vsel vm1, v24, v15;
	vm3 =	vmor vm5, vm6  }
0xa0: {  	v16 =	vperm.xlane v13, v22;
	v7 =	vsel vm3, v9, v7;
	v9 =	vperm.xlane v10, v22  }
0xa1: {  	v12 =	vsel vm2, v24, v12;
	v8 =	vsel vm3, v11, v8;
	v11 =	vperm.xlane v7, v23  }
0xa2: {  	vm3 =	vlt.s32 v16, v13;
	v17 =	vperm.xlane v8, v23;
	vm2 =	veq.f32 v9, v10  }
0xa3: {  	v28 =	vld [tilespmem:$0x1FFF0];
	vm5 =	vlt.f32 v9, v10;
	vm4 =	vlt.f32 v11, v7;
	vm2 =	vmand vm2, vm3  }
0xa4: {  	vm3 =	veq.f32 v11, v7;
	vm6 =	vlt.s32 v17, v8;
	vm2 =	vmor vm5, vm2  }
0xa5: {  	vm3 =	vmand vm3, vm6;
	v9 =	vsel vm2, v9, v10;
	v10 =	vsel vm2, v16, v13  }
0xa6: {  	vm2 =	vmor vm4, vm3;
	v13 =	vperm.xlane v9, v19;
	v16 =	vperm.xlane v10, v19  }
0xa7: {  	v18 =	vperm.xlane v14, v22;
	v7 =	vsel vm2, v11, v7;
	v11 =	vsel vm2, v17, v8  }
0xa8: {  	[tilespmem:$0x1FB90] =	vst v7;
	v7 =	vperm.xlane v7, v28;
	vm0 =	veq.f32 v13, v9;
	vm1 =	vlt.s32 v16, v10  }
0xa9: {  	v8 =	vperm.xlane v12, v22;
	[tilespmem:$0x1FBB0] =	vst v11;
	vm2 =	vlt.f32 v13, v9;
	vm0 =	vmand vm0, vm1  }
0xaa: {  	v11 =	vperm.xlane v11, v28;
	[tilespmem:$0x1FBA0] =	vst v7;
	v7 =	vperm.xlane v20, v22;
	vm0 =	vmor vm2, vm0  }
0xab: {  	v3 =	vsel vm8, v25, v42;
	vm1 =	vlt.s32 v8, v12;
	v9 =	vsel vm0, v13, v9  }
0xac: {  	[tilespmem:$0x1FBC0] =	vst v11;
	v10 =	vsel vm0, v16, v10;
	vm0 =	veq.f32 v7, v20;
	v11 =	vperm.xlane v9, v23  }
0xad: {  	vm2 =	vlt.f32 v7, v20;
	v13 =	vperm.xlane v10, v23;
	vm0 =	vmand vm0, vm1  }
0xae: {  	vm0 =	vmor vm2, vm0;
	vm1 =	vlt.f32 v11, v9;
	vm3 =	veq.f32 v11, v9  }
0xaf: {  	vm2 =	vlt.s32 v13, v10;
	v7 =	vsel vm0, v7, v20;
	v8 =	vsel vm0, v8, v12  }
0xb0: {  	vm0 =	vmand vm3, vm2;
	v12 =	vperm.xlane v7, v19;
	v16 =	vperm.xlane v8, v19  }
0xb1: {  	vm4 =	vlt.s32 v18, v14;
	v17 =	vperm.xlane v21, v22;
	vm0 =	vmor vm1, vm0  }
0xb2: {  	vm1 =	vlt.f32 v12, v7;
	vm2 =	veq.f32 v12, v7;
	vm3 =	vlt.s32 v16, v8  }
0xb3: {  	v20 =	vsel vm0, v11, v9;
	v30 =	vsel vm0, v13, v10;
	vm2 =	vmand vm2, vm3  }
0xb4: {  	vm3 =	veq.f32 v17, v21;
	v10 =	vperm.xlane v20, v28;
	vm1 =	vmor vm1, vm2  }
0xb5: {  	vm2 =	vlt.f32 v17, v21;
	vm3 =	vmand vm3, vm4;
	v7 =	vsel vm1, v12, v7  }
0xb6: {  	vm2 =	vmor vm2, vm3;
	v8 =	vsel vm1, v16, v8;
	v9 =	vperm.xlane v7, v23  }
0xb7: {  	[tilespmem:$0x1FBE0] =	vst v10;
	v11 =	vsel vm2, v17, v21;
	v12 =	vsel vm2, v18, v14;
	v10 =	vperm.xlane v8, v23  }
0xb8: {  	v3 =	vsel vm10, v24, v3;
	v14 =	vperm.xlane v11, v19;
	v16 =	vperm.xlane v12, v19  }
0xb9: {  	v13 =	vperm.xlane v5, v22;
	v17 =	vperm.xlane v15, v22;
	vm0 =	veq.f32 v9, v7  }
0xba: {  	vm3 =	vlt.s32 v10, v8;
	vm1 =	veq.f32 v14, v11;
	vm2 =	vlt.s32 v16, v12  }
0xbb: {  	vm4 =	vlt.f32 v14, v11;
	vm0 =	vmand vm0, vm3;
	vm1 =	vmand vm1, vm2  }
0xbc: {  	vm3 =	vlt.s32 v17, v15;
	vm2 =	vlt.f32 v9, v7;
	vm1 =	vmor vm4, vm1  }
0xbd: {  	vm4 =	vlt.f32 v13, v5;
	vm0 =	vmor vm2, vm0;
	v11 =	vsel vm1, v14, v11  }
0xbe: {  	v12 =	vsel vm1, v16, v12;
	vm1 =	veq.f32 v13, v5;
	v32 =	vsel vm0, v9, v7  }
0xbf: {  	v34 =	vsel vm0, v10, v8;
	v14 =	vperm.xlane v11, v23;
	vm1 =	vmand vm1, vm3  }
0xc0: {  	v8 =	vperm.xlane v4, v22;
	v16 =	vperm.xlane v12, v23;
	vm1 =	vmor vm4, vm1  }
0xc1: {  	v10 =	vperm.xlane v6, v22;
	vm2 =	veq.f32 v14, v11;
	v5 =	vsel vm1, v13, v5  }
0xc2: {  	vm3 =	vlt.s32 v16, v12;
	v7 =	vsel vm1, v17, v15;
	vm1 =	vlt.f32 v14, v11  }
0xc3: {  	v9 =	vperm.xlane v5, v19;
	vm2 =	vmand vm2, vm3;
	v13 =	vperm.xlane v7, v19  }
0xc4: {  	vm4 =	vlt.f32 v8, v4;
	v15 =	vimm.s32 $0xE;
	vm0 =	vmor vm1, vm2  }
0xc5: {  	vm1 =	veq.f32 v9, v5;
	vm2 =	vlt.s32 v13, v7;
	v36 =	vsel vm0, v14, v11  }
0xc6: {  	vm3 =	vlt.f32 v9, v5;
	v37 =	vsel vm0, v16, v12;
	vm1 =	vmand vm1, vm2  }
0xc7: {  	vm2 =	veq.f32 v8, v4;
	vm1 =	vmor vm3, vm1;
	vm3 =	vlt.s32 v10, v6  }
0xc8: {  	v12 =	vperm.xlane v2, v22;
	v16 =	vimm.s32 $0xF;
	vm2 =	vmand vm2, vm3  }
0xc9: {  	v5 =	vsel vm1, v9, v5;
	v7 =	vsel vm1, v13, v7;
	vm1 =	vmor vm4, vm2  }
0xca: {  	v9 =	vperm.xlane v5, v23;
	v11 =	vperm.xlane v7, v23;
	v4 =	vsel vm1, v8, v4  }
0xcb: {  	v13 =	vperm.xlane v3, v22;
	v6 =	vsel vm1, v10, v6;
	v8 =	vperm.xlane v4, v19  }
0xcc: {  	v10 =	vperm.xlane v6, v19;
	vm1 =	veq.f32 v9, v5;
	vm2 =	vlt.s32 v11, v7  }
0xcd: {  	vm0 =	vlt.f32 v9, v5;
	vm1 =	vmand vm1, vm2;
	vm2 =	veq.f32 v8, v4  }
0xce: {  	vm3 =	vlt.s32 v10, v6;
	vm0 =	vmor vm0, vm1;
	vm1 =	vlt.f32 v8, v4  }
0xcf: {  	vm2 =	vmand vm2, vm3;
	v40 =	vsel vm0, v9, v5;
	v42 =	vsel vm0, v11, v7  }
0xd0: {  	vm0 =	veq.f32 v12, v2;
	v11 =	vperm.xlane v1, v22;
	vm1 =	vmor vm1, vm2  }
0xd1: {  	vm2 =	vlt.s32 v13, v3;
	v4 =	vsel vm1, v8, v4;
	v6 =	vsel vm1, v10, v6  }
0xd2: {  	vm1 =	vlt.f32 v12, v2;
	vm0 =	vmand vm0, vm2;
	v10 =	vperm.xlane v0, v22  }
0xd3: {  	vm5 =	vlt.s32 v11, v1;
	v22 =	vld [tilespmem:$0x1FEB0];
	v5 =	vperm.xlane v4, v23;
	vm0 =	vmor vm1, vm0  }
0xd4: {  	v7 =	vperm.xlane v6, v23;
	v2 =	vsel vm0, v12, v2;
	v3 =	vsel vm0, v13, v3  }
0xd5: {  	v12 =	vimm.s32 $0xD;
	vm2 =	vlt.f32 v5, v4;
	v8 =	vperm.xlane v2, v19  }
0xd6: {  	vm1 =	veq.f32 v5, v4;
	vm0 =	vlt.s32 v7, v6;
	v9 =	vperm.xlane v3, v19  }
0xd7: {  	vm0 =	vmand vm1, vm0;
	vm1 =	vlt.f32 v8, v2;
	vm3 =	veq.f32 v8, v2  }
0xd8: {  	vm4 =	vlt.s32 v9, v3;
	vm0 =	vmor vm2, vm0;
	v14 =	vperm.xlane v22, v12  }
0xd9: {  	vm3 =	vmand vm3, vm4;
	vm4 =	veq.f32 v10, v0;
	v43 =	vsel vm0, v7, v6  }
0xda: {  	vm1 =	vmor vm1, vm3;
	vm3 =	vlt.f32 v10, v0;
	vm4 =	vmand vm4, vm5  }
0xdb: {  	v7 =	vimm.s32 $0x9;
	v2 =	vsel vm1, v8, v2;
	vm2 =	vmor vm3, vm4  }
0xdc: {  	v8 =	vperm.xlane v2, v23;
	v0 =	vsel vm2, v10, v0;
	v1 =	vsel vm2, v11, v1  }
0xdd: {  	v3 =	vsel vm1, v9, v3;
	v11 =	vld [tilespmem:$0x1FEA0];
	v9 =	vperm.xlane v0, v19;
	v10 =	vperm.xlane v1, v19  }
0xde: {  	v44 =	vsel vm0, v5, v4;
	v61 =	vperm.xlane v22, v7;
	v4 =	vperm.xlane v3, v23  }
0xdf: {  	vm0 =	veq.f32 v8, v2;
	vm1 =	veq.f32 v9, v0;
	vm2 =	vlt.s32 v10, v1  }
0xe0: {  	vm3 =	vlt.s32 v4, v3;
	vm4 =	vlt.f32 v9, v0;
	vm1 =	vmand vm1, vm2  }
0xe1: {  	vm0 =	vmand vm0, vm3;
	vm2 =	vlt.f32 v8, v2;
	vm1 =	vmor vm4, vm1  }
0xe2: {  	s18 =	simm.s32 $0x10;
	s17 =	simm.s32 $0x0;
	vm0 =	vmor vm2, vm0;
	v35 =	vperm.xlane v11, v7;
	v55 =	vperm.xlane v11, v12  }
0xe3: {  	s20 =	sand.u32 $0x1FE00, s17;
	s19 =	sand.u32 $0x70, s18;
	v56 =	vperm.xlane v11, v15;
	v57 =	vperm.xlane v11, v16;
	v0 =	vsel vm1, v9, v0  }
0xe4: {  	s21 =	sor.u32 s19, s20;
	v1 =	vsel vm1, v10, v1;
	v45 =	vsel vm0, v8, v2;
	v46 =	vsel vm0, v4, v3  }
0xe5: {  	v6 =	vld [tilespmem:s21+$0x100];
	v4 =	vimm.s32 $0x8;
	v8 =	vimm.s32 $0xA;
	v2 =	vperm.xlane v0, v23  }
0xe6: {  	v3 =	vld [tilespmem:$0x1FE90];
	v9 =	vimm.s32 $0xB;
	v5 =	vperm.xlane v1, v23;
	v26 =	vperm.xlane v11, v4  }
0xe7: {  	v10 =	vimm.s32 $0xC;
	v52 =	vperm.xlane v11, v8;
	v53 =	vperm.xlane v11, v9  }
0xe8: {  	v54 =	vperm.xlane v11, v10;
	v60 =	vperm.xlane v22, v4  }
0xe9: {  	[tilespmem:$0x1FBD0] =	vst v20;
	v20 =	vperm.xlane v22, v8;
	v13 =	vperm.xlane v22, v10  }
0xea: {  	s31 =	simm.s32 $0x0;
	v24 =	vsub.f32 v6, v56;
	vm0 =	vlt.f32 v2, v0;
	vm1 =	veq.f32 v2, v0  }
0xeb: {  	s22 =	sand.u32 $0x60, s31;
	vm2 =	vlt.s32 v5, v1;
	v25 =	vperm.xlane v3, v4;
	v29 =	vperm.xlane v3, v7  }
0xec: {  	s20 =	sor.u32 s22, s20;
	v19 =	vsub.f32 v6, v54;
	v31 =	vperm.xlane v3, v8;
	v39 =	vperm.xlane v3, v9  }
0xed: {  	v17 =	vld [tilespmem:s20+$0x100];
	vm1 =	vmand vm1, vm2;
	v41 =	vperm.xlane v3, v10;
	v49 =	vperm.xlane v3, v12  }
0xee: {  	v50 =	vperm.xlane v3, v15;
	v51 =	vperm.xlane v3, v16;
	v3 =	vld [tilespmem:s21+$0x80];
	vm0 =	vmor vm0, vm1  }
0xef: {  	v4 =	vperm.xlane v22, v9;
	v10 =	vsub.f32 v6, v52;
	v12 =	vsub.f32 v6, v53  }
0xf0: {  	v15 =	vperm.xlane v22, v15;
	v16 =	vperm.xlane v22, v16;
	v22 =	vsub.f32 v6, v55  }
0xf1: {  	v7 =	vld [tilespmem:s21+$0x0];
	v47 =	vsel vm0, v5, v1;
	v1 =	vsub.f32 v6, v26;
	v5 =	vsub.f32 v6, v35  }
0xf2: {  	[tilespmem:$0x1FC00] =	vst v26;
	v9 =	vld [tilespmem:s20+$0x80];
	v48 =	vsel vm0, v2, v0;
	v6 =	vsub.f32 v6, v57;
	v26 =	vsub.f32 v17, v26  }
0xf3: {  	v1 =	vmul.f32 v1, v1;
	v0 =	vsub.f32 v3, v25;
	v2 =	vsub.f32 v3, v29  }
0xf4: {  	v5 =	vmul.f32 v5, v5;
	v8 =	vsub.f32 v3, v31;
	v11 =	vsub.f32 v3, v39  }
0xf5: {  	v6 =	vmul.f32 v6, v6;
	v18 =	vsub.f32 v3, v41;
	v21 =	vsub.f32 v3, v49  }
0xf6: {  	v23 =	vsub.f32 v3, v50;
	vm1 =	veq.f32 v7, v60;
	v3 =	vsub.f32 v3, v51  }
0xf7: {  	[tilespmem:$0x1FBF0] =	vst v25;
	v25 =	vsub.f32 v9, v25;
	vm2 =	veq.f32 v7, v61;
	vm0 =	veq.f32 v7, v20  }
0xf8: {  	[tilespmem:$0x1FCD0] =	vst v30;
	vm3 =	veq.f32 v7, v4;
	vm5 =	veq.f32 v7, v13;
	v0 =	vmul.f32 v0, v0  }
0xf9: {  	[tilespmem:$0x1FD00] =	vst v32;
	vm4 =	veq.f32 v7, v14;
	vm6 =	veq.f32 v7, v15;
	vm7 =	veq.f32 v7, v16  }
0xfa: {  	[tilespmem:$0x1FD30] =	vst v34;
	v7 =	vsub.f32 v17, v56;
	v2 =	vmul.f32 v2, v2;
	v33 =	vadd.f32 v1, v0  }
0xfb: {  	[tilespmem:$0x1FD50] =	vst v36;
	v0 =	vsub.f32 v9, v29;
	v1 =	vmul.f32 v8, v8;
	v8 =	vmul.f32 v10, v10  }
0xfc: {  	[tilespmem:$0x1FD70] =	vst v37;
	v3 =	vmul.f32 v3, v3;
	v38 =	vadd.f32 v5, v2;
	v2 =	vsub.f32 v17, v35  }
0xfd: {  	[tilespmem:$0x1FD90] =	vst v40;
	v10 =	vmul.f32 v11, v11;
	v11 =	vmul.f32 v12, v12;
	v5 =	vadd.f32 v8, v1  }
0xfe: {  	[tilespmem:$0x1FDB0] =	vst v42;
	v8 =	vsub.f32 v9, v31;
	v1 =	vmul.f32 v18, v18;
	v18 =	vmul.f32 v19, v19  }
0xff: {  	[tilespmem:$0x1FDD0] =	vst v44;
	v12 =	vadd.f32 v11, v10;
	v10 =	vsub.f32 v17, v52;
	v11 =	vmul.f32 v21, v21  }
0x100: {  	[tilespmem:$0x1FC30] =	vst v31;
	v19 =	vmul.f32 v22, v22;
	v21 =	vmul.f32 v23, v23;
	v31 =	vadd.f32 v6, v3  }
0x101: {  	[tilespmem:$0x1FC20] =	vst v35;
	v22 =	vmul.f32 v24, v24;
	v3 =	vsub.f32 v17, v54;
	v35 =	vadd.f32 v18, v1  }
0x102: {  	[tilespmem:$0x1FDF0] =	vst v43;
	v0 =	vmul.f32 v0, v0;
	v18 =	vsub.f32 v9, v39;
	v1 =	vadd.f32 v19, v11  }
0x103: {  	[tilespmem:$0x1FC10] =	vst v29;
	v2 =	vmul.f32 v2, v2;
	v11 =	vsub.f32 v17, v53;
	v29 =	vadd.f32 v22, v21  }
0x104: {  	[tilespmem:$0x1FCA0] =	vst v55;
	v19 =	vsub.f32 v9, v41;
	v21 =	vmul.f32 v25, v25;
	v22 =	vmul.f32 v26, v26  }
0x105: {  	[tilespmem:$0x1FCC0] =	vst v56;
	v8 =	vmul.f32 v8, v8;
	v10 =	vmul.f32 v10, v10;
	v0 =	vadd.f32 v2, v0  }
0x106: {  	[tilespmem:$0x1FD20] =	vst v57;
	v2 =	vsub.f32 v17, v55;
	v18 =	vmul.f32 v18, v18;
	v11 =	vmul.f32 v11, v11  }
0x107: {  	[tilespmem:$0x1FC70] =	vst v41;
	v3 =	vmul.f32 v3, v3;
	v41 =	vadd.f32 v10, v8;
	v8 =	vmul.f32 v19, v19  }
0x108: {  	[tilespmem:$0x1FE10] =	vst v45;
	v58 =	vadd.f32 v22, v21;
	v22 =	vadd.f32 v11, v18;
	v11 =	vmul.f32 v2, v2  }
0x109: {  	[tilespmem:$0x1FE30] =	vst v46;
	v2 =	vadd.f32 v3, v8;
	v8 =	vmul.f32 v7, v7;
	v7 =	vperm.xlane v34, v28  }
0x10a: {  	[tilespmem:$0x1FC40] =	vst v52  }
0x10b: {  	[tilespmem:$0x1FD40] =	vst v7;
	v7 =	vperm.xlane v36, v28  }
0x10c: {  	[tilespmem:$0x1FC60] =	vst v53  }
0x10d: {  	v63 =	vld [tilespmem:s20+$0x0];
	[tilespmem:$0x1FD60] =	vst v7;
	v7 =	vperm.xlane v37, v28  }
0x10e: {  	[tilespmem:$0x1FC80] =	vst v54  }
0x10f: {  	[tilespmem:$0x1FD80] =	vst v7;
	v7 =	vperm.xlane v40, v28  }
0x110: {  	[tilespmem:$0x1FC50] =	vst v39  }
0x111: {  	[tilespmem:$0x1FDA0] =	vst v7;
	v7 =	vperm.xlane v42, v28  }
0x112: {  	v62 =	vimm.s32 $0x0;
	vm9 =	veq.f32 v63, v14;
	vm12 =	veq.f32 v63, v61;
	[tilespmem:$0x1FC90] =	vst v49  }
0x113: {  	vm10 =	veq.f32 v63, v60;
	vm8 =	veq.f32 v63, v20;
	[tilespmem:$0x1FDC0] =	vst v7;
	v7 =	vperm.xlane v44, v28  }
0x114: {  	vm13 =	veq.f32 v63, v13;
	[tilespmem:$0x1FCB0] =	vst v50;
	vm11 =	veq.f32 v63, v4;
	v6 =	vsub.f32 v9, v49  }
0x115: {  	vm14 =	veq.f32 v63, v15;
	v56 =	vimm.f32 $1.000000020e+30;
	[tilespmem:$0x1FDE0] =	vst v7;
	v7 =	vperm.xlane v43, v28  }
0x116: {  	[tilespmem:$0x1FCF0] =	vst v51;
	v23 =	vimm.f32 $1.000000020e+30;
	v24 =	vimm.f32 $1.000000020e+30;
	v6 =	vmul.f32 v6, v6  }
0x117: {  	v25 =	vimm.s32 $0x0;
	v26 =	vimm.s32 $0x0;
	[tilespmem:$0x1FE00] =	vst v7;
	v7 =	vperm.xlane v45, v28  }
0x118: {  	[tilespmem:$0x1FE50] =	vst v48;
	v10 =	vsub.f32 v9, v50;
	v9 =	vsub.f32 v9, v51;
	v3 =	vperm.xlane v30, v28  }
0x119: {  	v19 =	vimm.s32 $0x0;
	v21 =	vimm.f32 $1.000000020e+30;
	[tilespmem:$0x1FE20] =	vst v7;
	v7 =	vperm.xlane v46, v28  }
0x11a: {  	v18 =	vor.u32 s31, v27;
	v34 =	vimm.f32 $1.000000020e+30;
	v30 =	vimm.s32 $0x0;
	[tilespmem:$0x1FCE0] =	vst v3  }
0x11b: {  	v39 =	vadd.f32 v11, v6;
	v3 =	vperm.xlane v32, v28;
	[tilespmem:$0x1FE40] =	vst v7;
	v7 =	vperm.xlane v48, v28  }
0x11c: {  	[tilespmem:$0x1FE70] =	vst v47;
	v11 =	vsub.f32 v17, v57;
	v6 =	vmul.f32 v9, v9;
	v17 =	vor.u32 s18, v27  }
0x11d: {  	v36 =	vimm.f32 $1.000000020e+30;
	v27 =	vimm.s32 $0x0;
	[tilespmem:$0x1FE60] =	vst v7;
	v7 =	vperm.xlane v47, v28  }
0x11e: {  	v32 =	vimm.s32 $0x0;
	[tilespmem:$0x1FD10] =	vst v3;
	v3 =	vmul.f32 v10, v10;
	v9 =	vmul.f32 v11, v11  }
0x11f: {  	s18 =	simm.s32 $0x30;
	v37 =	vimm.f32 $1.000000020e+30;
	v40 =	vimm.f32 $1.000000020e+30;
	v28 =	vimm.s32 $0x0;
	[tilespmem:$0x1FE80] =	vst v7  }
.LBB2_4:
0x120: {  	vm15 =	veq.f32 v63, v16  }
0x121: {  	v3 =	vadd.f32 v8, v3;
	v6 =	vadd.f32 v9, v6;
	v7 =	vnsel vm1, $0x7149F2CA, v33  }
0x122: {  	v8 =	vnsel vm2, $0x7149F2CA, v38;
	v5 =	vnsel vm0, $0x7149F2CA, v5;
	v9 =	vnsel vm3, $0x7149F2CA, v12  }
0x123: {  	v10 =	vnsel vm5, $0x7149F2CA, v35;
	v1 =	vnsel vm4, $0x7149F2CA, v1;
	v11 =	vnsel vm10, $0x7149F2CA, v58  }
0x124: {  	v12 =	vnsel vm6, $0x7149F2CA, v29;
	v29 =	vnsel vm7, $0x7149F2CA, v31;
	v0 =	vnsel vm12, $0x7149F2CA, v0  }
0x125: {  	v31 =	vnsel vm8, $0x7149F2CA, v41;
	v22 =	vnsel vm11, $0x7149F2CA, v22;
	v2 =	vnsel vm13, $0x7149F2CA, v2  }
0x126: {  	v48 =	vnsel vm9, $0x7149F2CA, v39;
	vm0 =	vlt.f32 v11, v56;
	vm1 =	vlt.f32 v0, v23  }
0x127: {  	vm2 =	vlt.f32 v22, v21;
	vm3 =	vlt.f32 v2, v40;
	vm7 =	vlt.f32 v48, v36  }
0x128: {  	v3 =	vnsel vm14, $0x7149F2CA, v3;
	v6 =	vnsel vm15, $0x7149F2CA, v6;
	v11 =	vsel vm0, v11, v56  }
0x129: {  	v0 =	vsel vm1, v0, v23;
	v19 =	vsel vm1, v18, v19;
	v49 =	vsel vm0, v18, v62  }
0x12a: {  	v2 =	vsel vm3, v2, v40;
	vm0 =	vlt.f32 v7, v11;
	vm1 =	vlt.f32 v8, v0  }
0x12b: {  	vm6 =	vlt.f32 v10, v2;
	vm8 =	vlt.f32 v3, v37;
	vm9 =	vlt.f32 v6, v34  }
0x12c: {  	v56 =	vsel vm0, v7, v11;
	v23 =	vsel vm1, v8, v0;
	v19 =	vsel vm1, v17, v19  }
0x12d: {  	s17 =	sadd.s32 $0x80, s17;
	s21 =	sadd.s32 $0xFFFFFFF0, s18;
	vm1 =	vlt.f32 v31, v24;
	v7 =	vsel vm2, v22, v21;
	v40 =	vsel vm6, v10, v2  }
0x12e: {  	s20 =	sand.u32 $0x70, s18;
	v42 =	vld [tilespmem:$0x1FC10];
	s19 =	sand.u32 $0x1FE00, s17;
	s31 =	sand.u32 $0x60, s21;
	v2 =	vsel vm8, v3, v37;
	v3 =	vsel vm9, v6, v34;
	v6 =	vsel vm3, v18, v32  }
0x12f: {  	v43 =	vld [tilespmem:$0x1FC30];
	s20 =	sor.u32 s20, s19;
	s19 =	sor.u32 s31, s19;
	v62 =	vsel vm0, v17, v49;
	v0 =	vsel vm1, v31, v24;
	vm5 =	vlt.f32 v9, v7  }
0x130: {  	v63 =	vld [tilespmem:s19+$0x0];
	vm11 =	vlt.f32 v12, v2;
	vm12 =	vlt.f32 v29, v3;
	v32 =	vsel vm6, v17, v6  }
0x131: {  	v45 =	vld [tilespmem:$0x1FC50];
	vm4 =	vlt.f32 v5, v0;
	v21 =	vsel vm5, v9, v7;
	v37 =	vsel vm11, v12, v2  }
0x132: {  	v39 =	vld [tilespmem:$0x1FBF0];
	v34 =	vsel vm12, v29, v3;
	v2 =	vsel vm8, v18, v25;
	v3 =	vsel vm9, v18, v26  }
0x133: {  	v9 =	vld [tilespmem:s19+$0x80];
	v24 =	vsel vm4, v5, v0;
	v0 =	vsel vm7, v48, v36;
	v25 =	vsel vm11, v17, v2  }
0x134: {  	v5 =	vld [tilespmem:s20+$0x80];
	v26 =	vsel vm12, v17, v3;
	v2 =	vsel vm1, v18, v28;
	v3 =	vsel vm2, v18, v30  }
0x135: {  	v47 =	vld [tilespmem:$0x1FC70];
	vm12 =	veq.f32 v63, v61;
	vm8 =	veq.f32 v63, v20;
	vm11 =	veq.f32 v63, v4  }
0x136: {  	v51 =	vld [tilespmem:$0x1FC90];
	vm10 =	vlt.f32 v1, v0;
	v28 =	vsel vm4, v17, v2;
	v30 =	vsel vm5, v17, v3  }
0x137: {  	v54 =	vld [tilespmem:$0x1FCB0];
	v2 =	vlaneseq.u32;
	v36 =	vsel vm10, v1, v0;
	v1 =	vsel vm7, v18, v27  }
0x138: {  	v18 =	vor.u32 s21, v2;
	v27 =	vsel vm10, v17, v1;
	v58 =	vsub.f32 v9, v42  }
0x139: {  	v0 =	vld [tilespmem:s20+$0x0];
	v17 =	vor.u32 s18, v2;
	v2 =	vsub.f32 v5, v39;
	v6 =	vsub.f32 v5, v42  }
0x13a: {  	v44 =	vld [tilespmem:$0x1FC20];
	vm13 =	veq.f32 v63, v13;
	v8 =	vsub.f32 v5, v43;
	v11 =	vsub.f32 v5, v45  }
0x13b: {  	v46 =	vld [tilespmem:$0x1FC40];
	vm9 =	veq.f32 v63, v14;
	v22 =	vsub.f32 v5, v47;
	v31 =	vsub.f32 v5, v51  }
0x13c: {  	v53 =	vld [tilespmem:$0x1FCA0];
	vm14 =	veq.f32 v63, v15;
	v35 =	vsub.f32 v5, v54;
	v39 =	vsub.f32 v9, v39  }
0x13d: {  	v41 =	vld [tilespmem:$0x1FC00];
	vm10 =	veq.f32 v63, v60;
	v43 =	vsub.f32 v9, v43;
	v45 =	vsub.f32 v9, v45  }
0x13e: {  	v1 =	vld [tilespmem:s20+$0x100];
	v47 =	vsub.f32 v9, v47;
	vm1 =	veq.f32 v0, v60;
	vm2 =	veq.f32 v0, v61  }
0x13f: {  	v49 =	vld [tilespmem:$0x1FC80];
	vm0 =	veq.f32 v0, v20;
	vm3 =	veq.f32 v0, v4;
	vm5 =	veq.f32 v0, v13  }
0x140: {  	v48 =	vld [tilespmem:$0x1FC60];
	vm4 =	veq.f32 v0, v14;
	v2 =	vmul.f32 v2, v2;
	v6 =	vmul.f32 v6, v6  }
0x141: {  	v57 =	vld [tilespmem:$0x1FCC0];
	vm6 =	veq.f32 v0, v15;
	v8 =	vmul.f32 v8, v8;
	v11 =	vmul.f32 v11, v11  }
0x142: {  	v59 =	vld [tilespmem:$0x1FD20];
	vm7 =	veq.f32 v0, v16;
	v22 =	vmul.f32 v22, v22;
	v31 =	vmul.f32 v31, v31  }
0x143: {  	v55 =	vld [tilespmem:$0x1FCF0];
	v39 =	vmul.f32 v39, v39;
	v43 =	vmul.f32 v43, v43;
	v3 =	vsub.f32 v1, v41  }
0x144: {  	v0 =	vld [tilespmem:s19+$0x100];
	v45 =	vmul.f32 v45, v45;
	v7 =	vsub.f32 v1, v44;
	v10 =	vsub.f32 v1, v46  }
0x145: {  	v47 =	vmul.f32 v47, v47;
	v12 =	vsub.f32 v1, v48;
	v29 =	vsub.f32 v1, v49  }
0x146: {  	v50 =	vsub.f32 v1, v53;
	v38 =	vsub.f32 v1, v57;
	v3 =	vmul.f32 v3, v3  }
0x147: {  	v1 =	vsub.f32 v1, v59;
	v7 =	vmul.f32 v7, v7;
	v10 =	vmul.f32 v10, v10  }
0x148: {  	v5 =	vsub.f32 v5, v55;
	v12 =	vmul.f32 v12, v12;
	v29 =	vmul.f32 v29, v29  }
0x149: {  	v52 =	vmul.f32 v1, v1;
	v41 =	vsub.f32 v0, v41;
	v42 =	vsub.f32 v0, v44  }
0x14a: {  	v44 =	vsub.f32 v0, v46;
	v46 =	vsub.f32 v0, v48;
	v48 =	vmul.f32 v50, v50  }
0x14b: {  	v33 =	vsub.f32 v0, v49;
	v49 =	vmul.f32 v35, v35;
	v35 =	vsub.f32 v9, v51  }
0x14c: {  	v1 =	vsub.f32 v0, v53;
	v53 =	vmul.f32 v58, v58;
	v58 =	vsub.f32 v9, v54  }
0x14d: {  	v50 =	vmul.f32 v38, v38;
	v54 =	vsub.f32 v0, v57;
	v9 =	vsub.f32 v9, v55  }
0x14e: {  	v51 =	vmul.f32 v5, v5;
	v57 =	vsub.f32 v0, v59;
	v38 =	vadd.f32 v7, v6  }
0x14f: {  	v5 =	vadd.f32 v10, v8;
	v41 =	vmul.f32 v41, v41;
	v42 =	vmul.f32 v42, v42  }
0x150: {  	v12 =	vadd.f32 v12, v11;
	v44 =	vmul.f32 v44, v44;
	v46 =	vmul.f32 v46, v46  }
0x151: {  	p1 =	sne.s32 s18, $0x4E10;
	v55 =	vmul.f32 v33, v33;
	v59 =	vmul.f32 v35, v35;
	v33 =	vadd.f32 v3, v2  }
.Ltmp3:
0x152: {  	v7 =	vmul.f32 v1, v1;
	v35 =	vadd.f32 v29, v22;
	v1 =	vadd.f32 v48, v31;
	(pc) =	sbr.rel @p1 .LBB2_4-.Ltmp3, $4  }
0x153: {  	v3 =	vmul.f32 v58, v58;
	v29 =	vadd.f32 v50, v49;
	v31 =	vadd.f32 v52, v51  }
0x154: {  	v8 =	vmul.f32 v54, v54;
	v58 =	vadd.f32 v41, v39;
	v0 =	vadd.f32 v42, v53  }
0x155: {  	v6 =	vmul.f32 v9, v9;
	v41 =	vadd.f32 v44, v43;
	v22 =	vadd.f32 v46, v45  }
0x156: {  	s18 =	sadd.s32 $0x20, s18;
	v9 =	vmul.f32 v57, v57;
	v2 =	vadd.f32 v55, v47;
	v39 =	vadd.f32 v7, v59  }
0x157: {  	vm15 =	veq.f32 v63, v16;
	v4 =	vnsel vm10, $0x7149F2CA, v58  }
0x158: {  	v3 =	vadd.f32 v8, v3;
	v0 =	vnsel vm12, $0x7149F2CA, v0;
	v7 =	vnsel vm1, $0x7149F2CA, v33  }
0x159: {  	v58 =	vnsel vm2, $0x7149F2CA, v38;
	v59 =	vnsel vm8, $0x7149F2CA, v41;
	v60 =	vnsel vm11, $0x7149F2CA, v22  }
0x15a: {  	v5 =	vnsel vm0, $0x7149F2CA, v5;
	v61 =	vnsel vm3, $0x7149F2CA, v12;
	v63 =	vnsel vm5, $0x7149F2CA, v35  }
0x15b: {  	v1 =	vnsel vm4, $0x7149F2CA, v1;
	v10 =	vnsel vm6, $0x7149F2CA, v29;
	v11 =	vnsel vm7, $0x7149F2CA, v31  }
0x15c: {  	vm10 =	vlt.f32 v4, v56;
	vm12 =	vlt.f32 v0, v23;
	v6 =	vadd.f32 v9, v6  }
0x15d: {  	v41 =	vld [tilespmem:$0x1FBA0];
	v2 =	vnsel vm13, $0x7149F2CA, v2;
	vm8 =	vlt.f32 v59, v24;
	vm11 =	vlt.f32 v60, v21  }
0x15e: {  	v43 =	vld [tilespmem:$0x1FBB0];
	v4 =	vsel vm10, v4, v56;
	v0 =	vsel vm12, v0, v23;
	vm13 =	vlt.f32 v2, v40  }
0x15f: {  	v44 =	vld [tilespmem:$0x1FBC0];
	v8 =	vnsel vm14, $0x7149F2CA, v3;
	v22 =	vsel vm12, v18, v19;
	v31 =	vsel vm10, v18, v62  }
0x160: {  	v46 =	vld [tilespmem:$0x1FCD0];
	v38 =	vsel vm11, v18, v30;
	vm1 =	vlt.f32 v7, v4;
	vm2 =	vlt.f32 v58, v0  }
0x161: {  	v47 =	vld [tilespmem:$0x1FCE0];
	v2 =	vsel vm13, v2, v40;
	v9 =	vnsel vm15, $0x7149F2CA, v6;
	vm14 =	vlt.f32 v8, v37  }
0x162: {  	v49 =	vld [tilespmem:$0x1FD00];
	v33 =	vsel vm1, v7, v4;
	v42 =	vsel vm2, v58, v0;
	v0 =	vsel vm8, v59, v24  }
0x163: {  	v50 =	vld [tilespmem:$0x1FD10];
	v4 =	vsel vm11, v60, v21;
	vm5 =	vlt.f32 v63, v2;
	v7 =	vnsel vm9, $0x7149F2CA, v39  }
0x164: {  	v45 =	vld [tilespmem:$0x1FBD0];
	vm15 =	vlt.f32 v9, v34;
	v35 =	vsel vm14, v18, v25;
	v39 =	vsel vm13, v18, v32  }
0x165: {  	v51 =	vld [tilespmem:$0x1FD30];
	vm0 =	vlt.f32 v5, v0;
	vm3 =	vlt.f32 v61, v4;
	v20 =	vsel vm5, v63, v2  }
0x166: {  	v52 =	vld [tilespmem:$0x1FD70];
	vm9 =	vlt.f32 v7, v36;
	v2 =	vsel vm14, v8, v37;
	v3 =	vsel vm15, v9, v34  }
0x167: {  	v40 =	vld [tilespmem:$0x1FB90];
	v37 =	vsel vm8, v18, v28;
	vm11 =	vlt.s32 v44, v43;
	vm13 =	vlt.s32 v47, v46  }
0x168: {  	v25 =	vld [tilespmem:$0x1FD40];
	vm8 =	vlt.f32 v50, v49;
	v23 =	vsel vm0, v5, v0;
	v21 =	vsel vm3, v61, v4  }
0x169: {  	v0 =	vsel vm9, v7, v36;
	vm6 =	vlt.f32 v10, v2;
	v36 =	vsel vm15, v18, v26;
	v26 =	vld [tilespmem:$0x1FD60]  }
0x16a: {  	vm7 =	vlt.f32 v11, v3;
	v34 =	vsel vm9, v18, v27;
	v5 =	vsel vm0, v17, v37;
	v27 =	vld [tilespmem:$0x1FD80]  }
0x16b: {  	v24 =	vsel vm3, v17, v38;
	vm4 =	vlt.f32 v1, v0;
	v14 =	vsel vm6, v10, v2;
	v10 =	vld [tilespmem:$0x1FBE0]  }
0x16c: {  	v4 =	vsel vm7, v11, v3;
	v11 =	vld [tilespmem:$0x1FD50];
	v16 =	vsel vm4, v1, v0;
	vm10 =	veq.f32 v41, v40  }
0x16d: {  	v29 =	vld [tilespmem:$0x1FDE0];
	v0 =	vsel vm2, v17, v22;
	vm9 =	vlt.f32 v41, v40;
	vm2 =	vmand vm10, vm11  }
0x16e: {  	v30 =	vld [tilespmem:$0x1FFC0];
	v18 =	vsel vm4, v17, v34;
	vm10 =	vlt.s32 v25, v51;
	vm0 =	vmor vm9, vm2  }
0x16f: {  	v58 =	vld [tilespmem:$0x1FD90];
	vm9 =	veq.f32 v50, v49;
	v2 =	vsel vm0, v41, v40;
	v3 =	vsel vm0, v44, v43  }
0x170: {  	v59 =	vld [tilespmem:$0x1FDB0];
	vm2 =	vmand vm9, vm10;
	vm12 =	veq.f32 v10, v45;
	vm14 =	vlt.f32 v10, v45  }
0x171: {  	v60 =	vld [tilespmem:$0x1FDD0];
	vm11 =	veq.f32 v26, v11;
	vm4 =	vmand vm12, vm13;
	vm12 =	vlt.s32 v27, v52  }
0x172: {  	v28 =	vld [tilespmem:$0x1FE00];
	vm0 =	vmor vm8, vm2;
	vm13 =	vlt.f32 v26, v11;
	vm3 =	vmand vm11, vm12  }
0x173: {  	v55 =	vsel vm0, v25, v51;
	v25 =	vld [tilespmem:$0x1FDF0];
	vm15 =	vmor vm14, vm4;
	vm14 =	vmor vm13, vm3  }
0x174: {  	v19 =	vsel vm5, v17, v39;
	v15 =	vsel vm6, v17, v35;
	v56 =	vsel vm14, v26, v11;
	v26 =	vld [tilespmem:$0x1FDA0]  }
0x175: {  	v13 =	vsel vm7, v17, v36;
	v1 =	vsel vm1, v17, v31;
	v57 =	vsel vm14, v27, v52;
	v27 =	vld [tilespmem:$0x1FDC0]  }
0x176: {  	v36 =	vperm.xlane v33, v30;
	vm6 =	veq.f32 v29, v60;
	v37 =	vperm.xlane v1, v30  }
0x177: {  	v62 =	vld [tilespmem:$0x1FE40];
	v40 =	vperm.xlane v42, v30;
	v41 =	vperm.xlane v0, v30;
	vm8 =	vlt.f32 v29, v60  }
0x178: {  	v63 =	vld [tilespmem:$0x1FE60];
	v54 =	vsel vm0, v50, v49;
	v49 =	vperm.xlane v23, v30;
	vm7 =	vlt.s32 v28, v25  }
0x179: {  	v61 =	vld [tilespmem:$0x1FE20];
	v48 =	vsel vm15, v10, v45;
	v53 =	vsel vm15, v47, v46;
	vm2 =	vmand vm6, vm7  }
0x17a: {  	v35 =	vld [tilespmem:$0x1FE80];
	vm9 =	vmor vm8, vm2;
	vm4 =	veq.f32 v26, v58;
	vm5 =	vlt.s32 v27, v59  }
0x17b: {  	vm15 =	vlt.f32 v26, v58;
	v25 =	vsel vm9, v28, v25;
	v28 =	vld [tilespmem:$0x1FE50];
	vm1 =	vmand vm4, vm5  }
0x17c: {  	v50 =	vperm.xlane v5, v30;
	v22 =	vsel vm9, v29, v60;
	v29 =	vld [tilespmem:$0x1FE70];
	vm0 =	vmor vm15, vm1  }
0x17d: {  	vm6 =	vmmov $0x1;
	vm7 =	vmmov $0x3;
	v12 =	vsel vm0, v26, v58;
	v26 =	vld [tilespmem:$0x1FE10]  }
0x17e: {  	v2 =	vsel vm6, v2, v48;
	v3 =	vsel vm6, v3, v53;
	v17 =	vsel vm0, v27, v59;
	v27 =	vld [tilespmem:$0x1FE30]  }
0x17f: {  	vm8 =	vmmov $0x7;
	vm6 =	veq.f32 v40, v42;
	v2 =	vsel vm7, v2, v54  }
0x180: {  	v3 =	vsel vm7, v3, v55;
	vm9 =	veq.f32 v36, v33;
	vm7 =	vlt.s32 v41, v0  }
0x181: {  	v55 =	vperm.xlane v21, v30;
	v2 =	vsel vm8, v2, v56;
	v3 =	vsel vm8, v3, v57  }
0x182: {  	vm8 =	vlt.f32 v40, v42;
	v56 =	vperm.xlane v24, v30;
	vm13 =	veq.f32 v63, v28  }
0x183: {  	vm14 =	vlt.s32 v35, v29;
	vm10 =	veq.f32 v61, v26;
	vm11 =	vlt.s32 v62, v27  }
0x184: {  	vm15 =	vlt.f32 v63, v28;
	vm12 =	vlt.f32 v61, v26;
	vm1 =	vmand vm10, vm11  }
0x185: {  	vm10 =	vlt.s32 v37, v1;
	vm11 =	vlt.f32 v36, v33;
	vm0 =	vmor vm12, vm1  }
0x186: {  	vm1 =	vmand vm13, vm14;
	vm12 =	vmmov $0xf;
	vm13 =	vmmov $0x1f  }
0x187: {  	v31 =	vld [tilespmem:$0x1FFD0];
	vm14 =	vmmov $0x3f;
	v26 =	vsel vm0, v61, v26;
	v27 =	vsel vm0, v62, v27  }
0x188: {  	vm5 =	vmor vm15, vm1;
	vm1 =	vmand vm9, vm10;
	v2 =	vsel vm12, v2, v12  }
0x189: {  	v3 =	vsel vm12, v3, v17;
	vm10 =	vmmov $0x7f;
	v28 =	vsel vm5, v63, v28  }
0x18a: {  	v29 =	vsel vm5, v35, v29;
	vm1 =	vmor vm11, vm1;
	v2 =	vsel vm13, v2, v22  }
0x18b: {  	v3 =	vsel vm13, v3, v25;
	v6 =	vsel vm1, v36, v33;
	v1 =	vsel vm1, v37, v1  }
0x18c: {  	v2 =	vsel vm14, v2, v26;
	v38 =	vperm.xlane v6, v31;
	v39 =	vperm.xlane v1, v31  }
0x18d: {  	v25 =	vld [tilespmem:$0x1FFE0];
	v3 =	vsel vm14, v3, v27;
	vm1 =	vmand vm6, vm7;
	v33 =	vperm.xlane v20, v30  }
0x18e: {  	vm9 =	vmor vm8, vm1;
	vm15 =	veq.f32 v38, v6;
	vm4 =	vlt.s32 v39, v1  }
0x18f: {  	v9 =	vsel vm9, v40, v42;
	vm5 =	vlt.f32 v38, v6;
	vm0 =	vmand vm15, vm4  }
0x190: {  	v10 =	vsel vm9, v41, v0;
	v42 =	vperm.xlane v9, v31;
	vm0 =	vmor vm5, vm0  }
0x191: {  	v43 =	vperm.xlane v10, v31;
	v6 =	vsel vm0, v38, v6;
	v1 =	vsel vm0, v39, v1  }
0x192: {  	v0 =	vsel vm10, v2, v28;
	v7 =	vperm.xlane v6, v25;
	v8 =	vperm.xlane v1, v25  }
0x193: {  	v26 =	vld [tilespmem:$0x1FFF0];
	v41 =	vperm.xlane v16, v30;
	vm14 =	veq.f32 v42, v9;
	vm15 =	vlt.s32 v43, v10  }
0x194: {  	vm8 =	vlt.f32 v42, v9;
	vm12 =	veq.f32 v7, v6;
	vm13 =	vlt.s32 v8, v1  }
0x195: {  	vm3 =	vmand vm14, vm15;
	vm11 =	vlt.f32 v7, v6;
	vm2 =	vmand vm12, vm13  }
0x196: {  	vm14 =	veq.f32 v49, v23;
	vm15 =	vlt.s32 v50, v5;
	vm1 =	vmor vm11, vm2  }
0x197: {  	vm2 =	vmor vm8, vm3;
	vm8 =	vlt.f32 v49, v23;
	v44 =	vsel vm1, v7, v6  }
0x198: {  	v46 =	vsel vm2, v42, v9;
	v10 =	vsel vm2, v43, v10;
	v7 =	vperm.xlane v44, v26  }
0x199: {  	v45 =	vsel vm1, v8, v1;
	v11 =	vperm.xlane v46, v25;
	v48 =	vperm.xlane v10, v25  }
0x19a: {  	v1 =	vsel vm10, v3, v29;
	v42 =	vperm.xlane v18, v30;
	v47 =	vperm.xlane v45, v26  }
0x19b: {  	vm9 =	veq.f32 v7, v44;
	vm11 =	veq.f32 v11, v46;
	vm12 =	vlt.s32 v48, v10  }
0x19c: {  	vm10 =	vlt.s32 v47, v45;
	vm13 =	vlt.f32 v11, v46;
	vm3 =	vmand vm11, vm12  }
0x19d: {  	vm0 =	vlt.f32 v7, v44;
	vm1 =	vmand vm9, vm10;
	vm2 =	vmor vm13, vm3  }
0x19e: {  	vm3 =	vmand vm14, vm15;
	vm0 =	vmor vm0, vm1;
	v8 =	vsel vm2, v11, v46  }
0x19f: {  	v10 =	vsel vm2, v48, v10;
	vm9 =	vmor vm8, vm3;
	v2 =	vsel vm0, v7, v44  }
0x1a0: {  	v3 =	vsel vm0, v47, v45;
	v11 =	vperm.xlane v8, v26;
	v12 =	vsel vm9, v49, v23  }
0x1a1: {  	v51 =	vperm.xlane v10, v26;
	v17 =	vsel vm9, v50, v5;
	v52 =	vperm.xlane v12, v31  }
0x1a2: {  	vm9 =	veq.f32 v55, v21;
	v53 =	vperm.xlane v17, v31;
	vm10 =	vlt.f32 v11, v8  }
0x1a3: {  	vm11 =	veq.f32 v11, v8;
	vm12 =	vlt.s32 v51, v10;
	vm13 =	veq.f32 v52, v12  }
0x1a4: {  	vm14 =	vlt.s32 v53, v17;
	vm2 =	vmand vm11, vm12;
	vm15 =	vlt.f32 v52, v12  }
0x1a5: {  	vm4 =	vmand vm13, vm14;
	vm0 =	vmor vm10, vm2;
	vm10 =	vlt.s32 v56, v24  }
0x1a6: {  	vm12 =	vlt.f32 v55, v21;
	vm8 =	vmor vm15, vm4;
	vm1 =	vmand vm9, vm10  }
0x1a7: {  	v6 =	vsel vm0, v51, v10;
	v51 =	vperm.xlane v14, v30;
	v54 =	vsel vm8, v52, v12  }
0x1a8: {  	v57 =	vsel vm8, v53, v17;
	vm1 =	vmor vm12, vm1;
	v52 =	vperm.xlane v15, v30  }
0x1a9: {  	v58 =	vperm.xlane v54, v25;
	v59 =	vperm.xlane v57, v25;
	v60 =	vsel vm1, v55, v21  }
0x1aa: {  	v9 =	vsel vm1, v56, v24;
	v24 =	vperm.xlane v19, v30;
	v55 =	vperm.xlane v4, v30  }
0x1ab: {  	v5 =	vsel vm0, v11, v8;
	v56 =	vperm.xlane v13, v30;
	v21 =	vperm.xlane v60, v31  }
0x1ac: {  	v61 =	vperm.xlane v9, v31;
	vm13 =	veq.f32 v58, v54;
	vm14 =	vlt.s32 v59, v57  }
0x1ad: {  	vm11 =	vlt.f32 v58, v54;
	vm2 =	vmand vm13, vm14;
	vm4 =	veq.f32 v21, v60  }
0x1ae: {  	vm5 =	vlt.s32 v61, v9;
	vm6 =	vlt.f32 v21, v60;
	vm15 =	vmor vm11, vm2  }
0x1af: {  	vm14 =	veq.f32 v33, v20;
	vm0 =	vmand vm4, vm5;
	v7 =	vsel vm15, v58, v54  }
0x1b0: {  	v8 =	vsel vm15, v59, v57;
	vm0 =	vmor vm6, vm0;
	vm15 =	vlt.s32 v24, v19  }
0x1b1: {  	v62 =	vperm.xlane v7, v26;
	v63 =	vperm.xlane v8, v26;
	v17 =	vsel vm0, v21, v60  }
0x1b2: {  	v9 =	vsel vm0, v61, v9;
	vm3 =	vmand vm14, vm15;
	vm14 =	vlt.s32 v42, v18  }
0x1b3: {  	vm15 =	vlt.f32 v41, v16;
	v21 =	vperm.xlane v17, v25;
	v32 =	vperm.xlane v9, v25  }
0x1b4: {  	vm7 =	vlt.f32 v62, v7;
	vm8 =	veq.f32 v62, v7;
	vm9 =	vlt.s32 v63, v8  }
0x1b5: {  	vm10 =	vmand vm8, vm9;
	vm12 =	veq.f32 v21, v17;
	vm13 =	vlt.s32 v32, v9  }
0x1b6: {  	vm11 =	vlt.f32 v21, v17;
	vm0 =	vmor vm7, vm10;
	vm2 =	vmand vm12, vm13  }
0x1b7: {  	vm7 =	vlt.f32 v33, v20;
	vm13 =	veq.f32 v41, v16;
	vm1 =	vmor vm11, vm2  }
0x1b8: {  	v34 =	vsel vm0, v62, v7;
	vm2 =	vmor vm7, vm3;
	v35 =	vsel vm1, v21, v17  }
0x1b9: {  	v20 =	vsel vm2, v33, v20;
	v19 =	vsel vm2, v24, v19;
	v36 =	vperm.xlane v35, v26  }
0x1ba: {  	v9 =	vsel vm1, v32, v9;
	v38 =	vperm.xlane v20, v31;
	v40 =	vperm.xlane v19, v31  }
0x1bb: {  	v39 =	vsel vm0, v63, v8;
	v37 =	vperm.xlane v9, v26;
	vm0 =	vlt.f32 v36, v35  }
0x1bc: {  	vm8 =	veq.f32 v36, v35;
	vm10 =	veq.f32 v38, v20;
	vm11 =	vlt.s32 v40, v19  }
0x1bd: {  	vm9 =	vlt.s32 v37, v9;
	vm12 =	vlt.f32 v38, v20;
	vm3 =	vmand vm10, vm11  }
0x1be: {  	vm1 =	vmand vm8, vm9;
	vm2 =	vmor vm12, vm3;
	vm3 =	vmand vm13, vm14  }
0x1bf: {  	vm0 =	vmor vm0, vm1;
	v20 =	vsel vm2, v38, v20;
	v8 =	vsel vm2, v40, v19  }
0x1c0: {  	vm8 =	vmor vm15, vm3;
	v7 =	vsel vm0, v36, v35;
	v43 =	vperm.xlane v20, v25  }
0x1c1: {  	v44 =	vperm.xlane v8, v25;
	v11 =	vsel vm8, v41, v16;
	v45 =	vsel vm8, v42, v18  }
0x1c2: {  	v9 =	vsel vm0, v37, v9;
	v46 =	vperm.xlane v11, v31;
	v23 =	vperm.xlane v45, v31  }
0x1c3: {  	vm9 =	vlt.f32 v43, v20;
	vm10 =	veq.f32 v43, v20;
	vm11 =	vlt.s32 v44, v8  }
0x1c4: {  	vm2 =	vmand vm10, vm11;
	vm12 =	veq.f32 v46, v11;
	vm13 =	vlt.s32 v23, v45  }
0x1c5: {  	vm14 =	vlt.f32 v46, v11;
	vm1 =	vmor vm9, vm2;
	vm3 =	vmand vm12, vm13  }
0x1c6: {  	vm12 =	veq.f32 v51, v14;
	vm13 =	vlt.s32 v52, v15;
	v47 =	vsel vm1, v43, v20  }
0x1c7: {  	vm2 =	vmor vm14, vm3;
	v8 =	vsel vm1, v44, v8;
	v19 =	vperm.xlane v47, v26  }
0x1c8: {  	v11 =	vsel vm2, v46, v11;
	v48 =	vperm.xlane v8, v26;
	v16 =	vsel vm2, v23, v45  }
0x1c9: {  	vm14 =	vlt.f32 v51, v14;
	v49 =	vperm.xlane v11, v25;
	v50 =	vperm.xlane v16, v25  }
0x1ca: {  	vm0 =	vlt.f32 v19, v47;
	vm15 =	veq.f32 v19, v47;
	vm8 =	vlt.s32 v48, v8  }
0x1cb: {  	vm9 =	veq.f32 v49, v11;
	vm10 =	vlt.s32 v50, v16;
	vm1 =	vmand vm15, vm8  }
0x1cc: {  	vm11 =	vlt.f32 v49, v11;
	vm15 =	veq.f32 v55, v4;
	vm3 =	vmand vm9, vm10  }
0x1cd: {  	vm0 =	vmor vm0, vm1;
	vm2 =	vmor vm11, vm3;
	vm3 =	vmand vm12, vm13  }
0x1ce: {  	v10 =	vsel vm0, v19, v47;
	vm12 =	vlt.s32 v56, v13;
	v8 =	vsel vm0, v48, v8  }
0x1cf: {  	v11 =	vsel vm2, v49, v11;
	vm3 =	vmor vm14, vm3;
	v16 =	vsel vm2, v50, v16  }
0x1d0: {  	vm14 =	vlt.f32 v55, v4;
	vm5 =	vmand vm15, vm12;
	v20 =	vperm.xlane v11, v26  }
0x1d1: {  	v14 =	vsel vm3, v51, v14;
	v53 =	vperm.xlane v16, v26;
	v15 =	vsel vm3, v52, v15  }
0x1d2: {  	vm5 =	vmor vm14, vm5;
	v54 =	vperm.xlane v14, v31;
	v24 =	vperm.xlane v15, v31  }
0x1d3: {  	v4 =	vsel vm5, v55, v4;
	v13 =	vsel vm5, v56, v13;
	vm1 =	vlt.f32 v20, v11  }
0x1d4: {  	vm2 =	veq.f32 v20, v11;
	vm3 =	vlt.s32 v53, v16;
	v57 =	vperm.xlane v4, v31  }
0x1d5: {  	v58 =	vperm.xlane v13, v31;
	vm4 =	veq.f32 v54, v14;
	vm13 =	vlt.s32 v24, v15  }
0x1d6: {  	vm15 =	vlt.f32 v54, v14;
	vm2 =	vmand vm2, vm3;
	vm4 =	vmand vm4, vm13  }
0x1d7: {  	vm9 =	veq.f32 v57, v4;
	vm10 =	vlt.s32 v58, v13;
	vm12 =	vlt.f32 v57, v4  }
0x1d8: {  	vm6 =	vmor vm1, vm2;
	vm4 =	vmor vm15, vm4;
	vm3 =	vmand vm9, vm10  }
0x1d9: {  	v14 =	vsel vm4, v54, v14;
	v15 =	vsel vm4, v24, v15;
	vm3 =	vmor vm12, vm3  }
0x1da: {  	v59 =	vperm.xlane v14, v25;
	v24 =	vperm.xlane v15, v25;
	v4 =	vsel vm3, v57, v4  }
0x1db: {  	v11 =	vsel vm6, v20, v11;
	v13 =	vsel vm3, v58, v13;
	v21 =	vperm.xlane v4, v25  }
0x1dc: {  	v22 =	vperm.xlane v13, v25;
	vm13 =	veq.f32 v59, v14;
	vm14 =	vlt.s32 v24, v15  }
0x1dd: {  	v16 =	vsel vm6, v53, v16;
	vm11 =	vlt.f32 v59, v14;
	vm4 =	vmand vm13, vm14  }
0x1de: {  	vm7 =	veq.f32 v21, v4;
	vm8 =	vlt.s32 v22, v13;
	vm9 =	vlt.f32 v21, v4  }
0x1df: {  	vm15 =	vmor vm11, vm4;
	vm1 =	vmand vm7, vm8;
	vm7 =	vmmov $0xff  }
0x1e0: {  	vm8 =	vmmov $0x1ff;
	v14 =	vsel vm15, v59, v14;
	v15 =	vsel vm15, v24, v15  }
0x1e1: {  	vm1 =	vmor vm9, vm1;
	v0 =	vsel vm7, v0, v2;
	v1 =	vsel vm7, v1, v3  }
0x1e2: {  	vm9 =	vmmov $0x3ff;
	v60 =	vperm.xlane v14, v26;
	v61 =	vperm.xlane v15, v26  }
0x1e3: {  	v4 =	vsel vm1, v21, v4;
	v13 =	vsel vm1, v22, v13;
	v0 =	vsel vm8, v0, v5  }
0x1e4: {  	v1 =	vsel vm8, v1, v6;
	v21 =	vperm.xlane v4, v26;
	v22 =	vperm.xlane v13, v26  }
0x1e5: {  	v0 =	vsel vm9, v0, v34;
	vm10 =	veq.f32 v60, v14;
	vm11 =	vlt.s32 v61, v15  }
0x1e6: {  	v1 =	vsel vm9, v1, v39;
	vm12 =	vlt.f32 v60, v14;
	vm1 =	vmand vm10, vm11  }
0x1e7: {  	vm13 =	veq.f32 v21, v4;
	vm14 =	vlt.s32 v22, v13;
	vm15 =	vlt.f32 v21, v4  }
0x1e8: {  	vm10 =	vmmov $0x7ff;
	vm11 =	vmmov $0xfff;
	vm0 =	vmor vm12, vm1  }
0x1e9: {  	vm1 =	vmand vm13, vm14;
	v0 =	vsel vm10, v0, v7;
	v1 =	vsel vm10, v1, v9  }
0x1ea: {  	vm12 =	vmmov $0x1fff;
	vm13 =	vmmov $0x3fff;
	vm14 =	vmmov $0x7fff  }
0x1eb: {  	v14 =	vsel vm0, v60, v14;
	v15 =	vsel vm0, v61, v15;
	v0 =	vsel vm11, v0, v10  }
0x1ec: {  	vm6 =	vmor vm15, vm1;
	v1 =	vsel vm11, v1, v8;
	v0 =	vsel vm12, v0, v11  }
0x1ed: {  	v4 =	vsel vm6, v21, v4;
	v1 =	vsel vm12, v1, v16;
	v0 =	vsel vm13, v0, v14  }
0x1ee: {  	v62 =	vsel vm6, v22, v13;
	v1 =	vsel vm13, v1, v15;
	v0 =	vsel vm14, v0, v4  }
0x1ef: {  	v63 =	vimm.f32 $0.0e+00;
	v1 =	vsel vm14, v1, v62;
	vm15 =	vle.f32 v0, $2.500000000e+01  }
0x1f0: {  	v1 =	vcvt.s32.f32 v1;
	v0 =	vsel vm15, $0x3F800000, v63  }
0x1f1: {  	[tilespmem:$0x18A80] =	vst v0  }
0x1f2: {  	[tilespmem:$0x18B00] =	vst v1  }
0x1f3: {  	[spmem:s6] =	stream.linear.scatter [tilespmem:s12], [sflag:$0x1], $0x100, $0x38;
	[tilespmem:$0x19C60] =	vst v63  }
.Ltmp4:
0x1f4: {  	_ =	swait.ge [sflag:s10], $0x100;
	(pc) =	sbr.rel @p0 .LBB2_7-.Ltmp4, $4  }
0x1f5: {  	[sflag:s10] =	ssyncset.done $0x0  }
0x1f6: {  	[sflag:s10] =	ssyncadd.s32 $0xFFFFFF00  }
0x1f7: {  	[bflag:$0x0] =	sbarrier.arrive $0xFFFF  }
0x1f8: {  	v27 =	vlaneseq.u32  }
0x1f9: {  	[tilespmem:s13], [sflag:$0x1] =	stream.linear.gather [spmem:s5], $0x1000, $0x38;
	[tilespmem:$0x19C60] =	vst v63  }
0x1fa: {  	_ =	swait.ge [sflag:s10], $0x1000  }
0x1fb: {  	[sflag:s10] =	ssyncset.done $0x0  }
0x1fc: {  	[sflag:s10] =	ssyncadd.s32 $0xFFFFF000  }
0x1fd: {  	v0 =	vld [tilespmem:s7+$0x18B80]  }
0x1fe: {  	v1 =	vld [tilespmem:s7+$0x18C80]  }
0x1ff: {  	v2 =	vld [tilespmem:s7+$0x18D80]  }
0x200: {  	v3 =	vld [tilespmem:s7+$0x18E80]  }
0x201: {  	v4 =	vld [tilespmem:s7+$0x18F80]  }
0x202: {  	v5 =	vld [tilespmem:s7+$0x19080]  }
0x203: {  	v6 =	vld [tilespmem:s7+$0x19180]  }
0x204: {  	v7 =	vld [tilespmem:s7+$0x18C00]  }
0x205: {  	v8 =	vld [tilespmem:s7+$0x18D00]  }
0x206: {  	v9 =	vld [tilespmem:s7+$0x18E00]  }
0x207: {  	v10 =	vld [tilespmem:s7+$0x18F00]  }
0x208: {  	v11 =	vld [tilespmem:s7+$0x19000]  }
0x209: {  	v47 =	vor.u32 $0x10, v27;
	v35 =	vld [tilespmem:s7+$0x19100];
	v34 =	vtrunc.f32 v7  }
0x20a: {  	v37 =	vld [tilespmem:s7+$0x19200];
	vm7 =	vgt.f32 v0, $5.000000000e-01;
	v36 =	vtrunc.f32 v8;
	v0 =	vcvt.f32.s32 v34  }
0x20b: {  	v39 =	vld [tilespmem:s7+$0x19300];
	vm3 =	vgt.f32 v1, $5.000000000e-01;
	v38 =	vtrunc.f32 v9;
	v1 =	vcvt.f32.s32 v36  }
0x20c: {  	v40 =	vld [tilespmem:s7+$0x19280];
	vm4 =	vgt.f32 v2, $5.000000000e-01;
	v10 =	vtrunc.f32 v10;
	v2 =	vcvt.f32.s32 v38  }
0x20d: {  	vm5 =	vgt.f32 v3, $5.000000000e-01;
	v42 =	vtrunc.f32 v11;
	v41 =	vcvt.f32.s32 v10  }
0x20e: {  	vm0 =	vgt.f32 v4, $5.000000000e-01;
	v7 =	vtrunc.f32 v35;
	v43 =	vcvt.f32.s32 v42  }
0x20f: {  	vm1 =	vgt.f32 v5, $5.000000000e-01;
	v45 =	vtrunc.f32 v37;
	v44 =	vcvt.f32.s32 v7  }
0x210: {  	vm2 =	vgt.f32 v6, $5.000000000e-01;
	v46 =	vtrunc.f32 v39;
	v7 =	vcvt.f32.s32 v45;
	[tilespmem:v0+s14+$0x0] =	vst.idx.msk vm7, v27  }
0x211: {  	v49 =	vor.u32 $0x20, v27;
	vm6 =	vgt.f32 v40, $5.000000000e-01;
	v48 =	vcvt.f32.s32 v46;
	[tilespmem:v1+s14+$0x0] =	vst.idx.msk vm3, v47  }
0x212: {  	v50 =	vor.u32 $0x30, v27;
	[tilespmem:v2+s14+$0x0] =	vst.idx.msk vm4, v49  }
0x213: {  	v51 =	vor.u32 $0x40, v27;
	[tilespmem:v41+s14+$0x0] =	vst.idx.msk vm5, v50  }
0x214: {  	v12 =	vor.u32 $0x50, v27;
	[tilespmem:v43+s14+$0x0] =	vst.idx.msk vm0, v51  }
0x215: {  	v13 =	vor.u32 $0x60, v27;
	[tilespmem:v44+s14+$0x0] =	vst.idx.msk vm1, v12  }
0x216: {  	v14 =	vor.u32 $0x70, v27;
	[tilespmem:v7+s14+$0x0] =	vst.idx.msk vm2, v13  }
0x217: {  	[tilespmem:v48+s14+$0x0] =	vst.idx.msk vm6, v14  }
0x218: {  	v0 =	vld.idx.msk [tilespmem:v0+s14+$0x0], vm7  }
0x219: {  	v1 =	vld.idx.msk [tilespmem:v1+s14+$0x0], vm3  }
0x21a: {  	v2 =	vld.idx.msk [tilespmem:v2+s14+$0x0], vm4  }
0x21b: {  	v4 =	vld.idx.msk [tilespmem:v41+s14+$0x0], vm5  }
0x21c: {  	v52 =	vld.idx.msk [tilespmem:v43+s14+$0x0], vm0  }
0x21d: {  	v54 =	vld.idx.msk [tilespmem:v44+s14+$0x0], vm1;
	_ =	sdelay $0x3  }
0x21e: {  	v56 =	vld.idx.msk [tilespmem:v7+s14+$0x0], vm2;
	vm8 =	veq.s32 v0, v27;
	vm12 =	veq.s32 v1, v47;
	vm13 =	veq.s32 v2, v49  }
0x21f: {  	vm15 =	veq.s32 v4, v50;
	vm9 =	veq.s32 v52, v51;
	vm10 =	veq.s32 v54, v12  }
0x220: {  	v3 =	vld.idx.msk [tilespmem:v48+s14+$0x0], vm6;
	vm7 =	vmand vm7, vm8;
	vm3 =	vmand vm3, vm12;
	vm14 =	vmand vm4, vm13  }
0x221: {  	vm8 =	vmand vm5, vm15;
	v53 =	vmpcnt.ones.xlane vm7;
	v55 =	vmpcnt.ones.xlane vm3  }
0x222: {  	vm0 =	vmand vm0, vm9;
	vm11 =	vmand vm1, vm10;
	v57 =	vmpcnt.ones.xlane vm14  }
0x223: {  	vm12 =	veq.s32 v56, v13;
	v58 =	vmpcnt.ones.xlane vm8;
	v1 =	vadd.s32 v53, v55  }
0x224: {  	v60 =	vmpcnt.ones.xlane vm0;
	v61 =	vmpcnt.ones.xlane vm11;
	v1 =	vadd.s32 v57, v1  }
0x225: {  	vm13 =	vmand vm2, vm12;
	vm14 =	veq.s32 v3, v14;
	v59 =	vadd.s32 v58, v1  }
0x226: {  	v62 =	vmpcnt.ones.xlane vm13;
	vm15 =	vmand vm6, vm14;
	v0 =	vadd.s32 v60, v59  }
0x227: {  	v63 =	vmpcnt.ones.xlane vm15;
	v0 =	vadd.s32 v61, v0  }
0x228: {  	v0 =	vadd.s32 v62, v0  }
0x229: {  	v0 =	vadd.s32 v63, v0  }
0x22a: {  	v0 =	vcvt.s32.f32 v0;
	_ =	sdelay $0x1  }
.Ltmp5:
0x22b: {  	[tilespmem:$0x19B80] =	vst v0;
	(pc) =	sbr.rel .LBB2_7-.Ltmp5, $4  }
0x22c: {  	[hbm4b:s8+s2] =	stream.linear.scatter [tilespmem:s15], [sflag:$0x1], $0x80, $0x38;
	[tilespmem:$0x19C60] =	vst v63  }
0x22d: {  	_ =	swait.ge [sflag:s10], $0x80  }
0x22e: {  	[sflag:s10] =	ssyncset.done $0x0  }
0x22f: {  	[sflag:s10] =	ssyncadd.s32 $0xFFFFFF80  }
.LBB2_8:
0x230: {  	_ =	sfence.sel $0x180000  }
0x231: {  	[bflag:$0x0] =	sbarrier.arrive $0xFFFF  }
0x232: {  	p0 =	sne.s32 s0, $0x0;
	_ =	strace $0x90000047  }
0x233: {  	s0 =	sadd.s32 @!p0 $0x100000, s1;
	[bflag:$0x2] =	sbarrier.arrive $0xFFFF  }
0x234: {  	[sflag:s0] =	ssyncadd.tile.s32 @!p0 $0x1;
	_ =	shalt  }
.Lfunc_end2:
_tile_overlayer_lowered:
.L_overlay_start_2:
0x235: {  	(tag) =	ssettag $0x2  }
0x236: {  	s0 =	rddreg [dreg:$0x0];
	s2 =	stileid.u32  }
0x237: {  	s1 =	rddreg [dreg:$0x1];
	p0 =	sne.s32 s2, $0x0  }
0x238: {  	s3 =	rddreg [dreg:$0x2];
	[bflag:$0x3] =	sbarrier.arrive $0xFFFF;
	s2 =	simm.s32 @!p0 $0x1C01  }
0x239: {  	[timem:s3], [sflag:s2] =	dma.local @!p0 [hbm:s0], s1  }
0x23a: {  	s0 =	simm.s32 @!p0 $0x1  }
0x23b: {  	_ =	swait.ge @!p0 [sflag:s0], s1  }
0x23c: {  	s1 =	ssub.s32 @!p0 $0x0, s1;
	[sflag:s0] =	ssyncset.done @!p0 $0x0  }
0x23d: {  	[sflag:s0] =	ssyncadd.s32 @!p0 s1  }
0x23e: {  	[bflag:$0x3] =	sbarrier.arrive $0xFFFF  }
0x23f: {  	_ =	shalt  }

</sc_bundles>
